<compile_context>
chip_gen: v7x
topology: tpu7x:2x2x1
jax: 0.10.2.dev20260603
libtpu: 0.0.44.dev20260713+nightly
codegen_flags: <defaults>
</compile_context>

<pallas_src>
import jax
import jax.numpy as jnp
from jax import lax
from jax.experimental import pallas as pl
from jax.experimental.pallas import tpu as pltpu
from jax.experimental.pallas import tpu_sc as plsc

N_NODES = 10000
N_EDGES = 320000
D_FEAT = 128
HEADS = 8
HIDDEN = 16
NUM_CLASSES = 16

N_PAD = 10112
ROWS_PER_TILE = N_PAD // 16
TRASH = N_NODES
N_WORKERS = 32
CHUNK1 = 80
E_PAD1 = 327680
E_PER_W1 = E_PAD1 // N_WORKERS
N_CHUNKS1 = E_PER_W1 // CHUNK1
CHUNK2 = 128
E_PAD2 = 327680
E_PER_W2 = E_PAD2 // N_WORKERS
N_CHUNKS2 = E_PER_W2 // CHUNK2

XS_W = D_FEAT + 32
AC_W = D_FEAT + 16


def _leaky(z):
    return jnp.maximum(z, 0.2 * z)



def _tc1_body(x_ref, w1_ref, as_ref, ad_ref, p_ref, perm_ref,
              xs_ref, dpack_ref, xp_ref):
    xp = jnp.dot(x_ref[...], w1_ref[...], preferred_element_type=jnp.float32)
    s = jnp.dot(xp, as_ref[...], preferred_element_type=jnp.float32)
    d = jnp.dot(xp, ad_ref[...], preferred_element_type=jnp.float32)
    m = _leaky(s + d)
    dpack_ref[...] = d + jnp.dot(m, p_ref[...], preferred_element_type=jnp.float32)
    xp_ref[...] = xp
    xs160 = jnp.concatenate([xp, s, jnp.zeros_like(s)], axis=1)
    xs_ref[...] = jnp.dot(xs160, perm_ref[...],
                          preferred_element_type=jnp.float32).astype(jnp.bfloat16)


def _tc1(x_p, W1, As, Ad, P, Perm):
    blk = N_PAD // 8
    grid = N_PAD // blk
    return pl.pallas_call(
        _tc1_body,
        grid=(grid,),
        in_specs=[
            pl.BlockSpec((blk, D_FEAT), lambda i: (i, 0)),
            pl.BlockSpec((D_FEAT, D_FEAT), lambda i: (0, 0)),
            pl.BlockSpec((D_FEAT, 16), lambda i: (0, 0)),
            pl.BlockSpec((D_FEAT, 16), lambda i: (0, 0)),
            pl.BlockSpec((16, 16), lambda i: (0, 0)),
            pl.BlockSpec((XS_W, XS_W), lambda i: (0, 0)),
        ],
        out_specs=[
            pl.BlockSpec((blk, XS_W), lambda i: (i, 0)),
            pl.BlockSpec((blk, 16), lambda i: (i, 0)),
            pl.BlockSpec((blk, D_FEAT), lambda i: (i, 0)),
        ],
        out_shape=[
            jax.ShapeDtypeStruct((N_PAD, XS_W), jnp.bfloat16),
            jax.ShapeDtypeStruct((N_PAD, 16), jnp.float32),
            jax.ShapeDtypeStruct((N_PAD, D_FEAT), jnp.float32),
        ],
    )(x_p, W1, As, Ad, P, Perm)



def _sc1_body(xs_hbm, dpack_hbm, sidx_hbm, didx_hbm, z144_hbm,
              accs_out,
              accs_sh,
              sidx0, didx0, sidx1, didx1, sidx2, didx2, sidx3, didx3,
              xsbuf0, dbuf0, mbuf0,
              xsbuf1, dbuf1, mbuf1,
              semg0, sems0, semg1, sems1):
    c = lax.axis_index("c")
    s = lax.axis_index("s")
    w = c * 16 + s
    r0 = s * ROWS_PER_TILE
    sidx = (sidx0, sidx1, sidx2, sidx3)
    didx = (didx0, didx1, didx2, didx3)
    xsbuf = (xsbuf0, xsbuf1)
    dbuf = (dbuf0, dbuf1)
    mbuf = (mbuf0, mbuf1)
    semg = (semg0, semg1)
    sems = (sems0, sems1)

    base0 = w * E_PER_W1

    def fire_gathers(g, b, i4):
        base = base0 + g * CHUNK1
        pltpu.sync_copy(sidx_hbm.at[pl.ds(base, CHUNK1)], sidx[i4])
        pltpu.sync_copy(didx_hbm.at[pl.ds(base, CHUNK1)], didx[i4])
        pltpu.async_copy(xs_hbm.at[sidx[i4]], xsbuf[b], semg[b])
        pltpu.async_copy(dpack_hbm.at[didx[i4]], dbuf[b], semg[b])

    def drain_gathers(b, i4):
        pltpu.make_async_copy(xs_hbm.at[sidx[i4]], xsbuf[b], semg[b]).wait()
        pltpu.make_async_copy(dpack_hbm.at[didx[i4]], dbuf[b], semg[b]).wait()

    def fire_scatters(b, i4):
        pltpu.async_copy(mbuf[b], accs_sh.at[didx[i4]], sems[b], add=True)

    def drain_scatters(b, i4):
        pltpu.make_async_copy(mbuf[b], accs_sh.at[didx[i4]], sems[b]).wait()

    fire_gathers(0, 0, 0)
    fire_gathers(1, 1, 1)

    pltpu.sync_copy(z144_hbm, accs_sh.at[pl.ds(r0, ROWS_PER_TILE)])
    plsc.subcore_barrier()

    def quad_body(g4, carry):
        for q in range(4):
            g = g4 * 4 + q
            b = q % 2

            @pl.when(g >= 2)
            def _():
                drain_scatters(b, (q + 2) % 4)

            drain_gathers(b, q)

            @plsc.parallel_loop(0, CHUNK1, unroll=8)
            def edge_body(k):
                sv, _ = plsc.unpack(xsbuf[b][k, pl.ds(D_FEAT, 32)],
                                    format=plsc.PackFormat.INTERLEAVED)
                dv = dbuf[b][k, :]
                u = jnp.exp(_leaky(sv + dv) - jnp.flip(dv, 0))
                mbuf[b][k, pl.ds(D_FEAT, 16)] = u
                for j2 in range(HEADS // 2):
                    xa, xb = plsc.unpack(xsbuf[b][k, pl.ds(j2 * 32, 32)],
                                         format=plsc.PackFormat.INTERLEAVED)
                    mbuf[b][k, pl.ds(j2 * 32, 16)] = (
                        xa * jnp.broadcast_to(u[2 * j2], (16,)))
                    mbuf[b][k, pl.ds(j2 * 32 + 16, 16)] = (
                        xb * jnp.broadcast_to(u[2 * j2 + 1], (16,)))

            fire_scatters(b, q)

            @pl.when(g + 2 < N_CHUNKS1)
            def _():
                fire_gathers(g + 2, b, (q + 2) % 4)
        return carry

    lax.fori_loop(0, N_CHUNKS1 // 4, quad_body, 0)
    drain_scatters(0, 2)
    drain_scatters(1, 3)
    plsc.subcore_barrier()
    pltpu.sync_copy(accs_sh.at[pl.ds(r0, ROWS_PER_TILE)],
                    accs_out.at[c, pl.ds(r0, ROWS_PER_TILE)])


def _sc1(xs, dpack, sidx, didx, z144):
    mesh = plsc.VectorSubcoreMesh(core_axis_name="c", subcore_axis_name="s")
    idx_buf = [pltpu.VMEM((CHUNK1,), jnp.int32)] * 8
    buf_set = [
        pltpu.VMEM((CHUNK1, XS_W), jnp.bfloat16),
        pltpu.VMEM((CHUNK1, 16), jnp.float32),
        pltpu.VMEM((CHUNK1, AC_W), jnp.float32),
    ]
    f = pl.kernel(
        _sc1_body,
        out_type=[
            jax.ShapeDtypeStruct((2, N_PAD, AC_W), jnp.float32),
        ],
        mesh=mesh,
        scratch_types=[
            pltpu.VMEM_SHARED((N_PAD, AC_W), jnp.float32),
            *idx_buf,
            *buf_set,
            *buf_set,
            pltpu.SemaphoreType.DMA,
            pltpu.SemaphoreType.DMA,
            pltpu.SemaphoreType.DMA,
            pltpu.SemaphoreType.DMA,
        ],
        compiler_params=pltpu.CompilerParams(needs_layout_passes=False, use_tc_tiling_on_sc=False),
    )
    return f(xs, dpack, sidx, didx, z144)



def _tc2_body(a0_ref, a1_ref, xp_ref, b1_ref, w2_ref, r_ref, s2m_ref, d2m_ref,
              p32_ref, srow2_ref, drow2_ref, xp2_ref):
    a0 = a0_ref[0]
    a1 = a1_ref[0]
    stot = 1.0 + a0[:, D_FEAT:] + a1[:, D_FEAT:]
    srep = jnp.dot(stot, r_ref[...], preferred_element_type=jnp.float32)
    acc = xp_ref[...] + a0[:, :D_FEAT] + a1[:, :D_FEAT]
    h1 = acc / (srep + 1e-16) + b1_ref[...]
    h1 = jnp.where(h1 > 0, h1, jnp.exp(h1) - 1.0)
    xp2 = jnp.dot(h1, w2_ref[...], preferred_element_type=jnp.float32)
    s2 = jnp.dot(xp2, s2m_ref[...], preferred_element_type=jnp.float32)
    d2 = jnp.dot(xp2, d2m_ref[...], preferred_element_type=jnp.float32)
    m2 = _leaky(s2 + d2)
    col = lax.broadcasted_iota(jnp.int32, d2.shape, 1)
    drow2 = jnp.where(col < 8, d2, m2)
    srow2_ref[...] = jnp.dot(
        jnp.concatenate([xp2, s2], axis=1), p32_ref[...],
        preferred_element_type=jnp.float32).astype(jnp.bfloat16)
    drow2_ref[...] = jnp.dot(
        jnp.concatenate([drow2, jnp.zeros_like(drow2)], axis=1), p32_ref[...],
        preferred_element_type=jnp.float32).astype(jnp.bfloat16)
    xp2_ref[...] = xp2


def _tc2(accs, xp, b1, W2, R, S2m, D2m, P32):
    blk = N_PAD // 8
    grid = N_PAD // blk
    return pl.pallas_call(
        _tc2_body,
        grid=(grid,),
        in_specs=[
            pl.BlockSpec((1, blk, AC_W), lambda i: (0, i, 0)),
            pl.BlockSpec((1, blk, AC_W), lambda i: (1, i, 0)),
            pl.BlockSpec((blk, D_FEAT), lambda i: (i, 0)),
            pl.BlockSpec((1, D_FEAT), lambda i: (0, 0)),
            pl.BlockSpec((D_FEAT, 16), lambda i: (0, 0)),
            pl.BlockSpec((16, D_FEAT), lambda i: (0, 0)),
            pl.BlockSpec((16, 16), lambda i: (0, 0)),
            pl.BlockSpec((16, 16), lambda i: (0, 0)),
            pl.BlockSpec((32, 32), lambda i: (0, 0)),
        ],
        out_specs=[
            pl.BlockSpec((blk, 32), lambda i: (i, 0)),
            pl.BlockSpec((blk, 32), lambda i: (i, 0)),
            pl.BlockSpec((blk, 16), lambda i: (i, 0)),
        ],
        out_shape=[
            jax.ShapeDtypeStruct((N_PAD, 32), jnp.bfloat16),
            jax.ShapeDtypeStruct((N_PAD, 32), jnp.bfloat16),
            jax.ShapeDtypeStruct((N_PAD, 16), jnp.float32),
        ],
    )(accs, accs, xp, b1, W2, R, S2m, D2m, P32)



def _sc2_body(srow2_hbm, drow2_hbm, sidx_hbm, didx_hbm, z32_hbm,
              accs_out,
              accs_sh,
              sidx0, didx0, sidx1, didx1, sidx2, didx2, sidx3, didx3,
              sbuf0, dbuf0, mbuf0,
              sbuf1, dbuf1, mbuf1,
              semg0, sems0, semg1, sems1):
    c = lax.axis_index("c")
    s = lax.axis_index("s")
    w = c * 16 + s
    r0 = s * ROWS_PER_TILE
    sidx = (sidx0, sidx1, sidx2, sidx3)
    didx = (didx0, didx1, didx2, didx3)
    sbuf = (sbuf0, sbuf1)
    dbuf = (dbuf0, dbuf1)
    mbuf = (mbuf0, mbuf1)
    semg = (semg0, semg1)
    sems = (sems0, sems1)

    base0 = w * E_PER_W2

    def fire_gathers(g, b, i4):
        base = base0 + g * CHUNK2
        pltpu.sync_copy(sidx_hbm.at[pl.ds(base, CHUNK2)], sidx[i4])
        pltpu.sync_copy(didx_hbm.at[pl.ds(base, CHUNK2)], didx[i4])
        pltpu.async_copy(srow2_hbm.at[sidx[i4]], sbuf[b], semg[b])
        pltpu.async_copy(drow2_hbm.at[didx[i4]], dbuf[b], semg[b])

    def drain_gathers(b, i4):
        pltpu.make_async_copy(srow2_hbm.at[sidx[i4]], sbuf[b], semg[b]).wait()
        pltpu.make_async_copy(drow2_hbm.at[didx[i4]], dbuf[b], semg[b]).wait()

    def fire_scatters(b, i4):
        pltpu.async_copy(mbuf[b], accs_sh.at[didx[i4]], sems[b], add=True)

    def drain_scatters(b, i4):
        pltpu.make_async_copy(mbuf[b], accs_sh.at[didx[i4]], sems[b]).wait()

    fire_gathers(0, 0, 0)
    fire_gathers(1, 1, 1)

    pltpu.sync_copy(z32_hbm, accs_sh.at[pl.ds(r0, ROWS_PER_TILE)])
    plsc.subcore_barrier()

    def quad_body(g4, carry):
        for q in range(4):
            g = g4 * 4 + q
            b = q % 2

            @pl.when(g >= 2)
            def _():
                drain_scatters(b, (q + 2) % 4)

            drain_gathers(b, q)

            @plsc.parallel_loop(0, CHUNK2, unroll=8)
            def edge_body(k):
                xv, av = plsc.unpack(sbuf[b][k, :],
                                     format=plsc.PackFormat.INTERLEAVED)
                dv, _ = plsc.unpack(dbuf[b][k, :],
                                    format=plsc.PackFormat.INTERLEAVED)
                u = jnp.exp(_leaky(av + dv) - jnp.flip(dv, 0))
                mbuf[b][k, pl.ds(16, 16)] = u
                mbuf[b][k, pl.ds(0, 16)] = xv * jnp.broadcast_to(u[0], (16,))

            fire_scatters(b, q)

            @pl.when(g + 2 < N_CHUNKS2)
            def _():
                fire_gathers(g + 2, b, (q + 2) % 4)
        return carry

    lax.fori_loop(0, N_CHUNKS2 // 4, quad_body, 0)
    drain_scatters(0, 2)
    drain_scatters(1, 3)
    plsc.subcore_barrier()
    pltpu.sync_copy(accs_sh.at[pl.ds(r0, ROWS_PER_TILE)],
                    accs_out.at[c, pl.ds(r0, ROWS_PER_TILE)])


def _sc2(srow2, drow2, sidx, didx, z32):
    mesh = plsc.VectorSubcoreMesh(core_axis_name="c", subcore_axis_name="s")
    idx_buf = [pltpu.VMEM((CHUNK2,), jnp.int32)] * 8
    buf_set = [
        pltpu.VMEM((CHUNK2, 32), jnp.bfloat16),
        pltpu.VMEM((CHUNK2, 32), jnp.bfloat16),
        pltpu.VMEM((CHUNK2, 32), jnp.float32),
    ]
    f = pl.kernel(
        _sc2_body,
        out_type=[
            jax.ShapeDtypeStruct((2, N_PAD, 32), jnp.float32),
        ],
        mesh=mesh,
        scratch_types=[
            pltpu.VMEM_SHARED((N_PAD, 32), jnp.float32),
            *idx_buf,
            *buf_set,
            *buf_set,
            pltpu.SemaphoreType.DMA,
            pltpu.SemaphoreType.DMA,
            pltpu.SemaphoreType.DMA,
            pltpu.SemaphoreType.DMA,
        ],
        compiler_params=pltpu.CompilerParams(needs_layout_passes=False, use_tc_tiling_on_sc=False),
    )
    return f(srow2, drow2, sidx, didx, z32)



def _tc3_body(a0_ref, a1_ref, xp2_ref, b2_ref, c_ref, out_ref):
    a0 = a0_ref[0]
    a1 = a1_ref[0]
    ssum = jnp.dot(a0[:, 16:] + a1[:, 16:], c_ref[...],
                   preferred_element_type=jnp.float32)
    logits = (xp2_ref[...] + a0[:, :16] + a1[:, :16]) / (1.0 + ssum + 1e-16)
    logits = logits + b2_ref[...]
    m = jnp.max(logits, axis=-1, keepdims=True)
    ex = jnp.exp(logits - m)
    ssf = jnp.sum(ex, axis=-1, keepdims=True)
    out_ref[...] = (logits - m) - jnp.log(ssf)


def _tc3(accs2, xp2, b2, C):
    blk = ROWS_PER_TILE
    grid = N_PAD // blk
    return pl.pallas_call(
        _tc3_body,
        grid=(grid,),
        in_specs=[
            pl.BlockSpec((1, blk, 32), lambda i: (0, i, 0)),
            pl.BlockSpec((1, blk, 32), lambda i: (1, i, 0)),
            pl.BlockSpec((blk, 16), lambda i: (i, 0)),
            pl.BlockSpec((1, 16), lambda i: (0, 0)),
            pl.BlockSpec((16, 16), lambda i: (0, 0)),
        ],
        out_specs=pl.BlockSpec((blk, 16), lambda i: (i, 0)),
        out_shape=jax.ShapeDtypeStruct((N_PAD, 16), jnp.float32),
    )(accs2, accs2, xp2, b2, C)



def kernel(x, edge_index, W1, att_src1, att_dst1, bias1, W2, att_src2,
           att_dst2, bias2):
    f32 = jnp.float32
    i32 = jnp.int32

    eye8 = jnp.eye(8, 16, dtype=f32)
    As = (att_src1[:, :, None] * eye8[:, None, :]).reshape(D_FEAT, 16)
    Ad = (att_dst1[:, :, None] * eye8[:, None, :]).reshape(D_FEAT, 16)
    j = jnp.arange(16)
    P = jnp.where((j[:, None] < 8) & (j[None, :] == 15 - j[:, None]), 1.0,
                  0.0).astype(f32)
    R = jnp.where(j[:, None] == (jnp.arange(D_FEAT)[None, :] // 16), 1.0,
                  0.0).astype(f32) * jnp.where(j[:, None] < 8, 1.0, 0.0)
    S2m = jnp.broadcast_to(att_src2.reshape(16, 1), (16, 16)).astype(f32)
    D2m = jnp.broadcast_to(att_dst2.reshape(16, 1), (16, 16)).astype(f32)
    C = jnp.broadcast_to(j[:, None] == 0, (16, 16)).astype(f32)
    jj = jnp.arange(XS_W)
    blk32 = jj // 32
    lane = jj % 32
    src = blk32 * 32 + jnp.where(lane % 2 == 0, lane // 2, 16 + lane // 2)
    Perm = (src[None, :] == jnp.arange(XS_W)[:, None]).astype(f32)
    P32 = Perm[:32, :32]

    sidx = jnp.concatenate(
        [edge_index[0].astype(i32), jnp.zeros((E_PAD2 - N_EDGES,), i32)])
    didx = jnp.concatenate(
        [edge_index[1].astype(i32),
         TRASH + jnp.arange(E_PAD2 - N_EDGES, dtype=i32) % (N_PAD - N_NODES)])

    z144 = jnp.zeros((ROWS_PER_TILE, AC_W), f32)
    z32 = jnp.zeros((ROWS_PER_TILE, 32), f32)
    x_p = jnp.pad(x, [(0, N_PAD - N_NODES), (0, 0)])

    xs, dpack, xp = _tc1(x_p, W1, As, Ad, P, Perm)

    (accs,) = _sc1(xs, dpack, sidx, didx, z144)

    srow2, drow2, xp2 = _tc2(accs, xp, bias1.reshape(1, D_FEAT), W2, R, S2m,
                             D2m, P32)

    (accs2,) = _sc2(srow2, drow2, sidx, didx, z32)

    return _tc3(accs2, xp2, bias2.reshape(1, 16), C)[:N_NODES]

# --- scband reference (transcript-rebuilt; emitter-appended) ---
"""Pipeline reference for scband-gat-4312147165894 (READ-ONLY COPY).

The authoritative reference and input builder live on the scoring server;
editing this copy changes nothing except your own understanding.
"""

import jax, jax.numpy as jnp
import numpy as np

N_NODES = 10000
N_EDGES = 320000
D_FEAT = 128
HIDDEN = 16
HEADS = 8
NUM_CLASSES = 16


def setup_inputs(seed: int = 0) -> dict:
    key = jax.random.key(seed)
    ks = jax.random.split(key, 12)
    x = jax.random.normal(ks[0], (N_NODES, D_FEAT), dtype=jnp.float32)
    edge_index = jax.random.randint(ks[1], (2, N_EDGES), 0, N_NODES, dtype=jnp.int64)
    # conv1: in=128, out=16, heads=8, concat=True
    W1 = jax.random.normal(ks[2], (D_FEAT, HEADS * HIDDEN), dtype=jnp.float32) * 0.1
    att_src1 = jax.random.normal(ks[3], (HEADS, HIDDEN), dtype=jnp.float32) * 0.1
    att_dst1 = jax.random.normal(ks[4], (HEADS, HIDDEN), dtype=jnp.float32) * 0.1
    bias1 = jnp.zeros((HEADS * HIDDEN,), dtype=jnp.float32)
    # conv2: in=128, out=16, heads=1, concat=False
    W2 = jax.random.normal(ks[5], (HEADS * HIDDEN, 1 * NUM_CLASSES), dtype=jnp.float32) * 0.1
    att_src2 = jax.random.normal(ks[6], (1, NUM_CLASSES), dtype=jnp.float32) * 0.1
    att_dst2 = jax.random.normal(ks[7], (1, NUM_CLASSES), dtype=jnp.float32) * 0.1
    bias2 = jnp.zeros((NUM_CLASSES,), dtype=jnp.float32)
    return {"x": x, "edge_index": edge_index, "W1": W1, "att_src1": att_src1, "att_dst1": att_dst1, "bias1": bias1, "W2": W2, "att_src2": att_src2, "att_dst2": att_dst2, "bias2": bias2}


def _gat_conv(x, edge_index, W, a_src, a_dst, b, heads, out_ch, concat):
    N = x.shape[0]
    src = edge_index[0]
    dst = edge_index[1]
    xp = (x @ W).reshape(N, heads, out_ch)
    alpha_src = jnp.sum(xp * a_src[None, :, :], axis=-1)  # [N, H]
    alpha_dst = jnp.sum(xp * a_dst[None, :, :], axis=-1)  # [N, H]
    e = alpha_src[src] + alpha_dst[dst]                   # [E, H]
    e = jax.nn.leaky_relu(e, negative_slope=0.2)
    # softmax over incoming edges per dst node, per head
    m = jax.ops.segment_max(e, dst, num_segments=N)
    m = jnp.where(jnp.isfinite(m), m, 0.0)
    ex = jnp.exp(e - m[dst])
    s = jax.ops.segment_sum(ex, dst, num_segments=N)
    alpha = ex / (s[dst] + 1e-16)                         # [E, H]
    msg = alpha[:, :, None] * xp[src]                     # [E, H, C]
    out = jax.ops.segment_sum(msg, dst, num_segments=N)   # [N, H, C]
    if concat:
        out = out.reshape(N, heads * out_ch)
    else:
        out = out.mean(axis=1)
    return out + b


def reference(x, edge_index, W1, att_src1, att_dst1, bias1, W2, att_src2, att_dst2, bias2):
    N = x.shape[0]
    # add self loops (PyG GATConv default)
    ar = jnp.arange(N, dtype=edge_index.dtype)
    ei = jnp.concatenate([edge_index, jnp.stack([ar, ar], axis=0)], axis=1)
    # dropout layers are identity in eval mode
    h = _gat_conv(x, ei, W1, att_src1, att_dst1, bias1, HEADS, HIDDEN, True)
    h = jax.nn.elu(h)
    h = _gat_conv(h, ei, W2, att_src2, att_dst2, bias2, 1, NUM_CLASSES, False)
    return jax.nn.log_softmax(h, axis=1)

if __name__ == "__main__":
    import jax
    _d = setup_inputs()
    print(jax.jit(kernel)(*tuple(_d.values())))

</pallas_src>

<mosaic_0001>
#map = affine_map<(d0, d1) -> (0, 0)>
#map1 = affine_map<(d0, d1) -> (0)>
#map2 = affine_map<(d0, d1) -> (0, 0, 0)>
module attributes {stable_mosaic.version = 14 : i64} {
  func.func @_sc1_body(%arg0: i32, %arg1: i32, %arg2: memref<10112x160xbf16, #tpu.memory_space<hbm>>, %arg3: memref<10112x16xf32, #tpu.memory_space<hbm>>, %arg4: memref<327680xi32, #tpu.memory_space<hbm>>, %arg5: memref<327680xi32, #tpu.memory_space<hbm>>, %arg6: memref<632x144xf32, #tpu.memory_space<hbm>>, %arg7: memref<2x10112x144xf32, #tpu.memory_space<hbm>>, %arg8: memref<10112x144xf32, #tpu.memory_space<vmem_shared>>, %arg9: memref<80xi32, #tpu.memory_space<vmem>>, %arg10: memref<80xi32, #tpu.memory_space<vmem>>, %arg11: memref<80xi32, #tpu.memory_space<vmem>>, %arg12: memref<80xi32, #tpu.memory_space<vmem>>, %arg13: memref<80xi32, #tpu.memory_space<vmem>>, %arg14: memref<80xi32, #tpu.memory_space<vmem>>, %arg15: memref<80xi32, #tpu.memory_space<vmem>>, %arg16: memref<80xi32, #tpu.memory_space<vmem>>, %arg17: memref<80x160xbf16, #tpu.memory_space<vmem>>, %arg18: memref<80x16xf32, #tpu.memory_space<vmem>>, %arg19: memref<80x144xf32, #tpu.memory_space<vmem>>, %arg20: memref<80x160xbf16, #tpu.memory_space<vmem>>, %arg21: memref<80x16xf32, #tpu.memory_space<vmem>>, %arg22: memref<80x144xf32, #tpu.memory_space<vmem>>, %arg23: memref<!tpu.dma_semaphore, #tpu.memory_space<semaphore_mem>>, %arg24: memref<!tpu.dma_semaphore, #tpu.memory_space<semaphore_mem>>, %arg25: memref<!tpu.dma_semaphore, #tpu.memory_space<semaphore_mem>>, %arg26: memref<!tpu.dma_semaphore, #tpu.memory_space<semaphore_mem>>) attributes {dimension_semantics = [#tpu.dimension_semantics<core_parallel>, #tpu.dimension_semantics<subcore_parallel>], iteration_bounds = array<i64: 2, 16>, scalar_prefetch = 0 : i64, scratch_operands = 19 : i64, tpu.core_type = #tpu.core_type<sc_vector_subcore>, window_params = [{transform_indices = #map}, {transform_indices = #map}, {transform_indices = #map1}, {transform_indices = #map1}, {transform_indices = #map}, {transform_indices = #map2}]} {
    %mul3A = arith.constant 16 : i32
    %mul3A_0 = arith.muli %arg0, %mul3A : i32
    %add3A = arith.addi %mul3A_0, %arg1 : i32
    %mul3A_1 = arith.constant 632 : i32
    %mul3A_2 = arith.muli %arg1, %mul3A_1 : i32
    %mul3A_3 = arith.constant 10240 : i32
    %mul3A_4 = arith.muli %add3A, %mul3A_3 : i32
    %add3A_5 = arith.constant 0 : i32
    %add3A_6 = arith.addi %mul3A_4, %add3A_5 : i32
    "tpu.region"() ({
      %run_scoped3A = tpu.sem_alloc : memref<!tpu.dma_semaphore, #tpu.memory_space<semaphore_mem>>
      %dma_start3A_31 = tpu.memref_slice %arg4[%add3A_6] : memref<327680xi32, #tpu.memory_space<hbm>> -> memref<80xi32, #tpu.memory_space<hbm>>
      %dma_start3A_32 = tpu.memref_slice %arg4[%add3A_6] : memref<327680xi32, #tpu.memory_space<hbm>> -> memref<80xi32, #tpu.memory_space<hbm>>
      tpu.enqueue_dma source(%dma_start3A_32 : memref<80xi32, #tpu.memory_space<hbm>>) target(%arg9 : memref<80xi32, #tpu.memory_space<vmem>>) target_semaphore(%run_scoped3A : memref<!tpu.dma_semaphore, #tpu.memory_space<semaphore_mem>>)
      %dma_wait3A_33 = tpu.memref_slice %arg4[%add3A_6] : memref<327680xi32, #tpu.memory_space<hbm>> -> memref<80xi32, #tpu.memory_space<hbm>>
      %dma_wait3A_34 = tpu.memref_slice %arg4[%add3A_6] : memref<327680xi32, #tpu.memory_space<hbm>> -> memref<80xi32, #tpu.memory_space<hbm>>
      tpu.wait_dma2 semaphore(%run_scoped3A : memref<!tpu.dma_semaphore, #tpu.memory_space<semaphore_mem>>) src(%dma_wait3A_34 : memref<80xi32, #tpu.memory_space<hbm>>) dst(%arg9 : memref<80xi32, #tpu.memory_space<vmem>>)
      tpu.yield
    }) : () -> ()
    "tpu.region"() ({
      %run_scoped3A = tpu.sem_alloc : memref<!tpu.dma_semaphore, #tpu.memory_space<semaphore_mem>>
      %dma_start3A_31 = tpu.memref_slice %arg5[%add3A_6] : memref<327680xi32, #tpu.memory_space<hbm>> -> memref<80xi32, #tpu.memory_space<hbm>>
      %dma_start3A_32 = tpu.memref_slice %arg5[%add3A_6] : memref<327680xi32, #tpu.memory_space<hbm>> -> memref<80xi32, #tpu.memory_space<hbm>>
      tpu.enqueue_dma source(%dma_start3A_32 : memref<80xi32, #tpu.memory_space<hbm>>) target(%arg10 : memref<80xi32, #tpu.memory_space<vmem>>) target_semaphore(%run_scoped3A : memref<!tpu.dma_semaphore, #tpu.memory_space<semaphore_mem>>)
      %dma_wait3A_33 = tpu.memref_slice %arg5[%add3A_6] : memref<327680xi32, #tpu.memory_space<hbm>> -> memref<80xi32, #tpu.memory_space<hbm>>
      %dma_wait3A_34 = tpu.memref_slice %arg5[%add3A_6] : memref<327680xi32, #tpu.memory_space<hbm>> -> memref<80xi32, #tpu.memory_space<hbm>>
      tpu.wait_dma2 semaphore(%run_scoped3A : memref<!tpu.dma_semaphore, #tpu.memory_space<semaphore_mem>>) src(%dma_wait3A_34 : memref<80xi32, #tpu.memory_space<hbm>>) dst(%arg10 : memref<80xi32, #tpu.memory_space<vmem>>)
      tpu.yield
    }) : () -> ()
    %dma_start3A = arith.constant 0 : i32
    %dma_start3A_7 = arith.constant 0 : i32
    %dma_start3A_8 = tpu.memref_slice %arg2[%dma_start3A, %dma_start3A_7] : memref<10112x160xbf16, #tpu.memory_space<hbm>> -> memref<10112x160xbf16, #tpu.memory_space<hbm>>
    tpu.enqueue_indirect_dma source(%dma_start3A_8 : memref<10112x160xbf16, #tpu.memory_space<hbm>>) target(%arg17 : memref<80x160xbf16, #tpu.memory_space<vmem>>) offsets(%arg9 : memref<80xi32, #tpu.memory_space<vmem>>) semaphore(%arg23 : memref<!tpu.dma_semaphore, #tpu.memory_space<semaphore_mem>>)
    %dma_start3A_9 = arith.constant 0 : i32
    %dma_start3A_10 = arith.constant 0 : i32
    %dma_start3A_11 = tpu.memref_slice %arg3[%dma_start3A_9, %dma_start3A_10] : memref<10112x16xf32, #tpu.memory_space<hbm>> -> memref<10112x16xf32, #tpu.memory_space<hbm>>
    tpu.enqueue_indirect_dma source(%dma_start3A_11 : memref<10112x16xf32, #tpu.memory_space<hbm>>) target(%arg18 : memref<80x16xf32, #tpu.memory_space<vmem>>) offsets(%arg10 : memref<80xi32, #tpu.memory_space<vmem>>) semaphore(%arg23 : memref<!tpu.dma_semaphore, #tpu.memory_space<semaphore_mem>>)
    %add3A_12 = arith.constant 80 : i32
    %add3A_13 = arith.addi %mul3A_4, %add3A_12 : i32
    "tpu.region"() ({
      %run_scoped3A = tpu.sem_alloc : memref<!tpu.dma_semaphore, #tpu.memory_space<semaphore_mem>>
      %dma_start3A_31 = tpu.memref_slice %arg4[%add3A_13] : memref<327680xi32, #tpu.memory_space<hbm>> -> memref<80xi32, #tpu.memory_space<hbm>>
      %dma_start3A_32 = tpu.memref_slice %arg4[%add3A_13] : memref<327680xi32, #tpu.memory_space<hbm>> -> memref<80xi32, #tpu.memory_space<hbm>>
      tpu.enqueue_dma source(%dma_start3A_32 : memref<80xi32, #tpu.memory_space<hbm>>) target(%arg11 : memref<80xi32, #tpu.memory_space<vmem>>) target_semaphore(%run_scoped3A : memref<!tpu.dma_semaphore, #tpu.memory_space<semaphore_mem>>)
      %dma_wait3A_33 = tpu.memref_slice %arg4[%add3A_13] : memref<327680xi32, #tpu.memory_space<hbm>> -> memref<80xi32, #tpu.memory_space<hbm>>
      %dma_wait3A_34 = tpu.memref_slice %arg4[%add3A_13] : memref<327680xi32, #tpu.memory_space<hbm>> -> memref<80xi32, #tpu.memory_space<hbm>>
      tpu.wait_dma2 semaphore(%run_scoped3A : memref<!tpu.dma_semaphore, #tpu.memory_space<semaphore_mem>>) src(%dma_wait3A_34 : memref<80xi32, #tpu.memory_space<hbm>>) dst(%arg11 : memref<80xi32, #tpu.memory_space<vmem>>)
      tpu.yield
    }) : () -> ()
    "tpu.region"() ({
      %run_scoped3A = tpu.sem_alloc : memref<!tpu.dma_semaphore, #tpu.memory_space<semaphore_mem>>
      %dma_start3A_31 = tpu.memref_slice %arg5[%add3A_13] : memref<327680xi32, #tpu.memory_space<hbm>> -> memref<80xi32, #tpu.memory_space<hbm>>
      %dma_start3A_32 = tpu.memref_slice %arg5[%add3A_13] : memref<327680xi32, #tpu.memory_space<hbm>> -> memref<80xi32, #tpu.memory_space<hbm>>
      tpu.enqueue_dma source(%dma_start3A_32 : memref<80xi32, #tpu.memory_space<hbm>>) target(%arg12 : memref<80xi32, #tpu.memory_space<vmem>>) target_semaphore(%run_scoped3A : memref<!tpu.dma_semaphore, #tpu.memory_space<semaphore_mem>>)
      %dma_wait3A_33 = tpu.memref_slice %arg5[%add3A_13] : memref<327680xi32, #tpu.memory_space<hbm>> -> memref<80xi32, #tpu.memory_space<hbm>>
      %dma_wait3A_34 = tpu.memref_slice %arg5[%add3A_13] : memref<327680xi32, #tpu.memory_space<hbm>> -> memref<80xi32, #tpu.memory_space<hbm>>
      tpu.wait_dma2 semaphore(%run_scoped3A : memref<!tpu.dma_semaphore, #tpu.memory_space<semaphore_mem>>) src(%dma_wait3A_34 : memref<80xi32, #tpu.memory_space<hbm>>) dst(%arg12 : memref<80xi32, #tpu.memory_space<vmem>>)
      tpu.yield
    }) : () -> ()
    %dma_start3A_14 = arith.constant 0 : i32
    %dma_start3A_15 = arith.constant 0 : i32
    %dma_start3A_16 = tpu.memref_slice %arg2[%dma_start3A_14, %dma_start3A_15] : memref<10112x160xbf16, #tpu.memory_space<hbm>> -> memref<10112x160xbf16, #tpu.memory_space<hbm>>
    tpu.enqueue_indirect_dma source(%dma_start3A_16 : memref<10112x160xbf16, #tpu.memory_space<hbm>>) target(%arg20 : memref<80x160xbf16, #tpu.memory_space<vmem>>) offsets(%arg11 : memref<80xi32, #tpu.memory_space<vmem>>) semaphore(%arg25 : memref<!tpu.dma_semaphore, #tpu.memory_space<semaphore_mem>>)
    %dma_start3A_17 = arith.constant 0 : i32
    %dma_start3A_18 = arith.constant 0 : i32
    %dma_start3A_19 = tpu.memref_slice %arg3[%dma_start3A_17, %dma_start3A_18] : memref<10112x16xf32, #tpu.memory_space<hbm>> -> memref<10112x16xf32, #tpu.memory_space<hbm>>
    tpu.enqueue_indirect_dma source(%dma_start3A_19 : memref<10112x16xf32, #tpu.memory_space<hbm>>) target(%arg21 : memref<80x16xf32, #tpu.memory_space<vmem>>) offsets(%arg12 : memref<80xi32, #tpu.memory_space<vmem>>) semaphore(%arg25 : memref<!tpu.dma_semaphore, #tpu.memory_space<semaphore_mem>>)
    "tpu.region"() ({
      %run_scoped3A = tpu.sem_alloc : memref<!tpu.dma_semaphore, #tpu.memory_space<semaphore_mem>>
      %dma_start3A_31 = arith.constant 0 : i32
      %dma_start3A_32 = tpu.memref_slice %arg8[%mul3A_2, %dma_start3A_31] : memref<10112x144xf32, #tpu.memory_space<vmem_shared>> -> memref<632x144xf32, #tpu.memory_space<vmem_shared>>
      tpu.enqueue_dma source(%arg6 : memref<632x144xf32, #tpu.memory_space<hbm>>) target(%dma_start3A_32 : memref<632x144xf32, #tpu.memory_space<vmem_shared>>) target_semaphore(%run_scoped3A : memref<!tpu.dma_semaphore, #tpu.memory_space<semaphore_mem>>)
      %dma_wait3A_33 = arith.constant 0 : i32
      %dma_wait3A_34 = tpu.memref_slice %arg8[%mul3A_2, %dma_wait3A_33] : memref<10112x144xf32, #tpu.memory_space<vmem_shared>> -> memref<632x144xf32, #tpu.memory_space<vmem_shared>>
      tpu.wait_dma2 semaphore(%run_scoped3A : memref<!tpu.dma_semaphore, #tpu.memory_space<semaphore_mem>>) src(%arg6 : memref<632x144xf32, #tpu.memory_space<hbm>>) dst(%dma_wait3A_34 : memref<632x144xf32, #tpu.memory_space<vmem_shared>>)
      tpu.yield
    }) : () -> ()
    %barrier3A = arith.constant 0 : index
    tpu.barrier barrier_id(%barrier3A)
    %scan3A = arith.constant 0 : i32
    %scan3A_20 = arith.constant 0 : i32
    %scan3A_21 = arith.constant 32 : i32
    %scan3A_22 = arith.addi %scan3A_20, %scan3A_21 : i32
    %scan3A_23 = arith.constant 1 : i32
    scf.for %scan3A_31 = %scan3A_20 to %scan3A_22 step %scan3A_23  : i32 {
      %mul3A_32 = arith.constant 4 : i32
      %mul3A_33 = arith.muli %scan3A_31, %mul3A_32 : i32
      %add3A_34 = arith.constant 0 : i32
      %add3A_35 = arith.addi %mul3A_33, %add3A_34 : i32
      %ge3A = arith.constant 2 : i32
      %ge3A_36 = arith.cmpi sge, %add3A_35, %ge3A : i32
      %convert_element_type3A = arith.extui %ge3A_36 : i1 to i32
      %cond3A = arith.constant 0 : i32
      %cond3A_37 = arith.cmpi ne, %convert_element_type3A, %cond3A : i32
      scf.if %cond3A_37 {
        %dma_wait3A_139 = arith.constant 0 : i32
        %dma_wait3A_140 = arith.constant 0 : i32
        %dma_wait3A_141 = tpu.memref_slice %arg8[%dma_wait3A_139, %dma_wait3A_140] : memref<10112x144xf32, #tpu.memory_space<vmem_shared>> -> memref<10112x144xf32, #tpu.memory_space<vmem_shared>>
        tpu.wait_indirect_dma semaphore(%arg24 : memref<!tpu.dma_semaphore, #tpu.memory_space<semaphore_mem>>) src(%arg19 : memref<80x144xf32, #tpu.memory_space<vmem>>) dst(%dma_wait3A_141 : memref<10112x144xf32, #tpu.memory_space<vmem_shared>>)
      } else {
      }
      %dma_wait3A_38 = arith.constant 0 : i32
      %dma_wait3A_39 = arith.constant 0 : i32
      %dma_wait3A_40 = tpu.memref_slice %arg2[%dma_wait3A_38, %dma_wait3A_39] : memref<10112x160xbf16, #tpu.memory_space<hbm>> -> memref<10112x160xbf16, #tpu.memory_space<hbm>>
      tpu.wait_indirect_dma semaphore(%arg23 : memref<!tpu.dma_semaphore, #tpu.memory_space<semaphore_mem>>) src(%dma_wait3A_40 : memref<10112x160xbf16, #tpu.memory_space<hbm>>) dst(%arg17 : memref<80x160xbf16, #tpu.memory_space<vmem>>)
      %dma_wait3A_41 = arith.constant 0 : i32
      %dma_wait3A_42 = arith.constant 0 : i32
      %dma_wait3A_43 = tpu.memref_slice %arg3[%dma_wait3A_41, %dma_wait3A_42] : memref<10112x16xf32, #tpu.memory_space<hbm>> -> memref<10112x16xf32, #tpu.memory_space<hbm>>
      tpu.wait_indirect_dma semaphore(%arg23 : memref<!tpu.dma_semaphore, #tpu.memory_space<semaphore_mem>>) src(%dma_wait3A_43 : memref<10112x16xf32, #tpu.memory_space<hbm>>) dst(%arg18 : memref<80x16xf32, #tpu.memory_space<vmem>>)
      %parallel_loop3A = arith.constant 0 : i32
      %parallel_loop3A_44 = arith.constant 80 : i32
      %parallel_loop3A_45 = arith.constant 1 : i32
      scf.for %parallel_loop3A_139 = %parallel_loop3A to %parallel_loop3A_44 step %parallel_loop3A_45  : i32 {
        %parallel_loop3A_140 = arith.index_cast %parallel_loop3A_139 : i32 to index
        %parallel_loop3A_141 = arith.constant 128 : index
        %parallel_loop3A_142 = tpu.vector_load %arg17[%parallel_loop3A_140, %parallel_loop3A_141] {strides = array<i32>} : memref<80x160xbf16, #tpu.memory_space<vmem>>, vector<32xbf16>,
        %parallel_loop3A_143 = tpu.unpack_subelements %parallel_loop3A_142, 0 {pack_format = #tpu.pack_format<interleaved>} : vector<32xbf16> -> vector<16xf32>
        %parallel_loop3A_144 = tpu.unpack_subelements %parallel_loop3A_142, 1 {pack_format = #tpu.pack_format<interleaved>} : vector<32xbf16> -> vector<16xf32>
        %parallel_loop3A_145 = arith.index_cast %parallel_loop3A_139 : i32 to index
        %parallel_loop3A_146 = arith.constant 0 : index
        %parallel_loop3A_147 = tpu.vector_load %arg18[%parallel_loop3A_145, %parallel_loop3A_146] {strides = array<i32>} : memref<80x16xf32, #tpu.memory_space<vmem>>, vector<16xf32>,
        %parallel_loop3A_148 = arith.addf %parallel_loop3A_143, %parallel_loop3A_147 : vector<16xf32>
        %parallel_loop3A_149 = arith.constant 2.000000e-01 : f32
        %parallel_loop3A_150 = vector.broadcast %parallel_loop3A_149 : f32 to vector<16xf32>
        %parallel_loop3A_151 = arith.mulf %parallel_loop3A_150, %parallel_loop3A_148 : vector<16xf32>
        %parallel_loop3A_152 = arith.maximumf %parallel_loop3A_148, %parallel_loop3A_151 : vector<16xf32>
        %parallel_loop3A_153 = arith.constant 15 : i32
        %parallel_loop3A_154 = vector.broadcast %parallel_loop3A_153 : i32 to vector<16xi32>
        %parallel_loop3A_155 = tpu.iota {dimensions = array<i32: 0>} : vector<16xi32>
        %parallel_loop3A_156 = arith.subi %parallel_loop3A_154, %parallel_loop3A_155 : vector<16xi32>
        %parallel_loop3A_157 = tpu.dynamic_gather %parallel_loop3A_147[%parallel_loop3A_156] in [0] : vector<16xf32>, vector<16xi32> -> vector<16xf32>
        %parallel_loop3A_158 = arith.subf %parallel_loop3A_152, %parallel_loop3A_157 : vector<16xf32>
        %parallel_loop3A_159 = math.exp %parallel_loop3A_158 : vector<16xf32>
        %parallel_loop3A_160 = arith.index_cast %parallel_loop3A_139 : i32 to index
        %parallel_loop3A_161 = arith.constant 128 : index
        %parallel_loop3A_162 = tpu.vector_load %arg19[%parallel_loop3A_160, %parallel_loop3A_161] {strides = array<i32>} : memref<80x144xf32, #tpu.memory_space<vmem>>, vector<16xf32>,
        tpu.vector_store %arg19[%parallel_loop3A_160, %parallel_loop3A_161], %parallel_loop3A_159 {strides = array<i32>} : memref<80x144xf32, #tpu.memory_space<vmem>>, vector<16xf32>,
        %parallel_loop3A_163 = arith.index_cast %parallel_loop3A_139 : i32 to index
        %parallel_loop3A_164 = arith.constant 0 : index
        %parallel_loop3A_165 = tpu.vector_load %arg17[%parallel_loop3A_163, %parallel_loop3A_164] {strides = array<i32>} : memref<80x160xbf16, #tpu.memory_space<vmem>>, vector<32xbf16>,
        %parallel_loop3A_166 = tpu.unpack_subelements %parallel_loop3A_165, 0 {pack_format = #tpu.pack_format<interleaved>} : vector<32xbf16> -> vector<16xf32>
        %parallel_loop3A_167 = tpu.unpack_subelements %parallel_loop3A_165, 1 {pack_format = #tpu.pack_format<interleaved>} : vector<32xbf16> -> vector<16xf32>
        %parallel_loop3A_168 = vector.extract_strided_slice %parallel_loop3A_159 {offsets = [0], sizes = [1], strides = [1]} : vector<16xf32> to vector<1xf32>
        %parallel_loop3A_169 = vector.extract %parallel_loop3A_168[0] : f32 from vector<1xf32>
        %parallel_loop3A_170 = vector.broadcast %parallel_loop3A_169 : f32 to vector<16xf32>
        %parallel_loop3A_171 = arith.mulf %parallel_loop3A_166, %parallel_loop3A_170 : vector<16xf32>
        %parallel_loop3A_172 = arith.index_cast %parallel_loop3A_139 : i32 to index
        %parallel_loop3A_173 = arith.constant 0 : index
        %parallel_loop3A_174 = tpu.vector_load %arg19[%parallel_loop3A_172, %parallel_loop3A_173] {strides = array<i32>} : memref<80x144xf32, #tpu.memory_space<vmem>>, vector<16xf32>,
        tpu.vector_store %arg19[%parallel_loop3A_172, %parallel_loop3A_173], %parallel_loop3A_171 {strides = array<i32>} : memref<80x144xf32, #tpu.memory_space<vmem>>, vector<16xf32>,
        %parallel_loop3A_175 = vector.extract_strided_slice %parallel_loop3A_159 {offsets = [1], sizes = [1], strides = [1]} : vector<16xf32> to vector<1xf32>
        %parallel_loop3A_176 = vector.extract %parallel_loop3A_175[0] : f32 from vector<1xf32>
        %parallel_loop3A_177 = vector.broadcast %parallel_loop3A_176 : f32 to vector<16xf32>
        %parallel_loop3A_178 = arith.mulf %parallel_loop3A_167, %parallel_loop3A_177 : vector<16xf32>
        %parallel_loop3A_179 = arith.index_cast %parallel_loop3A_139 : i32 to index
        %parallel_loop3A_180 = arith.constant 16 : index
        %parallel_loop3A_181 = tpu.vector_load %arg19[%parallel_loop3A_179, %parallel_loop3A_180] {strides = array<i32>} : memref<80x144xf32, #tpu.memory_space<vmem>>, vector<16xf32>,
        tpu.vector_store %arg19[%parallel_loop3A_179, %parallel_loop3A_180], %parallel_loop3A_178 {strides = array<i32>} : memref<80x144xf32, #tpu.memory_space<vmem>>, vector<16xf32>,
        %parallel_loop3A_182 = arith.index_cast %parallel_loop3A_139 : i32 to index
        %parallel_loop3A_183 = arith.constant 32 : index
        %parallel_loop3A_184 = tpu.vector_load %arg17[%parallel_loop3A_182, %parallel_loop3A_183] {strides = array<i32>} : memref<80x160xbf16, #tpu.memory_space<vmem>>, vector<32xbf16>,
        %parallel_loop3A_185 = tpu.unpack_subelements %parallel_loop3A_184, 0 {pack_format = #tpu.pack_format<interleaved>} : vector<32xbf16> -> vector<16xf32>
        %parallel_loop3A_186 = tpu.unpack_subelements %parallel_loop3A_184, 1 {pack_format = #tpu.pack_format<interleaved>} : vector<32xbf16> -> vector<16xf32>
        %parallel_loop3A_187 = vector.extract_strided_slice %parallel_loop3A_159 {offsets = [2], sizes = [1], strides = [1]} : vector<16xf32> to vector<1xf32>
        %parallel_loop3A_188 = vector.extract %parallel_loop3A_187[0] : f32 from vector<1xf32>
        %parallel_loop3A_189 = vector.broadcast %parallel_loop3A_188 : f32 to vector<16xf32>
        %parallel_loop3A_190 = arith.mulf %parallel_loop3A_185, %parallel_loop3A_189 : vector<16xf32>
        %parallel_loop3A_191 = arith.index_cast %parallel_loop3A_139 : i32 to index
        %parallel_loop3A_192 = arith.constant 32 : index
        %parallel_loop3A_193 = tpu.vector_load %arg19[%parallel_loop3A_191, %parallel_loop3A_192] {strides = array<i32>} : memref<80x144xf32, #tpu.memory_space<vmem>>, vector<16xf32>,
        tpu.vector_store %arg19[%parallel_loop3A_191, %parallel_loop3A_192], %parallel_loop3A_190 {strides = array<i32>} : memref<80x144xf32, #tpu.memory_space<vmem>>, vector<16xf32>,
        %parallel_loop3A_194 = vector.extract_strided_slice %parallel_loop3A_159 {offsets = [3], sizes = [1], strides = [1]} : vector<16xf32> to vector<1xf32>
        %parallel_loop3A_195 = vector.extract %parallel_loop3A_194[0] : f32 from vector<1xf32>
        %parallel_loop3A_196 = vector.broadcast %parallel_loop3A_195 : f32 to vector<16xf32>
        %parallel_loop3A_197 = arith.mulf %parallel_loop3A_186, %parallel_loop3A_196 : vector<16xf32>
        %parallel_loop3A_198 = arith.index_cast %parallel_loop3A_139 : i32 to index
        %parallel_loop3A_199 = arith.constant 48 : index
        %parallel_loop3A_200 = tpu.vector_load %arg19[%parallel_loop3A_198, %parallel_loop3A_199] {strides = array<i32>} : memref<80x144xf32, #tpu.memory_space<vmem>>, vector<16xf32>,
        tpu.vector_store %arg19[%parallel_loop3A_198, %parallel_loop3A_199], %parallel_loop3A_197 {strides = array<i32>} : memref<80x144xf32, #tpu.memory_space<vmem>>, vector<16xf32>,
        %parallel_loop3A_201 = arith.index_cast %parallel_loop3A_139 : i32 to index
        %parallel_loop3A_202 = arith.constant 64 : index
        %parallel_loop3A_203 = tpu.vector_load %arg17[%parallel_loop3A_201, %parallel_loop3A_202] {strides = array<i32>} : memref<80x160xbf16, #tpu.memory_space<vmem>>, vector<32xbf16>,
        %parallel_loop3A_204 = tpu.unpack_subelements %parallel_loop3A_203, 0 {pack_format = #tpu.pack_format<interleaved>} : vector<32xbf16> -> vector<16xf32>
        %parallel_loop3A_205 = tpu.unpack_subelements %parallel_loop3A_203, 1 {pack_format = #tpu.pack_format<interleaved>} : vector<32xbf16> -> vector<16xf32>
        %parallel_loop3A_206 = vector.extract_strided_slice %parallel_loop3A_159 {offsets = [4], sizes = [1], strides = [1]} : vector<16xf32> to vector<1xf32>
        %parallel_loop3A_207 = vector.extract %parallel_loop3A_206[0] : f32 from vector<1xf32>
        %parallel_loop3A_208 = vector.broadcast %parallel_loop3A_207 : f32 to vector<16xf32>
        %parallel_loop3A_209 = arith.mulf %parallel_loop3A_204, %parallel_loop3A_208 : vector<16xf32>
        %parallel_loop3A_210 = arith.index_cast %parallel_loop3A_139 : i32 to index
        %parallel_loop3A_211 = arith.constant 64 : index
        %parallel_loop3A_212 = tpu.vector_load %arg19[%parallel_loop3A_210, %parallel_loop3A_211] {strides = array<i32>} : memref<80x144xf32, #tpu.memory_space<vmem>>, vector<16xf32>,
        tpu.vector_store %arg19[%parallel_loop3A_210, %parallel_loop3A_211], %parallel_loop3A_209 {strides = array<i32>} : memref<80x144xf32, #tpu.memory_space<vmem>>, vector<16xf32>,
        %parallel_loop3A_213 = vector.extract_strided_slice %parallel_loop3A_159 {offsets = [5], sizes = [1], strides = [1]} : vector<16xf32> to vector<1xf32>
        %parallel_loop3A_214 = vector.extract %parallel_loop3A_213[0] : f32 from vector<1xf32>
        %parallel_loop3A_215 = vector.broadcast %parallel_loop3A_214 : f32 to vector<16xf32>
        %parallel_loop3A_216 = arith.mulf %parallel_loop3A_205, %parallel_loop3A_215 : vector<16xf32>
        %parallel_loop3A_217 = arith.index_cast %parallel_loop3A_139 : i32 to index
        %parallel_loop3A_218 = arith.constant 80 : index
        %parallel_loop3A_219 = tpu.vector_load %arg19[%parallel_loop3A_217, %parallel_loop3A_218] {strides = array<i32>} : memref<80x144xf32, #tpu.memory_space<vmem>>, vector<16xf32>,
        tpu.vector_store %arg19[%parallel_loop3A_217, %parallel_loop3A_218], %parallel_loop3A_216 {strides = array<i32>} : memref<80x144xf32, #tpu.memory_space<vmem>>, vector<16xf32>,
        %parallel_loop3A_220 = arith.index_cast %parallel_loop3A_139 : i32 to index
        %parallel_loop3A_221 = arith.constant 96 : index
        %parallel_loop3A_222 = tpu.vector_load %arg17[%parallel_loop3A_220, %parallel_loop3A_221] {strides = array<i32>} : memref<80x160xbf16, #tpu.memory_space<vmem>>, vector<32xbf16>,
        %parallel_loop3A_223 = tpu.unpack_subelements %parallel_loop3A_222, 0 {pack_format = #tpu.pack_format<interleaved>} : vector<32xbf16> -> vector<16xf32>
        %parallel_loop3A_224 = tpu.unpack_subelements %parallel_loop3A_222, 1 {pack_format = #tpu.pack_format<interleaved>} : vector<32xbf16> -> vector<16xf32>
        %parallel_loop3A_225 = vector.extract_strided_slice %parallel_loop3A_159 {offsets = [6], sizes = [1], strides = [1]} : vector<16xf32> to vector<1xf32>
        %parallel_loop3A_226 = vector.extract %parallel_loop3A_225[0] : f32 from vector<1xf32>
        %parallel_loop3A_227 = vector.broadcast %parallel_loop3A_226 : f32 to vector<16xf32>
        %parallel_loop3A_228 = arith.mulf %parallel_loop3A_223, %parallel_loop3A_227 : vector<16xf32>
        %parallel_loop3A_229 = arith.index_cast %parallel_loop3A_139 : i32 to index
        %parallel_loop3A_230 = arith.constant 96 : index
        %parallel_loop3A_231 = tpu.vector_load %arg19[%parallel_loop3A_229, %parallel_loop3A_230] {strides = array<i32>} : memref<80x144xf32, #tpu.memory_space<vmem>>, vector<16xf32>,
        tpu.vector_store %arg19[%parallel_loop3A_229, %parallel_loop3A_230], %parallel_loop3A_228 {strides = array<i32>} : memref<80x144xf32, #tpu.memory_space<vmem>>, vector<16xf32>,
        %parallel_loop3A_232 = vector.extract_strided_slice %parallel_loop3A_159 {offsets = [7], sizes = [1], strides = [1]} : vector<16xf32> to vector<1xf32>
        %parallel_loop3A_233 = vector.extract %parallel_loop3A_232[0] : f32 from vector<1xf32>
        %parallel_loop3A_234 = vector.broadcast %parallel_loop3A_233 : f32 to vector<16xf32>
        %parallel_loop3A_235 = arith.mulf %parallel_loop3A_224, %parallel_loop3A_234 : vector<16xf32>
        %parallel_loop3A_236 = arith.index_cast %parallel_loop3A_139 : i32 to index
        %parallel_loop3A_237 = arith.constant 112 : index
        %parallel_loop3A_238 = tpu.vector_load %arg19[%parallel_loop3A_236, %parallel_loop3A_237] {strides = array<i32>} : memref<80x144xf32, #tpu.memory_space<vmem>>, vector<16xf32>,
        tpu.vector_store %arg19[%parallel_loop3A_236, %parallel_loop3A_237], %parallel_loop3A_235 {strides = array<i32>} : memref<80x144xf32, #tpu.memory_space<vmem>>, vector<16xf32>,
      } {sc.loop_unroll_factor = 8 : i64, sc.parallel_access}
      %dma_start3A_46 = arith.constant 0 : i32
      %dma_start3A_47 = arith.constant 0 : i32
      %dma_start3A_48 = tpu.memref_slice %arg8[%dma_start3A_46, %dma_start3A_47] : memref<10112x144xf32, #tpu.memory_space<vmem_shared>> -> memref<10112x144xf32, #tpu.memory_space<vmem_shared>>
      tpu.enqueue_indirect_dma source(%arg19 : memref<80x144xf32, #tpu.memory_space<vmem>>) target(%dma_start3A_48 : memref<10112x144xf32, #tpu.memory_space<vmem_shared>>) offsets(%arg10 : memref<80xi32, #tpu.memory_space<vmem>>) semaphore(%arg24 : memref<!tpu.dma_semaphore, #tpu.memory_space<semaphore_mem>>) {add = true}
      %add3A_49 = arith.constant 2 : i32
      %add3A_50 = arith.addi %add3A_35, %add3A_49 : i32
      %lt3A = arith.constant 128 : i32
      %lt3A_51 = arith.cmpi slt, %add3A_50, %lt3A : i32
      %convert_element_type3A_52 = arith.extui %lt3A_51 : i1 to i32
      %cond3A_53 = arith.constant 0 : i32
      %cond3A_54 = arith.cmpi ne, %convert_element_type3A_52, %cond3A_53 : i32
      scf.if %cond3A_54 {
        %add3A_139 = arith.constant 2 : i32
        %add3A_140 = arith.addi %add3A_35, %add3A_139 : i32
        %mul3A_141 = arith.constant 80 : i32
        %mul3A_142 = arith.muli %add3A_140, %mul3A_141 : i32
        %add3A_143 = arith.addi %mul3A_4, %mul3A_142 : i32
        "tpu.region"() ({
          %run_scoped3A = tpu.sem_alloc : memref<!tpu.dma_semaphore, #tpu.memory_space<semaphore_mem>>
          %dma_start3A_150 = tpu.memref_slice %arg4[%add3A_143] : memref<327680xi32, #tpu.memory_space<hbm>> -> memref<80xi32, #tpu.memory_space<hbm>>
          %dma_start3A_151 = tpu.memref_slice %arg4[%add3A_143] : memref<327680xi32, #tpu.memory_space<hbm>> -> memref<80xi32, #tpu.memory_space<hbm>>
          tpu.enqueue_dma source(%dma_start3A_151 : memref<80xi32, #tpu.memory_space<hbm>>) target(%arg13 : memref<80xi32, #tpu.memory_space<vmem>>) target_semaphore(%run_scoped3A : memref<!tpu.dma_semaphore, #tpu.memory_space<semaphore_mem>>)
          %dma_wait3A_152 = tpu.memref_slice %arg4[%add3A_143] : memref<327680xi32, #tpu.memory_space<hbm>> -> memref<80xi32, #tpu.memory_space<hbm>>
          %dma_wait3A_153 = tpu.memref_slice %arg4[%add3A_143] : memref<327680xi32, #tpu.memory_space<hbm>> -> memref<80xi32, #tpu.memory_space<hbm>>
          tpu.wait_dma2 semaphore(%run_scoped3A : memref<!tpu.dma_semaphore, #tpu.memory_space<semaphore_mem>>) src(%dma_wait3A_153 : memref<80xi32, #tpu.memory_space<hbm>>) dst(%arg13 : memref<80xi32, #tpu.memory_space<vmem>>)
          tpu.yield
        }) : () -> ()
        "tpu.region"() ({
          %run_scoped3A = tpu.sem_alloc : memref<!tpu.dma_semaphore, #tpu.memory_space<semaphore_mem>>
          %dma_start3A_150 = tpu.memref_slice %arg5[%add3A_143] : memref<327680xi32, #tpu.memory_space<hbm>> -> memref<80xi32, #tpu.memory_space<hbm>>
          %dma_start3A_151 = tpu.memref_slice %arg5[%add3A_143] : memref<327680xi32, #tpu.memory_space<hbm>> -> memref<80xi32, #tpu.memory_space<hbm>>
          tpu.enqueue_dma source(%dma_start3A_151 : memref<80xi32, #tpu.memory_space<hbm>>) target(%arg14 : memref<80xi32, #tpu.memory_space<vmem>>) target_semaphore(%run_scoped3A : memref<!tpu.dma_semaphore, #tpu.memory_space<semaphore_mem>>)
          %dma_wait3A_152 = tpu.memref_slice %arg5[%add3A_143] : memref<327680xi32, #tpu.memory_space<hbm>> -> memref<80xi32, #tpu.memory_space<hbm>>
          %dma_wait3A_153 = tpu.memref_slice %arg5[%add3A_143] : memref<327680xi32, #tpu.memory_space<hbm>> -> memref<80xi32, #tpu.memory_space<hbm>>
          tpu.wait_dma2 semaphore(%run_scoped3A : memref<!tpu.dma_semaphore, #tpu.memory_space<semaphore_mem>>) src(%dma_wait3A_153 : memref<80xi32, #tpu.memory_space<hbm>>) dst(%arg14 : memref<80xi32, #tpu.memory_space<vmem>>)
          tpu.yield
        }) : () -> ()
        %dma_start3A_144 = arith.constant 0 : i32
        %dma_start3A_145 = arith.constant 0 : i32
        %dma_start3A_146 = tpu.memref_slice %arg2[%dma_start3A_144, %dma_start3A_145] : memref<10112x160xbf16, #tpu.memory_space<hbm>> -> memref<10112x160xbf16, #tpu.memory_space<hbm>>
        tpu.enqueue_indirect_dma source(%dma_start3A_146 : memref<10112x160xbf16, #tpu.memory_space<hbm>>) target(%arg17 : memref<80x160xbf16, #tpu.memory_space<vmem>>) offsets(%arg13 : memref<80xi32, #tpu.memory_space<vmem>>) semaphore(%arg23 : memref<!tpu.dma_semaphore, #tpu.memory_space<semaphore_mem>>)
        %dma_start3A_147 = arith.constant 0 : i32
        %dma_start3A_148 = arith.constant 0 : i32
        %dma_start3A_149 = tpu.memref_slice %arg3[%dma_start3A_147, %dma_start3A_148] : memref<10112x16xf32, #tpu.memory_space<hbm>> -> memref<10112x16xf32, #tpu.memory_space<hbm>>
        tpu.enqueue_indirect_dma source(%dma_start3A_149 : memref<10112x16xf32, #tpu.memory_space<hbm>>) target(%arg18 : memref<80x16xf32, #tpu.memory_space<vmem>>) offsets(%arg14 : memref<80xi32, #tpu.memory_space<vmem>>) semaphore(%arg23 : memref<!tpu.dma_semaphore, #tpu.memory_space<semaphore_mem>>)
      } else {
      }
      %mul3A_55 = arith.constant 4 : i32
      %mul3A_56 = arith.muli %scan3A_31, %mul3A_55 : i32
      %add3A_57 = arith.constant 1 : i32
      %add3A_58 = arith.addi %mul3A_56, %add3A_57 : i32
      %ge3A_59 = arith.constant 2 : i32
      %ge3A_60 = arith.cmpi sge, %add3A_58, %ge3A_59 : i32
      %convert_element_type3A_61 = arith.extui %ge3A_60 : i1 to i32
      %cond3A_62 = arith.constant 0 : i32
      %cond3A_63 = arith.cmpi ne, %convert_element_type3A_61, %cond3A_62 : i32
      scf.if %cond3A_63 {
        %dma_wait3A_139 = arith.constant 0 : i32
        %dma_wait3A_140 = arith.constant 0 : i32
        %dma_wait3A_141 = tpu.memref_slice %arg8[%dma_wait3A_139, %dma_wait3A_140] : memref<10112x144xf32, #tpu.memory_space<vmem_shared>> -> memref<10112x144xf32, #tpu.memory_space<vmem_shared>>
        tpu.wait_indirect_dma semaphore(%arg26 : memref<!tpu.dma_semaphore, #tpu.memory_space<semaphore_mem>>) src(%arg22 : memref<80x144xf32, #tpu.memory_space<vmem>>) dst(%dma_wait3A_141 : memref<10112x144xf32, #tpu.memory_space<vmem_shared>>)
      } else {
      }
      %dma_wait3A_64 = arith.constant 0 : i32
      %dma_wait3A_65 = arith.constant 0 : i32
      %dma_wait3A_66 = tpu.memref_slice %arg2[%dma_wait3A_64, %dma_wait3A_65] : memref<10112x160xbf16, #tpu.memory_space<hbm>> -> memref<10112x160xbf16, #tpu.memory_space<hbm>>
      tpu.wait_indirect_dma semaphore(%arg25 : memref<!tpu.dma_semaphore, #tpu.memory_space<semaphore_mem>>) src(%dma_wait3A_66 : memref<10112x160xbf16, #tpu.memory_space<hbm>>) dst(%arg20 : memref<80x160xbf16, #tpu.memory_space<vmem>>)
      %dma_wait3A_67 = arith.constant 0 : i32
      %dma_wait3A_68 = arith.constant 0 : i32
      %dma_wait3A_69 = tpu.memref_slice %arg3[%dma_wait3A_67, %dma_wait3A_68] : memref<10112x16xf32, #tpu.memory_space<hbm>> -> memref<10112x16xf32, #tpu.memory_space<hbm>>
      tpu.wait_indirect_dma semaphore(%arg25 : memref<!tpu.dma_semaphore, #tpu.memory_space<semaphore_mem>>) src(%dma_wait3A_69 : memref<10112x16xf32, #tpu.memory_space<hbm>>) dst(%arg21 : memref<80x16xf32, #tpu.memory_space<vmem>>)
      %parallel_loop3A_70 = arith.constant 0 : i32
      %parallel_loop3A_71 = arith.constant 80 : i32
      %parallel_loop3A_72 = arith.constant 1 : i32
      scf.for %parallel_loop3A_139 = %parallel_loop3A_70 to %parallel_loop3A_71 step %parallel_loop3A_72  : i32 {
        %parallel_loop3A_140 = arith.index_cast %parallel_loop3A_139 : i32 to index
        %parallel_loop3A_141 = arith.constant 128 : index
        %parallel_loop3A_142 = tpu.vector_load %arg20[%parallel_loop3A_140, %parallel_loop3A_141] {strides = array<i32>} : memref<80x160xbf16, #tpu.memory_space<vmem>>, vector<32xbf16>,
        %parallel_loop3A_143 = tpu.unpack_subelements %parallel_loop3A_142, 0 {pack_format = #tpu.pack_format<interleaved>} : vector<32xbf16> -> vector<16xf32>
        %parallel_loop3A_144 = tpu.unpack_subelements %parallel_loop3A_142, 1 {pack_format = #tpu.pack_format<interleaved>} : vector<32xbf16> -> vector<16xf32>
        %parallel_loop3A_145 = arith.index_cast %parallel_loop3A_139 : i32 to index
        %parallel_loop3A_146 = arith.constant 0 : index
        %parallel_loop3A_147 = tpu.vector_load %arg21[%parallel_loop3A_145, %parallel_loop3A_146] {strides = array<i32>} : memref<80x16xf32, #tpu.memory_space<vmem>>, vector<16xf32>,
        %parallel_loop3A_148 = arith.addf %parallel_loop3A_143, %parallel_loop3A_147 : vector<16xf32>
        %parallel_loop3A_149 = arith.constant 2.000000e-01 : f32
        %parallel_loop3A_150 = vector.broadcast %parallel_loop3A_149 : f32 to vector<16xf32>
        %parallel_loop3A_151 = arith.mulf %parallel_loop3A_150, %parallel_loop3A_148 : vector<16xf32>
        %parallel_loop3A_152 = arith.maximumf %parallel_loop3A_148, %parallel_loop3A_151 : vector<16xf32>
        %parallel_loop3A_153 = arith.constant 15 : i32
        %parallel_loop3A_154 = vector.broadcast %parallel_loop3A_153 : i32 to vector<16xi32>
        %parallel_loop3A_155 = tpu.iota {dimensions = array<i32: 0>} : vector<16xi32>
        %parallel_loop3A_156 = arith.subi %parallel_loop3A_154, %parallel_loop3A_155 : vector<16xi32>
        %parallel_loop3A_157 = tpu.dynamic_gather %parallel_loop3A_147[%parallel_loop3A_156] in [0] : vector<16xf32>, vector<16xi32> -> vector<16xf32>
        %parallel_loop3A_158 = arith.subf %parallel_loop3A_152, %parallel_loop3A_157 : vector<16xf32>
        %parallel_loop3A_159 = math.exp %parallel_loop3A_158 : vector<16xf32>
        %parallel_loop3A_160 = arith.index_cast %parallel_loop3A_139 : i32 to index
        %parallel_loop3A_161 = arith.constant 128 : index
        %parallel_loop3A_162 = tpu.vector_load %arg22[%parallel_loop3A_160, %parallel_loop3A_161] {strides = array<i32>} : memref<80x144xf32, #tpu.memory_space<vmem>>, vector<16xf32>,
        tpu.vector_store %arg22[%parallel_loop3A_160, %parallel_loop3A_161], %parallel_loop3A_159 {strides = array<i32>} : memref<80x144xf32, #tpu.memory_space<vmem>>, vector<16xf32>,
        %parallel_loop3A_163 = arith.index_cast %parallel_loop3A_139 : i32 to index
        %parallel_loop3A_164 = arith.constant 0 : index
        %parallel_loop3A_165 = tpu.vector_load %arg20[%parallel_loop3A_163, %parallel_loop3A_164] {strides = array<i32>} : memref<80x160xbf16, #tpu.memory_space<vmem>>, vector<32xbf16>,
        %parallel_loop3A_166 = tpu.unpack_subelements %parallel_loop3A_165, 0 {pack_format = #tpu.pack_format<interleaved>} : vector<32xbf16> -> vector<16xf32>
        %parallel_loop3A_167 = tpu.unpack_subelements %parallel_loop3A_165, 1 {pack_format = #tpu.pack_format<interleaved>} : vector<32xbf16> -> vector<16xf32>
        %parallel_loop3A_168 = vector.extract_strided_slice %parallel_loop3A_159 {offsets = [0], sizes = [1], strides = [1]} : vector<16xf32> to vector<1xf32>
        %parallel_loop3A_169 = vector.extract %parallel_loop3A_168[0] : f32 from vector<1xf32>
        %parallel_loop3A_170 = vector.broadcast %parallel_loop3A_169 : f32 to vector<16xf32>
        %parallel_loop3A_171 = arith.mulf %parallel_loop3A_166, %parallel_loop3A_170 : vector<16xf32>
        %parallel_loop3A_172 = arith.index_cast %parallel_loop3A_139 : i32 to index
        %parallel_loop3A_173 = arith.constant 0 : index
        %parallel_loop3A_174 = tpu.vector_load %arg22[%parallel_loop3A_172, %parallel_loop3A_173] {strides = array<i32>} : memref<80x144xf32, #tpu.memory_space<vmem>>, vector<16xf32>,
        tpu.vector_store %arg22[%parallel_loop3A_172, %parallel_loop3A_173], %parallel_loop3A_171 {strides = array<i32>} : memref<80x144xf32, #tpu.memory_space<vmem>>, vector<16xf32>,
        %parallel_loop3A_175 = vector.extract_strided_slice %parallel_loop3A_159 {offsets = [1], sizes = [1], strides = [1]} : vector<16xf32> to vector<1xf32>
        %parallel_loop3A_176 = vector.extract %parallel_loop3A_175[0] : f32 from vector<1xf32>
        %parallel_loop3A_177 = vector.broadcast %parallel_loop3A_176 : f32 to vector<16xf32>
        %parallel_loop3A_178 = arith.mulf %parallel_loop3A_167, %parallel_loop3A_177 : vector<16xf32>
        %parallel_loop3A_179 = arith.index_cast %parallel_loop3A_139 : i32 to index
        %parallel_loop3A_180 = arith.constant 16 : index
        %parallel_loop3A_181 = tpu.vector_load %arg22[%parallel_loop3A_179, %parallel_loop3A_180] {strides = array<i32>} : memref<80x144xf32, #tpu.memory_space<vmem>>, vector<16xf32>,
        tpu.vector_store %arg22[%parallel_loop3A_179, %parallel_loop3A_180], %parallel_loop3A_178 {strides = array<i32>} : memref<80x144xf32, #tpu.memory_space<vmem>>, vector<16xf32>,
        %parallel_loop3A_182 = arith.index_cast %parallel_loop3A_139 : i32 to index
        %parallel_loop3A_183 = arith.constant 32 : index
        %parallel_loop3A_184 = tpu.vector_load %arg20[%parallel_loop3A_182, %parallel_loop3A_183] {strides = array<i32>} : memref<80x160xbf16, #tpu.memory_space<vmem>>, vector<32xbf16>,
        %parallel_loop3A_185 = tpu.unpack_subelements %parallel_loop3A_184, 0 {pack_format = #tpu.pack_format<interleaved>} : vector<32xbf16> -> vector<16xf32>
        %parallel_loop3A_186 = tpu.unpack_subelements %parallel_loop3A_184, 1 {pack_format = #tpu.pack_format<interleaved>} : vector<32xbf16> -> vector<16xf32>
        %parallel_loop3A_187 = vector.extract_strided_slice %parallel_loop3A_159 {offsets = [2], sizes = [1], strides = [1]} : vector<16xf32> to vector<1xf32>
        %parallel_loop3A_188 = vector.extract %parallel_loop3A_187[0] : f32 from vector<1xf32>
        %parallel_loop3A_189 = vector.broadcast %parallel_loop3A_188 : f32 to vector<16xf32>
        %parallel_loop3A_190 = arith.mulf %parallel_loop3A_185, %parallel_loop3A_189 : vector<16xf32>
        %parallel_loop3A_191 = arith.index_cast %parallel_loop3A_139 : i32 to index
        %parallel_loop3A_192 = arith.constant 32 : index
        %parallel_loop3A_193 = tpu.vector_load %arg22[%parallel_loop3A_191, %parallel_loop3A_192] {strides = array<i32>} : memref<80x144xf32, #tpu.memory_space<vmem>>, vector<16xf32>,
        tpu.vector_store %arg22[%parallel_loop3A_191, %parallel_loop3A_192], %parallel_loop3A_190 {strides = array<i32>} : memref<80x144xf32, #tpu.memory_space<vmem>>, vector<16xf32>,
        %parallel_loop3A_194 = vector.extract_strided_slice %parallel_loop3A_159 {offsets = [3], sizes = [1], strides = [1]} : vector<16xf32> to vector<1xf32>
        %parallel_loop3A_195 = vector.extract %parallel_loop3A_194[0] : f32 from vector<1xf32>
        %parallel_loop3A_196 = vector.broadcast %parallel_loop3A_195 : f32 to vector<16xf32>
        %parallel_loop3A_197 = arith.mulf %parallel_loop3A_186, %parallel_loop3A_196 : vector<16xf32>
        %parallel_loop3A_198 = arith.index_cast %parallel_loop3A_139 : i32 to index
        %parallel_loop3A_199 = arith.constant 48 : index
        %parallel_loop3A_200 = tpu.vector_load %arg22[%parallel_loop3A_198, %parallel_loop3A_199] {strides = array<i32>} : memref<80x144xf32, #tpu.memory_space<vmem>>, vector<16xf32>,
        tpu.vector_store %arg22[%parallel_loop3A_198, %parallel_loop3A_199], %parallel_loop3A_197 {strides = array<i32>} : memref<80x144xf32, #tpu.memory_space<vmem>>, vector<16xf32>,
        %parallel_loop3A_201 = arith.index_cast %parallel_loop3A_139 : i32 to index
        %parallel_loop3A_202 = arith.constant 64 : index
        %parallel_loop3A_203 = tpu.vector_load %arg20[%parallel_loop3A_201, %parallel_loop3A_202] {strides = array<i32>} : memref<80x160xbf16, #tpu.memory_space<vmem>>, vector<32xbf16>,
        %parallel_loop3A_204 = tpu.unpack_subelements %parallel_loop3A_203, 0 {pack_format = #tpu.pack_format<interleaved>} : vector<32xbf16> -> vector<16xf32>
        %parallel_loop3A_205 = tpu.unpack_subelements %parallel_loop3A_203, 1 {pack_format = #tpu.pack_format<interleaved>} : vector<32xbf16> -> vector<16xf32>
        %parallel_loop3A_206 = vector.extract_strided_slice %parallel_loop3A_159 {offsets = [4], sizes = [1], strides = [1]} : vector<16xf32> to vector<1xf32>
        %parallel_loop3A_207 = vector.extract %parallel_loop3A_206[0] : f32 from vector<1xf32>
        %parallel_loop3A_208 = vector.broadcast %parallel_loop3A_207 : f32 to vector<16xf32>
        %parallel_loop3A_209 = arith.mulf %parallel_loop3A_204, %parallel_loop3A_208 : vector<16xf32>
        %parallel_loop3A_210 = arith.index_cast %parallel_loop3A_139 : i32 to index
        %parallel_loop3A_211 = arith.constant 64 : index
        %parallel_loop3A_212 = tpu.vector_load %arg22[%parallel_loop3A_210, %parallel_loop3A_211] {strides = array<i32>} : memref<80x144xf32, #tpu.memory_space<vmem>>, vector<16xf32>,
        tpu.vector_store %arg22[%parallel_loop3A_210, %parallel_loop3A_211], %parallel_loop3A_209 {strides = array<i32>} : memref<80x144xf32, #tpu.memory_space<vmem>>, vector<16xf32>,
        %parallel_loop3A_213 = vector.extract_strided_slice %parallel_loop3A_159 {offsets = [5], sizes = [1], strides = [1]} : vector<16xf32> to vector<1xf32>
        %parallel_loop3A_214 = vector.extract %parallel_loop3A_213[0] : f32 from vector<1xf32>
        %parallel_loop3A_215 = vector.broadcast %parallel_loop3A_214 : f32 to vector<16xf32>
        %parallel_loop3A_216 = arith.mulf %parallel_loop3A_205, %parallel_loop3A_215 : vector<16xf32>
        %parallel_loop3A_217 = arith.index_cast %parallel_loop3A_139 : i32 to index
        %parallel_loop3A_218 = arith.constant 80 : index
        %parallel_loop3A_219 = tpu.vector_load %arg22[%parallel_loop3A_217, %parallel_loop3A_218] {strides = array<i32>} : memref<80x144xf32, #tpu.memory_space<vmem>>, vector<16xf32>,
        tpu.vector_store %arg22[%parallel_loop3A_217, %parallel_loop3A_218], %parallel_loop3A_216 {strides = array<i32>} : memref<80x144xf32, #tpu.memory_space<vmem>>, vector<16xf32>,
        %parallel_loop3A_220 = arith.index_cast %parallel_loop3A_139 : i32 to index
        %parallel_loop3A_221 = arith.constant 96 : index
        %parallel_loop3A_222 = tpu.vector_load %arg20[%parallel_loop3A_220, %parallel_loop3A_221] {strides = array<i32>} : memref<80x160xbf16, #tpu.memory_space<vmem>>, vector<32xbf16>,
        %parallel_loop3A_223 = tpu.unpack_subelements %parallel_loop3A_222, 0 {pack_format = #tpu.pack_format<interleaved>} : vector<32xbf16> -> vector<16xf32>
        %parallel_loop3A_224 = tpu.unpack_subelements %parallel_loop3A_222, 1 {pack_format = #tpu.pack_format<interleaved>} : vector<32xbf16> -> vector<16xf32>
        %parallel_loop3A_225 = vector.extract_strided_slice %parallel_loop3A_159 {offsets = [6], sizes = [1], strides = [1]} : vector<16xf32> to vector<1xf32>
        %parallel_loop3A_226 = vector.extract %parallel_loop3A_225[0] : f32 from vector<1xf32>
        %parallel_loop3A_227 = vector.broadcast %parallel_loop3A_226 : f32 to vector<16xf32>
        %parallel_loop3A_228 = arith.mulf %parallel_loop3A_223, %parallel_loop3A_227 : vector<16xf32>
        %parallel_loop3A_229 = arith.index_cast %parallel_loop3A_139 : i32 to index
        %parallel_loop3A_230 = arith.constant 96 : index
        %parallel_loop3A_231 = tpu.vector_load %arg22[%parallel_loop3A_229, %parallel_loop3A_230] {strides = array<i32>} : memref<80x144xf32, #tpu.memory_space<vmem>>, vector<16xf32>,
        tpu.vector_store %arg22[%parallel_loop3A_229, %parallel_loop3A_230], %parallel_loop3A_228 {strides = array<i32>} : memref<80x144xf32, #tpu.memory_space<vmem>>, vector<16xf32>,
        %parallel_loop3A_232 = vector.extract_strided_slice %parallel_loop3A_159 {offsets = [7], sizes = [1], strides = [1]} : vector<16xf32> to vector<1xf32>
        %parallel_loop3A_233 = vector.extract %parallel_loop3A_232[0] : f32 from vector<1xf32>
        %parallel_loop3A_234 = vector.broadcast %parallel_loop3A_233 : f32 to vector<16xf32>
        %parallel_loop3A_235 = arith.mulf %parallel_loop3A_224, %parallel_loop3A_234 : vector<16xf32>
        %parallel_loop3A_236 = arith.index_cast %parallel_loop3A_139 : i32 to index
        %parallel_loop3A_237 = arith.constant 112 : index
        %parallel_loop3A_238 = tpu.vector_load %arg22[%parallel_loop3A_236, %parallel_loop3A_237] {strides = array<i32>} : memref<80x144xf32, #tpu.memory_space<vmem>>, vector<16xf32>,
        tpu.vector_store %arg22[%parallel_loop3A_236, %parallel_loop3A_237], %parallel_loop3A_235 {strides = array<i32>} : memref<80x144xf32, #tpu.memory_space<vmem>>, vector<16xf32>,
      } {sc.loop_unroll_factor = 8 : i64, sc.parallel_access}
      %dma_start3A_73 = arith.constant 0 : i32
      %dma_start3A_74 = arith.constant 0 : i32
      %dma_start3A_75 = tpu.memref_slice %arg8[%dma_start3A_73, %dma_start3A_74] : memref<10112x144xf32, #tpu.memory_space<vmem_shared>> -> memref<10112x144xf32, #tpu.memory_space<vmem_shared>>
      tpu.enqueue_indirect_dma source(%arg22 : memref<80x144xf32, #tpu.memory_space<vmem>>) target(%dma_start3A_75 : memref<10112x144xf32, #tpu.memory_space<vmem_shared>>) offsets(%arg12 : memref<80xi32, #tpu.memory_space<vmem>>) semaphore(%arg26 : memref<!tpu.dma_semaphore, #tpu.memory_space<semaphore_mem>>) {add = true}
      %add3A_76 = arith.constant 2 : i32
      %add3A_77 = arith.addi %add3A_58, %add3A_76 : i32
      %lt3A_78 = arith.constant 128 : i32
      %lt3A_79 = arith.cmpi slt, %add3A_77, %lt3A_78 : i32
      %convert_element_type3A_80 = arith.extui %lt3A_79 : i1 to i32
      %cond3A_81 = arith.constant 0 : i32
      %cond3A_82 = arith.cmpi ne, %convert_element_type3A_80, %cond3A_81 : i32
      scf.if %cond3A_82 {
        %add3A_139 = arith.constant 2 : i32
        %add3A_140 = arith.addi %add3A_58, %add3A_139 : i32
        %mul3A_141 = arith.constant 80 : i32
        %mul3A_142 = arith.muli %add3A_140, %mul3A_141 : i32
        %add3A_143 = arith.addi %mul3A_4, %mul3A_142 : i32
        "tpu.region"() ({
          %run_scoped3A = tpu.sem_alloc : memref<!tpu.dma_semaphore, #tpu.memory_space<semaphore_mem>>
          %dma_start3A_150 = tpu.memref_slice %arg4[%add3A_143] : memref<327680xi32, #tpu.memory_space<hbm>> -> memref<80xi32, #tpu.memory_space<hbm>>
          %dma_start3A_151 = tpu.memref_slice %arg4[%add3A_143] : memref<327680xi32, #tpu.memory_space<hbm>> -> memref<80xi32, #tpu.memory_space<hbm>>
          tpu.enqueue_dma source(%dma_start3A_151 : memref<80xi32, #tpu.memory_space<hbm>>) target(%arg15 : memref<80xi32, #tpu.memory_space<vmem>>) target_semaphore(%run_scoped3A : memref<!tpu.dma_semaphore, #tpu.memory_space<semaphore_mem>>)
          %dma_wait3A_152 = tpu.memref_slice %arg4[%add3A_143] : memref<327680xi32, #tpu.memory_space<hbm>> -> memref<80xi32, #tpu.memory_space<hbm>>
          %dma_wait3A_153 = tpu.memref_slice %arg4[%add3A_143] : memref<327680xi32, #tpu.memory_space<hbm>> -> memref<80xi32, #tpu.memory_space<hbm>>
          tpu.wait_dma2 semaphore(%run_scoped3A : memref<!tpu.dma_semaphore, #tpu.memory_space<semaphore_mem>>) src(%dma_wait3A_153 : memref<80xi32, #tpu.memory_space<hbm>>) dst(%arg15 : memref<80xi32, #tpu.memory_space<vmem>>)
          tpu.yield
        }) : () -> ()
        "tpu.region"() ({
          %run_scoped3A = tpu.sem_alloc : memref<!tpu.dma_semaphore, #tpu.memory_space<semaphore_mem>>
          %dma_start3A_150 = tpu.memref_slice %arg5[%add3A_143] : memref<327680xi32, #tpu.memory_space<hbm>> -> memref<80xi32, #tpu.memory_space<hbm>>
          %dma_start3A_151 = tpu.memref_slice %arg5[%add3A_143] : memref<327680xi32, #tpu.memory_space<hbm>> -> memref<80xi32, #tpu.memory_space<hbm>>
          tpu.enqueue_dma source(%dma_start3A_151 : memref<80xi32, #tpu.memory_space<hbm>>) target(%arg16 : memref<80xi32, #tpu.memory_space<vmem>>) target_semaphore(%run_scoped3A : memref<!tpu.dma_semaphore, #tpu.memory_space<semaphore_mem>>)
          %dma_wait3A_152 = tpu.memref_slice %arg5[%add3A_143] : memref<327680xi32, #tpu.memory_space<hbm>> -> memref<80xi32, #tpu.memory_space<hbm>>
          %dma_wait3A_153 = tpu.memref_slice %arg5[%add3A_143] : memref<327680xi32, #tpu.memory_space<hbm>> -> memref<80xi32, #tpu.memory_space<hbm>>
          tpu.wait_dma2 semaphore(%run_scoped3A : memref<!tpu.dma_semaphore, #tpu.memory_space<semaphore_mem>>) src(%dma_wait3A_153 : memref<80xi32, #tpu.memory_space<hbm>>) dst(%arg16 : memref<80xi32, #tpu.memory_space<vmem>>)
          tpu.yield
        }) : () -> ()
        %dma_start3A_144 = arith.constant 0 : i32
        %dma_start3A_145 = arith.constant 0 : i32
        %dma_start3A_146 = tpu.memref_slice %arg2[%dma_start3A_144, %dma_start3A_145] : memref<10112x160xbf16, #tpu.memory_space<hbm>> -> memref<10112x160xbf16, #tpu.memory_space<hbm>>
        tpu.enqueue_indirect_dma source(%dma_start3A_146 : memref<10112x160xbf16, #tpu.memory_space<hbm>>) target(%arg20 : memref<80x160xbf16, #tpu.memory_space<vmem>>) offsets(%arg15 : memref<80xi32, #tpu.memory_space<vmem>>) semaphore(%arg25 : memref<!tpu.dma_semaphore, #tpu.memory_space<semaphore_mem>>)
        %dma_start3A_147 = arith.constant 0 : i32
        %dma_start3A_148 = arith.constant 0 : i32
        %dma_start3A_149 = tpu.memref_slice %arg3[%dma_start3A_147, %dma_start3A_148] : memref<10112x16xf32, #tpu.memory_space<hbm>> -> memref<10112x16xf32, #tpu.memory_space<hbm>>
        tpu.enqueue_indirect_dma source(%dma_start3A_149 : memref<10112x16xf32, #tpu.memory_space<hbm>>) target(%arg21 : memref<80x16xf32, #tpu.memory_space<vmem>>) offsets(%arg16 : memref<80xi32, #tpu.memory_space<vmem>>) semaphore(%arg25 : memref<!tpu.dma_semaphore, #tpu.memory_space<semaphore_mem>>)
      } else {
      }
      %mul3A_83 = arith.constant 4 : i32
      %mul3A_84 = arith.muli %scan3A_31, %mul3A_83 : i32
      %add3A_85 = arith.constant 2 : i32
      %add3A_86 = arith.addi %mul3A_84, %add3A_85 : i32
      %ge3A_87 = arith.constant 2 : i32
      %ge3A_88 = arith.cmpi sge, %add3A_86, %ge3A_87 : i32
      %convert_element_type3A_89 = arith.extui %ge3A_88 : i1 to i32
      %cond3A_90 = arith.constant 0 : i32
      %cond3A_91 = arith.cmpi ne, %convert_element_type3A_89, %cond3A_90 : i32
      scf.if %cond3A_91 {
        %dma_wait3A_139 = arith.constant 0 : i32
        %dma_wait3A_140 = arith.constant 0 : i32
        %dma_wait3A_141 = tpu.memref_slice %arg8[%dma_wait3A_139, %dma_wait3A_140] : memref<10112x144xf32, #tpu.memory_space<vmem_shared>> -> memref<10112x144xf32, #tpu.memory_space<vmem_shared>>
        tpu.wait_indirect_dma semaphore(%arg24 : memref<!tpu.dma_semaphore, #tpu.memory_space<semaphore_mem>>) src(%arg19 : memref<80x144xf32, #tpu.memory_space<vmem>>) dst(%dma_wait3A_141 : memref<10112x144xf32, #tpu.memory_space<vmem_shared>>)
      } else {
      }
      %dma_wait3A_92 = arith.constant 0 : i32
      %dma_wait3A_93 = arith.constant 0 : i32
      %dma_wait3A_94 = tpu.memref_slice %arg2[%dma_wait3A_92, %dma_wait3A_93] : memref<10112x160xbf16, #tpu.memory_space<hbm>> -> memref<10112x160xbf16, #tpu.memory_space<hbm>>
      tpu.wait_indirect_dma semaphore(%arg23 : memref<!tpu.dma_semaphore, #tpu.memory_space<semaphore_mem>>) src(%dma_wait3A_94 : memref<10112x160xbf16, #tpu.memory_space<hbm>>) dst(%arg17 : memref<80x160xbf16, #tpu.memory_space<vmem>>)
      %dma_wait3A_95 = arith.constant 0 : i32
      %dma_wait3A_96 = arith.constant 0 : i32
      %dma_wait3A_97 = tpu.memref_slice %arg3[%dma_wait3A_95, %dma_wait3A_96] : memref<10112x16xf32, #tpu.memory_space<hbm>> -> memref<10112x16xf32, #tpu.memory_space<hbm>>
      tpu.wait_indirect_dma semaphore(%arg23 : memref<!tpu.dma_semaphore, #tpu.memory_space<semaphore_mem>>) src(%dma_wait3A_97 : memref<10112x16xf32, #tpu.memory_space<hbm>>) dst(%arg18 : memref<80x16xf32, #tpu.memory_space<vmem>>)
      %parallel_loop3A_98 = arith.constant 0 : i32
      %parallel_loop3A_99 = arith.constant 80 : i32
      %parallel_loop3A_100 = arith.constant 1 : i32
      scf.for %parallel_loop3A_139 = %parallel_loop3A_98 to %parallel_loop3A_99 step %parallel_loop3A_100  : i32 {
        %parallel_loop3A_140 = arith.index_cast %parallel_loop3A_139 : i32 to index
        %parallel_loop3A_141 = arith.constant 128 : index
        %parallel_loop3A_142 = tpu.vector_load %arg17[%parallel_loop3A_140, %parallel_loop3A_141] {strides = array<i32>} : memref<80x160xbf16, #tpu.memory_space<vmem>>, vector<32xbf16>,
        %parallel_loop3A_143 = tpu.unpack_subelements %parallel_loop3A_142, 0 {pack_format = #tpu.pack_format<interleaved>} : vector<32xbf16> -> vector<16xf32>
        %parallel_loop3A_144 = tpu.unpack_subelements %parallel_loop3A_142, 1 {pack_format = #tpu.pack_format<interleaved>} : vector<32xbf16> -> vector<16xf32>
        %parallel_loop3A_145 = arith.index_cast %parallel_loop3A_139 : i32 to index
        %parallel_loop3A_146 = arith.constant 0 : index
        %parallel_loop3A_147 = tpu.vector_load %arg18[%parallel_loop3A_145, %parallel_loop3A_146] {strides = array<i32>} : memref<80x16xf32, #tpu.memory_space<vmem>>, vector<16xf32>,
        %parallel_loop3A_148 = arith.addf %parallel_loop3A_143, %parallel_loop3A_147 : vector<16xf32>
        %parallel_loop3A_149 = arith.constant 2.000000e-01 : f32
        %parallel_loop3A_150 = vector.broadcast %parallel_loop3A_149 : f32 to vector<16xf32>
        %parallel_loop3A_151 = arith.mulf %parallel_loop3A_150, %parallel_loop3A_148 : vector<16xf32>
        %parallel_loop3A_152 = arith.maximumf %parallel_loop3A_148, %parallel_loop3A_151 : vector<16xf32>
        %parallel_loop3A_153 = arith.constant 15 : i32
        %parallel_loop3A_154 = vector.broadcast %parallel_loop3A_153 : i32 to vector<16xi32>
        %parallel_loop3A_155 = tpu.iota {dimensions = array<i32: 0>} : vector<16xi32>
        %parallel_loop3A_156 = arith.subi %parallel_loop3A_154, %parallel_loop3A_155 : vector<16xi32>
        %parallel_loop3A_157 = tpu.dynamic_gather %parallel_loop3A_147[%parallel_loop3A_156] in [0] : vector<16xf32>, vector<16xi32> -> vector<16xf32>
        %parallel_loop3A_158 = arith.subf %parallel_loop3A_152, %parallel_loop3A_157 : vector<16xf32>
        %parallel_loop3A_159 = math.exp %parallel_loop3A_158 : vector<16xf32>
        %parallel_loop3A_160 = arith.index_cast %parallel_loop3A_139 : i32 to index
        %parallel_loop3A_161 = arith.constant 128 : index
        %parallel_loop3A_162 = tpu.vector_load %arg19[%parallel_loop3A_160, %parallel_loop3A_161] {strides = array<i32>} : memref<80x144xf32, #tpu.memory_space<vmem>>, vector<16xf32>,
        tpu.vector_store %arg19[%parallel_loop3A_160, %parallel_loop3A_161], %parallel_loop3A_159 {strides = array<i32>} : memref<80x144xf32, #tpu.memory_space<vmem>>, vector<16xf32>,
        %parallel_loop3A_163 = arith.index_cast %parallel_loop3A_139 : i32 to index
        %parallel_loop3A_164 = arith.constant 0 : index
        %parallel_loop3A_165 = tpu.vector_load %arg17[%parallel_loop3A_163, %parallel_loop3A_164] {strides = array<i32>} : memref<80x160xbf16, #tpu.memory_space<vmem>>, vector<32xbf16>,
        %parallel_loop3A_166 = tpu.unpack_subelements %parallel_loop3A_165, 0 {pack_format = #tpu.pack_format<interleaved>} : vector<32xbf16> -> vector<16xf32>
        %parallel_loop3A_167 = tpu.unpack_subelements %parallel_loop3A_165, 1 {pack_format = #tpu.pack_format<interleaved>} : vector<32xbf16> -> vector<16xf32>
        %parallel_loop3A_168 = vector.extract_strided_slice %parallel_loop3A_159 {offsets = [0], sizes = [1], strides = [1]} : vector<16xf32> to vector<1xf32>
        %parallel_loop3A_169 = vector.extract %parallel_loop3A_168[0] : f32 from vector<1xf32>
        %parallel_loop3A_170 = vector.broadcast %parallel_loop3A_169 : f32 to vector<16xf32>
        %parallel_loop3A_171 = arith.mulf %parallel_loop3A_166, %parallel_loop3A_170 : vector<16xf32>
        %parallel_loop3A_172 = arith.index_cast %parallel_loop3A_139 : i32 to index
        %parallel_loop3A_173 = arith.constant 0 : index
        %parallel_loop3A_174 = tpu.vector_load %arg19[%parallel_loop3A_172, %parallel_loop3A_173] {strides = array<i32>} : memref<80x144xf32, #tpu.memory_space<vmem>>, vector<16xf32>,
        tpu.vector_store %arg19[%parallel_loop3A_172, %parallel_loop3A_173], %parallel_loop3A_171 {strides = array<i32>} : memref<80x144xf32, #tpu.memory_space<vmem>>, vector<16xf32>,
        %parallel_loop3A_175 = vector.extract_strided_slice %parallel_loop3A_159 {offsets = [1], sizes = [1], strides = [1]} : vector<16xf32> to vector<1xf32>
        %parallel_loop3A_176 = vector.extract %parallel_loop3A_175[0] : f32 from vector<1xf32>
        %parallel_loop3A_177 = vector.broadcast %parallel_loop3A_176 : f32 to vector<16xf32>
        %parallel_loop3A_178 = arith.mulf %parallel_loop3A_167, %parallel_loop3A_177 : vector<16xf32>
        %parallel_loop3A_179 = arith.index_cast %parallel_loop3A_139 : i32 to index
        %parallel_loop3A_180 = arith.constant 16 : index
        %parallel_loop3A_181 = tpu.vector_load %arg19[%parallel_loop3A_179, %parallel_loop3A_180] {strides = array<i32>} : memref<80x144xf32, #tpu.memory_space<vmem>>, vector<16xf32>,
        tpu.vector_store %arg19[%parallel_loop3A_179, %parallel_loop3A_180], %parallel_loop3A_178 {strides = array<i32>} : memref<80x144xf32, #tpu.memory_space<vmem>>, vector<16xf32>,
        %parallel_loop3A_182 = arith.index_cast %parallel_loop3A_139 : i32 to index
        %parallel_loop3A_183 = arith.constant 32 : index
        %parallel_loop3A_184 = tpu.vector_load %arg17[%parallel_loop3A_182, %parallel_loop3A_183] {strides = array<i32>} : memref<80x160xbf16, #tpu.memory_space<vmem>>, vector<32xbf16>,
        %parallel_loop3A_185 = tpu.unpack_subelements %parallel_loop3A_184, 0 {pack_format = #tpu.pack_format<interleaved>} : vector<32xbf16> -> vector<16xf32>
        %parallel_loop3A_186 = tpu.unpack_subelements %parallel_loop3A_184, 1 {pack_format = #tpu.pack_format<interleaved>} : vector<32xbf16> -> vector<16xf32>
        %parallel_loop3A_187 = vector.extract_strided_slice %parallel_loop3A_159 {offsets = [2], sizes = [1], strides = [1]} : vector<16xf32> to vector<1xf32>
        %parallel_loop3A_188 = vector.extract %parallel_loop3A_187[0] : f32 from vector<1xf32>
        %parallel_loop3A_189 = vector.broadcast %parallel_loop3A_188 : f32 to vector<16xf32>
        %parallel_loop3A_190 = arith.mulf %parallel_loop3A_185, %parallel_loop3A_189 : vector<16xf32>
        %parallel_loop3A_191 = arith.index_cast %parallel_loop3A_139 : i32 to index
        %parallel_loop3A_192 = arith.constant 32 : index
        %parallel_loop3A_193 = tpu.vector_load %arg19[%parallel_loop3A_191, %parallel_loop3A_192] {strides = array<i32>} : memref<80x144xf32, #tpu.memory_space<vmem>>, vector<16xf32>,
        tpu.vector_store %arg19[%parallel_loop3A_191, %parallel_loop3A_192], %parallel_loop3A_190 {strides = array<i32>} : memref<80x144xf32, #tpu.memory_space<vmem>>, vector<16xf32>,
        %parallel_loop3A_194 = vector.extract_strided_slice %parallel_loop3A_159 {offsets = [3], sizes = [1], strides = [1]} : vector<16xf32> to vector<1xf32>
        %parallel_loop3A_195 = vector.extract %parallel_loop3A_194[0] : f32 from vector<1xf32>
        %parallel_loop3A_196 = vector.broadcast %parallel_loop3A_195 : f32 to vector<16xf32>
        %parallel_loop3A_197 = arith.mulf %parallel_loop3A_186, %parallel_loop3A_196 : vector<16xf32>
        %parallel_loop3A_198 = arith.index_cast %parallel_loop3A_139 : i32 to index
        %parallel_loop3A_199 = arith.constant 48 : index
        %parallel_loop3A_200 = tpu.vector_load %arg19[%parallel_loop3A_198, %parallel_loop3A_199] {strides = array<i32>} : memref<80x144xf32, #tpu.memory_space<vmem>>, vector<16xf32>,
        tpu.vector_store %arg19[%parallel_loop3A_198, %parallel_loop3A_199], %parallel_loop3A_197 {strides = array<i32>} : memref<80x144xf32, #tpu.memory_space<vmem>>, vector<16xf32>,
        %parallel_loop3A_201 = arith.index_cast %parallel_loop3A_139 : i32 to index
        %parallel_loop3A_202 = arith.constant 64 : index
        %parallel_loop3A_203 = tpu.vector_load %arg17[%parallel_loop3A_201, %parallel_loop3A_202] {strides = array<i32>} : memref<80x160xbf16, #tpu.memory_space<vmem>>, vector<32xbf16>,
        %parallel_loop3A_204 = tpu.unpack_subelements %parallel_loop3A_203, 0 {pack_format = #tpu.pack_format<interleaved>} : vector<32xbf16> -> vector<16xf32>
        %parallel_loop3A_205 = tpu.unpack_subelements %parallel_loop3A_203, 1 {pack_format = #tpu.pack_format<interleaved>} : vector<32xbf16> -> vector<16xf32>
        %parallel_loop3A_206 = vector.extract_strided_slice %parallel_loop3A_159 {offsets = [4], sizes = [1], strides = [1]} : vector<16xf32> to vector<1xf32>
        %parallel_loop3A_207 = vector.extract %parallel_loop3A_206[0] : f32 from vector<1xf32>
        %parallel_loop3A_208 = vector.broadcast %parallel_loop3A_207 : f32 to vector<16xf32>
        %parallel_loop3A_209 = arith.mulf %parallel_loop3A_204, %parallel_loop3A_208 : vector<16xf32>
        %parallel_loop3A_210 = arith.index_cast %parallel_loop3A_139 : i32 to index
        %parallel_loop3A_211 = arith.constant 64 : index
        %parallel_loop3A_212 = tpu.vector_load %arg19[%parallel_loop3A_210, %parallel_loop3A_211] {strides = array<i32>} : memref<80x144xf32, #tpu.memory_space<vmem>>, vector<16xf32>,
        tpu.vector_store %arg19[%parallel_loop3A_210, %parallel_loop3A_211], %parallel_loop3A_209 {strides = array<i32>} : memref<80x144xf32, #tpu.memory_space<vmem>>, vector<16xf32>,
        %parallel_loop3A_213 = vector.extract_strided_slice %parallel_loop3A_159 {offsets = [5], sizes = [1], strides = [1]} : vector<16xf32> to vector<1xf32>
        %parallel_loop3A_214 = vector.extract %parallel_loop3A_213[0] : f32 from vector<1xf32>
        %parallel_loop3A_215 = vector.broadcast %parallel_loop3A_214 : f32 to vector<16xf32>
        %parallel_loop3A_216 = arith.mulf %parallel_loop3A_205, %parallel_loop3A_215 : vector<16xf32>
        %parallel_loop3A_217 = arith.index_cast %parallel_loop3A_139 : i32 to index
        %parallel_loop3A_218 = arith.constant 80 : index
        %parallel_loop3A_219 = tpu.vector_load %arg19[%parallel_loop3A_217, %parallel_loop3A_218] {strides = array<i32>} : memref<80x144xf32, #tpu.memory_space<vmem>>, vector<16xf32>,
        tpu.vector_store %arg19[%parallel_loop3A_217, %parallel_loop3A_218], %parallel_loop3A_216 {strides = array<i32>} : memref<80x144xf32, #tpu.memory_space<vmem>>, vector<16xf32>,
        %parallel_loop3A_220 = arith.index_cast %parallel_loop3A_139 : i32 to index
        %parallel_loop3A_221 = arith.constant 96 : index
        %parallel_loop3A_222 = tpu.vector_load %arg17[%parallel_loop3A_220, %parallel_loop3A_221] {strides = array<i32>} : memref<80x160xbf16, #tpu.memory_space<vmem>>, vector<32xbf16>,
        %parallel_loop3A_223 = tpu.unpack_subelements %parallel_loop3A_222, 0 {pack_format = #tpu.pack_format<interleaved>} : vector<32xbf16> -> vector<16xf32>
        %parallel_loop3A_224 = tpu.unpack_subelements %parallel_loop3A_222, 1 {pack_format = #tpu.pack_format<interleaved>} : vector<32xbf16> -> vector<16xf32>
        %parallel_loop3A_225 = vector.extract_strided_slice %parallel_loop3A_159 {offsets = [6], sizes = [1], strides = [1]} : vector<16xf32> to vector<1xf32>
        %parallel_loop3A_226 = vector.extract %parallel_loop3A_225[0] : f32 from vector<1xf32>
        %parallel_loop3A_227 = vector.broadcast %parallel_loop3A_226 : f32 to vector<16xf32>
        %parallel_loop3A_228 = arith.mulf %parallel_loop3A_223, %parallel_loop3A_227 : vector<16xf32>
        %parallel_loop3A_229 = arith.index_cast %parallel_loop3A_139 : i32 to index
        %parallel_loop3A_230 = arith.constant 96 : index
        %parallel_loop3A_231 = tpu.vector_load %arg19[%parallel_loop3A_229, %parallel_loop3A_230] {strides = array<i32>} : memref<80x144xf32, #tpu.memory_space<vmem>>, vector<16xf32>,
        tpu.vector_store %arg19[%parallel_loop3A_229, %parallel_loop3A_230], %parallel_loop3A_228 {strides = array<i32>} : memref<80x144xf32, #tpu.memory_space<vmem>>, vector<16xf32>,
        %parallel_loop3A_232 = vector.extract_strided_slice %parallel_loop3A_159 {offsets = [7], sizes = [1], strides = [1]} : vector<16xf32> to vector<1xf32>
        %parallel_loop3A_233 = vector.extract %parallel_loop3A_232[0] : f32 from vector<1xf32>
        %parallel_loop3A_234 = vector.broadcast %parallel_loop3A_233 : f32 to vector<16xf32>
        %parallel_loop3A_235 = arith.mulf %parallel_loop3A_224, %parallel_loop3A_234 : vector<16xf32>
        %parallel_loop3A_236 = arith.index_cast %parallel_loop3A_139 : i32 to index
        %parallel_loop3A_237 = arith.constant 112 : index
        %parallel_loop3A_238 = tpu.vector_load %arg19[%parallel_loop3A_236, %parallel_loop3A_237] {strides = array<i32>} : memref<80x144xf32, #tpu.memory_space<vmem>>, vector<16xf32>,
        tpu.vector_store %arg19[%parallel_loop3A_236, %parallel_loop3A_237], %parallel_loop3A_235 {strides = array<i32>} : memref<80x144xf32, #tpu.memory_space<vmem>>, vector<16xf32>,
      } {sc.loop_unroll_factor = 8 : i64, sc.parallel_access}
      %dma_start3A_101 = arith.constant 0 : i32
      %dma_start3A_102 = arith.constant 0 : i32
      %dma_start3A_103 = tpu.memref_slice %arg8[%dma_start3A_101, %dma_start3A_102] : memref<10112x144xf32, #tpu.memory_space<vmem_shared>> -> memref<10112x144xf32, #tpu.memory_space<vmem_shared>>
      tpu.enqueue_indirect_dma source(%arg19 : memref<80x144xf32, #tpu.memory_space<vmem>>) target(%dma_start3A_103 : memref<10112x144xf32, #tpu.memory_space<vmem_shared>>) offsets(%arg14 : memref<80xi32, #tpu.memory_space<vmem>>) semaphore(%arg24 : memref<!tpu.dma_semaphore, #tpu.memory_space<semaphore_mem>>) {add = true}
      %add3A_104 = arith.constant 2 : i32
      %add3A_105 = arith.addi %add3A_86, %add3A_104 : i32
      %lt3A_106 = arith.constant 128 : i32
      %lt3A_107 = arith.cmpi slt, %add3A_105, %lt3A_106 : i32
      %convert_element_type3A_108 = arith.extui %lt3A_107 : i1 to i32
      %cond3A_109 = arith.constant 0 : i32
      %cond3A_110 = arith.cmpi ne, %convert_element_type3A_108, %cond3A_109 : i32
      scf.if %cond3A_110 {
        %add3A_139 = arith.constant 2 : i32
        %add3A_140 = arith.addi %add3A_86, %add3A_139 : i32
        %mul3A_141 = arith.constant 80 : i32
        %mul3A_142 = arith.muli %add3A_140, %mul3A_141 : i32
        %add3A_143 = arith.addi %mul3A_4, %mul3A_142 : i32
        "tpu.region"() ({
          %run_scoped3A = tpu.sem_alloc : memref<!tpu.dma_semaphore, #tpu.memory_space<semaphore_mem>>
          %dma_start3A_150 = tpu.memref_slice %arg4[%add3A_143] : memref<327680xi32, #tpu.memory_space<hbm>> -> memref<80xi32, #tpu.memory_space<hbm>>
          %dma_start3A_151 = tpu.memref_slice %arg4[%add3A_143] : memref<327680xi32, #tpu.memory_space<hbm>> -> memref<80xi32, #tpu.memory_space<hbm>>
          tpu.enqueue_dma source(%dma_start3A_151 : memref<80xi32, #tpu.memory_space<hbm>>) target(%arg9 : memref<80xi32, #tpu.memory_space<vmem>>) target_semaphore(%run_scoped3A : memref<!tpu.dma_semaphore, #tpu.memory_space<semaphore_mem>>)
          %dma_wait3A_152 = tpu.memref_slice %arg4[%add3A_143] : memref<327680xi32, #tpu.memory_space<hbm>> -> memref<80xi32, #tpu.memory_space<hbm>>
          %dma_wait3A_153 = tpu.memref_slice %arg4[%add3A_143] : memref<327680xi32, #tpu.memory_space<hbm>> -> memref<80xi32, #tpu.memory_space<hbm>>
          tpu.wait_dma2 semaphore(%run_scoped3A : memref<!tpu.dma_semaphore, #tpu.memory_space<semaphore_mem>>) src(%dma_wait3A_153 : memref<80xi32, #tpu.memory_space<hbm>>) dst(%arg9 : memref<80xi32, #tpu.memory_space<vmem>>)
          tpu.yield
        }) : () -> ()
        "tpu.region"() ({
          %run_scoped3A = tpu.sem_alloc : memref<!tpu.dma_semaphore, #tpu.memory_space<semaphore_mem>>
          %dma_start3A_150 = tpu.memref_slice %arg5[%add3A_143] : memref<327680xi32, #tpu.memory_space<hbm>> -> memref<80xi32, #tpu.memory_space<hbm>>
          %dma_start3A_151 = tpu.memref_slice %arg5[%add3A_143] : memref<327680xi32, #tpu.memory_space<hbm>> -> memref<80xi32, #tpu.memory_space<hbm>>
          tpu.enqueue_dma source(%dma_start3A_151 : memref<80xi32, #tpu.memory_space<hbm>>) target(%arg10 : memref<80xi32, #tpu.memory_space<vmem>>) target_semaphore(%run_scoped3A : memref<!tpu.dma_semaphore, #tpu.memory_space<semaphore_mem>>)
          %dma_wait3A_152 = tpu.memref_slice %arg5[%add3A_143] : memref<327680xi32, #tpu.memory_space<hbm>> -> memref<80xi32, #tpu.memory_space<hbm>>
          %dma_wait3A_153 = tpu.memref_slice %arg5[%add3A_143] : memref<327680xi32, #tpu.memory_space<hbm>> -> memref<80xi32, #tpu.memory_space<hbm>>
          tpu.wait_dma2 semaphore(%run_scoped3A : memref<!tpu.dma_semaphore, #tpu.memory_space<semaphore_mem>>) src(%dma_wait3A_153 : memref<80xi32, #tpu.memory_space<hbm>>) dst(%arg10 : memref<80xi32, #tpu.memory_space<vmem>>)
          tpu.yield
        }) : () -> ()
        %dma_start3A_144 = arith.constant 0 : i32
        %dma_start3A_145 = arith.constant 0 : i32
        %dma_start3A_146 = tpu.memref_slice %arg2[%dma_start3A_144, %dma_start3A_145] : memref<10112x160xbf16, #tpu.memory_space<hbm>> -> memref<10112x160xbf16, #tpu.memory_space<hbm>>
        tpu.enqueue_indirect_dma source(%dma_start3A_146 : memref<10112x160xbf16, #tpu.memory_space<hbm>>) target(%arg17 : memref<80x160xbf16, #tpu.memory_space<vmem>>) offsets(%arg9 : memref<80xi32, #tpu.memory_space<vmem>>) semaphore(%arg23 : memref<!tpu.dma_semaphore, #tpu.memory_space<semaphore_mem>>)
        %dma_start3A_147 = arith.constant 0 : i32
        %dma_start3A_148 = arith.constant 0 : i32
        %dma_start3A_149 = tpu.memref_slice %arg3[%dma_start3A_147, %dma_start3A_148] : memref<10112x16xf32, #tpu.memory_space<hbm>> -> memref<10112x16xf32, #tpu.memory_space<hbm>>
        tpu.enqueue_indirect_dma source(%dma_start3A_149 : memref<10112x16xf32, #tpu.memory_space<hbm>>) target(%arg18 : memref<80x16xf32, #tpu.memory_space<vmem>>) offsets(%arg10 : memref<80xi32, #tpu.memory_space<vmem>>) semaphore(%arg23 : memref<!tpu.dma_semaphore, #tpu.memory_space<semaphore_mem>>)
      } else {
      }
      %mul3A_111 = arith.constant 4 : i32
      %mul3A_112 = arith.muli %scan3A_31, %mul3A_111 : i32
      %add3A_113 = arith.constant 3 : i32
      %add3A_114 = arith.addi %mul3A_112, %add3A_113 : i32
      %ge3A_115 = arith.constant 2 : i32
      %ge3A_116 = arith.cmpi sge, %add3A_114, %ge3A_115 : i32
      %convert_element_type3A_117 = arith.extui %ge3A_116 : i1 to i32
      %cond3A_118 = arith.constant 0 : i32
      %cond3A_119 = arith.cmpi ne, %convert_element_type3A_117, %cond3A_118 : i32
      scf.if %cond3A_119 {
        %dma_wait3A_139 = arith.constant 0 : i32
        %dma_wait3A_140 = arith.constant 0 : i32
        %dma_wait3A_141 = tpu.memref_slice %arg8[%dma_wait3A_139, %dma_wait3A_140] : memref<10112x144xf32, #tpu.memory_space<vmem_shared>> -> memref<10112x144xf32, #tpu.memory_space<vmem_shared>>
        tpu.wait_indirect_dma semaphore(%arg26 : memref<!tpu.dma_semaphore, #tpu.memory_space<semaphore_mem>>) src(%arg22 : memref<80x144xf32, #tpu.memory_space<vmem>>) dst(%dma_wait3A_141 : memref<10112x144xf32, #tpu.memory_space<vmem_shared>>)
      } else {
      }
      %dma_wait3A_120 = arith.constant 0 : i32
      %dma_wait3A_121 = arith.constant 0 : i32
      %dma_wait3A_122 = tpu.memref_slice %arg2[%dma_wait3A_120, %dma_wait3A_121] : memref<10112x160xbf16, #tpu.memory_space<hbm>> -> memref<10112x160xbf16, #tpu.memory_space<hbm>>
      tpu.wait_indirect_dma semaphore(%arg25 : memref<!tpu.dma_semaphore, #tpu.memory_space<semaphore_mem>>) src(%dma_wait3A_122 : memref<10112x160xbf16, #tpu.memory_space<hbm>>) dst(%arg20 : memref<80x160xbf16, #tpu.memory_space<vmem>>)
      %dma_wait3A_123 = arith.constant 0 : i32
      %dma_wait3A_124 = arith.constant 0 : i32
      %dma_wait3A_125 = tpu.memref_slice %arg3[%dma_wait3A_123, %dma_wait3A_124] : memref<10112x16xf32, #tpu.memory_space<hbm>> -> memref<10112x16xf32, #tpu.memory_space<hbm>>
      tpu.wait_indirect_dma semaphore(%arg25 : memref<!tpu.dma_semaphore, #tpu.memory_space<semaphore_mem>>) src(%dma_wait3A_125 : memref<10112x16xf32, #tpu.memory_space<hbm>>) dst(%arg21 : memref<80x16xf32, #tpu.memory_space<vmem>>)
      %parallel_loop3A_126 = arith.constant 0 : i32
      %parallel_loop3A_127 = arith.constant 80 : i32
      %parallel_loop3A_128 = arith.constant 1 : i32
      scf.for %parallel_loop3A_139 = %parallel_loop3A_126 to %parallel_loop3A_127 step %parallel_loop3A_128  : i32 {
        %parallel_loop3A_140 = arith.index_cast %parallel_loop3A_139 : i32 to index
        %parallel_loop3A_141 = arith.constant 128 : index
        %parallel_loop3A_142 = tpu.vector_load %arg20[%parallel_loop3A_140, %parallel_loop3A_141] {strides = array<i32>} : memref<80x160xbf16, #tpu.memory_space<vmem>>, vector<32xbf16>,
        %parallel_loop3A_143 = tpu.unpack_subelements %parallel_loop3A_142, 0 {pack_format = #tpu.pack_format<interleaved>} : vector<32xbf16> -> vector<16xf32>
        %parallel_loop3A_144 = tpu.unpack_subelements %parallel_loop3A_142, 1 {pack_format = #tpu.pack_format<interleaved>} : vector<32xbf16> -> vector<16xf32>
        %parallel_loop3A_145 = arith.index_cast %parallel_loop3A_139 : i32 to index
        %parallel_loop3A_146 = arith.constant 0 : index
        %parallel_loop3A_147 = tpu.vector_load %arg21[%parallel_loop3A_145, %parallel_loop3A_146] {strides = array<i32>} : memref<80x16xf32, #tpu.memory_space<vmem>>, vector<16xf32>,
        %parallel_loop3A_148 = arith.addf %parallel_loop3A_143, %parallel_loop3A_147 : vector<16xf32>
        %parallel_loop3A_149 = arith.constant 2.000000e-01 : f32
        %parallel_loop3A_150 = vector.broadcast %parallel_loop3A_149 : f32 to vector<16xf32>
        %parallel_loop3A_151 = arith.mulf %parallel_loop3A_150, %parallel_loop3A_148 : vector<16xf32>
        %parallel_loop3A_152 = arith.maximumf %parallel_loop3A_148, %parallel_loop3A_151 : vector<16xf32>
        %parallel_loop3A_153 = arith.constant 15 : i32
        %parallel_loop3A_154 = vector.broadcast %parallel_loop3A_153 : i32 to vector<16xi32>
        %parallel_loop3A_155 = tpu.iota {dimensions = array<i32: 0>} : vector<16xi32>
        %parallel_loop3A_156 = arith.subi %parallel_loop3A_154, %parallel_loop3A_155 : vector<16xi32>
        %parallel_loop3A_157 = tpu.dynamic_gather %parallel_loop3A_147[%parallel_loop3A_156] in [0] : vector<16xf32>, vector<16xi32> -> vector<16xf32>
        %parallel_loop3A_158 = arith.subf %parallel_loop3A_152, %parallel_loop3A_157 : vector<16xf32>
        %parallel_loop3A_159 = math.exp %parallel_loop3A_158 : vector<16xf32>
        %parallel_loop3A_160 = arith.index_cast %parallel_loop3A_139 : i32 to index
        %parallel_loop3A_161 = arith.constant 128 : index
        %parallel_loop3A_162 = tpu.vector_load %arg22[%parallel_loop3A_160, %parallel_loop3A_161] {strides = array<i32>} : memref<80x144xf32, #tpu.memory_space<vmem>>, vector<16xf32>,
        tpu.vector_store %arg22[%parallel_loop3A_160, %parallel_loop3A_161], %parallel_loop3A_159 {strides = array<i32>} : memref<80x144xf32, #tpu.memory_space<vmem>>, vector<16xf32>,
        %parallel_loop3A_163 = arith.index_cast %parallel_loop3A_139 : i32 to index
        %parallel_loop3A_164 = arith.constant 0 : index
        %parallel_loop3A_165 = tpu.vector_load %arg20[%parallel_loop3A_163, %parallel_loop3A_164] {strides = array<i32>} : memref<80x160xbf16, #tpu.memory_space<vmem>>, vector<32xbf16>,
        %parallel_loop3A_166 = tpu.unpack_subelements %parallel_loop3A_165, 0 {pack_format = #tpu.pack_format<interleaved>} : vector<32xbf16> -> vector<16xf32>
        %parallel_loop3A_167 = tpu.unpack_subelements %parallel_loop3A_165, 1 {pack_format = #tpu.pack_format<interleaved>} : vector<32xbf16> -> vector<16xf32>
        %parallel_loop3A_168 = vector.extract_strided_slice %parallel_loop3A_159 {offsets = [0], sizes = [1], strides = [1]} : vector<16xf32> to vector<1xf32>
        %parallel_loop3A_169 = vector.extract %parallel_loop3A_168[0] : f32 from vector<1xf32>
        %parallel_loop3A_170 = vector.broadcast %parallel_loop3A_169 : f32 to vector<16xf32>
        %parallel_loop3A_171 = arith.mulf %parallel_loop3A_166, %parallel_loop3A_170 : vector<16xf32>
        %parallel_loop3A_172 = arith.index_cast %parallel_loop3A_139 : i32 to index
        %parallel_loop3A_173 = arith.constant 0 : index
        %parallel_loop3A_174 = tpu.vector_load %arg22[%parallel_loop3A_172, %parallel_loop3A_173] {strides = array<i32>} : memref<80x144xf32, #tpu.memory_space<vmem>>, vector<16xf32>,
        tpu.vector_store %arg22[%parallel_loop3A_172, %parallel_loop3A_173], %parallel_loop3A_171 {strides = array<i32>} : memref<80x144xf32, #tpu.memory_space<vmem>>, vector<16xf32>,
        %parallel_loop3A_175 = vector.extract_strided_slice %parallel_loop3A_159 {offsets = [1], sizes = [1], strides = [1]} : vector<16xf32> to vector<1xf32>
        %parallel_loop3A_176 = vector.extract %parallel_loop3A_175[0] : f32 from vector<1xf32>
        %parallel_loop3A_177 = vector.broadcast %parallel_loop3A_176 : f32 to vector<16xf32>
        %parallel_loop3A_178 = arith.mulf %parallel_loop3A_167, %parallel_loop3A_177 : vector<16xf32>
        %parallel_loop3A_179 = arith.index_cast %parallel_loop3A_139 : i32 to index
        %parallel_loop3A_180 = arith.constant 16 : index
        %parallel_loop3A_181 = tpu.vector_load %arg22[%parallel_loop3A_179, %parallel_loop3A_180] {strides = array<i32>} : memref<80x144xf32, #tpu.memory_space<vmem>>, vector<16xf32>,
        tpu.vector_store %arg22[%parallel_loop3A_179, %parallel_loop3A_180], %parallel_loop3A_178 {strides = array<i32>} : memref<80x144xf32, #tpu.memory_space<vmem>>, vector<16xf32>,
        %parallel_loop3A_182 = arith.index_cast %parallel_loop3A_139 : i32 to index
        %parallel_loop3A_183 = arith.constant 32 : index
        %parallel_loop3A_184 = tpu.vector_load %arg20[%parallel_loop3A_182, %parallel_loop3A_183] {strides = array<i32>} : memref<80x160xbf16, #tpu.memory_space<vmem>>, vector<32xbf16>,
        %parallel_loop3A_185 = tpu.unpack_subelements %parallel_loop3A_184, 0 {pack_format = #tpu.pack_format<interleaved>} : vector<32xbf16> -> vector<16xf32>
        %parallel_loop3A_186 = tpu.unpack_subelements %parallel_loop3A_184, 1 {pack_format = #tpu.pack_format<interleaved>} : vector<32xbf16> -> vector<16xf32>
        %parallel_loop3A_187 = vector.extract_strided_slice %parallel_loop3A_159 {offsets = [2], sizes = [1], strides = [1]} : vector<16xf32> to vector<1xf32>
        %parallel_loop3A_188 = vector.extract %parallel_loop3A_187[0] : f32 from vector<1xf32>
        %parallel_loop3A_189 = vector.broadcast %parallel_loop3A_188 : f32 to vector<16xf32>
        %parallel_loop3A_190 = arith.mulf %parallel_loop3A_185, %parallel_loop3A_189 : vector<16xf32>
        %parallel_loop3A_191 = arith.index_cast %parallel_loop3A_139 : i32 to index
        %parallel_loop3A_192 = arith.constant 32 : index
        %parallel_loop3A_193 = tpu.vector_load %arg22[%parallel_loop3A_191, %parallel_loop3A_192] {strides = array<i32>} : memref<80x144xf32, #tpu.memory_space<vmem>>, vector<16xf32>,
        tpu.vector_store %arg22[%parallel_loop3A_191, %parallel_loop3A_192], %parallel_loop3A_190 {strides = array<i32>} : memref<80x144xf32, #tpu.memory_space<vmem>>, vector<16xf32>,
        %parallel_loop3A_194 = vector.extract_strided_slice %parallel_loop3A_159 {offsets = [3], sizes = [1], strides = [1]} : vector<16xf32> to vector<1xf32>
        %parallel_loop3A_195 = vector.extract %parallel_loop3A_194[0] : f32 from vector<1xf32>
        %parallel_loop3A_196 = vector.broadcast %parallel_loop3A_195 : f32 to vector<16xf32>
        %parallel_loop3A_197 = arith.mulf %parallel_loop3A_186, %parallel_loop3A_196 : vector<16xf32>
        %parallel_loop3A_198 = arith.index_cast %parallel_loop3A_139 : i32 to index
        %parallel_loop3A_199 = arith.constant 48 : index
        %parallel_loop3A_200 = tpu.vector_load %arg22[%parallel_loop3A_198, %parallel_loop3A_199] {strides = array<i32>} : memref<80x144xf32, #tpu.memory_space<vmem>>, vector<16xf32>,
        tpu.vector_store %arg22[%parallel_loop3A_198, %parallel_loop3A_199], %parallel_loop3A_197 {strides = array<i32>} : memref<80x144xf32, #tpu.memory_space<vmem>>, vector<16xf32>,
        %parallel_loop3A_201 = arith.index_cast %parallel_loop3A_139 : i32 to index
        %parallel_loop3A_202 = arith.constant 64 : index
        %parallel_loop3A_203 = tpu.vector_load %arg20[%parallel_loop3A_201, %parallel_loop3A_202] {strides = array<i32>} : memref<80x160xbf16, #tpu.memory_space<vmem>>, vector<32xbf16>,
        %parallel_loop3A_204 = tpu.unpack_subelements %parallel_loop3A_203, 0 {pack_format = #tpu.pack_format<interleaved>} : vector<32xbf16> -> vector<16xf32>
        %parallel_loop3A_205 = tpu.unpack_subelements %parallel_loop3A_203, 1 {pack_format = #tpu.pack_format<interleaved>} : vector<32xbf16> -> vector<16xf32>
        %parallel_loop3A_206 = vector.extract_strided_slice %parallel_loop3A_159 {offsets = [4], sizes = [1], strides = [1]} : vector<16xf32> to vector<1xf32>
        %parallel_loop3A_207 = vector.extract %parallel_loop3A_206[0] : f32 from vector<1xf32>
        %parallel_loop3A_208 = vector.broadcast %parallel_loop3A_207 : f32 to vector<16xf32>
        %parallel_loop3A_209 = arith.mulf %parallel_loop3A_204, %parallel_loop3A_208 : vector<16xf32>
        %parallel_loop3A_210 = arith.index_cast %parallel_loop3A_139 : i32 to index
        %parallel_loop3A_211 = arith.constant 64 : index
        %parallel_loop3A_212 = tpu.vector_load %arg22[%parallel_loop3A_210, %parallel_loop3A_211] {strides = array<i32>} : memref<80x144xf32, #tpu.memory_space<vmem>>, vector<16xf32>,
        tpu.vector_store %arg22[%parallel_loop3A_210, %parallel_loop3A_211], %parallel_loop3A_209 {strides = array<i32>} : memref<80x144xf32, #tpu.memory_space<vmem>>, vector<16xf32>,
        %parallel_loop3A_213 = vector.extract_strided_slice %parallel_loop3A_159 {offsets = [5], sizes = [1], strides = [1]} : vector<16xf32> to vector<1xf32>
        %parallel_loop3A_214 = vector.extract %parallel_loop3A_213[0] : f32 from vector<1xf32>
        %parallel_loop3A_215 = vector.broadcast %parallel_loop3A_214 : f32 to vector<16xf32>
        %parallel_loop3A_216 = arith.mulf %parallel_loop3A_205, %parallel_loop3A_215 : vector<16xf32>
        %parallel_loop3A_217 = arith.index_cast %parallel_loop3A_139 : i32 to index
        %parallel_loop3A_218 = arith.constant 80 : index
        %parallel_loop3A_219 = tpu.vector_load %arg22[%parallel_loop3A_217, %parallel_loop3A_218] {strides = array<i32>} : memref<80x144xf32, #tpu.memory_space<vmem>>, vector<16xf32>,
        tpu.vector_store %arg22[%parallel_loop3A_217, %parallel_loop3A_218], %parallel_loop3A_216 {strides = array<i32>} : memref<80x144xf32, #tpu.memory_space<vmem>>, vector<16xf32>,
        %parallel_loop3A_220 = arith.index_cast %parallel_loop3A_139 : i32 to index
        %parallel_loop3A_221 = arith.constant 96 : index
        %parallel_loop3A_222 = tpu.vector_load %arg20[%parallel_loop3A_220, %parallel_loop3A_221] {strides = array<i32>} : memref<80x160xbf16, #tpu.memory_space<vmem>>, vector<32xbf16>,
        %parallel_loop3A_223 = tpu.unpack_subelements %parallel_loop3A_222, 0 {pack_format = #tpu.pack_format<interleaved>} : vector<32xbf16> -> vector<16xf32>
        %parallel_loop3A_224 = tpu.unpack_subelements %parallel_loop3A_222, 1 {pack_format = #tpu.pack_format<interleaved>} : vector<32xbf16> -> vector<16xf32>
        %parallel_loop3A_225 = vector.extract_strided_slice %parallel_loop3A_159 {offsets = [6], sizes = [1], strides = [1]} : vector<16xf32> to vector<1xf32>
        %parallel_loop3A_226 = vector.extract %parallel_loop3A_225[0] : f32 from vector<1xf32>
        %parallel_loop3A_227 = vector.broadcast %parallel_loop3A_226 : f32 to vector<16xf32>
        %parallel_loop3A_228 = arith.mulf %parallel_loop3A_223, %parallel_loop3A_227 : vector<16xf32>
        %parallel_loop3A_229 = arith.index_cast %parallel_loop3A_139 : i32 to index
        %parallel_loop3A_230 = arith.constant 96 : index
        %parallel_loop3A_231 = tpu.vector_load %arg22[%parallel_loop3A_229, %parallel_loop3A_230] {strides = array<i32>} : memref<80x144xf32, #tpu.memory_space<vmem>>, vector<16xf32>,
        tpu.vector_store %arg22[%parallel_loop3A_229, %parallel_loop3A_230], %parallel_loop3A_228 {strides = array<i32>} : memref<80x144xf32, #tpu.memory_space<vmem>>, vector<16xf32>,
        %parallel_loop3A_232 = vector.extract_strided_slice %parallel_loop3A_159 {offsets = [7], sizes = [1], strides = [1]} : vector<16xf32> to vector<1xf32>
        %parallel_loop3A_233 = vector.extract %parallel_loop3A_232[0] : f32 from vector<1xf32>
        %parallel_loop3A_234 = vector.broadcast %parallel_loop3A_233 : f32 to vector<16xf32>
        %parallel_loop3A_235 = arith.mulf %parallel_loop3A_224, %parallel_loop3A_234 : vector<16xf32>
        %parallel_loop3A_236 = arith.index_cast %parallel_loop3A_139 : i32 to index
        %parallel_loop3A_237 = arith.constant 112 : index
        %parallel_loop3A_238 = tpu.vector_load %arg22[%parallel_loop3A_236, %parallel_loop3A_237] {strides = array<i32>} : memref<80x144xf32, #tpu.memory_space<vmem>>, vector<16xf32>,
        tpu.vector_store %arg22[%parallel_loop3A_236, %parallel_loop3A_237], %parallel_loop3A_235 {strides = array<i32>} : memref<80x144xf32, #tpu.memory_space<vmem>>, vector<16xf32>,
      } {sc.loop_unroll_factor = 8 : i64, sc.parallel_access}
      %dma_start3A_129 = arith.constant 0 : i32
      %dma_start3A_130 = arith.constant 0 : i32
      %dma_start3A_131 = tpu.memref_slice %arg8[%dma_start3A_129, %dma_start3A_130] : memref<10112x144xf32, #tpu.memory_space<vmem_shared>> -> memref<10112x144xf32, #tpu.memory_space<vmem_shared>>
      tpu.enqueue_indirect_dma source(%arg22 : memref<80x144xf32, #tpu.memory_space<vmem>>) target(%dma_start3A_131 : memref<10112x144xf32, #tpu.memory_space<vmem_shared>>) offsets(%arg16 : memref<80xi32, #tpu.memory_space<vmem>>) semaphore(%arg26 : memref<!tpu.dma_semaphore, #tpu.memory_space<semaphore_mem>>) {add = true}
      %add3A_132 = arith.constant 2 : i32
      %add3A_133 = arith.addi %add3A_114, %add3A_132 : i32
      %lt3A_134 = arith.constant 128 : i32
      %lt3A_135 = arith.cmpi slt, %add3A_133, %lt3A_134 : i32
      %convert_element_type3A_136 = arith.extui %lt3A_135 : i1 to i32
      %cond3A_137 = arith.constant 0 : i32
      %cond3A_138 = arith.cmpi ne, %convert_element_type3A_136, %cond3A_137 : i32
      scf.if %cond3A_138 {
        %add3A_139 = arith.constant 2 : i32
        %add3A_140 = arith.addi %add3A_114, %add3A_139 : i32
        %mul3A_141 = arith.constant 80 : i32
        %mul3A_142 = arith.muli %add3A_140, %mul3A_141 : i32
        %add3A_143 = arith.addi %mul3A_4, %mul3A_142 : i32
        "tpu.region"() ({
          %run_scoped3A = tpu.sem_alloc : memref<!tpu.dma_semaphore, #tpu.memory_space<semaphore_mem>>
          %dma_start3A_150 = tpu.memref_slice %arg4[%add3A_143] : memref<327680xi32, #tpu.memory_space<hbm>> -> memref<80xi32, #tpu.memory_space<hbm>>
          %dma_start3A_151 = tpu.memref_slice %arg4[%add3A_143] : memref<327680xi32, #tpu.memory_space<hbm>> -> memref<80xi32, #tpu.memory_space<hbm>>
          tpu.enqueue_dma source(%dma_start3A_151 : memref<80xi32, #tpu.memory_space<hbm>>) target(%arg11 : memref<80xi32, #tpu.memory_space<vmem>>) target_semaphore(%run_scoped3A : memref<!tpu.dma_semaphore, #tpu.memory_space<semaphore_mem>>)
          %dma_wait3A_152 = tpu.memref_slice %arg4[%add3A_143] : memref<327680xi32, #tpu.memory_space<hbm>> -> memref<80xi32, #tpu.memory_space<hbm>>
          %dma_wait3A_153 = tpu.memref_slice %arg4[%add3A_143] : memref<327680xi32, #tpu.memory_space<hbm>> -> memref<80xi32, #tpu.memory_space<hbm>>
          tpu.wait_dma2 semaphore(%run_scoped3A : memref<!tpu.dma_semaphore, #tpu.memory_space<semaphore_mem>>) src(%dma_wait3A_153 : memref<80xi32, #tpu.memory_space<hbm>>) dst(%arg11 : memref<80xi32, #tpu.memory_space<vmem>>)
          tpu.yield
        }) : () -> ()
        "tpu.region"() ({
          %run_scoped3A = tpu.sem_alloc : memref<!tpu.dma_semaphore, #tpu.memory_space<semaphore_mem>>
          %dma_start3A_150 = tpu.memref_slice %arg5[%add3A_143] : memref<327680xi32, #tpu.memory_space<hbm>> -> memref<80xi32, #tpu.memory_space<hbm>>
          %dma_start3A_151 = tpu.memref_slice %arg5[%add3A_143] : memref<327680xi32, #tpu.memory_space<hbm>> -> memref<80xi32, #tpu.memory_space<hbm>>
          tpu.enqueue_dma source(%dma_start3A_151 : memref<80xi32, #tpu.memory_space<hbm>>) target(%arg12 : memref<80xi32, #tpu.memory_space<vmem>>) target_semaphore(%run_scoped3A : memref<!tpu.dma_semaphore, #tpu.memory_space<semaphore_mem>>)
          %dma_wait3A_152 = tpu.memref_slice %arg5[%add3A_143] : memref<327680xi32, #tpu.memory_space<hbm>> -> memref<80xi32, #tpu.memory_space<hbm>>
          %dma_wait3A_153 = tpu.memref_slice %arg5[%add3A_143] : memref<327680xi32, #tpu.memory_space<hbm>> -> memref<80xi32, #tpu.memory_space<hbm>>
          tpu.wait_dma2 semaphore(%run_scoped3A : memref<!tpu.dma_semaphore, #tpu.memory_space<semaphore_mem>>) src(%dma_wait3A_153 : memref<80xi32, #tpu.memory_space<hbm>>) dst(%arg12 : memref<80xi32, #tpu.memory_space<vmem>>)
          tpu.yield
        }) : () -> ()
        %dma_start3A_144 = arith.constant 0 : i32
        %dma_start3A_145 = arith.constant 0 : i32
        %dma_start3A_146 = tpu.memref_slice %arg2[%dma_start3A_144, %dma_start3A_145] : memref<10112x160xbf16, #tpu.memory_space<hbm>> -> memref<10112x160xbf16, #tpu.memory_space<hbm>>
        tpu.enqueue_indirect_dma source(%dma_start3A_146 : memref<10112x160xbf16, #tpu.memory_space<hbm>>) target(%arg20 : memref<80x160xbf16, #tpu.memory_space<vmem>>) offsets(%arg11 : memref<80xi32, #tpu.memory_space<vmem>>) semaphore(%arg25 : memref<!tpu.dma_semaphore, #tpu.memory_space<semaphore_mem>>)
        %dma_start3A_147 = arith.constant 0 : i32
        %dma_start3A_148 = arith.constant 0 : i32
        %dma_start3A_149 = tpu.memref_slice %arg3[%dma_start3A_147, %dma_start3A_148] : memref<10112x16xf32, #tpu.memory_space<hbm>> -> memref<10112x16xf32, #tpu.memory_space<hbm>>
        tpu.enqueue_indirect_dma source(%dma_start3A_149 : memref<10112x16xf32, #tpu.memory_space<hbm>>) target(%arg21 : memref<80x16xf32, #tpu.memory_space<vmem>>) offsets(%arg12 : memref<80xi32, #tpu.memory_space<vmem>>) semaphore(%arg25 : memref<!tpu.dma_semaphore, #tpu.memory_space<semaphore_mem>>)
      } else {
      }
    }
    %scan3A_24 = arith.constant 32 : i32
    %dma_wait3A = arith.constant 0 : i32
    %dma_wait3A_25 = arith.constant 0 : i32
    %dma_wait3A_26 = tpu.memref_slice %arg8[%dma_wait3A, %dma_wait3A_25] : memref<10112x144xf32, #tpu.memory_space<vmem_shared>> -> memref<10112x144xf32, #tpu.memory_space<vmem_shared>>
    tpu.wait_indirect_dma semaphore(%arg24 : memref<!tpu.dma_semaphore, #tpu.memory_space<semaphore_mem>>) src(%arg19 : memref<80x144xf32, #tpu.memory_space<vmem>>) dst(%dma_wait3A_26 : memref<10112x144xf32, #tpu.memory_space<vmem_shared>>)
    %dma_wait3A_27 = arith.constant 0 : i32
    %dma_wait3A_28 = arith.constant 0 : i32
    %dma_wait3A_29 = tpu.memref_slice %arg8[%dma_wait3A_27, %dma_wait3A_28] : memref<10112x144xf32, #tpu.memory_space<vmem_shared>> -> memref<10112x144xf32, #tpu.memory_space<vmem_shared>>
    tpu.wait_indirect_dma semaphore(%arg26 : memref<!tpu.dma_semaphore, #tpu.memory_space<semaphore_mem>>) src(%arg22 : memref<80x144xf32, #tpu.memory_space<vmem>>) dst(%dma_wait3A_29 : memref<10112x144xf32, #tpu.memory_space<vmem_shared>>)
    %barrier3A_30 = arith.constant 0 : index
    tpu.barrier barrier_id(%barrier3A_30)
    "tpu.region"() ({
      %run_scoped3A = tpu.sem_alloc : memref<!tpu.dma_semaphore, #tpu.memory_space<semaphore_mem>>
      %dma_start3A_31 = arith.constant 0 : i32
      %dma_start3A_32 = tpu.memref_slice %arg7[%arg0, %mul3A_2, %dma_start3A_31] : memref<2x10112x144xf32, #tpu.memory_space<hbm>> -> memref<1x632x144xf32, #tpu.memory_space<hbm>>
      %dma_start3A_33 = tpu.memref_squeeze %dma_start3A_32 : memref<1x632x144xf32, #tpu.memory_space<hbm>> -> memref<632x144xf32, #tpu.memory_space<hbm>>
      %dma_start3A_34 = arith.constant 0 : i32
      %dma_start3A_35 = tpu.memref_slice %arg8[%mul3A_2, %dma_start3A_34] : memref<10112x144xf32, #tpu.memory_space<vmem_shared>> -> memref<632x144xf32, #tpu.memory_space<vmem_shared>>
      tpu.enqueue_dma source(%dma_start3A_35 : memref<632x144xf32, #tpu.memory_space<vmem_shared>>) target(%dma_start3A_33 : memref<632x144xf32, #tpu.memory_space<hbm>>) target_semaphore(%run_scoped3A : memref<!tpu.dma_semaphore, #tpu.memory_space<semaphore_mem>>)
      %dma_wait3A_36 = arith.constant 0 : i32
      %dma_wait3A_37 = tpu.memref_slice %arg7[%arg0, %mul3A_2, %dma_wait3A_36] : memref<2x10112x144xf32, #tpu.memory_space<hbm>> -> memref<1x632x144xf32, #tpu.memory_space<hbm>>
      %dma_wait3A_38 = tpu.memref_squeeze %dma_wait3A_37 : memref<1x632x144xf32, #tpu.memory_space<hbm>> -> memref<632x144xf32, #tpu.memory_space<hbm>>
      %dma_wait3A_39 = arith.constant 0 : i32
      %dma_wait3A_40 = tpu.memref_slice %arg8[%mul3A_2, %dma_wait3A_39] : memref<10112x144xf32, #tpu.memory_space<vmem_shared>> -> memref<632x144xf32, #tpu.memory_space<vmem_shared>>
      tpu.wait_dma2 semaphore(%run_scoped3A : memref<!tpu.dma_semaphore, #tpu.memory_space<semaphore_mem>>) src(%dma_wait3A_40 : memref<632x144xf32, #tpu.memory_space<vmem_shared>>) dst(%dma_wait3A_38 : memref<632x144xf32, #tpu.memory_space<hbm>>)
      tpu.yield
    }) : () -> ()
    return
  }
}

#map = affine_map<(d0, d1) -> (0, 0)>
#map1 = affine_map<(d0, d1) -> (0)>
#map2 = affine_map<(d0, d1) -> (0, 0, 0)>
module attributes {stable_mosaic.version = 14 : i64} {
  func.func @_sc2_body(%arg0: i32, %arg1: i32, %arg2: memref<10112x32xbf16, #tpu.memory_space<hbm>>, %arg3: memref<10112x32xbf16, #tpu.memory_space<hbm>>, %arg4: memref<327680xi32, #tpu.memory_space<hbm>>, %arg5: memref<327680xi32, #tpu.memory_space<hbm>>, %arg6: memref<632x32xf32, #tpu.memory_space<hbm>>, %arg7: memref<2x10112x32xf32, #tpu.memory_space<hbm>>, %arg8: memref<10112x32xf32, #tpu.memory_space<vmem_shared>>, %arg9: memref<128xi32, #tpu.memory_space<vmem>>, %arg10: memref<128xi32, #tpu.memory_space<vmem>>, %arg11: memref<128xi32, #tpu.memory_space<vmem>>, %arg12: memref<128xi32, #tpu.memory_space<vmem>>, %arg13: memref<128xi32, #tpu.memory_space<vmem>>, %arg14: memref<128xi32, #tpu.memory_space<vmem>>, %arg15: memref<128xi32, #tpu.memory_space<vmem>>, %arg16: memref<128xi32, #tpu.memory_space<vmem>>, %arg17: memref<128x32xbf16, #tpu.memory_space<vmem>>, %arg18: memref<128x32xbf16, #tpu.memory_space<vmem>>, %arg19: memref<128x32xf32, #tpu.memory_space<vmem>>, %arg20: memref<128x32xbf16, #tpu.memory_space<vmem>>, %arg21: memref<128x32xbf16, #tpu.memory_space<vmem>>, %arg22: memref<128x32xf32, #tpu.memory_space<vmem>>, %arg23: memref<!tpu.dma_semaphore, #tpu.memory_space<semaphore_mem>>, %arg24: memref<!tpu.dma_semaphore, #tpu.memory_space<semaphore_mem>>, %arg25: memref<!tpu.dma_semaphore, #tpu.memory_space<semaphore_mem>>, %arg26: memref<!tpu.dma_semaphore, #tpu.memory_space<semaphore_mem>>) attributes {dimension_semantics = [#tpu.dimension_semantics<core_parallel>, #tpu.dimension_semantics<subcore_parallel>], iteration_bounds = array<i64: 2, 16>, scalar_prefetch = 0 : i64, scratch_operands = 19 : i64, tpu.core_type = #tpu.core_type<sc_vector_subcore>, window_params = [{transform_indices = #map}, {transform_indices = #map}, {transform_indices = #map1}, {transform_indices = #map1}, {transform_indices = #map}, {transform_indices = #map2}]} {
    %mul3A = arith.constant 16 : i32
    %mul3A_0 = arith.muli %arg0, %mul3A : i32
    %add3A = arith.addi %mul3A_0, %arg1 : i32
    %mul3A_1 = arith.constant 632 : i32
    %mul3A_2 = arith.muli %arg1, %mul3A_1 : i32
    %mul3A_3 = arith.constant 10240 : i32
    %mul3A_4 = arith.muli %add3A, %mul3A_3 : i32
    %add3A_5 = arith.constant 0 : i32
    %add3A_6 = arith.addi %mul3A_4, %add3A_5 : i32
    "tpu.region"() ({
      %run_scoped3A = tpu.sem_alloc : memref<!tpu.dma_semaphore, #tpu.memory_space<semaphore_mem>>
      %dma_start3A_31 = tpu.memref_slice %arg4[%add3A_6] : memref<327680xi32, #tpu.memory_space<hbm>> -> memref<128xi32, #tpu.memory_space<hbm>>
      %dma_start3A_32 = tpu.memref_slice %arg4[%add3A_6] : memref<327680xi32, #tpu.memory_space<hbm>> -> memref<128xi32, #tpu.memory_space<hbm>>
      tpu.enqueue_dma source(%dma_start3A_32 : memref<128xi32, #tpu.memory_space<hbm>>) target(%arg9 : memref<128xi32, #tpu.memory_space<vmem>>) target_semaphore(%run_scoped3A : memref<!tpu.dma_semaphore, #tpu.memory_space<semaphore_mem>>)
      %dma_wait3A_33 = tpu.memref_slice %arg4[%add3A_6] : memref<327680xi32, #tpu.memory_space<hbm>> -> memref<128xi32, #tpu.memory_space<hbm>>
      %dma_wait3A_34 = tpu.memref_slice %arg4[%add3A_6] : memref<327680xi32, #tpu.memory_space<hbm>> -> memref<128xi32, #tpu.memory_space<hbm>>
      tpu.wait_dma2 semaphore(%run_scoped3A : memref<!tpu.dma_semaphore, #tpu.memory_space<semaphore_mem>>) src(%dma_wait3A_34 : memref<128xi32, #tpu.memory_space<hbm>>) dst(%arg9 : memref<128xi32, #tpu.memory_space<vmem>>)
      tpu.yield
    }) : () -> ()
    "tpu.region"() ({
      %run_scoped3A = tpu.sem_alloc : memref<!tpu.dma_semaphore, #tpu.memory_space<semaphore_mem>>
      %dma_start3A_31 = tpu.memref_slice %arg5[%add3A_6] : memref<327680xi32, #tpu.memory_space<hbm>> -> memref<128xi32, #tpu.memory_space<hbm>>
      %dma_start3A_32 = tpu.memref_slice %arg5[%add3A_6] : memref<327680xi32, #tpu.memory_space<hbm>> -> memref<128xi32, #tpu.memory_space<hbm>>
      tpu.enqueue_dma source(%dma_start3A_32 : memref<128xi32, #tpu.memory_space<hbm>>) target(%arg10 : memref<128xi32, #tpu.memory_space<vmem>>) target_semaphore(%run_scoped3A : memref<!tpu.dma_semaphore, #tpu.memory_space<semaphore_mem>>)
      %dma_wait3A_33 = tpu.memref_slice %arg5[%add3A_6] : memref<327680xi32, #tpu.memory_space<hbm>> -> memref<128xi32, #tpu.memory_space<hbm>>
      %dma_wait3A_34 = tpu.memref_slice %arg5[%add3A_6] : memref<327680xi32, #tpu.memory_space<hbm>> -> memref<128xi32, #tpu.memory_space<hbm>>
      tpu.wait_dma2 semaphore(%run_scoped3A : memref<!tpu.dma_semaphore, #tpu.memory_space<semaphore_mem>>) src(%dma_wait3A_34 : memref<128xi32, #tpu.memory_space<hbm>>) dst(%arg10 : memref<128xi32, #tpu.memory_space<vmem>>)
      tpu.yield
    }) : () -> ()
    %dma_start3A = arith.constant 0 : i32
    %dma_start3A_7 = arith.constant 0 : i32
    %dma_start3A_8 = tpu.memref_slice %arg2[%dma_start3A, %dma_start3A_7] : memref<10112x32xbf16, #tpu.memory_space<hbm>> -> memref<10112x32xbf16, #tpu.memory_space<hbm>>
    tpu.enqueue_indirect_dma source(%dma_start3A_8 : memref<10112x32xbf16, #tpu.memory_space<hbm>>) target(%arg17 : memref<128x32xbf16, #tpu.memory_space<vmem>>) offsets(%arg9 : memref<128xi32, #tpu.memory_space<vmem>>) semaphore(%arg23 : memref<!tpu.dma_semaphore, #tpu.memory_space<semaphore_mem>>)
    %dma_start3A_9 = arith.constant 0 : i32
    %dma_start3A_10 = arith.constant 0 : i32
    %dma_start3A_11 = tpu.memref_slice %arg3[%dma_start3A_9, %dma_start3A_10] : memref<10112x32xbf16, #tpu.memory_space<hbm>> -> memref<10112x32xbf16, #tpu.memory_space<hbm>>
    tpu.enqueue_indirect_dma source(%dma_start3A_11 : memref<10112x32xbf16, #tpu.memory_space<hbm>>) target(%arg18 : memref<128x32xbf16, #tpu.memory_space<vmem>>) offsets(%arg10 : memref<128xi32, #tpu.memory_space<vmem>>) semaphore(%arg23 : memref<!tpu.dma_semaphore, #tpu.memory_space<semaphore_mem>>)
    %add3A_12 = arith.constant 128 : i32
    %add3A_13 = arith.addi %mul3A_4, %add3A_12 : i32
    "tpu.region"() ({
      %run_scoped3A = tpu.sem_alloc : memref<!tpu.dma_semaphore, #tpu.memory_space<semaphore_mem>>
      %dma_start3A_31 = tpu.memref_slice %arg4[%add3A_13] : memref<327680xi32, #tpu.memory_space<hbm>> -> memref<128xi32, #tpu.memory_space<hbm>>
      %dma_start3A_32 = tpu.memref_slice %arg4[%add3A_13] : memref<327680xi32, #tpu.memory_space<hbm>> -> memref<128xi32, #tpu.memory_space<hbm>>
      tpu.enqueue_dma source(%dma_start3A_32 : memref<128xi32, #tpu.memory_space<hbm>>) target(%arg11 : memref<128xi32, #tpu.memory_space<vmem>>) target_semaphore(%run_scoped3A : memref<!tpu.dma_semaphore, #tpu.memory_space<semaphore_mem>>)
      %dma_wait3A_33 = tpu.memref_slice %arg4[%add3A_13] : memref<327680xi32, #tpu.memory_space<hbm>> -> memref<128xi32, #tpu.memory_space<hbm>>
      %dma_wait3A_34 = tpu.memref_slice %arg4[%add3A_13] : memref<327680xi32, #tpu.memory_space<hbm>> -> memref<128xi32, #tpu.memory_space<hbm>>
      tpu.wait_dma2 semaphore(%run_scoped3A : memref<!tpu.dma_semaphore, #tpu.memory_space<semaphore_mem>>) src(%dma_wait3A_34 : memref<128xi32, #tpu.memory_space<hbm>>) dst(%arg11 : memref<128xi32, #tpu.memory_space<vmem>>)
      tpu.yield
    }) : () -> ()
    "tpu.region"() ({
      %run_scoped3A = tpu.sem_alloc : memref<!tpu.dma_semaphore, #tpu.memory_space<semaphore_mem>>
      %dma_start3A_31 = tpu.memref_slice %arg5[%add3A_13] : memref<327680xi32, #tpu.memory_space<hbm>> -> memref<128xi32, #tpu.memory_space<hbm>>
      %dma_start3A_32 = tpu.memref_slice %arg5[%add3A_13] : memref<327680xi32, #tpu.memory_space<hbm>> -> memref<128xi32, #tpu.memory_space<hbm>>
      tpu.enqueue_dma source(%dma_start3A_32 : memref<128xi32, #tpu.memory_space<hbm>>) target(%arg12 : memref<128xi32, #tpu.memory_space<vmem>>) target_semaphore(%run_scoped3A : memref<!tpu.dma_semaphore, #tpu.memory_space<semaphore_mem>>)
      %dma_wait3A_33 = tpu.memref_slice %arg5[%add3A_13] : memref<327680xi32, #tpu.memory_space<hbm>> -> memref<128xi32, #tpu.memory_space<hbm>>
      %dma_wait3A_34 = tpu.memref_slice %arg5[%add3A_13] : memref<327680xi32, #tpu.memory_space<hbm>> -> memref<128xi32, #tpu.memory_space<hbm>>
      tpu.wait_dma2 semaphore(%run_scoped3A : memref<!tpu.dma_semaphore, #tpu.memory_space<semaphore_mem>>) src(%dma_wait3A_34 : memref<128xi32, #tpu.memory_space<hbm>>) dst(%arg12 : memref<128xi32, #tpu.memory_space<vmem>>)
      tpu.yield
    }) : () -> ()
    %dma_start3A_14 = arith.constant 0 : i32
    %dma_start3A_15 = arith.constant 0 : i32
    %dma_start3A_16 = tpu.memref_slice %arg2[%dma_start3A_14, %dma_start3A_15] : memref<10112x32xbf16, #tpu.memory_space<hbm>> -> memref<10112x32xbf16, #tpu.memory_space<hbm>>
    tpu.enqueue_indirect_dma source(%dma_start3A_16 : memref<10112x32xbf16, #tpu.memory_space<hbm>>) target(%arg20 : memref<128x32xbf16, #tpu.memory_space<vmem>>) offsets(%arg11 : memref<128xi32, #tpu.memory_space<vmem>>) semaphore(%arg25 : memref<!tpu.dma_semaphore, #tpu.memory_space<semaphore_mem>>)
    %dma_start3A_17 = arith.constant 0 : i32
    %dma_start3A_18 = arith.constant 0 : i32
    %dma_start3A_19 = tpu.memref_slice %arg3[%dma_start3A_17, %dma_start3A_18] : memref<10112x32xbf16, #tpu.memory_space<hbm>> -> memref<10112x32xbf16, #tpu.memory_space<hbm>>
    tpu.enqueue_indirect_dma source(%dma_start3A_19 : memref<10112x32xbf16, #tpu.memory_space<hbm>>) target(%arg21 : memref<128x32xbf16, #tpu.memory_space<vmem>>) offsets(%arg12 : memref<128xi32, #tpu.memory_space<vmem>>) semaphore(%arg25 : memref<!tpu.dma_semaphore, #tpu.memory_space<semaphore_mem>>)
    "tpu.region"() ({
      %run_scoped3A = tpu.sem_alloc : memref<!tpu.dma_semaphore, #tpu.memory_space<semaphore_mem>>
      %dma_start3A_31 = arith.constant 0 : i32
      %dma_start3A_32 = tpu.memref_slice %arg8[%mul3A_2, %dma_start3A_31] : memref<10112x32xf32, #tpu.memory_space<vmem_shared>> -> memref<632x32xf32, #tpu.memory_space<vmem_shared>>
      tpu.enqueue_dma source(%arg6 : memref<632x32xf32, #tpu.memory_space<hbm>>) target(%dma_start3A_32 : memref<632x32xf32, #tpu.memory_space<vmem_shared>>) target_semaphore(%run_scoped3A : memref<!tpu.dma_semaphore, #tpu.memory_space<semaphore_mem>>)
      %dma_wait3A_33 = arith.constant 0 : i32
      %dma_wait3A_34 = tpu.memref_slice %arg8[%mul3A_2, %dma_wait3A_33] : memref<10112x32xf32, #tpu.memory_space<vmem_shared>> -> memref<632x32xf32, #tpu.memory_space<vmem_shared>>
      tpu.wait_dma2 semaphore(%run_scoped3A : memref<!tpu.dma_semaphore, #tpu.memory_space<semaphore_mem>>) src(%arg6 : memref<632x32xf32, #tpu.memory_space<hbm>>) dst(%dma_wait3A_34 : memref<632x32xf32, #tpu.memory_space<vmem_shared>>)
      tpu.yield
    }) : () -> ()
    %barrier3A = arith.constant 0 : index
    tpu.barrier barrier_id(%barrier3A)
    %scan3A = arith.constant 0 : i32
    %scan3A_20 = arith.constant 0 : i32
    %scan3A_21 = arith.constant 20 : i32
    %scan3A_22 = arith.addi %scan3A_20, %scan3A_21 : i32
    %scan3A_23 = arith.constant 1 : i32
    scf.for %scan3A_31 = %scan3A_20 to %scan3A_22 step %scan3A_23  : i32 {
      %mul3A_32 = arith.constant 4 : i32
      %mul3A_33 = arith.muli %scan3A_31, %mul3A_32 : i32
      %add3A_34 = arith.constant 0 : i32
      %add3A_35 = arith.addi %mul3A_33, %add3A_34 : i32
      %ge3A = arith.constant 2 : i32
      %ge3A_36 = arith.cmpi sge, %add3A_35, %ge3A : i32
      %convert_element_type3A = arith.extui %ge3A_36 : i1 to i32
      %cond3A = arith.constant 0 : i32
      %cond3A_37 = arith.cmpi ne, %convert_element_type3A, %cond3A : i32
      scf.if %cond3A_37 {
        %dma_wait3A_139 = arith.constant 0 : i32
        %dma_wait3A_140 = arith.constant 0 : i32
        %dma_wait3A_141 = tpu.memref_slice %arg8[%dma_wait3A_139, %dma_wait3A_140] : memref<10112x32xf32, #tpu.memory_space<vmem_shared>> -> memref<10112x32xf32, #tpu.memory_space<vmem_shared>>
        tpu.wait_indirect_dma semaphore(%arg24 : memref<!tpu.dma_semaphore, #tpu.memory_space<semaphore_mem>>) src(%arg19 : memref<128x32xf32, #tpu.memory_space<vmem>>) dst(%dma_wait3A_141 : memref<10112x32xf32, #tpu.memory_space<vmem_shared>>)
      } else {
      }
      %dma_wait3A_38 = arith.constant 0 : i32
      %dma_wait3A_39 = arith.constant 0 : i32
      %dma_wait3A_40 = tpu.memref_slice %arg2[%dma_wait3A_38, %dma_wait3A_39] : memref<10112x32xbf16, #tpu.memory_space<hbm>> -> memref<10112x32xbf16, #tpu.memory_space<hbm>>
      tpu.wait_indirect_dma semaphore(%arg23 : memref<!tpu.dma_semaphore, #tpu.memory_space<semaphore_mem>>) src(%dma_wait3A_40 : memref<10112x32xbf16, #tpu.memory_space<hbm>>) dst(%arg17 : memref<128x32xbf16, #tpu.memory_space<vmem>>)
      %dma_wait3A_41 = arith.constant 0 : i32
      %dma_wait3A_42 = arith.constant 0 : i32
      %dma_wait3A_43 = tpu.memref_slice %arg3[%dma_wait3A_41, %dma_wait3A_42] : memref<10112x32xbf16, #tpu.memory_space<hbm>> -> memref<10112x32xbf16, #tpu.memory_space<hbm>>
      tpu.wait_indirect_dma semaphore(%arg23 : memref<!tpu.dma_semaphore, #tpu.memory_space<semaphore_mem>>) src(%dma_wait3A_43 : memref<10112x32xbf16, #tpu.memory_space<hbm>>) dst(%arg18 : memref<128x32xbf16, #tpu.memory_space<vmem>>)
      %parallel_loop3A = arith.constant 0 : i32
      %parallel_loop3A_44 = arith.constant 128 : i32
      %parallel_loop3A_45 = arith.constant 1 : i32
      scf.for %parallel_loop3A_139 = %parallel_loop3A to %parallel_loop3A_44 step %parallel_loop3A_45  : i32 {
        %parallel_loop3A_140 = arith.index_cast %parallel_loop3A_139 : i32 to index
        %parallel_loop3A_141 = arith.constant 0 : index
        %parallel_loop3A_142 = tpu.vector_load %arg17[%parallel_loop3A_140, %parallel_loop3A_141] {strides = array<i32>} : memref<128x32xbf16, #tpu.memory_space<vmem>>, vector<32xbf16>,
        %parallel_loop3A_143 = tpu.unpack_subelements %parallel_loop3A_142, 0 {pack_format = #tpu.pack_format<interleaved>} : vector<32xbf16> -> vector<16xf32>
        %parallel_loop3A_144 = tpu.unpack_subelements %parallel_loop3A_142, 1 {pack_format = #tpu.pack_format<interleaved>} : vector<32xbf16> -> vector<16xf32>
        %parallel_loop3A_145 = arith.index_cast %parallel_loop3A_139 : i32 to index
        %parallel_loop3A_146 = arith.constant 0 : index
        %parallel_loop3A_147 = tpu.vector_load %arg18[%parallel_loop3A_145, %parallel_loop3A_146] {strides = array<i32>} : memref<128x32xbf16, #tpu.memory_space<vmem>>, vector<32xbf16>,
        %parallel_loop3A_148 = tpu.unpack_subelements %parallel_loop3A_147, 0 {pack_format = #tpu.pack_format<interleaved>} : vector<32xbf16> -> vector<16xf32>
        %parallel_loop3A_149 = tpu.unpack_subelements %parallel_loop3A_147, 1 {pack_format = #tpu.pack_format<interleaved>} : vector<32xbf16> -> vector<16xf32>
        %parallel_loop3A_150 = arith.addf %parallel_loop3A_144, %parallel_loop3A_148 : vector<16xf32>
        %parallel_loop3A_151 = arith.constant 2.000000e-01 : f32
        %parallel_loop3A_152 = vector.broadcast %parallel_loop3A_151 : f32 to vector<16xf32>
        %parallel_loop3A_153 = arith.mulf %parallel_loop3A_152, %parallel_loop3A_150 : vector<16xf32>
        %parallel_loop3A_154 = arith.maximumf %parallel_loop3A_150, %parallel_loop3A_153 : vector<16xf32>
        %parallel_loop3A_155 = arith.constant 15 : i32
        %parallel_loop3A_156 = vector.broadcast %parallel_loop3A_155 : i32 to vector<16xi32>
        %parallel_loop3A_157 = tpu.iota {dimensions = array<i32: 0>} : vector<16xi32>
        %parallel_loop3A_158 = arith.subi %parallel_loop3A_156, %parallel_loop3A_157 : vector<16xi32>
        %parallel_loop3A_159 = tpu.dynamic_gather %parallel_loop3A_148[%parallel_loop3A_158] in [0] : vector<16xf32>, vector<16xi32> -> vector<16xf32>
        %parallel_loop3A_160 = arith.subf %parallel_loop3A_154, %parallel_loop3A_159 : vector<16xf32>
        %parallel_loop3A_161 = math.exp %parallel_loop3A_160 : vector<16xf32>
        %parallel_loop3A_162 = arith.index_cast %parallel_loop3A_139 : i32 to index
        %parallel_loop3A_163 = arith.constant 16 : index
        %parallel_loop3A_164 = tpu.vector_load %arg19[%parallel_loop3A_162, %parallel_loop3A_163] {strides = array<i32>} : memref<128x32xf32, #tpu.memory_space<vmem>>, vector<16xf32>,
        tpu.vector_store %arg19[%parallel_loop3A_162, %parallel_loop3A_163], %parallel_loop3A_161 {strides = array<i32>} : memref<128x32xf32, #tpu.memory_space<vmem>>, vector<16xf32>,
        %parallel_loop3A_165 = vector.extract_strided_slice %parallel_loop3A_161 {offsets = [0], sizes = [1], strides = [1]} : vector<16xf32> to vector<1xf32>
        %parallel_loop3A_166 = vector.extract %parallel_loop3A_165[0] : f32 from vector<1xf32>
        %parallel_loop3A_167 = vector.broadcast %parallel_loop3A_166 : f32 to vector<16xf32>
        %parallel_loop3A_168 = arith.mulf %parallel_loop3A_143, %parallel_loop3A_167 : vector<16xf32>
        %parallel_loop3A_169 = arith.index_cast %parallel_loop3A_139 : i32 to index
        %parallel_loop3A_170 = arith.constant 0 : index
        %parallel_loop3A_171 = tpu.vector_load %arg19[%parallel_loop3A_169, %parallel_loop3A_170] {strides = array<i32>} : memref<128x32xf32, #tpu.memory_space<vmem>>, vector<16xf32>,
        tpu.vector_store %arg19[%parallel_loop3A_169, %parallel_loop3A_170], %parallel_loop3A_168 {strides = array<i32>} : memref<128x32xf32, #tpu.memory_space<vmem>>, vector<16xf32>,
      } {sc.loop_unroll_factor = 8 : i64, sc.parallel_access}
      %dma_start3A_46 = arith.constant 0 : i32
      %dma_start3A_47 = arith.constant 0 : i32
      %dma_start3A_48 = tpu.memref_slice %arg8[%dma_start3A_46, %dma_start3A_47] : memref<10112x32xf32, #tpu.memory_space<vmem_shared>> -> memref<10112x32xf32, #tpu.memory_space<vmem_shared>>
      tpu.enqueue_indirect_dma source(%arg19 : memref<128x32xf32, #tpu.memory_space<vmem>>) target(%dma_start3A_48 : memref<10112x32xf32, #tpu.memory_space<vmem_shared>>) offsets(%arg10 : memref<128xi32, #tpu.memory_space<vmem>>) semaphore(%arg24 : memref<!tpu.dma_semaphore, #tpu.memory_space<semaphore_mem>>) {add = true}
      %add3A_49 = arith.constant 2 : i32
      %add3A_50 = arith.addi %add3A_35, %add3A_49 : i32
      %lt3A = arith.constant 80 : i32
      %lt3A_51 = arith.cmpi slt, %add3A_50, %lt3A : i32
      %convert_element_type3A_52 = arith.extui %lt3A_51 : i1 to i32
      %cond3A_53 = arith.constant 0 : i32
      %cond3A_54 = arith.cmpi ne, %convert_element_type3A_52, %cond3A_53 : i32
      scf.if %cond3A_54 {
        %add3A_139 = arith.constant 2 : i32
        %add3A_140 = arith.addi %add3A_35, %add3A_139 : i32
        %mul3A_141 = arith.constant 128 : i32
        %mul3A_142 = arith.muli %add3A_140, %mul3A_141 : i32
        %add3A_143 = arith.addi %mul3A_4, %mul3A_142 : i32
        "tpu.region"() ({
          %run_scoped3A = tpu.sem_alloc : memref<!tpu.dma_semaphore, #tpu.memory_space<semaphore_mem>>
          %dma_start3A_150 = tpu.memref_slice %arg4[%add3A_143] : memref<327680xi32, #tpu.memory_space<hbm>> -> memref<128xi32, #tpu.memory_space<hbm>>
          %dma_start3A_151 = tpu.memref_slice %arg4[%add3A_143] : memref<327680xi32, #tpu.memory_space<hbm>> -> memref<128xi32, #tpu.memory_space<hbm>>
          tpu.enqueue_dma source(%dma_start3A_151 : memref<128xi32, #tpu.memory_space<hbm>>) target(%arg13 : memref<128xi32, #tpu.memory_space<vmem>>) target_semaphore(%run_scoped3A : memref<!tpu.dma_semaphore, #tpu.memory_space<semaphore_mem>>)
          %dma_wait3A_152 = tpu.memref_slice %arg4[%add3A_143] : memref<327680xi32, #tpu.memory_space<hbm>> -> memref<128xi32, #tpu.memory_space<hbm>>
          %dma_wait3A_153 = tpu.memref_slice %arg4[%add3A_143] : memref<327680xi32, #tpu.memory_space<hbm>> -> memref<128xi32, #tpu.memory_space<hbm>>
          tpu.wait_dma2 semaphore(%run_scoped3A : memref<!tpu.dma_semaphore, #tpu.memory_space<semaphore_mem>>) src(%dma_wait3A_153 : memref<128xi32, #tpu.memory_space<hbm>>) dst(%arg13 : memref<128xi32, #tpu.memory_space<vmem>>)
          tpu.yield
        }) : () -> ()
        "tpu.region"() ({
          %run_scoped3A = tpu.sem_alloc : memref<!tpu.dma_semaphore, #tpu.memory_space<semaphore_mem>>
          %dma_start3A_150 = tpu.memref_slice %arg5[%add3A_143] : memref<327680xi32, #tpu.memory_space<hbm>> -> memref<128xi32, #tpu.memory_space<hbm>>
          %dma_start3A_151 = tpu.memref_slice %arg5[%add3A_143] : memref<327680xi32, #tpu.memory_space<hbm>> -> memref<128xi32, #tpu.memory_space<hbm>>
          tpu.enqueue_dma source(%dma_start3A_151 : memref<128xi32, #tpu.memory_space<hbm>>) target(%arg14 : memref<128xi32, #tpu.memory_space<vmem>>) target_semaphore(%run_scoped3A : memref<!tpu.dma_semaphore, #tpu.memory_space<semaphore_mem>>)
          %dma_wait3A_152 = tpu.memref_slice %arg5[%add3A_143] : memref<327680xi32, #tpu.memory_space<hbm>> -> memref<128xi32, #tpu.memory_space<hbm>>
          %dma_wait3A_153 = tpu.memref_slice %arg5[%add3A_143] : memref<327680xi32, #tpu.memory_space<hbm>> -> memref<128xi32, #tpu.memory_space<hbm>>
          tpu.wait_dma2 semaphore(%run_scoped3A : memref<!tpu.dma_semaphore, #tpu.memory_space<semaphore_mem>>) src(%dma_wait3A_153 : memref<128xi32, #tpu.memory_space<hbm>>) dst(%arg14 : memref<128xi32, #tpu.memory_space<vmem>>)
          tpu.yield
        }) : () -> ()
        %dma_start3A_144 = arith.constant 0 : i32
        %dma_start3A_145 = arith.constant 0 : i32
        %dma_start3A_146 = tpu.memref_slice %arg2[%dma_start3A_144, %dma_start3A_145] : memref<10112x32xbf16, #tpu.memory_space<hbm>> -> memref<10112x32xbf16, #tpu.memory_space<hbm>>
        tpu.enqueue_indirect_dma source(%dma_start3A_146 : memref<10112x32xbf16, #tpu.memory_space<hbm>>) target(%arg17 : memref<128x32xbf16, #tpu.memory_space<vmem>>) offsets(%arg13 : memref<128xi32, #tpu.memory_space<vmem>>) semaphore(%arg23 : memref<!tpu.dma_semaphore, #tpu.memory_space<semaphore_mem>>)
        %dma_start3A_147 = arith.constant 0 : i32
        %dma_start3A_148 = arith.constant 0 : i32
        %dma_start3A_149 = tpu.memref_slice %arg3[%dma_start3A_147, %dma_start3A_148] : memref<10112x32xbf16, #tpu.memory_space<hbm>> -> memref<10112x32xbf16, #tpu.memory_space<hbm>>
        tpu.enqueue_indirect_dma source(%dma_start3A_149 : memref<10112x32xbf16, #tpu.memory_space<hbm>>) target(%arg18 : memref<128x32xbf16, #tpu.memory_space<vmem>>) offsets(%arg14 : memref<128xi32, #tpu.memory_space<vmem>>) semaphore(%arg23 : memref<!tpu.dma_semaphore, #tpu.memory_space<semaphore_mem>>)
      } else {
      }
      %mul3A_55 = arith.constant 4 : i32
      %mul3A_56 = arith.muli %scan3A_31, %mul3A_55 : i32
      %add3A_57 = arith.constant 1 : i32
      %add3A_58 = arith.addi %mul3A_56, %add3A_57 : i32
      %ge3A_59 = arith.constant 2 : i32
      %ge3A_60 = arith.cmpi sge, %add3A_58, %ge3A_59 : i32
      %convert_element_type3A_61 = arith.extui %ge3A_60 : i1 to i32
      %cond3A_62 = arith.constant 0 : i32
      %cond3A_63 = arith.cmpi ne, %convert_element_type3A_61, %cond3A_62 : i32
      scf.if %cond3A_63 {
        %dma_wait3A_139 = arith.constant 0 : i32
        %dma_wait3A_140 = arith.constant 0 : i32
        %dma_wait3A_141 = tpu.memref_slice %arg8[%dma_wait3A_139, %dma_wait3A_140] : memref<10112x32xf32, #tpu.memory_space<vmem_shared>> -> memref<10112x32xf32, #tpu.memory_space<vmem_shared>>
        tpu.wait_indirect_dma semaphore(%arg26 : memref<!tpu.dma_semaphore, #tpu.memory_space<semaphore_mem>>) src(%arg22 : memref<128x32xf32, #tpu.memory_space<vmem>>) dst(%dma_wait3A_141 : memref<10112x32xf32, #tpu.memory_space<vmem_shared>>)
      } else {
      }
      %dma_wait3A_64 = arith.constant 0 : i32
      %dma_wait3A_65 = arith.constant 0 : i32
      %dma_wait3A_66 = tpu.memref_slice %arg2[%dma_wait3A_64, %dma_wait3A_65] : memref<10112x32xbf16, #tpu.memory_space<hbm>> -> memref<10112x32xbf16, #tpu.memory_space<hbm>>
      tpu.wait_indirect_dma semaphore(%arg25 : memref<!tpu.dma_semaphore, #tpu.memory_space<semaphore_mem>>) src(%dma_wait3A_66 : memref<10112x32xbf16, #tpu.memory_space<hbm>>) dst(%arg20 : memref<128x32xbf16, #tpu.memory_space<vmem>>)
      %dma_wait3A_67 = arith.constant 0 : i32
      %dma_wait3A_68 = arith.constant 0 : i32
      %dma_wait3A_69 = tpu.memref_slice %arg3[%dma_wait3A_67, %dma_wait3A_68] : memref<10112x32xbf16, #tpu.memory_space<hbm>> -> memref<10112x32xbf16, #tpu.memory_space<hbm>>
      tpu.wait_indirect_dma semaphore(%arg25 : memref<!tpu.dma_semaphore, #tpu.memory_space<semaphore_mem>>) src(%dma_wait3A_69 : memref<10112x32xbf16, #tpu.memory_space<hbm>>) dst(%arg21 : memref<128x32xbf16, #tpu.memory_space<vmem>>)
      %parallel_loop3A_70 = arith.constant 0 : i32
      %parallel_loop3A_71 = arith.constant 128 : i32
      %parallel_loop3A_72 = arith.constant 1 : i32
      scf.for %parallel_loop3A_139 = %parallel_loop3A_70 to %parallel_loop3A_71 step %parallel_loop3A_72  : i32 {
        %parallel_loop3A_140 = arith.index_cast %parallel_loop3A_139 : i32 to index
        %parallel_loop3A_141 = arith.constant 0 : index
        %parallel_loop3A_142 = tpu.vector_load %arg20[%parallel_loop3A_140, %parallel_loop3A_141] {strides = array<i32>} : memref<128x32xbf16, #tpu.memory_space<vmem>>, vector<32xbf16>,
        %parallel_loop3A_143 = tpu.unpack_subelements %parallel_loop3A_142, 0 {pack_format = #tpu.pack_format<interleaved>} : vector<32xbf16> -> vector<16xf32>
        %parallel_loop3A_144 = tpu.unpack_subelements %parallel_loop3A_142, 1 {pack_format = #tpu.pack_format<interleaved>} : vector<32xbf16> -> vector<16xf32>
        %parallel_loop3A_145 = arith.index_cast %parallel_loop3A_139 : i32 to index
        %parallel_loop3A_146 = arith.constant 0 : index
        %parallel_loop3A_147 = tpu.vector_load %arg21[%parallel_loop3A_145, %parallel_loop3A_146] {strides = array<i32>} : memref<128x32xbf16, #tpu.memory_space<vmem>>, vector<32xbf16>,
        %parallel_loop3A_148 = tpu.unpack_subelements %parallel_loop3A_147, 0 {pack_format = #tpu.pack_format<interleaved>} : vector<32xbf16> -> vector<16xf32>
        %parallel_loop3A_149 = tpu.unpack_subelements %parallel_loop3A_147, 1 {pack_format = #tpu.pack_format<interleaved>} : vector<32xbf16> -> vector<16xf32>
        %parallel_loop3A_150 = arith.addf %parallel_loop3A_144, %parallel_loop3A_148 : vector<16xf32>
        %parallel_loop3A_151 = arith.constant 2.000000e-01 : f32
        %parallel_loop3A_152 = vector.broadcast %parallel_loop3A_151 : f32 to vector<16xf32>
        %parallel_loop3A_153 = arith.mulf %parallel_loop3A_152, %parallel_loop3A_150 : vector<16xf32>
        %parallel_loop3A_154 = arith.maximumf %parallel_loop3A_150, %parallel_loop3A_153 : vector<16xf32>
        %parallel_loop3A_155 = arith.constant 15 : i32
        %parallel_loop3A_156 = vector.broadcast %parallel_loop3A_155 : i32 to vector<16xi32>
        %parallel_loop3A_157 = tpu.iota {dimensions = array<i32: 0>} : vector<16xi32>
        %parallel_loop3A_158 = arith.subi %parallel_loop3A_156, %parallel_loop3A_157 : vector<16xi32>
        %parallel_loop3A_159 = tpu.dynamic_gather %parallel_loop3A_148[%parallel_loop3A_158] in [0] : vector<16xf32>, vector<16xi32> -> vector<16xf32>
        %parallel_loop3A_160 = arith.subf %parallel_loop3A_154, %parallel_loop3A_159 : vector<16xf32>
        %parallel_loop3A_161 = math.exp %parallel_loop3A_160 : vector<16xf32>
        %parallel_loop3A_162 = arith.index_cast %parallel_loop3A_139 : i32 to index
        %parallel_loop3A_163 = arith.constant 16 : index
        %parallel_loop3A_164 = tpu.vector_load %arg22[%parallel_loop3A_162, %parallel_loop3A_163] {strides = array<i32>} : memref<128x32xf32, #tpu.memory_space<vmem>>, vector<16xf32>,
        tpu.vector_store %arg22[%parallel_loop3A_162, %parallel_loop3A_163], %parallel_loop3A_161 {strides = array<i32>} : memref<128x32xf32, #tpu.memory_space<vmem>>, vector<16xf32>,
        %parallel_loop3A_165 = vector.extract_strided_slice %parallel_loop3A_161 {offsets = [0], sizes = [1], strides = [1]} : vector<16xf32> to vector<1xf32>
        %parallel_loop3A_166 = vector.extract %parallel_loop3A_165[0] : f32 from vector<1xf32>
        %parallel_loop3A_167 = vector.broadcast %parallel_loop3A_166 : f32 to vector<16xf32>
        %parallel_loop3A_168 = arith.mulf %parallel_loop3A_143, %parallel_loop3A_167 : vector<16xf32>
        %parallel_loop3A_169 = arith.index_cast %parallel_loop3A_139 : i32 to index
        %parallel_loop3A_170 = arith.constant 0 : index
        %parallel_loop3A_171 = tpu.vector_load %arg22[%parallel_loop3A_169, %parallel_loop3A_170] {strides = array<i32>} : memref<128x32xf32, #tpu.memory_space<vmem>>, vector<16xf32>,
        tpu.vector_store %arg22[%parallel_loop3A_169, %parallel_loop3A_170], %parallel_loop3A_168 {strides = array<i32>} : memref<128x32xf32, #tpu.memory_space<vmem>>, vector<16xf32>,
      } {sc.loop_unroll_factor = 8 : i64, sc.parallel_access}
      %dma_start3A_73 = arith.constant 0 : i32
      %dma_start3A_74 = arith.constant 0 : i32
      %dma_start3A_75 = tpu.memref_slice %arg8[%dma_start3A_73, %dma_start3A_74] : memref<10112x32xf32, #tpu.memory_space<vmem_shared>> -> memref<10112x32xf32, #tpu.memory_space<vmem_shared>>
      tpu.enqueue_indirect_dma source(%arg22 : memref<128x32xf32, #tpu.memory_space<vmem>>) target(%dma_start3A_75 : memref<10112x32xf32, #tpu.memory_space<vmem_shared>>) offsets(%arg12 : memref<128xi32, #tpu.memory_space<vmem>>) semaphore(%arg26 : memref<!tpu.dma_semaphore, #tpu.memory_space<semaphore_mem>>) {add = true}
      %add3A_76 = arith.constant 2 : i32
      %add3A_77 = arith.addi %add3A_58, %add3A_76 : i32
      %lt3A_78 = arith.constant 80 : i32
      %lt3A_79 = arith.cmpi slt, %add3A_77, %lt3A_78 : i32
      %convert_element_type3A_80 = arith.extui %lt3A_79 : i1 to i32
      %cond3A_81 = arith.constant 0 : i32
      %cond3A_82 = arith.cmpi ne, %convert_element_type3A_80, %cond3A_81 : i32
      scf.if %cond3A_82 {
        %add3A_139 = arith.constant 2 : i32
        %add3A_140 = arith.addi %add3A_58, %add3A_139 : i32
        %mul3A_141 = arith.constant 128 : i32
        %mul3A_142 = arith.muli %add3A_140, %mul3A_141 : i32
        %add3A_143 = arith.addi %mul3A_4, %mul3A_142 : i32
        "tpu.region"() ({
          %run_scoped3A = tpu.sem_alloc : memref<!tpu.dma_semaphore, #tpu.memory_space<semaphore_mem>>
          %dma_start3A_150 = tpu.memref_slice %arg4[%add3A_143] : memref<327680xi32, #tpu.memory_space<hbm>> -> memref<128xi32, #tpu.memory_space<hbm>>
          %dma_start3A_151 = tpu.memref_slice %arg4[%add3A_143] : memref<327680xi32, #tpu.memory_space<hbm>> -> memref<128xi32, #tpu.memory_space<hbm>>
          tpu.enqueue_dma source(%dma_start3A_151 : memref<128xi32, #tpu.memory_space<hbm>>) target(%arg15 : memref<128xi32, #tpu.memory_space<vmem>>) target_semaphore(%run_scoped3A : memref<!tpu.dma_semaphore, #tpu.memory_space<semaphore_mem>>)
          %dma_wait3A_152 = tpu.memref_slice %arg4[%add3A_143] : memref<327680xi32, #tpu.memory_space<hbm>> -> memref<128xi32, #tpu.memory_space<hbm>>
          %dma_wait3A_153 = tpu.memref_slice %arg4[%add3A_143] : memref<327680xi32, #tpu.memory_space<hbm>> -> memref<128xi32, #tpu.memory_space<hbm>>
          tpu.wait_dma2 semaphore(%run_scoped3A : memref<!tpu.dma_semaphore, #tpu.memory_space<semaphore_mem>>) src(%dma_wait3A_153 : memref<128xi32, #tpu.memory_space<hbm>>) dst(%arg15 : memref<128xi32, #tpu.memory_space<vmem>>)
          tpu.yield
        }) : () -> ()
        "tpu.region"() ({
          %run_scoped3A = tpu.sem_alloc : memref<!tpu.dma_semaphore, #tpu.memory_space<semaphore_mem>>
          %dma_start3A_150 = tpu.memref_slice %arg5[%add3A_143] : memref<327680xi32, #tpu.memory_space<hbm>> -> memref<128xi32, #tpu.memory_space<hbm>>
          %dma_start3A_151 = tpu.memref_slice %arg5[%add3A_143] : memref<327680xi32, #tpu.memory_space<hbm>> -> memref<128xi32, #tpu.memory_space<hbm>>
          tpu.enqueue_dma source(%dma_start3A_151 : memref<128xi32, #tpu.memory_space<hbm>>) target(%arg16 : memref<128xi32, #tpu.memory_space<vmem>>) target_semaphore(%run_scoped3A : memref<!tpu.dma_semaphore, #tpu.memory_space<semaphore_mem>>)
          %dma_wait3A_152 = tpu.memref_slice %arg5[%add3A_143] : memref<327680xi32, #tpu.memory_space<hbm>> -> memref<128xi32, #tpu.memory_space<hbm>>
          %dma_wait3A_153 = tpu.memref_slice %arg5[%add3A_143] : memref<327680xi32, #tpu.memory_space<hbm>> -> memref<128xi32, #tpu.memory_space<hbm>>
          tpu.wait_dma2 semaphore(%run_scoped3A : memref<!tpu.dma_semaphore, #tpu.memory_space<semaphore_mem>>) src(%dma_wait3A_153 : memref<128xi32, #tpu.memory_space<hbm>>) dst(%arg16 : memref<128xi32, #tpu.memory_space<vmem>>)
          tpu.yield
        }) : () -> ()
        %dma_start3A_144 = arith.constant 0 : i32
        %dma_start3A_145 = arith.constant 0 : i32
        %dma_start3A_146 = tpu.memref_slice %arg2[%dma_start3A_144, %dma_start3A_145] : memref<10112x32xbf16, #tpu.memory_space<hbm>> -> memref<10112x32xbf16, #tpu.memory_space<hbm>>
        tpu.enqueue_indirect_dma source(%dma_start3A_146 : memref<10112x32xbf16, #tpu.memory_space<hbm>>) target(%arg20 : memref<128x32xbf16, #tpu.memory_space<vmem>>) offsets(%arg15 : memref<128xi32, #tpu.memory_space<vmem>>) semaphore(%arg25 : memref<!tpu.dma_semaphore, #tpu.memory_space<semaphore_mem>>)
        %dma_start3A_147 = arith.constant 0 : i32
        %dma_start3A_148 = arith.constant 0 : i32
        %dma_start3A_149 = tpu.memref_slice %arg3[%dma_start3A_147, %dma_start3A_148] : memref<10112x32xbf16, #tpu.memory_space<hbm>> -> memref<10112x32xbf16, #tpu.memory_space<hbm>>
        tpu.enqueue_indirect_dma source(%dma_start3A_149 : memref<10112x32xbf16, #tpu.memory_space<hbm>>) target(%arg21 : memref<128x32xbf16, #tpu.memory_space<vmem>>) offsets(%arg16 : memref<128xi32, #tpu.memory_space<vmem>>) semaphore(%arg25 : memref<!tpu.dma_semaphore, #tpu.memory_space<semaphore_mem>>)
      } else {
      }
      %mul3A_83 = arith.constant 4 : i32
      %mul3A_84 = arith.muli %scan3A_31, %mul3A_83 : i32
      %add3A_85 = arith.constant 2 : i32
      %add3A_86 = arith.addi %mul3A_84, %add3A_85 : i32
      %ge3A_87 = arith.constant 2 : i32
      %ge3A_88 = arith.cmpi sge, %add3A_86, %ge3A_87 : i32
      %convert_element_type3A_89 = arith.extui %ge3A_88 : i1 to i32
      %cond3A_90 = arith.constant 0 : i32
      %cond3A_91 = arith.cmpi ne, %convert_element_type3A_89, %cond3A_90 : i32
      scf.if %cond3A_91 {
        %dma_wait3A_139 = arith.constant 0 : i32
        %dma_wait3A_140 = arith.constant 0 : i32
        %dma_wait3A_141 = tpu.memref_slice %arg8[%dma_wait3A_139, %dma_wait3A_140] : memref<10112x32xf32, #tpu.memory_space<vmem_shared>> -> memref<10112x32xf32, #tpu.memory_space<vmem_shared>>
        tpu.wait_indirect_dma semaphore(%arg24 : memref<!tpu.dma_semaphore, #tpu.memory_space<semaphore_mem>>) src(%arg19 : memref<128x32xf32, #tpu.memory_space<vmem>>) dst(%dma_wait3A_141 : memref<10112x32xf32, #tpu.memory_space<vmem_shared>>)
      } else {
      }
      %dma_wait3A_92 = arith.constant 0 : i32
      %dma_wait3A_93 = arith.constant 0 : i32
      %dma_wait3A_94 = tpu.memref_slice %arg2[%dma_wait3A_92, %dma_wait3A_93] : memref<10112x32xbf16, #tpu.memory_space<hbm>> -> memref<10112x32xbf16, #tpu.memory_space<hbm>>
      tpu.wait_indirect_dma semaphore(%arg23 : memref<!tpu.dma_semaphore, #tpu.memory_space<semaphore_mem>>) src(%dma_wait3A_94 : memref<10112x32xbf16, #tpu.memory_space<hbm>>) dst(%arg17 : memref<128x32xbf16, #tpu.memory_space<vmem>>)
      %dma_wait3A_95 = arith.constant 0 : i32
      %dma_wait3A_96 = arith.constant 0 : i32
      %dma_wait3A_97 = tpu.memref_slice %arg3[%dma_wait3A_95, %dma_wait3A_96] : memref<10112x32xbf16, #tpu.memory_space<hbm>> -> memref<10112x32xbf16, #tpu.memory_space<hbm>>
      tpu.wait_indirect_dma semaphore(%arg23 : memref<!tpu.dma_semaphore, #tpu.memory_space<semaphore_mem>>) src(%dma_wait3A_97 : memref<10112x32xbf16, #tpu.memory_space<hbm>>) dst(%arg18 : memref<128x32xbf16, #tpu.memory_space<vmem>>)
      %parallel_loop3A_98 = arith.constant 0 : i32
      %parallel_loop3A_99 = arith.constant 128 : i32
      %parallel_loop3A_100 = arith.constant 1 : i32
      scf.for %parallel_loop3A_139 = %parallel_loop3A_98 to %parallel_loop3A_99 step %parallel_loop3A_100  : i32 {
        %parallel_loop3A_140 = arith.index_cast %parallel_loop3A_139 : i32 to index
        %parallel_loop3A_141 = arith.constant 0 : index
        %parallel_loop3A_142 = tpu.vector_load %arg17[%parallel_loop3A_140, %parallel_loop3A_141] {strides = array<i32>} : memref<128x32xbf16, #tpu.memory_space<vmem>>, vector<32xbf16>,
        %parallel_loop3A_143 = tpu.unpack_subelements %parallel_loop3A_142, 0 {pack_format = #tpu.pack_format<interleaved>} : vector<32xbf16> -> vector<16xf32>
        %parallel_loop3A_144 = tpu.unpack_subelements %parallel_loop3A_142, 1 {pack_format = #tpu.pack_format<interleaved>} : vector<32xbf16> -> vector<16xf32>
        %parallel_loop3A_145 = arith.index_cast %parallel_loop3A_139 : i32 to index
        %parallel_loop3A_146 = arith.constant 0 : index
        %parallel_loop3A_147 = tpu.vector_load %arg18[%parallel_loop3A_145, %parallel_loop3A_146] {strides = array<i32>} : memref<128x32xbf16, #tpu.memory_space<vmem>>, vector<32xbf16>,
        %parallel_loop3A_148 = tpu.unpack_subelements %parallel_loop3A_147, 0 {pack_format = #tpu.pack_format<interleaved>} : vector<32xbf16> -> vector<16xf32>
        %parallel_loop3A_149 = tpu.unpack_subelements %parallel_loop3A_147, 1 {pack_format = #tpu.pack_format<interleaved>} : vector<32xbf16> -> vector<16xf32>
        %parallel_loop3A_150 = arith.addf %parallel_loop3A_144, %parallel_loop3A_148 : vector<16xf32>
        %parallel_loop3A_151 = arith.constant 2.000000e-01 : f32
        %parallel_loop3A_152 = vector.broadcast %parallel_loop3A_151 : f32 to vector<16xf32>
        %parallel_loop3A_153 = arith.mulf %parallel_loop3A_152, %parallel_loop3A_150 : vector<16xf32>
        %parallel_loop3A_154 = arith.maximumf %parallel_loop3A_150, %parallel_loop3A_153 : vector<16xf32>
        %parallel_loop3A_155 = arith.constant 15 : i32
        %parallel_loop3A_156 = vector.broadcast %parallel_loop3A_155 : i32 to vector<16xi32>
        %parallel_loop3A_157 = tpu.iota {dimensions = array<i32: 0>} : vector<16xi32>
        %parallel_loop3A_158 = arith.subi %parallel_loop3A_156, %parallel_loop3A_157 : vector<16xi32>
        %parallel_loop3A_159 = tpu.dynamic_gather %parallel_loop3A_148[%parallel_loop3A_158] in [0] : vector<16xf32>, vector<16xi32> -> vector<16xf32>
        %parallel_loop3A_160 = arith.subf %parallel_loop3A_154, %parallel_loop3A_159 : vector<16xf32>
        %parallel_loop3A_161 = math.exp %parallel_loop3A_160 : vector<16xf32>
        %parallel_loop3A_162 = arith.index_cast %parallel_loop3A_139 : i32 to index
        %parallel_loop3A_163 = arith.constant 16 : index
        %parallel_loop3A_164 = tpu.vector_load %arg19[%parallel_loop3A_162, %parallel_loop3A_163] {strides = array<i32>} : memref<128x32xf32, #tpu.memory_space<vmem>>, vector<16xf32>,
        tpu.vector_store %arg19[%parallel_loop3A_162, %parallel_loop3A_163], %parallel_loop3A_161 {strides = array<i32>} : memref<128x32xf32, #tpu.memory_space<vmem>>, vector<16xf32>,
        %parallel_loop3A_165 = vector.extract_strided_slice %parallel_loop3A_161 {offsets = [0], sizes = [1], strides = [1]} : vector<16xf32> to vector<1xf32>
        %parallel_loop3A_166 = vector.extract %parallel_loop3A_165[0] : f32 from vector<1xf32>
        %parallel_loop3A_167 = vector.broadcast %parallel_loop3A_166 : f32 to vector<16xf32>
        %parallel_loop3A_168 = arith.mulf %parallel_loop3A_143, %parallel_loop3A_167 : vector<16xf32>
        %parallel_loop3A_169 = arith.index_cast %parallel_loop3A_139 : i32 to index
        %parallel_loop3A_170 = arith.constant 0 : index
        %parallel_loop3A_171 = tpu.vector_load %arg19[%parallel_loop3A_169, %parallel_loop3A_170] {strides = array<i32>} : memref<128x32xf32, #tpu.memory_space<vmem>>, vector<16xf32>,
        tpu.vector_store %arg19[%parallel_loop3A_169, %parallel_loop3A_170], %parallel_loop3A_168 {strides = array<i32>} : memref<128x32xf32, #tpu.memory_space<vmem>>, vector<16xf32>,
      } {sc.loop_unroll_factor = 8 : i64, sc.parallel_access}
      %dma_start3A_101 = arith.constant 0 : i32
      %dma_start3A_102 = arith.constant 0 : i32
      %dma_start3A_103 = tpu.memref_slice %arg8[%dma_start3A_101, %dma_start3A_102] : memref<10112x32xf32, #tpu.memory_space<vmem_shared>> -> memref<10112x32xf32, #tpu.memory_space<vmem_shared>>
      tpu.enqueue_indirect_dma source(%arg19 : memref<128x32xf32, #tpu.memory_space<vmem>>) target(%dma_start3A_103 : memref<10112x32xf32, #tpu.memory_space<vmem_shared>>) offsets(%arg14 : memref<128xi32, #tpu.memory_space<vmem>>) semaphore(%arg24 : memref<!tpu.dma_semaphore, #tpu.memory_space<semaphore_mem>>) {add = true}
      %add3A_104 = arith.constant 2 : i32
      %add3A_105 = arith.addi %add3A_86, %add3A_104 : i32
      %lt3A_106 = arith.constant 80 : i32
      %lt3A_107 = arith.cmpi slt, %add3A_105, %lt3A_106 : i32
      %convert_element_type3A_108 = arith.extui %lt3A_107 : i1 to i32
      %cond3A_109 = arith.constant 0 : i32
      %cond3A_110 = arith.cmpi ne, %convert_element_type3A_108, %cond3A_109 : i32
      scf.if %cond3A_110 {
        %add3A_139 = arith.constant 2 : i32
        %add3A_140 = arith.addi %add3A_86, %add3A_139 : i32
        %mul3A_141 = arith.constant 128 : i32
        %mul3A_142 = arith.muli %add3A_140, %mul3A_141 : i32
        %add3A_143 = arith.addi %mul3A_4, %mul3A_142 : i32
        "tpu.region"() ({
          %run_scoped3A = tpu.sem_alloc : memref<!tpu.dma_semaphore, #tpu.memory_space<semaphore_mem>>
          %dma_start3A_150 = tpu.memref_slice %arg4[%add3A_143] : memref<327680xi32, #tpu.memory_space<hbm>> -> memref<128xi32, #tpu.memory_space<hbm>>
          %dma_start3A_151 = tpu.memref_slice %arg4[%add3A_143] : memref<327680xi32, #tpu.memory_space<hbm>> -> memref<128xi32, #tpu.memory_space<hbm>>
          tpu.enqueue_dma source(%dma_start3A_151 : memref<128xi32, #tpu.memory_space<hbm>>) target(%arg9 : memref<128xi32, #tpu.memory_space<vmem>>) target_semaphore(%run_scoped3A : memref<!tpu.dma_semaphore, #tpu.memory_space<semaphore_mem>>)
          %dma_wait3A_152 = tpu.memref_slice %arg4[%add3A_143] : memref<327680xi32, #tpu.memory_space<hbm>> -> memref<128xi32, #tpu.memory_space<hbm>>
          %dma_wait3A_153 = tpu.memref_slice %arg4[%add3A_143] : memref<327680xi32, #tpu.memory_space<hbm>> -> memref<128xi32, #tpu.memory_space<hbm>>
          tpu.wait_dma2 semaphore(%run_scoped3A : memref<!tpu.dma_semaphore, #tpu.memory_space<semaphore_mem>>) src(%dma_wait3A_153 : memref<128xi32, #tpu.memory_space<hbm>>) dst(%arg9 : memref<128xi32, #tpu.memory_space<vmem>>)
          tpu.yield
        }) : () -> ()
        "tpu.region"() ({
          %run_scoped3A = tpu.sem_alloc : memref<!tpu.dma_semaphore, #tpu.memory_space<semaphore_mem>>
          %dma_start3A_150 = tpu.memref_slice %arg5[%add3A_143] : memref<327680xi32, #tpu.memory_space<hbm>> -> memref<128xi32, #tpu.memory_space<hbm>>
          %dma_start3A_151 = tpu.memref_slice %arg5[%add3A_143] : memref<327680xi32, #tpu.memory_space<hbm>> -> memref<128xi32, #tpu.memory_space<hbm>>
          tpu.enqueue_dma source(%dma_start3A_151 : memref<128xi32, #tpu.memory_space<hbm>>) target(%arg10 : memref<128xi32, #tpu.memory_space<vmem>>) target_semaphore(%run_scoped3A : memref<!tpu.dma_semaphore, #tpu.memory_space<semaphore_mem>>)
          %dma_wait3A_152 = tpu.memref_slice %arg5[%add3A_143] : memref<327680xi32, #tpu.memory_space<hbm>> -> memref<128xi32, #tpu.memory_space<hbm>>
          %dma_wait3A_153 = tpu.memref_slice %arg5[%add3A_143] : memref<327680xi32, #tpu.memory_space<hbm>> -> memref<128xi32, #tpu.memory_space<hbm>>
          tpu.wait_dma2 semaphore(%run_scoped3A : memref<!tpu.dma_semaphore, #tpu.memory_space<semaphore_mem>>) src(%dma_wait3A_153 : memref<128xi32, #tpu.memory_space<hbm>>) dst(%arg10 : memref<128xi32, #tpu.memory_space<vmem>>)
          tpu.yield
        }) : () -> ()
        %dma_start3A_144 = arith.constant 0 : i32
        %dma_start3A_145 = arith.constant 0 : i32
        %dma_start3A_146 = tpu.memref_slice %arg2[%dma_start3A_144, %dma_start3A_145] : memref<10112x32xbf16, #tpu.memory_space<hbm>> -> memref<10112x32xbf16, #tpu.memory_space<hbm>>
        tpu.enqueue_indirect_dma source(%dma_start3A_146 : memref<10112x32xbf16, #tpu.memory_space<hbm>>) target(%arg17 : memref<128x32xbf16, #tpu.memory_space<vmem>>) offsets(%arg9 : memref<128xi32, #tpu.memory_space<vmem>>) semaphore(%arg23 : memref<!tpu.dma_semaphore, #tpu.memory_space<semaphore_mem>>)
        %dma_start3A_147 = arith.constant 0 : i32
        %dma_start3A_148 = arith.constant 0 : i32
        %dma_start3A_149 = tpu.memref_slice %arg3[%dma_start3A_147, %dma_start3A_148] : memref<10112x32xbf16, #tpu.memory_space<hbm>> -> memref<10112x32xbf16, #tpu.memory_space<hbm>>
        tpu.enqueue_indirect_dma source(%dma_start3A_149 : memref<10112x32xbf16, #tpu.memory_space<hbm>>) target(%arg18 : memref<128x32xbf16, #tpu.memory_space<vmem>>) offsets(%arg10 : memref<128xi32, #tpu.memory_space<vmem>>) semaphore(%arg23 : memref<!tpu.dma_semaphore, #tpu.memory_space<semaphore_mem>>)
      } else {
      }
      %mul3A_111 = arith.constant 4 : i32
      %mul3A_112 = arith.muli %scan3A_31, %mul3A_111 : i32
      %add3A_113 = arith.constant 3 : i32
      %add3A_114 = arith.addi %mul3A_112, %add3A_113 : i32
      %ge3A_115 = arith.constant 2 : i32
      %ge3A_116 = arith.cmpi sge, %add3A_114, %ge3A_115 : i32
      %convert_element_type3A_117 = arith.extui %ge3A_116 : i1 to i32
      %cond3A_118 = arith.constant 0 : i32
      %cond3A_119 = arith.cmpi ne, %convert_element_type3A_117, %cond3A_118 : i32
      scf.if %cond3A_119 {
        %dma_wait3A_139 = arith.constant 0 : i32
        %dma_wait3A_140 = arith.constant 0 : i32
        %dma_wait3A_141 = tpu.memref_slice %arg8[%dma_wait3A_139, %dma_wait3A_140] : memref<10112x32xf32, #tpu.memory_space<vmem_shared>> -> memref<10112x32xf32, #tpu.memory_space<vmem_shared>>
        tpu.wait_indirect_dma semaphore(%arg26 : memref<!tpu.dma_semaphore, #tpu.memory_space<semaphore_mem>>) src(%arg22 : memref<128x32xf32, #tpu.memory_space<vmem>>) dst(%dma_wait3A_141 : memref<10112x32xf32, #tpu.memory_space<vmem_shared>>)
      } else {
      }
      %dma_wait3A_120 = arith.constant 0 : i32
      %dma_wait3A_121 = arith.constant 0 : i32
      %dma_wait3A_122 = tpu.memref_slice %arg2[%dma_wait3A_120, %dma_wait3A_121] : memref<10112x32xbf16, #tpu.memory_space<hbm>> -> memref<10112x32xbf16, #tpu.memory_space<hbm>>
      tpu.wait_indirect_dma semaphore(%arg25 : memref<!tpu.dma_semaphore, #tpu.memory_space<semaphore_mem>>) src(%dma_wait3A_122 : memref<10112x32xbf16, #tpu.memory_space<hbm>>) dst(%arg20 : memref<128x32xbf16, #tpu.memory_space<vmem>>)
      %dma_wait3A_123 = arith.constant 0 : i32
      %dma_wait3A_124 = arith.constant 0 : i32
      %dma_wait3A_125 = tpu.memref_slice %arg3[%dma_wait3A_123, %dma_wait3A_124] : memref<10112x32xbf16, #tpu.memory_space<hbm>> -> memref<10112x32xbf16, #tpu.memory_space<hbm>>
      tpu.wait_indirect_dma semaphore(%arg25 : memref<!tpu.dma_semaphore, #tpu.memory_space<semaphore_mem>>) src(%dma_wait3A_125 : memref<10112x32xbf16, #tpu.memory_space<hbm>>) dst(%arg21 : memref<128x32xbf16, #tpu.memory_space<vmem>>)
      %parallel_loop3A_126 = arith.constant 0 : i32
      %parallel_loop3A_127 = arith.constant 128 : i32
      %parallel_loop3A_128 = arith.constant 1 : i32
      scf.for %parallel_loop3A_139 = %parallel_loop3A_126 to %parallel_loop3A_127 step %parallel_loop3A_128  : i32 {
        %parallel_loop3A_140 = arith.index_cast %parallel_loop3A_139 : i32 to index
        %parallel_loop3A_141 = arith.constant 0 : index
        %parallel_loop3A_142 = tpu.vector_load %arg20[%parallel_loop3A_140, %parallel_loop3A_141] {strides = array<i32>} : memref<128x32xbf16, #tpu.memory_space<vmem>>, vector<32xbf16>,
        %parallel_loop3A_143 = tpu.unpack_subelements %parallel_loop3A_142, 0 {pack_format = #tpu.pack_format<interleaved>} : vector<32xbf16> -> vector<16xf32>
        %parallel_loop3A_144 = tpu.unpack_subelements %parallel_loop3A_142, 1 {pack_format = #tpu.pack_format<interleaved>} : vector<32xbf16> -> vector<16xf32>
        %parallel_loop3A_145 = arith.index_cast %parallel_loop3A_139 : i32 to index
        %parallel_loop3A_146 = arith.constant 0 : index
        %parallel_loop3A_147 = tpu.vector_load %arg21[%parallel_loop3A_145, %parallel_loop3A_146] {strides = array<i32>} : memref<128x32xbf16, #tpu.memory_space<vmem>>, vector<32xbf16>,
        %parallel_loop3A_148 = tpu.unpack_subelements %parallel_loop3A_147, 0 {pack_format = #tpu.pack_format<interleaved>} : vector<32xbf16> -> vector<16xf32>
        %parallel_loop3A_149 = tpu.unpack_subelements %parallel_loop3A_147, 1 {pack_format = #tpu.pack_format<interleaved>} : vector<32xbf16> -> vector<16xf32>
        %parallel_loop3A_150 = arith.addf %parallel_loop3A_144, %parallel_loop3A_148 : vector<16xf32>
        %parallel_loop3A_151 = arith.constant 2.000000e-01 : f32
        %parallel_loop3A_152 = vector.broadcast %parallel_loop3A_151 : f32 to vector<16xf32>
        %parallel_loop3A_153 = arith.mulf %parallel_loop3A_152, %parallel_loop3A_150 : vector<16xf32>
        %parallel_loop3A_154 = arith.maximumf %parallel_loop3A_150, %parallel_loop3A_153 : vector<16xf32>
        %parallel_loop3A_155 = arith.constant 15 : i32
        %parallel_loop3A_156 = vector.broadcast %parallel_loop3A_155 : i32 to vector<16xi32>
        %parallel_loop3A_157 = tpu.iota {dimensions = array<i32: 0>} : vector<16xi32>
        %parallel_loop3A_158 = arith.subi %parallel_loop3A_156, %parallel_loop3A_157 : vector<16xi32>
        %parallel_loop3A_159 = tpu.dynamic_gather %parallel_loop3A_148[%parallel_loop3A_158] in [0] : vector<16xf32>, vector<16xi32> -> vector<16xf32>
        %parallel_loop3A_160 = arith.subf %parallel_loop3A_154, %parallel_loop3A_159 : vector<16xf32>
        %parallel_loop3A_161 = math.exp %parallel_loop3A_160 : vector<16xf32>
        %parallel_loop3A_162 = arith.index_cast %parallel_loop3A_139 : i32 to index
        %parallel_loop3A_163 = arith.constant 16 : index
        %parallel_loop3A_164 = tpu.vector_load %arg22[%parallel_loop3A_162, %parallel_loop3A_163] {strides = array<i32>} : memref<128x32xf32, #tpu.memory_space<vmem>>, vector<16xf32>,
        tpu.vector_store %arg22[%parallel_loop3A_162, %parallel_loop3A_163], %parallel_loop3A_161 {strides = array<i32>} : memref<128x32xf32, #tpu.memory_space<vmem>>, vector<16xf32>,
        %parallel_loop3A_165 = vector.extract_strided_slice %parallel_loop3A_161 {offsets = [0], sizes = [1], strides = [1]} : vector<16xf32> to vector<1xf32>
        %parallel_loop3A_166 = vector.extract %parallel_loop3A_165[0] : f32 from vector<1xf32>
        %parallel_loop3A_167 = vector.broadcast %parallel_loop3A_166 : f32 to vector<16xf32>
        %parallel_loop3A_168 = arith.mulf %parallel_loop3A_143, %parallel_loop3A_167 : vector<16xf32>
        %parallel_loop3A_169 = arith.index_cast %parallel_loop3A_139 : i32 to index
        %parallel_loop3A_170 = arith.constant 0 : index
        %parallel_loop3A_171 = tpu.vector_load %arg22[%parallel_loop3A_169, %parallel_loop3A_170] {strides = array<i32>} : memref<128x32xf32, #tpu.memory_space<vmem>>, vector<16xf32>,
        tpu.vector_store %arg22[%parallel_loop3A_169, %parallel_loop3A_170], %parallel_loop3A_168 {strides = array<i32>} : memref<128x32xf32, #tpu.memory_space<vmem>>, vector<16xf32>,
      } {sc.loop_unroll_factor = 8 : i64, sc.parallel_access}
      %dma_start3A_129 = arith.constant 0 : i32
      %dma_start3A_130 = arith.constant 0 : i32
      %dma_start3A_131 = tpu.memref_slice %arg8[%dma_start3A_129, %dma_start3A_130] : memref<10112x32xf32, #tpu.memory_space<vmem_shared>> -> memref<10112x32xf32, #tpu.memory_space<vmem_shared>>
      tpu.enqueue_indirect_dma source(%arg22 : memref<128x32xf32, #tpu.memory_space<vmem>>) target(%dma_start3A_131 : memref<10112x32xf32, #tpu.memory_space<vmem_shared>>) offsets(%arg16 : memref<128xi32, #tpu.memory_space<vmem>>) semaphore(%arg26 : memref<!tpu.dma_semaphore, #tpu.memory_space<semaphore_mem>>) {add = true}
      %add3A_132 = arith.constant 2 : i32
      %add3A_133 = arith.addi %add3A_114, %add3A_132 : i32
      %lt3A_134 = arith.constant 80 : i32
      %lt3A_135 = arith.cmpi slt, %add3A_133, %lt3A_134 : i32
      %convert_element_type3A_136 = arith.extui %lt3A_135 : i1 to i32
      %cond3A_137 = arith.constant 0 : i32
      %cond3A_138 = arith.cmpi ne, %convert_element_type3A_136, %cond3A_137 : i32
      scf.if %cond3A_138 {
        %add3A_139 = arith.constant 2 : i32
        %add3A_140 = arith.addi %add3A_114, %add3A_139 : i32
        %mul3A_141 = arith.constant 128 : i32
        %mul3A_142 = arith.muli %add3A_140, %mul3A_141 : i32
        %add3A_143 = arith.addi %mul3A_4, %mul3A_142 : i32
        "tpu.region"() ({
          %run_scoped3A = tpu.sem_alloc : memref<!tpu.dma_semaphore, #tpu.memory_space<semaphore_mem>>
          %dma_start3A_150 = tpu.memref_slice %arg4[%add3A_143] : memref<327680xi32, #tpu.memory_space<hbm>> -> memref<128xi32, #tpu.memory_space<hbm>>
          %dma_start3A_151 = tpu.memref_slice %arg4[%add3A_143] : memref<327680xi32, #tpu.memory_space<hbm>> -> memref<128xi32, #tpu.memory_space<hbm>>
          tpu.enqueue_dma source(%dma_start3A_151 : memref<128xi32, #tpu.memory_space<hbm>>) target(%arg11 : memref<128xi32, #tpu.memory_space<vmem>>) target_semaphore(%run_scoped3A : memref<!tpu.dma_semaphore, #tpu.memory_space<semaphore_mem>>)
          %dma_wait3A_152 = tpu.memref_slice %arg4[%add3A_143] : memref<327680xi32, #tpu.memory_space<hbm>> -> memref<128xi32, #tpu.memory_space<hbm>>
          %dma_wait3A_153 = tpu.memref_slice %arg4[%add3A_143] : memref<327680xi32, #tpu.memory_space<hbm>> -> memref<128xi32, #tpu.memory_space<hbm>>
          tpu.wait_dma2 semaphore(%run_scoped3A : memref<!tpu.dma_semaphore, #tpu.memory_space<semaphore_mem>>) src(%dma_wait3A_153 : memref<128xi32, #tpu.memory_space<hbm>>) dst(%arg11 : memref<128xi32, #tpu.memory_space<vmem>>)
          tpu.yield
        }) : () -> ()
        "tpu.region"() ({
          %run_scoped3A = tpu.sem_alloc : memref<!tpu.dma_semaphore, #tpu.memory_space<semaphore_mem>>
          %dma_start3A_150 = tpu.memref_slice %arg5[%add3A_143] : memref<327680xi32, #tpu.memory_space<hbm>> -> memref<128xi32, #tpu.memory_space<hbm>>
          %dma_start3A_151 = tpu.memref_slice %arg5[%add3A_143] : memref<327680xi32, #tpu.memory_space<hbm>> -> memref<128xi32, #tpu.memory_space<hbm>>
          tpu.enqueue_dma source(%dma_start3A_151 : memref<128xi32, #tpu.memory_space<hbm>>) target(%arg12 : memref<128xi32, #tpu.memory_space<vmem>>) target_semaphore(%run_scoped3A : memref<!tpu.dma_semaphore, #tpu.memory_space<semaphore_mem>>)
          %dma_wait3A_152 = tpu.memref_slice %arg5[%add3A_143] : memref<327680xi32, #tpu.memory_space<hbm>> -> memref<128xi32, #tpu.memory_space<hbm>>
          %dma_wait3A_153 = tpu.memref_slice %arg5[%add3A_143] : memref<327680xi32, #tpu.memory_space<hbm>> -> memref<128xi32, #tpu.memory_space<hbm>>
          tpu.wait_dma2 semaphore(%run_scoped3A : memref<!tpu.dma_semaphore, #tpu.memory_space<semaphore_mem>>) src(%dma_wait3A_153 : memref<128xi32, #tpu.memory_space<hbm>>) dst(%arg12 : memref<128xi32, #tpu.memory_space<vmem>>)
          tpu.yield
        }) : () -> ()
        %dma_start3A_144 = arith.constant 0 : i32
        %dma_start3A_145 = arith.constant 0 : i32
        %dma_start3A_146 = tpu.memref_slice %arg2[%dma_start3A_144, %dma_start3A_145] : memref<10112x32xbf16, #tpu.memory_space<hbm>> -> memref<10112x32xbf16, #tpu.memory_space<hbm>>
        tpu.enqueue_indirect_dma source(%dma_start3A_146 : memref<10112x32xbf16, #tpu.memory_space<hbm>>) target(%arg20 : memref<128x32xbf16, #tpu.memory_space<vmem>>) offsets(%arg11 : memref<128xi32, #tpu.memory_space<vmem>>) semaphore(%arg25 : memref<!tpu.dma_semaphore, #tpu.memory_space<semaphore_mem>>)
        %dma_start3A_147 = arith.constant 0 : i32
        %dma_start3A_148 = arith.constant 0 : i32
        %dma_start3A_149 = tpu.memref_slice %arg3[%dma_start3A_147, %dma_start3A_148] : memref<10112x32xbf16, #tpu.memory_space<hbm>> -> memref<10112x32xbf16, #tpu.memory_space<hbm>>
        tpu.enqueue_indirect_dma source(%dma_start3A_149 : memref<10112x32xbf16, #tpu.memory_space<hbm>>) target(%arg21 : memref<128x32xbf16, #tpu.memory_space<vmem>>) offsets(%arg12 : memref<128xi32, #tpu.memory_space<vmem>>) semaphore(%arg25 : memref<!tpu.dma_semaphore, #tpu.memory_space<semaphore_mem>>)
      } else {
      }
    }
    %scan3A_24 = arith.constant 20 : i32
    %dma_wait3A = arith.constant 0 : i32
    %dma_wait3A_25 = arith.constant 0 : i32
    %dma_wait3A_26 = tpu.memref_slice %arg8[%dma_wait3A, %dma_wait3A_25] : memref<10112x32xf32, #tpu.memory_space<vmem_shared>> -> memref<10112x32xf32, #tpu.memory_space<vmem_shared>>
    tpu.wait_indirect_dma semaphore(%arg24 : memref<!tpu.dma_semaphore, #tpu.memory_space<semaphore_mem>>) src(%arg19 : memref<128x32xf32, #tpu.memory_space<vmem>>) dst(%dma_wait3A_26 : memref<10112x32xf32, #tpu.memory_space<vmem_shared>>)
    %dma_wait3A_27 = arith.constant 0 : i32
    %dma_wait3A_28 = arith.constant 0 : i32
    %dma_wait3A_29 = tpu.memref_slice %arg8[%dma_wait3A_27, %dma_wait3A_28] : memref<10112x32xf32, #tpu.memory_space<vmem_shared>> -> memref<10112x32xf32, #tpu.memory_space<vmem_shared>>
    tpu.wait_indirect_dma semaphore(%arg26 : memref<!tpu.dma_semaphore, #tpu.memory_space<semaphore_mem>>) src(%arg22 : memref<128x32xf32, #tpu.memory_space<vmem>>) dst(%dma_wait3A_29 : memref<10112x32xf32, #tpu.memory_space<vmem_shared>>)
    %barrier3A_30 = arith.constant 0 : index
    tpu.barrier barrier_id(%barrier3A_30)
    "tpu.region"() ({
      %run_scoped3A = tpu.sem_alloc : memref<!tpu.dma_semaphore, #tpu.memory_space<semaphore_mem>>
      %dma_start3A_31 = arith.constant 0 : i32
      %dma_start3A_32 = tpu.memref_slice %arg7[%arg0, %mul3A_2, %dma_start3A_31] : memref<2x10112x32xf32, #tpu.memory_space<hbm>> -> memref<1x632x32xf32, #tpu.memory_space<hbm>>
      %dma_start3A_33 = tpu.memref_squeeze %dma_start3A_32 : memref<1x632x32xf32, #tpu.memory_space<hbm>> -> memref<632x32xf32, #tpu.memory_space<hbm>>
      %dma_start3A_34 = arith.constant 0 : i32
      %dma_start3A_35 = tpu.memref_slice %arg8[%mul3A_2, %dma_start3A_34] : memref<10112x32xf32, #tpu.memory_space<vmem_shared>> -> memref<632x32xf32, #tpu.memory_space<vmem_shared>>
      tpu.enqueue_dma source(%dma_start3A_35 : memref<632x32xf32, #tpu.memory_space<vmem_shared>>) target(%dma_start3A_33 : memref<632x32xf32, #tpu.memory_space<hbm>>) target_semaphore(%run_scoped3A : memref<!tpu.dma_semaphore, #tpu.memory_space<semaphore_mem>>)
      %dma_wait3A_36 = arith.constant 0 : i32
      %dma_wait3A_37 = tpu.memref_slice %arg7[%arg0, %mul3A_2, %dma_wait3A_36] : memref<2x10112x32xf32, #tpu.memory_space<hbm>> -> memref<1x632x32xf32, #tpu.memory_space<hbm>>
      %dma_wait3A_38 = tpu.memref_squeeze %dma_wait3A_37 : memref<1x632x32xf32, #tpu.memory_space<hbm>> -> memref<632x32xf32, #tpu.memory_space<hbm>>
      %dma_wait3A_39 = arith.constant 0 : i32
      %dma_wait3A_40 = tpu.memref_slice %arg8[%mul3A_2, %dma_wait3A_39] : memref<10112x32xf32, #tpu.memory_space<vmem_shared>> -> memref<632x32xf32, #tpu.memory_space<vmem_shared>>
      tpu.wait_dma2 semaphore(%run_scoped3A : memref<!tpu.dma_semaphore, #tpu.memory_space<semaphore_mem>>) src(%dma_wait3A_40 : memref<632x32xf32, #tpu.memory_space<vmem_shared>>) dst(%dma_wait3A_38 : memref<632x32xf32, #tpu.memory_space<hbm>>)
      tpu.yield
    }) : () -> ()
    return
  }
}

module attributes {stable_mosaic.version = 14 : i64} {
  func.func @_tc1_body(%arg0: i32, %arg1: memref<1264x128xf32, #tpu.memory_space<vmem>>, %arg2: memref<128x128xf32, #tpu.memory_space<vmem>>, %arg3: memref<128x16xf32, #tpu.memory_space<vmem>>, %arg4: memref<128x16xf32, #tpu.memory_space<vmem>>, %arg5: memref<16x16xf32, #tpu.memory_space<vmem>>, %arg6: memref<160x160xf32, #tpu.memory_space<vmem>>, %arg7: memref<1264x160xbf16, #tpu.memory_space<vmem>>, %arg8: memref<1264x16xf32, #tpu.memory_space<vmem>>, %arg9: memref<1264x128xf32, #tpu.memory_space<vmem>>) attributes {dimension_semantics = [#tpu.dimension_semantics<arbitrary>], iteration_bounds = array<i64: 8>, scalar_prefetch = 0 : i64, scratch_operands = 0 : i64, tpu.core_type = #tpu.core_type<tc>, window_params = [{transform_indices = @transform_0, window_bounds = array<i64: 1264, 128>}, {pipeline_mode = #tpu.pipeline_mode<synchronous>, transform_indices = @transform_1, window_bounds = array<i64: 128, 128>}, {pipeline_mode = #tpu.pipeline_mode<synchronous>, transform_indices = @transform_2, window_bounds = array<i64: 128, 16>}, {pipeline_mode = #tpu.pipeline_mode<synchronous>, transform_indices = @transform_3, window_bounds = array<i64: 128, 16>}, {pipeline_mode = #tpu.pipeline_mode<synchronous>, transform_indices = @transform_4, window_bounds = array<i64: 16, 16>}, {pipeline_mode = #tpu.pipeline_mode<synchronous>, transform_indices = @transform_5, window_bounds = array<i64: 160, 160>}, {transform_indices = @transform_6, window_bounds = array<i64: 1264, 160>}, {transform_indices = @transform_7, window_bounds = array<i64: 1264, 16>}, {transform_indices = @transform_8, window_bounds = array<i64: 1264, 128>}]} {
    %get3A = arith.constant 0 : index
    %get3A_0 = arith.constant 0 : index
    %get3A_1 = vector.load %arg1[%get3A, %get3A_0] : memref<1264x128xf32, #tpu.memory_space<vmem>>, vector<1264x128xf32>
    %get3A_2 = arith.constant 0 : index
    %get3A_3 = arith.constant 0 : index
    %get3A_4 = vector.load %arg2[%get3A_2, %get3A_3] : memref<128x128xf32, #tpu.memory_space<vmem>>, vector<128x128xf32>
    %dot_general3A = arith.constant dense<0.000000e+00> : vector<1264x128xf32>
    %dot_general3A_5 = tpu.matmul %get3A_1, %get3A_4, %dot_general3A {dimension_numbers = #tpu.dot_dimension_numbers<[1], [0], [0], [1], [0, 0, 1, 1], [], []>, transpose_lhs_hint = false} : vector<1264x128xf32>, vector<128x128xf32>, vector<1264x128xf32> -> vector<1264x128xf32>
    %get3A_6 = arith.constant 0 : index
    %get3A_7 = arith.constant 0 : index
    %get3A_8 = vector.load %arg3[%get3A_6, %get3A_7] : memref<128x16xf32, #tpu.memory_space<vmem>>, vector<128x16xf32>
    %dot_general3A_9 = arith.constant dense<0.000000e+00> : vector<1264x16xf32>
    %dot_general3A_10 = tpu.matmul %dot_general3A_5, %get3A_8, %dot_general3A_9 {dimension_numbers = #tpu.dot_dimension_numbers<[1], [0], [0], [1], [0, 0, 1, 1], [], []>, transpose_lhs_hint = false} : vector<1264x128xf32>, vector<128x16xf32>, vector<1264x16xf32> -> vector<1264x16xf32>
    %get3A_11 = arith.constant 0 : index
    %get3A_12 = arith.constant 0 : index
    %get3A_13 = vector.load %arg4[%get3A_11, %get3A_12] : memref<128x16xf32, #tpu.memory_space<vmem>>, vector<128x16xf32>
    %dot_general3A_14 = arith.constant dense<0.000000e+00> : vector<1264x16xf32>
    %dot_general3A_15 = tpu.matmul %dot_general3A_5, %get3A_13, %dot_general3A_14 {dimension_numbers = #tpu.dot_dimension_numbers<[1], [0], [0], [1], [0, 0, 1, 1], [], []>, transpose_lhs_hint = false} : vector<1264x128xf32>, vector<128x16xf32>, vector<1264x16xf32> -> vector<1264x16xf32>
    %add3A = arith.addf %dot_general3A_10, %dot_general3A_15 : vector<1264x16xf32>
    %mul3A = arith.constant 2.000000e-01 : f32
    %mul3A_16 = vector.broadcast %mul3A : f32 to vector<1264x16xf32>
    %mul3A_17 = arith.mulf %mul3A_16, %add3A : vector<1264x16xf32>
    %max3A = arith.maximumf %add3A, %mul3A_17 : vector<1264x16xf32>
    %get3A_18 = arith.constant 0 : index
    %get3A_19 = arith.constant 0 : index
    %get3A_20 = vector.load %arg5[%get3A_18, %get3A_19] : memref<16x16xf32, #tpu.memory_space<vmem>>, vector<16x16xf32>
    %dot_general3A_21 = arith.constant dense<0.000000e+00> : vector<1264x16xf32>
    %dot_general3A_22 = tpu.matmul %max3A, %get3A_20, %dot_general3A_21 {dimension_numbers = #tpu.dot_dimension_numbers<[1], [0], [0], [1], [0, 0, 1, 1], [], []>, transpose_lhs_hint = false} : vector<1264x16xf32>, vector<16x16xf32>, vector<1264x16xf32> -> vector<1264x16xf32>
    %add3A_23 = arith.addf %dot_general3A_15, %dot_general3A_22 : vector<1264x16xf32>
    %swap3A = arith.constant 0 : index
    %swap3A_24 = arith.constant 0 : index
    %swap3A_25 = vector.load %arg8[%swap3A, %swap3A_24] : memref<1264x16xf32, #tpu.memory_space<vmem>>, vector<1264x16xf32>
    tpu.vector_store %arg8[%swap3A, %swap3A_24], %add3A_23 {strides = array<i32>} : memref<1264x16xf32, #tpu.memory_space<vmem>>, vector<1264x16xf32>,
    %swap3A_26 = arith.constant 0 : index
    %swap3A_27 = arith.constant 0 : index
    %swap3A_28 = vector.load %arg9[%swap3A_26, %swap3A_27] : memref<1264x128xf32, #tpu.memory_space<vmem>>, vector<1264x128xf32>
    tpu.vector_store %arg9[%swap3A_26, %swap3A_27], %dot_general3A_5 {strides = array<i32>} : memref<1264x128xf32, #tpu.memory_space<vmem>>, vector<1264x128xf32>,
    %broadcast_in_dim3A = arith.constant 0.000000e+00 : f32
    %broadcast_in_dim3A_29 = vector.broadcast %broadcast_in_dim3A : f32 to vector<1264x16xf32>
    %concatenate3A = tpu.concatenate %dot_general3A_5, %dot_general3A_10, %broadcast_in_dim3A_29 in 1 : vector<1264x128xf32>, vector<1264x16xf32>, vector<1264x16xf32> -> vector<1264x160xf32>
    %get3A_30 = arith.constant 0 : index
    %get3A_31 = arith.constant 0 : index
    %get3A_32 = vector.load %arg6[%get3A_30, %get3A_31] : memref<160x160xf32, #tpu.memory_space<vmem>>, vector<160x160xf32>
    %dot_general3A_33 = arith.constant dense<0.000000e+00> : vector<1264x160xf32>
    %dot_general3A_34 = tpu.matmul %concatenate3A, %get3A_32, %dot_general3A_33 {dimension_numbers = #tpu.dot_dimension_numbers<[1], [0], [0], [1], [0, 0, 1, 1], [], []>, transpose_lhs_hint = false} : vector<1264x160xf32>, vector<160x160xf32>, vector<1264x160xf32> -> vector<1264x160xf32>
    %convert_element_type3A = arith.truncf %dot_general3A_34 : vector<1264x160xf32> to vector<1264x160xbf16>
    %swap3A_35 = arith.constant 0 : index
    %swap3A_36 = arith.constant 0 : index
    %swap3A_37 = vector.load %arg7[%swap3A_35, %swap3A_36] : memref<1264x160xbf16, #tpu.memory_space<vmem>>, vector<1264x160xbf16>
    tpu.vector_store %arg7[%swap3A_35, %swap3A_36], %convert_element_type3A {strides = array<i32>} : memref<1264x160xbf16, #tpu.memory_space<vmem>>, vector<1264x160xbf16>,
    return
  }
  func.func @transform_0(%arg0: i32) -> (i32, i32) {
    %c0_i32 = arith.constant 0 : i32
    %c0_i32_0 = arith.constant 0 : i32
    return %arg0, %c0_i32 : i32, i32
  }
  func.func @transform_1(%arg0: i32) -> (i32, i32) {
    %c0_i32 = arith.constant 0 : i32
    %c0_i32_0 = arith.constant 0 : i32
    %c0_i32_1 = arith.constant 0 : i32
    return %c0_i32, %c0_i32_0 : i32, i32
  }
  func.func @transform_2(%arg0: i32) -> (i32, i32) {
    %c0_i32 = arith.constant 0 : i32
    %c0_i32_0 = arith.constant 0 : i32
    %c0_i32_1 = arith.constant 0 : i32
    return %c0_i32, %c0_i32_0 : i32, i32
  }
  func.func @transform_3(%arg0: i32) -> (i32, i32) {
    %c0_i32 = arith.constant 0 : i32
    %c0_i32_0 = arith.constant 0 : i32
    %c0_i32_1 = arith.constant 0 : i32
    return %c0_i32, %c0_i32_0 : i32, i32
  }
  func.func @transform_4(%arg0: i32) -> (i32, i32) {
    %c0_i32 = arith.constant 0 : i32
    %c0_i32_0 = arith.constant 0 : i32
    %c0_i32_1 = arith.constant 0 : i32
    return %c0_i32, %c0_i32_0 : i32, i32
  }
  func.func @transform_5(%arg0: i32) -> (i32, i32) {
    %c0_i32 = arith.constant 0 : i32
    %c0_i32_0 = arith.constant 0 : i32
    %c0_i32_1 = arith.constant 0 : i32
    return %c0_i32, %c0_i32_0 : i32, i32
  }
  func.func @transform_6(%arg0: i32) -> (i32, i32) {
    %c0_i32 = arith.constant 0 : i32
    %c0_i32_0 = arith.constant 0 : i32
    return %arg0, %c0_i32 : i32, i32
  }
  func.func @transform_7(%arg0: i32) -> (i32, i32) {
    %c0_i32 = arith.constant 0 : i32
    %c0_i32_0 = arith.constant 0 : i32
    return %arg0, %c0_i32 : i32, i32
  }
  func.func @transform_8(%arg0: i32) -> (i32, i32) {
    %c0_i32 = arith.constant 0 : i32
    %c0_i32_0 = arith.constant 0 : i32
    return %arg0, %c0_i32 : i32, i32
  }
}

module attributes {stable_mosaic.version = 14 : i64} {
  func.func @_tc2_body(%arg0: i32, %arg1: memref<1x1264x144xf32, #tpu.memory_space<vmem>>, %arg2: memref<1x1264x144xf32, #tpu.memory_space<vmem>>, %arg3: memref<1264x128xf32, #tpu.memory_space<vmem>>, %arg4: memref<1x128xf32, #tpu.memory_space<vmem>>, %arg5: memref<128x16xf32, #tpu.memory_space<vmem>>, %arg6: memref<16x128xf32, #tpu.memory_space<vmem>>, %arg7: memref<16x16xf32, #tpu.memory_space<vmem>>, %arg8: memref<16x16xf32, #tpu.memory_space<vmem>>, %arg9: memref<32x32xf32, #tpu.memory_space<vmem>>, %arg10: memref<1264x32xbf16, #tpu.memory_space<vmem>>, %arg11: memref<1264x32xbf16, #tpu.memory_space<vmem>>, %arg12: memref<1264x16xf32, #tpu.memory_space<vmem>>) attributes {dimension_semantics = [#tpu.dimension_semantics<arbitrary>], iteration_bounds = array<i64: 8>, scalar_prefetch = 0 : i64, scratch_operands = 0 : i64, tpu.core_type = #tpu.core_type<tc>, window_params = [{transform_indices = @transform_0, window_bounds = array<i64: 1, 1264, 144>}, {transform_indices = @transform_1, window_bounds = array<i64: 1, 1264, 144>}, {transform_indices = @transform_2, window_bounds = array<i64: 1264, 128>}, {pipeline_mode = #tpu.pipeline_mode<synchronous>, transform_indices = @transform_3, window_bounds = array<i64: 1, 128>}, {pipeline_mode = #tpu.pipeline_mode<synchronous>, transform_indices = @transform_4, window_bounds = array<i64: 128, 16>}, {pipeline_mode = #tpu.pipeline_mode<synchronous>, transform_indices = @transform_5, window_bounds = array<i64: 16, 128>}, {pipeline_mode = #tpu.pipeline_mode<synchronous>, transform_indices = @transform_6, window_bounds = array<i64: 16, 16>}, {pipeline_mode = #tpu.pipeline_mode<synchronous>, transform_indices = @transform_7, window_bounds = array<i64: 16, 16>}, {pipeline_mode = #tpu.pipeline_mode<synchronous>, transform_indices = @transform_8, window_bounds = array<i64: 32, 32>}, {transform_indices = @transform_9, window_bounds = array<i64: 1264, 32>}, {transform_indices = @transform_10, window_bounds = array<i64: 1264, 32>}, {transform_indices = @transform_11, window_bounds = array<i64: 1264, 16>}]} {
    %get3A = arith.constant 0 : index
    %get3A_0 = arith.constant 0 : index
    %get3A_1 = arith.constant 0 : index
    %get3A_2 = vector.load %arg1[%get3A, %get3A_0, %get3A_1] : memref<1x1264x144xf32, #tpu.memory_space<vmem>>, vector<1x1264x144xf32>
    %get3A_3 = vector.shape_cast %get3A_2 : vector<1x1264x144xf32> to vector<1264x144xf32>
    %get3A_4 = arith.constant 0 : index
    %get3A_5 = arith.constant 0 : index
    %get3A_6 = arith.constant 0 : index
    %get3A_7 = vector.load %arg2[%get3A_4, %get3A_5, %get3A_6] : memref<1x1264x144xf32, #tpu.memory_space<vmem>>, vector<1x1264x144xf32>
    %get3A_8 = vector.shape_cast %get3A_7 : vector<1x1264x144xf32> to vector<1264x144xf32>
    %slice3A = vector.extract_strided_slice %get3A_3 {offsets = [0, 128], sizes = [1264, 16], strides = [1, 1]} : vector<1264x144xf32> to vector<1264x16xf32>
    %add3A = arith.constant 1.000000e+00 : f32
    %add3A_9 = vector.broadcast %add3A : f32 to vector<1264x16xf32>
    %add3A_10 = arith.addf %add3A_9, %slice3A : vector<1264x16xf32>
    %slice3A_11 = vector.extract_strided_slice %get3A_8 {offsets = [0, 128], sizes = [1264, 16], strides = [1, 1]} : vector<1264x144xf32> to vector<1264x16xf32>
    %add3A_12 = arith.addf %add3A_10, %slice3A_11 : vector<1264x16xf32>
    %get3A_13 = arith.constant 0 : index
    %get3A_14 = arith.constant 0 : index
    %get3A_15 = vector.load %arg6[%get3A_13, %get3A_14] : memref<16x128xf32, #tpu.memory_space<vmem>>, vector<16x128xf32>
    %dot_general3A = arith.constant dense<0.000000e+00> : vector<1264x128xf32>
    %dot_general3A_16 = tpu.matmul %add3A_12, %get3A_15, %dot_general3A {dimension_numbers = #tpu.dot_dimension_numbers<[1], [0], [0], [1], [0, 0, 1, 1], [], []>, transpose_lhs_hint = false} : vector<1264x16xf32>, vector<16x128xf32>, vector<1264x128xf32> -> vector<1264x128xf32>
    %get3A_17 = arith.constant 0 : index
    %get3A_18 = arith.constant 0 : index
    %get3A_19 = vector.load %arg3[%get3A_17, %get3A_18] : memref<1264x128xf32, #tpu.memory_space<vmem>>, vector<1264x128xf32>
    %slice3A_20 = vector.extract_strided_slice %get3A_3 {offsets = [0, 0], sizes = [1264, 128], strides = [1, 1]} : vector<1264x144xf32> to vector<1264x128xf32>
    %add3A_21 = arith.addf %get3A_19, %slice3A_20 : vector<1264x128xf32>
    %slice3A_22 = vector.extract_strided_slice %get3A_8 {offsets = [0, 0], sizes = [1264, 128], strides = [1, 1]} : vector<1264x144xf32> to vector<1264x128xf32>
    %add3A_23 = arith.addf %add3A_21, %slice3A_22 : vector<1264x128xf32>
    %add3A_24 = arith.constant 1.000000e-16 : f32
    %add3A_25 = vector.broadcast %add3A_24 : f32 to vector<1264x128xf32>
    %add3A_26 = arith.addf %dot_general3A_16, %add3A_25 : vector<1264x128xf32>
    %div3A = arith.divf %add3A_23, %add3A_26 : vector<1264x128xf32>
    %get3A_27 = arith.constant 0 : index
    %get3A_28 = arith.constant 0 : index
    %get3A_29 = vector.load %arg4[%get3A_27, %get3A_28] : memref<1x128xf32, #tpu.memory_space<vmem>>, vector<1x128xf32>
    %add3A_30 = vector.broadcast %get3A_29 : vector<1x128xf32> to vector<1264x128xf32>
    %add3A_31 = arith.addf %div3A, %add3A_30 : vector<1264x128xf32>
    %gt3A = arith.constant 0.000000e+00 : f32
    %gt3A_32 = vector.broadcast %gt3A : f32 to vector<1264x128xf32>
    %gt3A_33 = arith.cmpf ogt, %add3A_31, %gt3A_32 : vector<1264x128xf32>
    %exp3A = math.exp %add3A_31 : vector<1264x128xf32>
    %sub3A = arith.constant 1.000000e+00 : f32
    %sub3A_34 = vector.broadcast %sub3A : f32 to vector<1264x128xf32>
    %sub3A_35 = arith.subf %exp3A, %sub3A_34 : vector<1264x128xf32>
    %select_n3A = arith.select %gt3A_33, %add3A_31, %sub3A_35 : vector<1264x128xi1>, vector<1264x128xf32>
    %get3A_36 = arith.constant 0 : index
    %get3A_37 = arith.constant 0 : index
    %get3A_38 = vector.load %arg5[%get3A_36, %get3A_37] : memref<128x16xf32, #tpu.memory_space<vmem>>, vector<128x16xf32>
    %dot_general3A_39 = arith.constant dense<0.000000e+00> : vector<1264x16xf32>
    %dot_general3A_40 = tpu.matmul %select_n3A, %get3A_38, %dot_general3A_39 {dimension_numbers = #tpu.dot_dimension_numbers<[1], [0], [0], [1], [0, 0, 1, 1], [], []>, transpose_lhs_hint = false} : vector<1264x128xf32>, vector<128x16xf32>, vector<1264x16xf32> -> vector<1264x16xf32>
    %get3A_41 = arith.constant 0 : index
    %get3A_42 = arith.constant 0 : index
    %get3A_43 = vector.load %arg7[%get3A_41, %get3A_42] : memref<16x16xf32, #tpu.memory_space<vmem>>, vector<16x16xf32>
    %dot_general3A_44 = arith.constant dense<0.000000e+00> : vector<1264x16xf32>
    %dot_general3A_45 = tpu.matmul %dot_general3A_40, %get3A_43, %dot_general3A_44 {dimension_numbers = #tpu.dot_dimension_numbers<[1], [0], [0], [1], [0, 0, 1, 1], [], []>, transpose_lhs_hint = false} : vector<1264x16xf32>, vector<16x16xf32>, vector<1264x16xf32> -> vector<1264x16xf32>
    %get3A_46 = arith.constant 0 : index
    %get3A_47 = arith.constant 0 : index
    %get3A_48 = vector.load %arg8[%get3A_46, %get3A_47] : memref<16x16xf32, #tpu.memory_space<vmem>>, vector<16x16xf32>
    %dot_general3A_49 = arith.constant dense<0.000000e+00> : vector<1264x16xf32>
    %dot_general3A_50 = tpu.matmul %dot_general3A_40, %get3A_48, %dot_general3A_49 {dimension_numbers = #tpu.dot_dimension_numbers<[1], [0], [0], [1], [0, 0, 1, 1], [], []>, transpose_lhs_hint = false} : vector<1264x16xf32>, vector<16x16xf32>, vector<1264x16xf32> -> vector<1264x16xf32>
    %add3A_51 = arith.addf %dot_general3A_45, %dot_general3A_50 : vector<1264x16xf32>
    %mul3A = arith.constant 2.000000e-01 : f32
    %mul3A_52 = vector.broadcast %mul3A : f32 to vector<1264x16xf32>
    %mul3A_53 = arith.mulf %mul3A_52, %add3A_51 : vector<1264x16xf32>
    %max3A = arith.maximumf %add3A_51, %mul3A_53 : vector<1264x16xf32>
    %iota3A = tpu.iota {dimensions = array<i32: 1>} : vector<1264x16xi32>
    %lt3A = arith.constant 8 : i32
    %lt3A_54 = vector.broadcast %lt3A : i32 to vector<1264x16xi32>
    %lt3A_55 = arith.cmpi slt, %iota3A, %lt3A_54 : vector<1264x16xi32>
    %select_n3A_56 = arith.select %lt3A_55, %dot_general3A_50, %max3A : vector<1264x16xi1>, vector<1264x16xf32>
    %concatenate3A = tpu.concatenate %dot_general3A_40, %dot_general3A_45 in 1 : vector<1264x16xf32>, vector<1264x16xf32> -> vector<1264x32xf32>
    %get3A_57 = arith.constant 0 : index
    %get3A_58 = arith.constant 0 : index
    %get3A_59 = vector.load %arg9[%get3A_57, %get3A_58] : memref<32x32xf32, #tpu.memory_space<vmem>>, vector<32x32xf32>
    %dot_general3A_60 = arith.constant dense<0.000000e+00> : vector<1264x32xf32>
    %dot_general3A_61 = tpu.matmul %concatenate3A, %get3A_59, %dot_general3A_60 {dimension_numbers = #tpu.dot_dimension_numbers<[1], [0], [0], [1], [0, 0, 1, 1], [], []>, transpose_lhs_hint = false} : vector<1264x32xf32>, vector<32x32xf32>, vector<1264x32xf32> -> vector<1264x32xf32>
    %convert_element_type3A = arith.truncf %dot_general3A_61 : vector<1264x32xf32> to vector<1264x32xbf16>
    %swap3A = arith.constant 0 : index
    %swap3A_62 = arith.constant 0 : index
    %swap3A_63 = vector.load %arg10[%swap3A, %swap3A_62] : memref<1264x32xbf16, #tpu.memory_space<vmem>>, vector<1264x32xbf16>
    tpu.vector_store %arg10[%swap3A, %swap3A_62], %convert_element_type3A {strides = array<i32>} : memref<1264x32xbf16, #tpu.memory_space<vmem>>, vector<1264x32xbf16>,
    %broadcast_in_dim3A = arith.constant 0.000000e+00 : f32
    %broadcast_in_dim3A_64 = vector.broadcast %broadcast_in_dim3A : f32 to vector<1264x16xf32>
    %concatenate3A_65 = tpu.concatenate %select_n3A_56, %broadcast_in_dim3A_64 in 1 : vector<1264x16xf32>, vector<1264x16xf32> -> vector<1264x32xf32>
    %get3A_66 = arith.constant 0 : index
    %get3A_67 = arith.constant 0 : index
    %get3A_68 = vector.load %arg9[%get3A_66, %get3A_67] : memref<32x32xf32, #tpu.memory_space<vmem>>, vector<32x32xf32>
    %dot_general3A_69 = arith.constant dense<0.000000e+00> : vector<1264x32xf32>
    %dot_general3A_70 = tpu.matmul %concatenate3A_65, %get3A_68, %dot_general3A_69 {dimension_numbers = #tpu.dot_dimension_numbers<[1], [0], [0], [1], [0, 0, 1, 1], [], []>, transpose_lhs_hint = false} : vector<1264x32xf32>, vector<32x32xf32>, vector<1264x32xf32> -> vector<1264x32xf32>
    %convert_element_type3A_71 = arith.truncf %dot_general3A_70 : vector<1264x32xf32> to vector<1264x32xbf16>
    %swap3A_72 = arith.constant 0 : index
    %swap3A_73 = arith.constant 0 : index
    %swap3A_74 = vector.load %arg11[%swap3A_72, %swap3A_73] : memref<1264x32xbf16, #tpu.memory_space<vmem>>, vector<1264x32xbf16>
    tpu.vector_store %arg11[%swap3A_72, %swap3A_73], %convert_element_type3A_71 {strides = array<i32>} : memref<1264x32xbf16, #tpu.memory_space<vmem>>, vector<1264x32xbf16>,
    %swap3A_75 = arith.constant 0 : index
    %swap3A_76 = arith.constant 0 : index
    %swap3A_77 = vector.load %arg12[%swap3A_75, %swap3A_76] : memref<1264x16xf32, #tpu.memory_space<vmem>>, vector<1264x16xf32>
    tpu.vector_store %arg12[%swap3A_75, %swap3A_76], %dot_general3A_40 {strides = array<i32>} : memref<1264x16xf32, #tpu.memory_space<vmem>>, vector<1264x16xf32>,
    return
  }
  func.func @transform_0(%arg0: i32) -> (i32, i32, i32) {
    %c0_i32 = arith.constant 0 : i32
    %c0_i32_0 = arith.constant 0 : i32
    %c0_i32_1 = arith.constant 0 : i32
    return %c0_i32, %arg0, %c0_i32_0 : i32, i32, i32
  }
  func.func @transform_1(%arg0: i32) -> (i32, i32, i32) {
    %c1_i32 = arith.constant 1 : i32
    %c0_i32 = arith.constant 0 : i32
    %c0_i32_0 = arith.constant 0 : i32
    return %c1_i32, %arg0, %c0_i32 : i32, i32, i32
  }
  func.func @transform_2(%arg0: i32) -> (i32, i32) {
    %c0_i32 = arith.constant 0 : i32
    %c0_i32_0 = arith.constant 0 : i32
    return %arg0, %c0_i32 : i32, i32
  }
  func.func @transform_3(%arg0: i32) -> (i32, i32) {
    %c0_i32 = arith.constant 0 : i32
    %c0_i32_0 = arith.constant 0 : i32
    %c0_i32_1 = arith.constant 0 : i32
    return %c0_i32, %c0_i32_0 : i32, i32
  }
  func.func @transform_4(%arg0: i32) -> (i32, i32) {
    %c0_i32 = arith.constant 0 : i32
    %c0_i32_0 = arith.constant 0 : i32
    %c0_i32_1 = arith.constant 0 : i32
    return %c0_i32, %c0_i32_0 : i32, i32
  }
  func.func @transform_5(%arg0: i32) -> (i32, i32) {
    %c0_i32 = arith.constant 0 : i32
    %c0_i32_0 = arith.constant 0 : i32
    %c0_i32_1 = arith.constant 0 : i32
    return %c0_i32, %c0_i32_0 : i32, i32
  }
  func.func @transform_6(%arg0: i32) -> (i32, i32) {
    %c0_i32 = arith.constant 0 : i32
    %c0_i32_0 = arith.constant 0 : i32
    %c0_i32_1 = arith.constant 0 : i32
    return %c0_i32, %c0_i32_0 : i32, i32
  }
  func.func @transform_7(%arg0: i32) -> (i32, i32) {
    %c0_i32 = arith.constant 0 : i32
    %c0_i32_0 = arith.constant 0 : i32
    %c0_i32_1 = arith.constant 0 : i32
    return %c0_i32, %c0_i32_0 : i32, i32
  }
  func.func @transform_8(%arg0: i32) -> (i32, i32) {
    %c0_i32 = arith.constant 0 : i32
    %c0_i32_0 = arith.constant 0 : i32
    %c0_i32_1 = arith.constant 0 : i32
    return %c0_i32, %c0_i32_0 : i32, i32
  }
  func.func @transform_9(%arg0: i32) -> (i32, i32) {
    %c0_i32 = arith.constant 0 : i32
    %c0_i32_0 = arith.constant 0 : i32
    return %arg0, %c0_i32 : i32, i32
  }
  func.func @transform_10(%arg0: i32) -> (i32, i32) {
    %c0_i32 = arith.constant 0 : i32
    %c0_i32_0 = arith.constant 0 : i32
    return %arg0, %c0_i32 : i32, i32
  }
  func.func @transform_11(%arg0: i32) -> (i32, i32) {
    %c0_i32 = arith.constant 0 : i32
    %c0_i32_0 = arith.constant 0 : i32
    return %arg0, %c0_i32 : i32, i32
  }
}

module attributes {stable_mosaic.version = 14 : i64} {
  func.func @_tc3_body(%arg0: i32, %arg1: memref<1x632x32xf32, #tpu.memory_space<vmem>>, %arg2: memref<1x632x32xf32, #tpu.memory_space<vmem>>, %arg3: memref<632x16xf32, #tpu.memory_space<vmem>>, %arg4: memref<1x16xf32, #tpu.memory_space<vmem>>, %arg5: memref<16x16xf32, #tpu.memory_space<vmem>>, %arg6: memref<632x16xf32, #tpu.memory_space<vmem>>) attributes {dimension_semantics = [#tpu.dimension_semantics<arbitrary>], iteration_bounds = array<i64: 16>, scalar_prefetch = 0 : i64, scratch_operands = 0 : i64, tpu.core_type = #tpu.core_type<tc>, window_params = [{transform_indices = @transform_0, window_bounds = array<i64: 1, 632, 32>}, {transform_indices = @transform_1, window_bounds = array<i64: 1, 632, 32>}, {transform_indices = @transform_2, window_bounds = array<i64: 632, 16>}, {pipeline_mode = #tpu.pipeline_mode<synchronous>, transform_indices = @transform_3, window_bounds = array<i64: 1, 16>}, {pipeline_mode = #tpu.pipeline_mode<synchronous>, transform_indices = @transform_4, window_bounds = array<i64: 16, 16>}, {transform_indices = @transform_5, window_bounds = array<i64: 632, 16>}]} {
    %get3A = arith.constant 0 : index
    %get3A_0 = arith.constant 0 : index
    %get3A_1 = arith.constant 0 : index
    %get3A_2 = vector.load %arg1[%get3A, %get3A_0, %get3A_1] : memref<1x632x32xf32, #tpu.memory_space<vmem>>, vector<1x632x32xf32>
    %get3A_3 = vector.shape_cast %get3A_2 : vector<1x632x32xf32> to vector<632x32xf32>
    %get3A_4 = arith.constant 0 : index
    %get3A_5 = arith.constant 0 : index
    %get3A_6 = arith.constant 0 : index
    %get3A_7 = vector.load %arg2[%get3A_4, %get3A_5, %get3A_6] : memref<1x632x32xf32, #tpu.memory_space<vmem>>, vector<1x632x32xf32>
    %get3A_8 = vector.shape_cast %get3A_7 : vector<1x632x32xf32> to vector<632x32xf32>
    %slice3A = vector.extract_strided_slice %get3A_3 {offsets = [0, 16], sizes = [632, 16], strides = [1, 1]} : vector<632x32xf32> to vector<632x16xf32>
    %slice3A_9 = vector.extract_strided_slice %get3A_8 {offsets = [0, 16], sizes = [632, 16], strides = [1, 1]} : vector<632x32xf32> to vector<632x16xf32>
    %add3A = arith.addf %slice3A, %slice3A_9 : vector<632x16xf32>
    %get3A_10 = arith.constant 0 : index
    %get3A_11 = arith.constant 0 : index
    %get3A_12 = vector.load %arg5[%get3A_10, %get3A_11] : memref<16x16xf32, #tpu.memory_space<vmem>>, vector<16x16xf32>
    %dot_general3A = arith.constant dense<0.000000e+00> : vector<632x16xf32>
    %dot_general3A_13 = tpu.matmul %add3A, %get3A_12, %dot_general3A {dimension_numbers = #tpu.dot_dimension_numbers<[1], [0], [0], [1], [0, 0, 1, 1], [], []>, transpose_lhs_hint = false} : vector<632x16xf32>, vector<16x16xf32>, vector<632x16xf32> -> vector<632x16xf32>
    %get3A_14 = arith.constant 0 : index
    %get3A_15 = arith.constant 0 : index
    %get3A_16 = vector.load %arg3[%get3A_14, %get3A_15] : memref<632x16xf32, #tpu.memory_space<vmem>>, vector<632x16xf32>
    %slice3A_17 = vector.extract_strided_slice %get3A_3 {offsets = [0, 0], sizes = [632, 16], strides = [1, 1]} : vector<632x32xf32> to vector<632x16xf32>
    %add3A_18 = arith.addf %get3A_16, %slice3A_17 : vector<632x16xf32>
    %slice3A_19 = vector.extract_strided_slice %get3A_8 {offsets = [0, 0], sizes = [632, 16], strides = [1, 1]} : vector<632x32xf32> to vector<632x16xf32>
    %add3A_20 = arith.addf %add3A_18, %slice3A_19 : vector<632x16xf32>
    %add3A_21 = arith.constant 1.000000e+00 : f32
    %add3A_22 = vector.broadcast %add3A_21 : f32 to vector<632x16xf32>
    %add3A_23 = arith.addf %add3A_22, %dot_general3A_13 : vector<632x16xf32>
    %add3A_24 = arith.constant 1.000000e-16 : f32
    %add3A_25 = vector.broadcast %add3A_24 : f32 to vector<632x16xf32>
    %add3A_26 = arith.addf %add3A_23, %add3A_25 : vector<632x16xf32>
    %div3A = arith.divf %add3A_20, %add3A_26 : vector<632x16xf32>
    %get3A_27 = arith.constant 0 : index
    %get3A_28 = arith.constant 0 : index
    %get3A_29 = vector.load %arg4[%get3A_27, %get3A_28] : memref<1x16xf32, #tpu.memory_space<vmem>>, vector<1x16xf32>
    %add3A_30 = vector.broadcast %get3A_29 : vector<1x16xf32> to vector<632x16xf32>
    %add3A_31 = arith.addf %div3A, %add3A_30 : vector<632x16xf32>
    %reduce_max3A = arith.constant dense<0xFF800000> : vector<632xf32>
    %reduce_max3A_32 = vector.multi_reduction <maximumf>, %add3A_31, %reduce_max3A [1] : vector<632x16xf32> to vector<632xf32>
    %broadcast_in_dim3A = vector.shape_cast %reduce_max3A_32 : vector<632xf32> to vector<632x1xf32>
    %sub3A = vector.broadcast %broadcast_in_dim3A : vector<632x1xf32> to vector<632x16xf32>
    %sub3A_33 = arith.subf %add3A_31, %sub3A : vector<632x16xf32>
    %exp3A = math.exp %sub3A_33 : vector<632x16xf32>
    %reduce_sum3A = arith.constant dense<0.000000e+00> : vector<632xf32>
    %reduce_sum3A_34 = vector.multi_reduction <add>, %exp3A, %reduce_sum3A [1] : vector<632x16xf32> to vector<632xf32>
    %broadcast_in_dim3A_35 = vector.shape_cast %reduce_sum3A_34 : vector<632xf32> to vector<632x1xf32>
    %sub3A_36 = vector.broadcast %broadcast_in_dim3A : vector<632x1xf32> to vector<632x16xf32>
    %sub3A_37 = arith.subf %add3A_31, %sub3A_36 : vector<632x16xf32>
    %log3A = math.log %broadcast_in_dim3A_35 : vector<632x1xf32>
    %sub3A_38 = vector.broadcast %log3A : vector<632x1xf32> to vector<632x16xf32>
    %sub3A_39 = arith.subf %sub3A_37, %sub3A_38 : vector<632x16xf32>
    %swap3A = arith.constant 0 : index
    %swap3A_40 = arith.constant 0 : index
    %swap3A_41 = vector.load %arg6[%swap3A, %swap3A_40] : memref<632x16xf32, #tpu.memory_space<vmem>>, vector<632x16xf32>
    tpu.vector_store %arg6[%swap3A, %swap3A_40], %sub3A_39 {strides = array<i32>} : memref<632x16xf32, #tpu.memory_space<vmem>>, vector<632x16xf32>,
    return
  }
  func.func @transform_0(%arg0: i32) -> (i32, i32, i32) {
    %c0_i32 = arith.constant 0 : i32
    %c0_i32_0 = arith.constant 0 : i32
    %c0_i32_1 = arith.constant 0 : i32
    return %c0_i32, %arg0, %c0_i32_0 : i32, i32, i32
  }
  func.func @transform_1(%arg0: i32) -> (i32, i32, i32) {
    %c1_i32 = arith.constant 1 : i32
    %c0_i32 = arith.constant 0 : i32
    %c0_i32_0 = arith.constant 0 : i32
    return %c1_i32, %arg0, %c0_i32 : i32, i32, i32
  }
  func.func @transform_2(%arg0: i32) -> (i32, i32) {
    %c0_i32 = arith.constant 0 : i32
    %c0_i32_0 = arith.constant 0 : i32
    return %arg0, %c0_i32 : i32, i32
  }
  func.func @transform_3(%arg0: i32) -> (i32, i32) {
    %c0_i32 = arith.constant 0 : i32
    %c0_i32_0 = arith.constant 0 : i32
    %c0_i32_1 = arith.constant 0 : i32
    return %c0_i32, %c0_i32_0 : i32, i32
  }
  func.func @transform_4(%arg0: i32) -> (i32, i32) {
    %c0_i32 = arith.constant 0 : i32
    %c0_i32_0 = arith.constant 0 : i32
    %c0_i32_1 = arith.constant 0 : i32
    return %c0_i32, %c0_i32_0 : i32, i32
  }
  func.func @transform_5(%arg0: i32) -> (i32, i32) {
    %c0_i32 = arith.constant 0 : i32
    %c0_i32_0 = arith.constant 0 : i32
    return %arg0, %c0_i32 : i32, i32
  }
}

</mosaic_0001>

<sc_bundles>
// kernel: kernel.10.cloned.1.call-start
scs
__scs_entry_jumppad:
0x0: {  	(pc) =	sbr.rel $0x88, $3  }
0x1: {  	(tag) =	ssettag $0x0;
	lr =	simm.s32 $0x1  }
0x2: {  	[smem:$0x3F97] =	sst lr;
	_ =	strace $0xD0000000  }
0x3: {  	_ = 	snop  }
0x4: {  	_ = 	snop  }
0x5: {  	_ = 	snop  }
0x6: {  	_ = 	snop  }
0x7: {  	_ = 	snop  }
__scs_overlays_trampoline_lowered:
0x8: {  	[smem:$0x3FA6] =	sst s0  }
0x9: {  	[smem:$0x3FA7] =	sst s1  }
0xa: {  	[smem:$0x3FA8] =	sst s2  }
0xb: {  	[smem:$0x3FA9] =	sst s3  }
0xc: {  	[smem:$0x3FAA] =	sst s4  }
0xd: {  	[smem:$0x3FAB] =	sst s5  }
0xe: {  	[smem:$0x3FAC] =	sst s6  }
0xf: {  	[smem:$0x3FAD] =	sst s7  }
0x10: {  	[smem:$0x3FAE] =	sst s8  }
0x11: {  	[smem:$0x3FAF] =	sst s9;
	s0 =	simm.s32 @!p0 $0x0  }
0x12: {  	s1 =	sld [smem:$0x3F95];
	s0 =	simm.s32 @p0 $0x1  }
0x13: {  	[smem:$0x3FB0] =	sst s0;
	s0 =	simm.s32 @!p1 $0x0  }
0x14: {  	s2 =	sld [smem:$0x3F94];
	s0 =	simm.s32 @p1 $0x1  }
0x15: {  	[smem:$0x3FB1] =	sst s0;
	s0 =	simm.s32 @!p2 $0x0  }
0x16: {  	s3 =	sld [smem:$0x3FDB];
	s0 =	simm.s32 @p2 $0x1  }
0x17: {  	s4 =	simm.s32 $0x1BF5;
	[smem:$0x3FB3] =	sst s0  }
0x18: {  	s0 =	sld [smem:$0x3F96];
	_ =	swait.ge [sflag:s4], $0x0  }
0x19: {  	s7 =	sld [smem:$0x3F97]  }
0x1a: {  	s8 =	sadd.s32 $0xFFFFE003, lr  }
0x1b: {  	s9 =	sadd.s32 $0xFFFFFEF7, lr;
	s5 =	simm.s32 $0xFFFFFFFF;
	p2 =	slt.u32 s8, $0xFFFFF086  }
0x1c: {  	p1 =	slt.u32 s9, $0xF7A;
	s5 =	simm.s32 @!p2 $0x0  }
0x1d: {  	s5 =	simm.s32 @p1 $0x1;
	p0 =	seq.s32 s7, s2  }
0x1e: {  	s7 =	smul.u32 @!p0 $0xF7A, s2;
	p2 =	seq.s32 @!p0 s5, $0x0  }
0x1f: {  	s9 =	smul.u32 $0xF7A, s1;
	s8 =	simm.s32 @!p0 $0x1BF5;
	p2 =	por !p2, p0  }
0x20: {  	[sflag:s8] =	ssyncset.s32 @!p0 $0xFFFFF086;
	s6 =	sadd.s32 @!p0 s3, s7;
	s7 =	simm.s32 @!p0 $0x108  }
0x21: {  	s3 =	sadd.s32 s3, s9;
	s6 =	sadd.s32 @!p0 $0x88, s6;
	s7 =	simm.s32 @p2 $0x1082  }
0x22: {  	[simem:s7], [sflag:s8] =	dma.local @!p0 [hbm:s6], $0xF7A  }
0x23: {  	s9 =	sor.u32 $0xD0000000, s2;
	s6 =	simm.s32 $0x108;
	_ =	swait.ge @!p0 [sflag:s8], $0x0  }
0x24: {  	s3 =	sadd.s32 $0x88, s3;
	s6 =	simm.s32 @!p1 $0x1082;
	[sflag:s4] =	ssyncset.s32 $0xFFFFF086  }
0x25: {  	[simem:s6], [sflag:s4] =	dma.local [hbm:s3], $0xF7A  }
0x26: {  	[smem:$0x3F97] =	sst s1;
	(tag) =	ssettag s2;
	_ =	strace s9  }
0x27: {  	s1 =	sld [smem:$0x3FA7]  }
0x28: {  	s2 =	sld [smem:$0x3FA8]  }
0x29: {  	s4 =	sld [smem:$0x3FAA]  }
0x2a: {  	p0 =	seq.s32 s5, $0x0;
	s5 =	sld [smem:$0x3FAB]  }
0x2b: {  	s6 =	sld [smem:$0x3FAC]  }
0x2c: {  	s7 =	sld [smem:$0x3FAD]  }
0x2d: {  	s3 =	simm.s32 $0x108;
	s8 =	sld [smem:$0x3FAE]  }
0x2e: {  	s3 =	simm.s32 @!p0 $0x1082;
	s9 =	sld [smem:$0x3FAF]  }
0x2f: {  	lr =	sadd.s32 s0, s3;
	s0 =	sld [smem:$0x3FA6]  }
0x30: {  	s3 =	sld [smem:$0x3FA9]  }
0x31: {  	[smem:$0x3FB2] =	sst s10  }
0x32: {  	s10 =	sld [smem:$0x3FB0];
	_ =	sdelay $0x3  }
0x33: {  	p0 =	seq.s32 s10, $0x1;
	s10 =	sld [smem:$0x3FB2];
	_ =	sdelay $0x3  }
0x34: {  	[smem:$0x3FB2] =	sst s10  }
0x35: {  	s10 =	sld [smem:$0x3FB1];
	_ =	sdelay $0x3  }
0x36: {  	p1 =	seq.s32 s10, $0x1;
	s10 =	sld [smem:$0x3FB2];
	_ =	sdelay $0x3  }
0x37: {  	[smem:$0x3FB2] =	sst s10  }
0x38: {  	s10 =	sld [smem:$0x3FB3]  }
0x39: {  	_ = 	snop;
	(pc) =	sbr.ind lr, $3  }
0x3a: {  	_ = 	snop  }
0x3b: {  	_ = 	snop  }
0x3c: {  	p2 =	seq.s32 s10, $0x1;
	s10 =	sld [smem:$0x3FB2]  }
0x3d: {  	_ =	shalt  }
0x3e: {  	_ =	shalt  }
0x3f: {  	_ =	shalt  }
0x40: {  	_ =	shalt  }
0x41: {  	_ =	shalt  }
0x42: {  	_ =	shalt  }
0x43: {  	_ =	shalt  }
0x44: {  	_ =	shalt  }
0x45: {  	_ =	shalt  }
0x46: {  	_ =	shalt  }
0x47: {  	_ =	shalt  }
0x48: {  	_ =	shalt  }
0x49: {  	_ =	shalt  }
0x4a: {  	_ =	shalt  }
0x4b: {  	_ =	shalt  }
0x4c: {  	_ =	shalt  }
0x4d: {  	_ =	shalt  }
0x4e: {  	_ =	shalt  }
0x4f: {  	_ =	shalt  }
0x50: {  	_ =	shalt  }
0x51: {  	_ =	shalt  }
0x52: {  	_ =	shalt  }
0x53: {  	_ =	shalt  }
0x54: {  	_ =	shalt  }
0x55: {  	_ =	shalt  }
0x56: {  	_ =	shalt  }
0x57: {  	_ =	shalt  }
0x58: {  	_ =	shalt  }
0x59: {  	_ =	shalt  }
0x5a: {  	_ =	shalt  }
0x5b: {  	_ =	shalt  }
0x5c: {  	_ =	shalt  }
0x5d: {  	_ =	shalt  }
0x5e: {  	_ =	shalt  }
0x5f: {  	_ =	shalt  }
0x60: {  	_ =	shalt  }
0x61: {  	_ =	shalt  }
0x62: {  	_ =	shalt  }
0x63: {  	_ =	shalt  }
0x64: {  	_ =	shalt  }
0x65: {  	_ =	shalt  }
0x66: {  	_ =	shalt  }
0x67: {  	_ =	shalt  }
0x68: {  	_ =	shalt  }
0x69: {  	_ =	shalt  }
0x6a: {  	_ =	shalt  }
0x6b: {  	_ =	shalt  }
0x6c: {  	_ =	shalt  }
0x6d: {  	_ =	shalt  }
0x6e: {  	_ =	shalt  }
0x6f: {  	_ =	shalt  }
0x70: {  	_ =	shalt  }
0x71: {  	_ =	shalt  }
0x72: {  	_ =	shalt  }
0x73: {  	_ =	shalt  }
0x74: {  	_ =	shalt  }
0x75: {  	_ =	shalt  }
0x76: {  	_ =	shalt  }
0x77: {  	_ =	shalt  }
0x78: {  	_ =	shalt  }
0x79: {  	_ =	shalt  }
0x7a: {  	_ =	shalt  }
0x7b: {  	_ =	shalt  }
0x7c: {  	_ =	shalt  }
0x7d: {  	_ =	shalt  }
0x7e: {  	_ =	shalt  }
0x7f: {  	_ =	shalt  }
0x80: {  	_ =	shalt  }
0x81: {  	_ =	shalt  }
0x82: {  	_ =	shalt  }
0x83: {  	_ =	shalt  }
0x84: {  	_ =	shalt  }
0x85: {  	_ =	shalt  }
0x86: {  	_ =	shalt  }
0x87: {  	_ =	shalt  }
.Lfunc_end0:
.L_simem_size_0:
called_computation.1_lowered:
.L_overlay_start_0:
0x88: {  	s2 =	sld [smem:$0x3FD9]  }
0x89: {  	s3 =	sld [smem:$0x3FFE];
	_ =	sdelay $0x1  }
0x8a: {  	s1 =	srdreg.scid  }
0x8b: {  	s0 =	sand.u32 $0x1, s1  }
0x8c: {  	s17 =	sshll.u32 s0, $0xA;
	s2 =	sadd.s32 s3, s2  }
0x8d: {  	s2 =	sadd.s32 s2, s17  }
0x8e: {  	[smem:$0x3FBE] =	sst s2  }
0x8f: {  	_ = 	snop  }
0x90: {  	s2 =	sld [smem:$0x3FD0];
	(tm) =	ssettm $0x1  }
0x91: {  	s18 =	sld [smem:$0x3FFB];
	_ =	sdelay $0x3  }
0x92: {  	_ =	strace s18  }
0x93: {  	s3 =	sld [smem:$0x3FFC];
	_ =	sdelay $0x3  }
0x94: {  	_ =	strace s3  }
0x95: {  	s3 =	sld [smem:$0x3FFD];
	_ =	sdelay $0x3  }
0x96: {  	_ =	strace s3  }
0x97: {  	_ =	strace $0x8FFFFFFF  }
0x98: {  	s19 =	sld [smem:$0x3FDB];
	_ =	sdelay $0x1  }
0x99: {  	s4 =	simm.s32 $_scs_section_size  }
0x9a: {  	s5 =	simm.s32 $_size__tile_overlayer_lowered;
	s6 =	simm.s32 $_tile_overlayer_lowered  }
0x9b: {  	s22 =	simm.s32 $0x1BFF;
	s21 =	sshll.u32 s6, $0x1;
	s3 =	sadd.s32 s4, s19  }
0x9c: {  	s7 =	simm.s32 $0x0;
	s20 =	sshll.u32 s5, $0x1;
	s5 =	sadd.s32 s21, s3  }
0x9d: {  	[timem:s7], [sflag:s22] =	dma.local [hbm:s5], s20  }
0x9e: {  	_ =	swait.ge [sflag:s22], s20  }
0x9f: {  	s4 =	ssub.s32 $0x0, s20;
	[sflag:s22] =	ssyncset.done $0x0  }
0xa0: {  	[sflag:s22] =	ssyncadd.s32 s4;
	_ =	sdelay $0x1  }
0xa1: {  	s23 =	simm.s32 $0x1B8B  }
0xa2: {  	_ =	swait.ge [sflag:s23], $0x1  }
0xa3: {  	[sflag:s23] =	ssyncset.done $0x0  }
0xa4: {  	s25 =	simm.s32 $0x1B8E;
	s24 =	sld [smem:$0x3FFE];
	[sflag:s23] =	ssyncadd.s32 $0xFFFFFFFF  }
0xa5: {  	s26 =	simm.s32 $execute0_lowered;
	[smem:$0x3FD2] =	sst s25  }
0xa6: {  	s5 =	sshll.u32 s26, $0x1;
	_ =	strace $0x80000049;
	[dreg:$0x1] =	wrdreg $0xFFFFFFFF  }
0xa7: {  	s28 =	simm.s32 $_size_execute0_lowered;
	s3 =	sadd.s32 s3, s5;
	[dreg:$0x0] =	wrdreg $0x0  }
0xa8: {  	s5 =	sshll.u32 s28, $0x1;
	[dreg:$0x2] =	wrdreg s3  }
0xa9: {  	[dreg:$0x3] =	wrdreg s5  }
0xaa: {  	[dreg:$0x4] =	wrdreg $0xC0  }
0xab: {  	_ =	task [dreg:s7], $0x5FFFF  }
0xac: {  	[dreg:$0x1] =	wrdreg $0xFFFFFFFF  }
0xad: {  	[dreg:$0x0] =	wrdreg $0x60  }
0xae: {  	[dreg:$0x2] =	wrdreg s2  }
0xaf: {  	[dreg:$0x3] =	wrdreg s24  }
0xb0: {  	[dreg:$0x4] =	wrdreg $0x0  }
0xb1: {  	[dreg:$0x5] =	wrdreg $0x9  }
0xb2: {  	_ =	task.clear_ibuf [dreg:s7], $0x6FFFF;
	_ =	strace $0x90000049  }
0xb3: {  	s29 =	simm.s32 $0x9;
	_ =	strace $0x8000004B  }
0xb4: {  	_ =	swait.ge [sflag:s29], $0x1  }
0xb5: {  	[sflag:s29] =	ssyncadd.s32 $0xFFFFFFFF  }
0xb6: {  	_ =	strace $0x9000004B  }
0xb7: {  	_ =	sfence  }
0xb8: {  	s30 =	sld [smem:$0x0];
	_ =	sdelay $0x2  }
0xb9: {  	s31 =	sshll.u32 s1, $0xD;
	s1 =	sshrl.u32 s1, $0x2  }
0xba: {  	s3 =	sand.u32 $0x4000, s31;
	s1 =	sadd.s32 s1, s30  }
0xbb: {  	s0 =	sor.u32 s3, s0;
	s1 =	sshll.u32 s1, $0x11  }
0xbc: {  	s0 =	sor.u32 s1, s0  }
0xbd: {  	s0 =	sadd.s32 $0x8F2B, s0  }
0xbe: {  	[sflag:s0] =	ssyncadd.remote.s32 $0x1  }
0xbf: {  	_ =	sfence.sel $0xFFFF  }
0xc0: {  	[dreg:$0x0] =	wrdreg $0xFFFFFFFF;
	(pc) =	sbr.abs _section_cstart, $3  }
0xc1: {  	[dreg:$0x1] =	wrdreg $0xFFFFFFFF  }
0xc2: {  	_ =	task.clear_ibuf [dreg:s7], $0x2FFFF;
	_ =	strace $0x9FFFFFFF  }
0xc3: {  	(tm) =	ssettm $0x7FFFFFFF  }
tec
execute0_lowered:
.L_overlay_start_1:
0x0: {  	(tag) =	ssettag $0x1  }
0x1: {  	s1 =	rddreg [dreg:$0x0]  }
0x2: {  	s0 =	rddreg [dreg:$0x1]  }
0x3: {  	s2 =	rddreg [dreg:$0x2]  }
0x4: {  	s4 =	simm.s32 $0x0;
	s3 =	srdreg.scid;
	s11 =	stileid.u32  }
0x5: {  	s28 =	simm.s32 $0x5080;
	s29 =	simm.s32 $0x7300;
	s30 =	simm.s32 $0x7B00  }
0x6: {  	s31 =	simm.s32 $0x1;
	s12 =	simm.s32 $0x2;
	s13 =	simm.s32 $0x4  }
0x7: {  	s15 =	simm.s32 $0x0;
	[smem:$0x7FF] =	sst s4;
	s3 =	sand.u32 $0x1, s3  }
0x8: {  	s8 =	smul.u32 $0x4F00, s11;
	s5 =	sadd.s32 $0x1400, s0;
	s6 =	sadd.s32 $0x24000, s0  }
0x9: {  	s7 =	sadd.s32 $0x1A000, s0;
	s17 =	sadd.s32 $0x6400, s0;
	_ =	strace $0x8000004A  }
0xa: {  	s9 =	smul.u32 $0x4F000, s3;
	s10 =	sshll.u32 s3, $0x4;
	s3 =	ssub.s32 $0x2, s3  }
0xb: {  	[dreg:$0x4] =	wrdreg s17;
	s10 =	sor.u32 s11, s10;
	s18 =	sshrl.u32 s3, $0x1  }
0xc: {  	s11 =	simm.s32 $0x5280;
	s9 =	sadd.s32 s8, s9;
	s10 =	smul.u32 $0x2800, s10  }
0xd: {  	s3 =	ssub.s32 s3, s18;
	s8 =	sadd.s32 s8, s2;
	s9 =	sshrl.u32 s9, $0x3  }
0xe: {  	[dreg:$0x9] =	wrdreg s8;
	s26 =	smax.u32 s3, $0x1;
	s3 =	simm.s32 $0x5100  }
0xf: {  	s8 =	simm.s32 $0x3;
	s0 =	sadd.s32 s9, s0;
	s19 =	sshrl.u32 s10, $0x3  }
0x10: {  	s23 =	sor.u32 $0x100, s10;
	s24 =	sor.u32 $0x180, s10;
	[dreg:$0xe] =	wrdreg s26  }
0x11: {  	s16 =	sor.u32 $0x200, s10;
	s25 =	sor.u32 $0x280, s10;
	[dreg:$0xa] =	wrdreg s23  }
0x12: {  	s26 =	simm.s32 $0x5000;
	s10 =	simm.s32 $0x5200;
	[dreg:$0xb] =	wrdreg s24  }
0x13: {  	s20 =	sadd.s32 s6, s19;
	s21 =	sadd.s32 s7, s19;
	[dreg:$0xc] =	wrdreg s25  }
.Ltmp0:
0x14: {  	s9 =	sor.u32 $0x10, s19;
	[dreg:$0x5] =	wrdreg s20;
	(pc) =	sbr.rel .LBB2_1-.Ltmp0, $4  }
0x15: {  	v0 =	vlaneseq.u32;
	s0 =	sadd.s32 $0x2E000, s0;
	s23 =	simm.s32 $0x80;
	[dreg:$0x6] =	wrdreg s21  }
0x16: {  	v0 =	vmul.u32 $0xFFFFFFFF, v0;
	s22 =	sadd.s32 s6, s9;
	s9 =	sadd.s32 s7, s9;
	[dreg:$0xd] =	wrdreg s0  }
0x17: {  	s21 =	simm.s32 $0x5;
	s0 =	simm.s32 $0x6300;
	[dreg:$0x7] =	wrdreg s22  }
0x18: {  	v0 =	vadd.s32 $0xF, v0;
	s20 =	simm.s32 $0x5180;
	[dreg:$0x8] =	wrdreg s9;
	s9 =	simm.s32 $0x8300  }
.LBB2_12:
0x19: {  	_ =	swait.ge [sflag:s12], $0x1000  }
0x1a: {  	[sflag:s12] =	ssyncset.done $0x0  }
0x1b: {  	[sflag:s12] =	ssyncadd.s32 $0xFFFFF000  }
0x1c: {  	_ =	swait.ge [sflag:s13], $0x1000  }
0x1d: {  	[sflag:s13] =	ssyncset.done $0x0  }
0x1e: {  	[sflag:s13] =	ssyncadd.s32 $0xFFFFF000  }
0x1f: {  	[bflag:$0x0] =	sbarrier.arrive $0xFFFF  }
0x20: {  	s14 =	rddreg [dreg:$0xd]  }
0x21: {  	s15 =	rddreg [dreg:$0x10]  }
0x22: {  	s17 =	rddreg [dreg:$0x11]  }
0x23: {  	[hbm:s14], [sflag:s15] =	dma.local [spmem:s17], $0x9E0  }
0x24: {  	_ =	swait.ge [sflag:s21], $0x9E0  }
0x25: {  	s24 =	rddreg [dreg:$0xf]  }
0x26: {  	s25 =	rddreg [dreg:$0xe];
	s15 =	sadd.s32 $0x1, s24  }
0x27: {  	p0 =	sne.s32 s15, s25  }
.Ltmp1:
0x28: {  	_ = 	snop;
	(pc) =	sbr.rel @!p0 .LBB2_13-.Ltmp1, $3  }
0x29: {  	_ =	sdelay $0x1  }
0x2a: {  	[sflag:s21] =	ssyncset.done $0x0  }
0x2b: {  	[sflag:s21] =	ssyncadd.s32 $0xFFFFF620  }
.LBB2_1:
0x2c: {  	[dreg:$0xf] =	wrdreg s15  }
0x2d: {  	s14 =	rddreg [dreg:$0x5];
	s19 =	simm.s32 $0x4F00  }
0x2e: {  	[tilespmem:s19], [sflag:$0x5] =	stream.linear.gather [hbm4b:s14+s4], $0x80, $0x38;
	[tilespmem:$0x9300] =	vst v63  }
0x2f: {  	_ =	swait.ge [sflag:s21], $0x80  }
0x30: {  	[sflag:s21] =	ssyncset.done $0x0  }
0x31: {  	s17 =	simm.s32 $0x4F80;
	s22 =	rddreg [dreg:$0x6];
	[sflag:s21] =	ssyncadd.s32 $0xFFFFFF80  }
0x32: {  	[tilespmem:s17], [sflag:$0x5] =	stream.linear.gather [hbm4b:s22+s4], $0x80, $0x38;
	[tilespmem:$0x9300] =	vst v63  }
0x33: {  	_ =	swait.ge [sflag:s21], $0x80  }
0x34: {  	[sflag:s21] =	ssyncset.done $0x0  }
0x35: {  	s24 =	simm.s32 $0x5300;
	[sflag:s21] =	ssyncadd.s32 $0xFFFFFF80  }
0x36: {  	[tilespmem:s24], [sflag:$0x1] =	stream.indirect.gather [hbm4b:s1+s23], $0x10, s19, s23, $0xb8;
	[tilespmem:$0x9300] =	vst v63  }
0x37: {  	s25 =	simm.s32 $0x5B00  }
0x38: {  	[tilespmem:s25], [sflag:$0x1] =	stream.indirect.gather [hbm4b:s5+s23], $0x10, s17, s23, $0xb8;
	[tilespmem:$0x9300] =	vst v63  }
0x39: {  	s15 =	rddreg [dreg:$0x7]  }
0x3a: {  	[tilespmem:s26], [sflag:$0x5] =	stream.linear.gather [hbm4b:s15+s4], $0x80, $0x38;
	[tilespmem:$0x9300] =	vst v63  }
0x3b: {  	s18 =	stileid.u32;
	_ =	swait.ge [sflag:s21], $0x80  }
0x3c: {  	s14 =	sshll.u32 s18, $0x6;
	[sflag:s21] =	ssyncset.done $0x0  }
0x3d: {  	s19 =	sor.u32 $0x1C05, s14;
	s17 =	rddreg [dreg:$0x8];
	[sflag:s21] =	ssyncadd.s32 $0xFFFFFF80  }
0x3e: {  	[tilespmem:s28], [sflag:$0x5] =	stream.linear.gather [hbm4b:s17+s4], $0x80, $0x38;
	[tilespmem:$0x9300] =	vst v63  }
0x3f: {  	_ =	swait.ge [sflag:s21], $0x80;
	[dreg:$0x10] =	wrdreg s19  }
0x40: {  	[sflag:s21] =	ssyncset.done $0x0;
	s22 =	rddreg [dreg:$0x9]  }
0x41: {  	s25 =	rddreg [dreg:$0x4];
	[sflag:s21] =	ssyncadd.s32 $0xFFFFFF80;
	s24 =	sshrl.u32 s22, $0x3  }
0x42: {  	[tilespmem:s29], [sflag:$0x3] =	stream.indirect.gather [hbm4b:s1+s23], $0x10, s26, s23, $0xb8;
	[tilespmem:$0x9300] =	vst v63  }
0x43: {  	[dreg:$0x11] =	wrdreg s24  }
0x44: {  	[tilespmem:s30], [sflag:$0x3] =	stream.indirect.gather [hbm4b:s5+s23], $0x10, s28, s23, $0xb8;
	[tilespmem:$0x9300] =	vst v63  }
0x45: {  	[spmem:s24], [sflag:s19] =	dma.local [hbm:s25], $0x9E0  }
0x46: {  	_ =	swait.ge [sflag:s21], $0x9E0  }
0x47: {  	[sflag:s21] =	ssyncset.done $0x0  }
0x48: {  	[sflag:s21] =	ssyncadd.s32 $0xFFFFF620  }
0x49: {  	s19 =	simm.s32 $0x0;
	[bflag:$0x0] =	sbarrier.arrive $0xFFFF  }
.LBB2_2:
0x4a: {  	p0 =	seq.s32 s19, $0x0  }
0x4b: {  	s14 =	simm.s32 @!p0 $0x2  }
0x4c: {  	_ =	swait.ge @!p0 [sflag:s14], $0x1000  }
0x4d: {  	[sflag:s14] =	ssyncset.done @!p0 $0x0  }
0x4e: {  	[sflag:s14] =	ssyncadd.s32 @!p0 $0xFFFFF000  }
0x4f: {  	_ =	swait.ge [sflag:s31], $0x800  }
0x50: {  	[sflag:s31] =	ssyncset.done $0x0  }
0x51: {  	[sflag:s31] =	ssyncadd.s32 $0xFFFFF800  }
0x52: {  	_ =	swait.ge [sflag:s31], $0x800  }
0x53: {  	[sflag:s31] =	ssyncset.done $0x0  }
0x54: {  	s18 =	simm.s32 $0x5B40;
	[sflag:s31] =	ssyncadd.s32 $0xFFFFF800  }
0x55: {  	s15 =	simm.s32 $0x5340;
	v1 =	vld [tilespmem:s18+$0x0]  }
0x56: {  	v2 =	vld [tilespmem:s15+$0x0]  }
0x57: {  	v4 =	vld [tilespmem:s15+$0xFFFFFFD0]  }
0x58: {  	v8 =	vld [tilespmem:s15+$0xFFFFFFC0]  }
0x59: {  	v5 =	vld [tilespmem:s18+$0x30]  }
0x5a: {  	v6 =	vld [tilespmem:s18+$0xFFFFFFD0]  }
0x5b: {  	v9 =	vld [tilespmem:s15+$0x30]  }
0x5c: {  	v11 =	vld [tilespmem:s18+$0xFFFFFFC0];
	v1 =	vunpack.i.l.bf16.f32 v1;
	v3 =	vunpack.i.u.bf16.f32 v2  }
0x5d: {  	v12 =	vld [tilespmem:s18+$0x20];
	v3 =	vadd.f32 v1, v3  }
0x5e: {  	v13 =	vld [tilespmem:s15+$0xFFFFFFE0]  }
0x5f: {  	v15 =	vld [tilespmem:s15+$0xFFFFFFF0];
	v10 =	vmul.f32 $2.000000030e-01, v3  }
0x60: {  	v22 =	vld [tilespmem:s18+$0x10];
	v1 =	vperm.xlane v1, v0  }
0x61: {  	v14 =	vunpack.i.u.bf16.f32 v8;
	v6 =	vunpack.i.l.bf16.f32 v6;
	v3 =	vmax.f32 v3, v10  }
0x62: {  	v16 =	vunpack.i.l.bf16.f32 v2;
	v5 =	vunpack.i.l.bf16.f32 v5;
	v1 =	vsub.f32 v3, v1  }
0x63: {  	v7 =	vld [tilespmem:s15+$0x20];
	v17 =	vunpack.i.u.bf16.f32 v9;
	v11 =	vunpack.i.l.bf16.f32 v11;
	v10 =	vunpack.i.u.bf16.f32 v4  }
0x64: {  	v2 =	vld [tilespmem:s18+$0xFFFFFFE0];
	v12 =	vunpack.i.l.bf16.f32 v12;
	v10 =	vadd.f32 v6, v10;
	v1 =	vmul.f32 $1.442695020e+00, v1  }
0x65: {  	v18 =	vld [tilespmem:s18+$0xFFFFFFF0];
	v19 =	vunpack.i.u.bf16.f32 v13;
	v20 =	vunpack.i.u.bf16.f32 v15;
	v22 =	vunpack.i.l.bf16.f32 v22  }
0x66: {  	v28 =	vunpack.i.l.bf16.f32 v8;
	(erf) = vpow2.f32 v1;
	v1 =	vmul.f32 $2.000000030e-01, v10  }
0x67: {  	v8 =	vunpack.i.l.bf16.f32 v4;
	v14 =	vadd.f32 v11, v14;
	v6 =	vperm.xlane v6, v0  }
0x68: {  	v11 =	vperm.xlane v11, v0;
	v23 =	vperm.xlane v5, v0;
	v1 =	vmax.f32 v10, v1  }
0x69: {  	v21 =	vld [tilespmem:s15+$0x10];
	v2 =	vunpack.i.l.bf16.f32 v2;
	v3 =	vunpack.i.u.bf16.f32 v7;
	v1 =	vsub.f32 v1, v6  }
0x6a: {  	v3 =	vadd.f32 v12, v3;
	v6 =	vadd.f32 v5, v17;
	v17 =	vunpack.i.l.bf16.f32 v18  }
0x6b: {  	v18 =	vadd.f32 v17, v20;
	v20 =	vmul.f32 $2.000000030e-01, v14;
	v1 =	vmul.f32 $1.442695020e+00, v1  }
0x6c: {  	v10 =	vperm.xlane v12, v0;
	v12 =	vperm.xlane v2, v0;
	v5 =	vadd.f32 v2, v19  }
0x6d: {  	v2 =	vmul.f32 $2.000000030e-01, v18;
	v14 =	vmax.f32 v14, v20;
	(erf) = vpow2.f32 v1  }
0x6e: {  	v1 =	vperm.xlane v17, v0;
	v17 =	vunpack.i.u.bf16.f32 v21;
	v11 =	vsub.f32 v14, v11  }
0x6f: {  	v14 =	vmul.f32 $2.000000030e-01, v5;
	v2 =	vmax.f32 v18, v2;
	v18 =	vmul.f32 $2.000000030e-01, v6  }
0x70: {  	s25 =	simm.s32 $0x5BC0;
	v19 =	vpop (erf);
	v20 =	vsub.f32 v2, v1;
	v1 =	vmul.f32 $2.000000030e-01, v3;
	v11 =	vmul.f32 $1.442695020e+00, v11  }
0x71: {  	v5 =	vmax.f32 v5, v14;
	v14 =	vadd.f32 v22, v17;
	v17 =	vld [tilespmem:s25+$0x0];
	v24 =	vbroadcast v19, $0x0  }
0x72: {  	s22 =	simm.s32 $0x53C0;
	v18 =	vmax.f32 v6, v18;
	v12 =	vsub.f32 v5, v12;
	v3 =	vmax.f32 v3, v1  }
0x73: {  	v2 =	vld [tilespmem:s22+$0xFFFFFFD0];
	v5 =	vunpack.i.l.bf16.f32 v9;
	v9 =	vperm.xlane v22, v0;
	v10 =	vsub.f32 v3, v10  }
0x74: {  	v6 =	vunpack.i.l.bf16.f32 v13;
	v1 =	vld [tilespmem:s22+$0x20];
	v13 =	vmul.f32 $2.000000030e-01, v14;
	v16 =	vmul.f32 v24, v16  }
0x75: {  	v24 =	vunpack.i.l.bf16.f32 v7;
	v7 =	vld [tilespmem:s22+$0x0];
	v22 =	vmul.f32 $1.442695020e+00, v10;
	v10 =	vmul.f32 $1.442695020e+00, v12  }
0x76: {  	v29 =	vld [tilespmem:s25+$0xFFFFFFC0];
	v20 =	vmul.f32 $1.442695020e+00, v20;
	v12 =	vmax.f32 v14, v13;
	v17 =	vunpack.i.l.bf16.f32 v17;
	v26 =	vpop (erf)  }
0x77: {  	v3 =	vld [tilespmem:s22+$0xFFFFFFC0];
	v9 =	vsub.f32 v12, v9;
	(erf) = vpow2.f32 v10;
	v27 =	vbroadcast v26, $0x0  }
0x78: {  	v25 =	vunpack.i.u.bf16.f32 v2;
	v13 =	vld [tilespmem:s25+$0x30];
	v30 =	vperm.xlane v17, v0;
	(erf) = vpow2.f32 v11  }
0x79: {  	v31 =	vld [tilespmem:s25+$0xFFFFFFD0];
	v14 =	vunpack.i.u.bf16.f32 v1;
	v27 =	vmul.f32 v27, v8;
	v8 =	vmul.f32 $1.442695020e+00, v9  }
0x7a: {  	v12 =	vld [tilespmem:s25+$0x20];
	v11 =	vunpack.i.u.bf16.f32 v7;
	v10 =	vunpack.i.l.bf16.f32 v7;
	v7 =	vsub.f32 v18, v23  }
0x7b: {  	v57 =	vld [tilespmem:s25+$0xFFFFFFF0];
	v18 =	vunpack.i.l.bf16.f32 v21;
	v23 =	vunpack.i.l.bf16.f32 v29;
	(erf) = vpow2.f32 v8  }
0x7c: {  	v4 =	vld [tilespmem:s22+$0x30];
	v11 =	vadd.f32 v17, v11;
	v9 =	vunpack.i.u.bf16.f32 v3;
	(erf) = vpow2.f32 v20  }
0x7d: {  	v17 =	vunpack.i.l.bf16.f32 v13;
	v21 =	vmul.f32 $1.442695020e+00, v7;
	(erf) = vpow2.f32 v22  }
0x7e: {  	v7 =	vld [tilespmem:s22+$0xFFFFFFF0];
	v13 =	vmul.f32 $2.000000030e-01, v11;
	v32 =	vadd.f32 v23, v9;
	v9 =	vunpack.i.l.bf16.f32 v31  }
0x7f: {  	s24 =	simm.s32 $0x6380;
	v12 =	vunpack.i.l.bf16.f32 v12;
	v23 =	vperm.xlane v23, v0;
	v25 =	vadd.f32 v9, v25  }
0x80: {  	v8 =	vld [tilespmem:s22+$0xFFFFFFE0];
	v33 =	vperm.xlane v9, v0;
	[tilespmem:s24+$0xFFFFFFA0] =	vst v27;
	v27 =	vunpack.i.l.bf16.f32 v57;
	v13 =	vmax.f32 v11, v13  }
0x81: {  	v20 =	vunpack.i.u.bf16.f32 v4;
	v11 =	vadd.f32 v12, v14;
	v13 =	vsub.f32 v13, v30  }
0x82: {  	[tilespmem:s24+$0xFFFFFFB0] =	vst v26;
	v14 =	vperm.xlane v12, v0;
	v22 =	vld [tilespmem:s25+$0xFFFFFFE0];
	v34 =	vadd.f32 v17, v20;
	v26 =	vmul.f32 $2.000000030e-01, v25;
	v58 =	vpop (erf)  }
0x83: {  	[tilespmem:s24+$0x0] =	vst v16;
	v16 =	vunpack.i.u.bf16.f32 v7;
	(erf) = vpow2.f32 v21;
	v9 =	vmul.f32 $1.442695020e+00, v13;
	v21 =	vpop (erf)  }
0x84: {  	v16 =	vadd.f32 v27, v16;
	v25 =	vmax.f32 v25, v26;
	v12 =	vbroadcast v21, $0x0;
	v20 =	vpop (erf)  }
0x85: {  	[tilespmem:s24+$0x10] =	vst v19;
	v27 =	vperm.xlane v27, v0;
	v19 =	vunpack.i.u.bf16.f32 v8;
	(erf) = vpow2.f32 v9;
	v59 =	vpop (erf)  }
0x86: {  	v13 =	vbroadcast v58, $0x0;
	[tilespmem:s24+$0xFFFFFFD0] =	vst v58;
	v25 =	vsub.f32 v25, v33;
	v26 =	vmul.f32 v12, v28;
	v61 =	vpop (erf)  }
0x87: {  	[tilespmem:s24+$0xFFFFFF90] =	vst v21;
	v22 =	vunpack.i.l.bf16.f32 v22;
	v12 =	vperm.xlane v17, v0;
	v17 =	vbroadcast v61, $0x0  }
0x88: {  	v60 =	vbroadcast v20, $0x0;
	[tilespmem:s24+$0x30] =	vst v20;
	v20 =	vadd.f32 v22, v19;
	v19 =	vmul.f32 $2.000000030e-01, v16  }
0x89: {  	v56 =	vunpack.i.l.bf16.f32 v15;
	v9 =	vld [tilespmem:s22+$0x10];
	v21 =	vmul.f32 $2.000000030e-01, v32;
	[tilespmem:s24+$0xFFFFFF80] =	vst v26;
	v17 =	vmul.f32 v17, v24  }
0x8a: {  	v25 =	vmul.f32 $1.442695020e+00, v25;
	[tilespmem:s24+$0xFFFFFFF0] =	vst v59;
	v62 =	vbroadcast v59, $0x0;
	v16 =	vmax.f32 v16, v19  }
0x8b: {  	v15 =	vperm.xlane v22, v0;
	v18 =	vmul.f32 v60, v18;
	[tilespmem:s24+$0x40] =	vst v17;
	v17 =	vsub.f32 v16, v27;
	v16 =	vld [tilespmem:s25+$0x10]  }
0x8c: {  	v21 =	vmax.f32 v32, v21;
	[tilespmem:s24+$0x50] =	vst v61;
	v26 =	vpop (erf);
	(erf) = vpow2.f32 v25;
	v25 =	vmul.f32 v62, v56  }
0x8d: {  	v63 =	vsub.f32 v21, v23;
	v24 =	vmul.f32 $2.000000030e-01, v20;
	[tilespmem:s24+$0x20] =	vst v18;
	v18 =	vmul.f32 $2.000000030e-01, v34  }
0x8e: {  	s17 =	simm.s32 $0x6480;
	s14 =	simm.s32 $0x5C40;
	s15 =	simm.s32 $0x5440;
	v22 =	vunpack.i.u.bf16.f32 v9;
	[tilespmem:s24+$0x70] =	vst v26;
	v21 =	vbroadcast v26, $0x0;
	v26 =	vmul.f32 $2.000000030e-01, v11;
	v19 =	vpop (erf)  }
0x8f: {  	s18 =	sshll.u32 s19, $0x9;
	s22 =	simm.s32 $0x8;
	v23 =	vbroadcast v19, $0x0;
	[tilespmem:s17+$0x10] =	vst v19;
	v19 =	vmul.f32 $1.442695020e+00, v63;
	v18 =	vmax.f32 v34, v18;
	s25 =	simm.s32 $0x6480  }
.LBB2_3:
0x90: {  	v27 =	vld [tilespmem:s15+$0xFFFFFFD0];
	s22 =	sadd.s32 $0x8, s22;
	v20 =	vmax.f32 v20, v24;
	v16 =	vunpack.i.l.bf16.f32 v16;
	v11 =	vmax.f32 v11, v26;
	s17 =	sadd.s32 $0x100, s17  }
0x91: {  	v10 =	vmul.f32 v23, v10;
	v13 =	vmul.f32 v13, v6;
	v24 =	vld [tilespmem:s15+$0x20];
	p1 =	slt.u32 s22, $0x78;
	v22 =	vadd.f32 v16, v22;
	[tilespmem:s24+$0xFFFFFFE0] =	vst v25  }
0x92: {  	v15 =	vsub.f32 v20, v15;
	v11 =	vsub.f32 v11, v14;
	v14 =	vmul.f32 v21, v5;
	v23 =	vld [tilespmem:s14+$0x0]  }
0x93: {  	v6 =	vunpack.i.l.bf16.f32 v8;
	v5 =	vunpack.i.l.bf16.f32 v4;
	v20 =	vld [tilespmem:s15+$0x0];
	v26 =	vmul.f32 $2.000000030e-01, v22;
	[tilespmem:s24+$0xFFFFFFC0] =	vst v13  }
0x94: {  	v4 =	vperm.xlane v16, v0;
	v21 =	vunpack.i.l.bf16.f32 v1;
	v11 =	vmul.f32 $1.442695020e+00, v11;
	v13 =	vld [tilespmem:s15+$0xFFFFFFC0];
	[tilespmem:s24+$0x60] =	vst v14;
	s24 =	smov.u32 s25;
	s25 =	smov.u32 s17  }
0x95: {  	v15 =	vmul.f32 $1.442695020e+00, v15;
	v14 =	vunpack.i.u.bf16.f32 v27;
	v25 =	vld [tilespmem:s14+$0x30];
	[tilespmem:s24+$0x0] =	vst v10;
	v16 =	vmax.f32 v22, v26;
	v8 =	vpop (erf)  }
0x96: {  	v22 =	vunpack.i.u.bf16.f32 v24;
	v26 =	vld [tilespmem:s14+$0x20];
	[tilespmem:s24+$0xFFFFFFB0] =	vst v8;
	v8 =	vbroadcast v8, $0x0;
	v10 =	vsub.f32 v16, v4;
	v1 =	vmovc v24  }
0x97: {  	v24 =	vunpack.i.l.bf16.f32 v3;
	v16 =	vunpack.i.l.bf16.f32 v2;
	v2 =	vmovc v27;
	v4 =	vld [tilespmem:s15+$0x30];
	(erf) = vpow2.f32 v15  }
0x98: {  	v23 =	vunpack.i.l.bf16.f32 v23;
	v15 =	vld [tilespmem:s14+$0xFFFFFFD0];
	v8 =	vmul.f32 v8, v16;
	v10 =	vmul.f32 $1.442695020e+00, v10  }
0x99: {  	v29 =	vperm.xlane v23, v0;
	v27 =	vunpack.i.u.bf16.f32 v13;
	v28 =	vld [tilespmem:s14+$0xFFFFFFC0];
	(erf) = vpow2.f32 v19;
	v3 =	vmovc v13  }
0x9a: {  	v17 =	vmul.f32 $1.442695020e+00, v17;
	v13 =	vunpack.i.u.bf16.f32 v20;
	v16 =	vld [tilespmem:s14+$0x10];
	(erf) = vpow2.f32 v10  }
0x9b: {  	v12 =	vsub.f32 v18, v12;
	v10 =	vunpack.i.l.bf16.f32 v20;
	v13 =	vadd.f32 v23, v13;
	v19 =	vld [tilespmem:s15+$0x10]  }
0x9c: {  	v18 =	vunpack.i.l.bf16.f32 v25;
	v23 =	vunpack.i.l.bf16.f32 v9;
	[tilespmem:s24+$0xFFFFFFA0] =	vst v8;
	(erf) = vpow2.f32 v17  }
0x9d: {  	v12 =	vmul.f32 $1.442695020e+00, v12;
	v9 =	vmul.f32 $2.000000030e-01, v13;
	v17 =	vunpack.i.u.bf16.f32 v4;
	v8 =	vld [tilespmem:s15+$0xFFFFFFE0]  }
0x9e: {  	v26 =	vunpack.i.l.bf16.f32 v26;
	v20 =	vunpack.i.l.bf16.f32 v28;
	v25 =	vld [tilespmem:s15+$0xFFFFFFF0];
	(erf) = vpow2.f32 v11  }
0x9f: {  	v30 =	vunpack.i.l.bf16.f32 v7;
	v32 =	vmax.f32 v13, v9;
	v11 =	vadd.f32 v26, v22;
	v28 =	vld [tilespmem:s14+$0xFFFFFFE0]  }
0xa0: {  	v7 =	vunpack.i.l.bf16.f32 v15;
	v22 =	vadd.f32 v20, v27;
	v13 =	vsub.f32 v32, v29;
	v27 =	vld [tilespmem:s14+$0xFFFFFFF0];
	v15 =	vpop (erf)  }
0xa1: {  	v31 =	vperm.xlane v7, v0;
	v29 =	vadd.f32 v7, v14;
	v9 =	vmovc v19;
	[tilespmem:s24+$0xFFFFFFD0] =	vst v15;
	(erf) = vpow2.f32 v12  }
0xa2: {  	v34 =	vmul.f32 $1.442695020e+00, v13;
	v13 =	vbroadcast v15, $0x0;
	v19 =	vunpack.i.u.bf16.f32 v8;
	v12 =	vpop (erf)  }
0xa3: {  	v14 =	vperm.xlane v26, v0;
	v32 =	vunpack.i.u.bf16.f32 v25;
	[tilespmem:s24+$0xFFFFFF90] =	vst v12;
	v12 =	vbroadcast v12, $0x0;
	v26 =	vpop (erf)  }
0xa4: {  	v33 =	vadd.f32 v18, v17;
	v7 =	vmovc v25;
	v28 =	vunpack.i.l.bf16.f32 v28;
	(erf) = vpow2.f32 v34;
	[tilespmem:s24+$0x30] =	vst v26  }
0xa5: {  	v17 =	vmul.f32 $2.000000030e-01, v29;
	v15 =	vperm.xlane v28, v0;
	v25 =	vunpack.i.l.bf16.f32 v27;
	v27 =	vpop (erf)  }
0xa6: {  	v34 =	vperm.xlane v20, v0;
	v26 =	vbroadcast v26, $0x0;
	v32 =	vadd.f32 v25, v32;
	[tilespmem:s24+$0xFFFFFFF0] =	vst v27  }
0xa7: {  	v35 =	vmul.f32 $2.000000030e-01, v22;
	v17 =	vmax.f32 v29, v17;
	v24 =	vmul.f32 v12, v24;
	v20 =	vpop (erf)  }
0xa8: {  	v17 =	vsub.f32 v17, v31;
	v12 =	vperm.xlane v18, v0;
	[tilespmem:s24+$0x50] =	vst v20;
	v18 =	vbroadcast v20, $0x0  }
0xa9: {  	v23 =	vmul.f32 v26, v23;
	v20 =	vadd.f32 v28, v19;
	v19 =	vmul.f32 $2.000000030e-01, v32  }
0xaa: {  	v26 =	vmax.f32 v22, v35;
	v17 =	vmul.f32 $1.442695020e+00, v17;
	v27 =	vbroadcast v27, $0x0;
	[tilespmem:s24+$0xFFFFFF80] =	vst v24;
	v28 =	vpop (erf)  }
.Ltmp2:
0xab: {  	v25 =	vperm.xlane v25, v0;
	v22 =	vunpack.i.u.bf16.f32 v9;
	v18 =	vmul.f32 v18, v21;
	[tilespmem:s24+$0x70] =	vst v28;
	(pc) =	sbr.rel @p1 .LBB2_3-.Ltmp2, $4  }
0xac: {  	v29 =	vsub.f32 v26, v34;
	v24 =	vmul.f32 $2.000000030e-01, v20;
	(erf) = vpow2.f32 v17;
	[tilespmem:s24+$0x20] =	vst v23  }
0xad: {  	v31 =	vmul.f32 $2.000000030e-01, v33;
	v21 =	vbroadcast v28, $0x0;
	v17 =	vmax.f32 v32, v19;
	v19 =	vpop (erf);
	[tilespmem:s24+$0x40] =	vst v18  }
0xae: {  	v26 =	vmul.f32 $2.000000030e-01, v11;
	v17 =	vsub.f32 v17, v25;
	[tilespmem:s17+$0x10] =	vst v19;
	v23 =	vbroadcast v19, $0x0  }
0xaf: {  	s15 =	sadd.s32 $0x80, s15;
	s14 =	sadd.s32 $0x80, s14;
	v18 =	vmax.f32 v33, v31;
	v25 =	vmul.f32 v27, v30;
	v19 =	vmul.f32 $1.442695020e+00, v29  }
0xb0: {  	v16 =	vunpack.i.l.bf16.f32 v16  }
0xb1: {  	v22 =	vadd.f32 v16, v22;
	_ =	sdelay $0x1  }
0xb2: {  	v20 =	vmax.f32 v20, v24;
	v24 =	vmul.f32 $2.000000030e-01, v22  }
0xb3: {  	v15 =	vsub.f32 v20, v15;
	v16 =	vperm.xlane v16, v0  }
0xb4: {  	v20 =	vmax.f32 v22, v24  }
0xb5: {  	v15 =	vmul.f32 $1.442695020e+00, v15;
	v16 =	vsub.f32 v20, v16  }
0xb6: {  	v6 =	vmul.f32 v13, v6  }
0xb7: {  	v11 =	vmax.f32 v11, v26;
	(erf) = vpow2.f32 v15;
	v13 =	vmul.f32 $1.442695020e+00, v16  }
0xb8: {  	v5 =	vmul.f32 v21, v5;
	v11 =	vsub.f32 v11, v14  }
0xb9: {  	v12 =	vsub.f32 v18, v12;
	v14 =	vmul.f32 $1.442695020e+00, v17;
	(erf) = vpow2.f32 v19  }
0xba: {  	v11 =	vmul.f32 $1.442695020e+00, v11;
	(erf) = vpow2.f32 v13  }
0xbb: {  	v12 =	vmul.f32 $1.442695020e+00, v12;
	(erf) = vpow2.f32 v14;
	v13 =	vpop (erf)  }
0xbc: {  	[tilespmem:s24+$0xFFFFFFC0] =	vst v6;
	(erf) = vpow2.f32 v11;
	v6 =	vbroadcast v13, $0x0  }
0xbd: {  	v10 =	vmul.f32 v23, v10;
	v2 =	vunpack.i.l.bf16.f32 v2;
	[tilespmem:s24+$0xFFFFFFE0] =	vst v25  }
0xbe: {  	[tilespmem:s24+$0x60] =	vst v5;
	(erf) = vpow2.f32 v12;
	v2 =	vmul.f32 v6, v2  }
0xbf: {  	[tilespmem:s25+$0x0] =	vst v10  }
0xc0: {  	[tilespmem:s25+$0xFFFFFFB0] =	vst v13;
	v5 =	vpop (erf)  }
0xc1: {  	[tilespmem:s25+$0xFFFFFFD0] =	vst v5  }
0xc2: {  	v3 =	vunpack.i.l.bf16.f32 v3;
	[tilespmem:s25+$0xFFFFFFA0] =	vst v2;
	v2 =	vpop (erf)  }
0xc3: {  	[tilespmem:s25+$0xFFFFFF90] =	vst v2;
	v2 =	vbroadcast v2, $0x0;
	v6 =	vpop (erf)  }
0xc4: {  	v9 =	vunpack.i.l.bf16.f32 v9;
	[tilespmem:s25+$0x30] =	vst v6;
	v10 =	vpop (erf)  }
0xc5: {  	v6 =	vbroadcast v6, $0x0;
	[tilespmem:s25+$0xFFFFFFF0] =	vst v10;
	v2 =	vmul.f32 v2, v3;
	v3 =	vpop (erf)  }
0xc6: {  	[tilespmem:s25+$0x50] =	vst v3;
	v3 =	vbroadcast v3, $0x0  }
0xc7: {  	v1 =	vunpack.i.l.bf16.f32 v1;
	v6 =	vmul.f32 v6, v9;
	v9 =	vpop (erf);
	[tilespmem:s25+$0xFFFFFF80] =	vst v2;
	v2 =	vbroadcast v10, $0x0  }
0xc8: {  	v7 =	vunpack.i.l.bf16.f32 v7;
	v5 =	vbroadcast v5, $0x0;
	[tilespmem:s25+$0x70] =	vst v9;
	v1 =	vmul.f32 v3, v1  }
0xc9: {  	v3 =	vunpack.i.l.bf16.f32 v8;
	[tilespmem:s25+$0x20] =	vst v6;
	v6 =	vbroadcast v9, $0x0;
	v2 =	vmul.f32 v2, v7  }
0xca: {  	v4 =	vunpack.i.l.bf16.f32 v4;
	[tilespmem:s25+$0x40] =	vst v1;
	v1 =	vmul.f32 v5, v3  }
0xcb: {  	[tilespmem:s25+$0xFFFFFFE0] =	vst v2;
	v2 =	vmul.f32 v6, v4  }
0xcc: {  	[tilespmem:s25+$0xFFFFFFC0] =	vst v1  }
0xcd: {  	s14 =	simm.s32 $0x4F80;
	[tilespmem:s25+$0x60] =	vst v2  }
0xce: {  	[spmem:s2] =	stream.indirect.scatter.add.f32 [tilespmem:s0], [sflag:$0x2], $0x20, s14, s23, $0xb8;
	[tilespmem:$0x9300] =	vst v63  }
0xcf: {  	s17 =	rddreg [dreg:$0xa]  }
0xd0: {  	s14 =	sadd.s32 s18, s17  }
0xd1: {  	s14 =	sshrl.u32 s14, $0x3  }
0xd2: {  	s15 =	sadd.s32 s6, s14  }
0xd3: {  	[tilespmem:s3], [sflag:$0x5] =	stream.linear.gather [hbm4b:s15+s4], $0x80, $0x38;
	[tilespmem:$0x9300] =	vst v63  }
0xd4: {  	_ =	swait.ge [sflag:s21], $0x80  }
0xd5: {  	[sflag:s21] =	ssyncset.done $0x0  }
0xd6: {  	s14 =	sadd.s32 s7, s14;
	[sflag:s21] =	ssyncadd.s32 $0xFFFFFF80  }
0xd7: {  	[tilespmem:s20], [sflag:$0x5] =	stream.linear.gather [hbm4b:s14+s4], $0x80, $0x38;
	[tilespmem:$0x9300] =	vst v63  }
0xd8: {  	_ =	swait.ge [sflag:s21], $0x80  }
0xd9: {  	[sflag:s21] =	ssyncset.done $0x0  }
0xda: {  	s22 =	simm.s32 $0x5300;
	[sflag:s21] =	ssyncadd.s32 $0xFFFFFF80  }
0xdb: {  	[tilespmem:s22], [sflag:$0x1] =	stream.indirect.gather [hbm4b:s1+s23], $0x10, s3, s23, $0xb8;
	[tilespmem:$0x9300] =	vst v63  }
0xdc: {  	s24 =	simm.s32 $0x5B00;
	s14 =	simm.s32 @!p0 $0x4  }
0xdd: {  	[tilespmem:s24], [sflag:$0x1] =	stream.indirect.gather [hbm4b:s5+s23], $0x10, s20, s23, $0xb8;
	[tilespmem:$0x9300] =	vst v63  }
0xde: {  	_ =	swait.ge @!p0 [sflag:s14], $0x1000  }
0xdf: {  	[sflag:s14] =	ssyncset.done @!p0 $0x0  }
0xe0: {  	[sflag:s14] =	ssyncadd.s32 @!p0 $0xFFFFF000  }
0xe1: {  	_ =	swait.ge [sflag:s8], $0x800  }
0xe2: {  	[sflag:s8] =	ssyncset.done $0x0  }
0xe3: {  	[sflag:s8] =	ssyncadd.s32 $0xFFFFF800  }
0xe4: {  	_ =	swait.ge [sflag:s8], $0x800  }
0xe5: {  	[sflag:s8] =	ssyncset.done $0x0  }
0xe6: {  	s25 =	simm.s32 $0x7B40;
	[sflag:s8] =	ssyncadd.s32 $0xFFFFF800  }
0xe7: {  	s17 =	simm.s32 $0x7340;
	v1 =	vld [tilespmem:s25+$0x0]  }
0xe8: {  	v2 =	vld [tilespmem:s17+$0x0]  }
0xe9: {  	v4 =	vld [tilespmem:s17+$0xFFFFFFD0]  }
0xea: {  	v8 =	vld [tilespmem:s17+$0xFFFFFFC0]  }
0xeb: {  	v5 =	vld [tilespmem:s25+$0x30]  }
0xec: {  	v6 =	vld [tilespmem:s25+$0xFFFFFFD0]  }
0xed: {  	v9 =	vld [tilespmem:s17+$0x30]  }
0xee: {  	v11 =	vld [tilespmem:s25+$0xFFFFFFC0];
	v1 =	vunpack.i.l.bf16.f32 v1;
	v3 =	vunpack.i.u.bf16.f32 v2  }
0xef: {  	v12 =	vld [tilespmem:s25+$0x20];
	v3 =	vadd.f32 v1, v3  }
0xf0: {  	v13 =	vld [tilespmem:s17+$0xFFFFFFE0]  }
0xf1: {  	v15 =	vld [tilespmem:s17+$0xFFFFFFF0];
	v10 =	vmul.f32 $2.000000030e-01, v3  }
0xf2: {  	v22 =	vld [tilespmem:s25+$0x10];
	v1 =	vperm.xlane v1, v0  }
0xf3: {  	v14 =	vunpack.i.u.bf16.f32 v8;
	v6 =	vunpack.i.l.bf16.f32 v6;
	v3 =	vmax.f32 v3, v10  }
0xf4: {  	v16 =	vunpack.i.l.bf16.f32 v2;
	v5 =	vunpack.i.l.bf16.f32 v5;
	v1 =	vsub.f32 v3, v1  }
0xf5: {  	v7 =	vld [tilespmem:s17+$0x20];
	v17 =	vunpack.i.u.bf16.f32 v9;
	v11 =	vunpack.i.l.bf16.f32 v11;
	v10 =	vunpack.i.u.bf16.f32 v4  }
0xf6: {  	v2 =	vld [tilespmem:s25+$0xFFFFFFE0];
	v12 =	vunpack.i.l.bf16.f32 v12;
	v10 =	vadd.f32 v6, v10;
	v1 =	vmul.f32 $1.442695020e+00, v1  }
0xf7: {  	v18 =	vld [tilespmem:s25+$0xFFFFFFF0];
	v19 =	vunpack.i.u.bf16.f32 v13;
	v20 =	vunpack.i.u.bf16.f32 v15;
	v22 =	vunpack.i.l.bf16.f32 v22  }
0xf8: {  	v28 =	vunpack.i.l.bf16.f32 v8;
	(erf) = vpow2.f32 v1;
	v1 =	vmul.f32 $2.000000030e-01, v10  }
0xf9: {  	v8 =	vunpack.i.l.bf16.f32 v4;
	v14 =	vadd.f32 v11, v14;
	v6 =	vperm.xlane v6, v0  }
0xfa: {  	v11 =	vperm.xlane v11, v0;
	v23 =	vperm.xlane v5, v0;
	v1 =	vmax.f32 v10, v1  }
0xfb: {  	v21 =	vld [tilespmem:s17+$0x10];
	v2 =	vunpack.i.l.bf16.f32 v2;
	v3 =	vunpack.i.u.bf16.f32 v7;
	v1 =	vsub.f32 v1, v6  }
0xfc: {  	v3 =	vadd.f32 v12, v3;
	v6 =	vadd.f32 v5, v17;
	v17 =	vunpack.i.l.bf16.f32 v18  }
0xfd: {  	v18 =	vadd.f32 v17, v20;
	v20 =	vmul.f32 $2.000000030e-01, v14;
	v1 =	vmul.f32 $1.442695020e+00, v1  }
0xfe: {  	v10 =	vperm.xlane v12, v0;
	v12 =	vperm.xlane v2, v0;
	v5 =	vadd.f32 v2, v19  }
0xff: {  	v2 =	vmul.f32 $2.000000030e-01, v18;
	v14 =	vmax.f32 v14, v20;
	(erf) = vpow2.f32 v1  }
0x100: {  	v1 =	vperm.xlane v17, v0;
	v17 =	vunpack.i.u.bf16.f32 v21;
	v11 =	vsub.f32 v14, v11  }
0x101: {  	v14 =	vmul.f32 $2.000000030e-01, v5;
	v2 =	vmax.f32 v18, v2;
	v18 =	vmul.f32 $2.000000030e-01, v6  }
0x102: {  	s25 =	simm.s32 $0x7BC0;
	v19 =	vpop (erf);
	v20 =	vsub.f32 v2, v1;
	v1 =	vmul.f32 $2.000000030e-01, v3;
	v11 =	vmul.f32 $1.442695020e+00, v11  }
0x103: {  	v5 =	vmax.f32 v5, v14;
	v14 =	vadd.f32 v22, v17;
	v17 =	vld [tilespmem:s25+$0x0];
	v24 =	vbroadcast v19, $0x0  }
0x104: {  	s22 =	simm.s32 $0x73C0;
	v18 =	vmax.f32 v6, v18;
	v12 =	vsub.f32 v5, v12;
	v3 =	vmax.f32 v3, v1  }
0x105: {  	v2 =	vld [tilespmem:s22+$0xFFFFFFD0];
	v5 =	vunpack.i.l.bf16.f32 v9;
	v9 =	vperm.xlane v22, v0;
	v10 =	vsub.f32 v3, v10  }
0x106: {  	v6 =	vunpack.i.l.bf16.f32 v13;
	v1 =	vld [tilespmem:s22+$0x20];
	v13 =	vmul.f32 $2.000000030e-01, v14;
	v16 =	vmul.f32 v24, v16  }
0x107: {  	v24 =	vunpack.i.l.bf16.f32 v7;
	v7 =	vld [tilespmem:s22+$0x0];
	v22 =	vmul.f32 $1.442695020e+00, v10;
	v10 =	vmul.f32 $1.442695020e+00, v12  }
0x108: {  	v29 =	vld [tilespmem:s25+$0xFFFFFFC0];
	v20 =	vmul.f32 $1.442695020e+00, v20;
	v12 =	vmax.f32 v14, v13;
	v17 =	vunpack.i.l.bf16.f32 v17;
	v26 =	vpop (erf)  }
0x109: {  	v3 =	vld [tilespmem:s22+$0xFFFFFFC0];
	v9 =	vsub.f32 v12, v9;
	(erf) = vpow2.f32 v10;
	v27 =	vbroadcast v26, $0x0  }
0x10a: {  	v25 =	vunpack.i.u.bf16.f32 v2;
	v13 =	vld [tilespmem:s25+$0x30];
	v30 =	vperm.xlane v17, v0;
	(erf) = vpow2.f32 v11  }
0x10b: {  	v31 =	vld [tilespmem:s25+$0xFFFFFFD0];
	v14 =	vunpack.i.u.bf16.f32 v1;
	v27 =	vmul.f32 v27, v8;
	v8 =	vmul.f32 $1.442695020e+00, v9  }
0x10c: {  	v12 =	vld [tilespmem:s25+$0x20];
	v11 =	vunpack.i.u.bf16.f32 v7;
	v10 =	vunpack.i.l.bf16.f32 v7;
	v7 =	vsub.f32 v18, v23  }
0x10d: {  	v57 =	vld [tilespmem:s25+$0xFFFFFFF0];
	v18 =	vunpack.i.l.bf16.f32 v21;
	v23 =	vunpack.i.l.bf16.f32 v29;
	(erf) = vpow2.f32 v8  }
0x10e: {  	v4 =	vld [tilespmem:s22+$0x30];
	v11 =	vadd.f32 v17, v11;
	v9 =	vunpack.i.u.bf16.f32 v3;
	(erf) = vpow2.f32 v20  }
0x10f: {  	v17 =	vunpack.i.l.bf16.f32 v13;
	v21 =	vmul.f32 $1.442695020e+00, v7;
	(erf) = vpow2.f32 v22  }
0x110: {  	v7 =	vld [tilespmem:s22+$0xFFFFFFF0];
	v13 =	vmul.f32 $2.000000030e-01, v11;
	v32 =	vadd.f32 v23, v9;
	v9 =	vunpack.i.l.bf16.f32 v31  }
0x111: {  	s24 =	simm.s32 $0x8380;
	v12 =	vunpack.i.l.bf16.f32 v12;
	v23 =	vperm.xlane v23, v0;
	v25 =	vadd.f32 v9, v25  }
0x112: {  	v8 =	vld [tilespmem:s22+$0xFFFFFFE0];
	v33 =	vperm.xlane v9, v0;
	[tilespmem:s24+$0xFFFFFFA0] =	vst v27;
	v27 =	vunpack.i.l.bf16.f32 v57;
	v13 =	vmax.f32 v11, v13  }
0x113: {  	v20 =	vunpack.i.u.bf16.f32 v4;
	v11 =	vadd.f32 v12, v14;
	v13 =	vsub.f32 v13, v30  }
0x114: {  	[tilespmem:s24+$0xFFFFFFB0] =	vst v26;
	v14 =	vperm.xlane v12, v0;
	v22 =	vld [tilespmem:s25+$0xFFFFFFE0];
	v34 =	vadd.f32 v17, v20;
	v26 =	vmul.f32 $2.000000030e-01, v25;
	v58 =	vpop (erf)  }
0x115: {  	[tilespmem:s24+$0x0] =	vst v16;
	v16 =	vunpack.i.u.bf16.f32 v7;
	(erf) = vpow2.f32 v21;
	v9 =	vmul.f32 $1.442695020e+00, v13;
	v21 =	vpop (erf)  }
0x116: {  	v16 =	vadd.f32 v27, v16;
	v25 =	vmax.f32 v25, v26;
	v12 =	vbroadcast v21, $0x0;
	v20 =	vpop (erf)  }
0x117: {  	[tilespmem:s24+$0x10] =	vst v19;
	v27 =	vperm.xlane v27, v0;
	v19 =	vunpack.i.u.bf16.f32 v8;
	(erf) = vpow2.f32 v9;
	v59 =	vpop (erf)  }
0x118: {  	v13 =	vbroadcast v58, $0x0;
	[tilespmem:s24+$0xFFFFFFD0] =	vst v58;
	v25 =	vsub.f32 v25, v33;
	v26 =	vmul.f32 v12, v28;
	v61 =	vpop (erf)  }
0x119: {  	[tilespmem:s24+$0xFFFFFF90] =	vst v21;
	v22 =	vunpack.i.l.bf16.f32 v22;
	v12 =	vperm.xlane v17, v0;
	v17 =	vbroadcast v61, $0x0  }
0x11a: {  	v60 =	vbroadcast v20, $0x0;
	[tilespmem:s24+$0x30] =	vst v20;
	v20 =	vadd.f32 v22, v19;
	v19 =	vmul.f32 $2.000000030e-01, v16  }
0x11b: {  	v56 =	vunpack.i.l.bf16.f32 v15;
	v9 =	vld [tilespmem:s22+$0x10];
	v21 =	vmul.f32 $2.000000030e-01, v32;
	[tilespmem:s24+$0xFFFFFF80] =	vst v26;
	v17 =	vmul.f32 v17, v24  }
0x11c: {  	v25 =	vmul.f32 $1.442695020e+00, v25;
	[tilespmem:s24+$0xFFFFFFF0] =	vst v59;
	v62 =	vbroadcast v59, $0x0;
	v16 =	vmax.f32 v16, v19  }
0x11d: {  	v15 =	vperm.xlane v22, v0;
	v18 =	vmul.f32 v60, v18;
	[tilespmem:s24+$0x40] =	vst v17;
	v17 =	vsub.f32 v16, v27;
	v16 =	vld [tilespmem:s25+$0x10]  }
0x11e: {  	v21 =	vmax.f32 v32, v21;
	[tilespmem:s24+$0x50] =	vst v61;
	v26 =	vpop (erf);
	(erf) = vpow2.f32 v25;
	v25 =	vmul.f32 v62, v56  }
0x11f: {  	v63 =	vsub.f32 v21, v23;
	v24 =	vmul.f32 $2.000000030e-01, v20;
	[tilespmem:s24+$0x20] =	vst v18;
	v18 =	vmul.f32 $2.000000030e-01, v34  }
0x120: {  	s15 =	simm.s32 $0x7440;
	s17 =	simm.s32 $0x8480;
	v22 =	vunpack.i.u.bf16.f32 v9;
	[tilespmem:s24+$0x70] =	vst v26;
	v21 =	vbroadcast v26, $0x0;
	v26 =	vmul.f32 $2.000000030e-01, v11;
	v19 =	vpop (erf)  }
0x121: {  	s14 =	simm.s32 $0x7C40;
	s22 =	simm.s32 $0x8;
	v23 =	vbroadcast v19, $0x0;
	[tilespmem:s17+$0x10] =	vst v19;
	v19 =	vmul.f32 $1.442695020e+00, v63;
	v18 =	vmax.f32 v34, v18;
	s25 =	simm.s32 $0x8480  }
.LBB2_5:
0x122: {  	v27 =	vld [tilespmem:s15+$0xFFFFFFD0];
	s22 =	sadd.s32 $0x8, s22;
	v20 =	vmax.f32 v20, v24;
	v16 =	vunpack.i.l.bf16.f32 v16;
	v11 =	vmax.f32 v11, v26;
	s17 =	sadd.s32 $0x100, s17  }
0x123: {  	v10 =	vmul.f32 v23, v10;
	v13 =	vmul.f32 v13, v6;
	v24 =	vld [tilespmem:s15+$0x20];
	p0 =	slt.u32 s22, $0x78;
	v22 =	vadd.f32 v16, v22;
	[tilespmem:s24+$0xFFFFFFE0] =	vst v25  }
0x124: {  	v15 =	vsub.f32 v20, v15;
	v11 =	vsub.f32 v11, v14;
	v14 =	vmul.f32 v21, v5;
	v23 =	vld [tilespmem:s14+$0x0]  }
0x125: {  	v6 =	vunpack.i.l.bf16.f32 v8;
	v5 =	vunpack.i.l.bf16.f32 v4;
	v20 =	vld [tilespmem:s15+$0x0];
	v26 =	vmul.f32 $2.000000030e-01, v22;
	[tilespmem:s24+$0xFFFFFFC0] =	vst v13  }
0x126: {  	v4 =	vperm.xlane v16, v0;
	v21 =	vunpack.i.l.bf16.f32 v1;
	v11 =	vmul.f32 $1.442695020e+00, v11;
	v13 =	vld [tilespmem:s15+$0xFFFFFFC0];
	[tilespmem:s24+$0x60] =	vst v14;
	s24 =	smov.u32 s25;
	s25 =	smov.u32 s17  }
0x127: {  	v15 =	vmul.f32 $1.442695020e+00, v15;
	v14 =	vunpack.i.u.bf16.f32 v27;
	v25 =	vld [tilespmem:s14+$0x30];
	[tilespmem:s24+$0x0] =	vst v10;
	v16 =	vmax.f32 v22, v26;
	v8 =	vpop (erf)  }
0x128: {  	v22 =	vunpack.i.u.bf16.f32 v24;
	v26 =	vld [tilespmem:s14+$0x20];
	[tilespmem:s24+$0xFFFFFFB0] =	vst v8;
	v8 =	vbroadcast v8, $0x0;
	v10 =	vsub.f32 v16, v4;
	v1 =	vmovc v24  }
0x129: {  	v24 =	vunpack.i.l.bf16.f32 v3;
	v16 =	vunpack.i.l.bf16.f32 v2;
	v2 =	vmovc v27;
	v4 =	vld [tilespmem:s15+$0x30];
	(erf) = vpow2.f32 v15  }
0x12a: {  	v23 =	vunpack.i.l.bf16.f32 v23;
	v15 =	vld [tilespmem:s14+$0xFFFFFFD0];
	v8 =	vmul.f32 v8, v16;
	v10 =	vmul.f32 $1.442695020e+00, v10  }
0x12b: {  	v29 =	vperm.xlane v23, v0;
	v27 =	vunpack.i.u.bf16.f32 v13;
	v28 =	vld [tilespmem:s14+$0xFFFFFFC0];
	(erf) = vpow2.f32 v19;
	v3 =	vmovc v13  }
0x12c: {  	v17 =	vmul.f32 $1.442695020e+00, v17;
	v13 =	vunpack.i.u.bf16.f32 v20;
	v16 =	vld [tilespmem:s14+$0x10];
	(erf) = vpow2.f32 v10  }
0x12d: {  	v12 =	vsub.f32 v18, v12;
	v10 =	vunpack.i.l.bf16.f32 v20;
	v13 =	vadd.f32 v23, v13;
	v19 =	vld [tilespmem:s15+$0x10]  }
0x12e: {  	v18 =	vunpack.i.l.bf16.f32 v25;
	v23 =	vunpack.i.l.bf16.f32 v9;
	[tilespmem:s24+$0xFFFFFFA0] =	vst v8;
	(erf) = vpow2.f32 v17  }
0x12f: {  	v12 =	vmul.f32 $1.442695020e+00, v12;
	v9 =	vmul.f32 $2.000000030e-01, v13;
	v17 =	vunpack.i.u.bf16.f32 v4;
	v8 =	vld [tilespmem:s15+$0xFFFFFFE0]  }
0x130: {  	v26 =	vunpack.i.l.bf16.f32 v26;
	v20 =	vunpack.i.l.bf16.f32 v28;
	v25 =	vld [tilespmem:s15+$0xFFFFFFF0];
	(erf) = vpow2.f32 v11  }
0x131: {  	v30 =	vunpack.i.l.bf16.f32 v7;
	v32 =	vmax.f32 v13, v9;
	v11 =	vadd.f32 v26, v22;
	v28 =	vld [tilespmem:s14+$0xFFFFFFE0]  }
0x132: {  	v7 =	vunpack.i.l.bf16.f32 v15;
	v22 =	vadd.f32 v20, v27;
	v13 =	vsub.f32 v32, v29;
	v27 =	vld [tilespmem:s14+$0xFFFFFFF0];
	v15 =	vpop (erf)  }
0x133: {  	v31 =	vperm.xlane v7, v0;
	v29 =	vadd.f32 v7, v14;
	v9 =	vmovc v19;
	[tilespmem:s24+$0xFFFFFFD0] =	vst v15;
	(erf) = vpow2.f32 v12  }
0x134: {  	v34 =	vmul.f32 $1.442695020e+00, v13;
	v13 =	vbroadcast v15, $0x0;
	v19 =	vunpack.i.u.bf16.f32 v8;
	v12 =	vpop (erf)  }
0x135: {  	v14 =	vperm.xlane v26, v0;
	v32 =	vunpack.i.u.bf16.f32 v25;
	[tilespmem:s24+$0xFFFFFF90] =	vst v12;
	v12 =	vbroadcast v12, $0x0;
	v26 =	vpop (erf)  }
0x136: {  	v33 =	vadd.f32 v18, v17;
	v7 =	vmovc v25;
	v28 =	vunpack.i.l.bf16.f32 v28;
	(erf) = vpow2.f32 v34;
	[tilespmem:s24+$0x30] =	vst v26  }
0x137: {  	v17 =	vmul.f32 $2.000000030e-01, v29;
	v15 =	vperm.xlane v28, v0;
	v25 =	vunpack.i.l.bf16.f32 v27;
	v27 =	vpop (erf)  }
0x138: {  	v34 =	vperm.xlane v20, v0;
	v26 =	vbroadcast v26, $0x0;
	v32 =	vadd.f32 v25, v32;
	[tilespmem:s24+$0xFFFFFFF0] =	vst v27  }
0x139: {  	v35 =	vmul.f32 $2.000000030e-01, v22;
	v17 =	vmax.f32 v29, v17;
	v24 =	vmul.f32 v12, v24;
	v20 =	vpop (erf)  }
0x13a: {  	v17 =	vsub.f32 v17, v31;
	v12 =	vperm.xlane v18, v0;
	[tilespmem:s24+$0x50] =	vst v20;
	v18 =	vbroadcast v20, $0x0  }
0x13b: {  	v23 =	vmul.f32 v26, v23;
	v20 =	vadd.f32 v28, v19;
	v19 =	vmul.f32 $2.000000030e-01, v32  }
0x13c: {  	v26 =	vmax.f32 v22, v35;
	v17 =	vmul.f32 $1.442695020e+00, v17;
	v27 =	vbroadcast v27, $0x0;
	[tilespmem:s24+$0xFFFFFF80] =	vst v24;
	v28 =	vpop (erf)  }
.Ltmp3:
0x13d: {  	v25 =	vperm.xlane v25, v0;
	v22 =	vunpack.i.u.bf16.f32 v9;
	v18 =	vmul.f32 v18, v21;
	[tilespmem:s24+$0x70] =	vst v28;
	(pc) =	sbr.rel @p0 .LBB2_5-.Ltmp3, $4  }
0x13e: {  	v29 =	vsub.f32 v26, v34;
	v24 =	vmul.f32 $2.000000030e-01, v20;
	(erf) = vpow2.f32 v17;
	[tilespmem:s24+$0x20] =	vst v23  }
0x13f: {  	v31 =	vmul.f32 $2.000000030e-01, v33;
	v21 =	vbroadcast v28, $0x0;
	v17 =	vmax.f32 v32, v19;
	v19 =	vpop (erf);
	[tilespmem:s24+$0x40] =	vst v18  }
0x140: {  	v26 =	vmul.f32 $2.000000030e-01, v11;
	v17 =	vsub.f32 v17, v25;
	[tilespmem:s17+$0x10] =	vst v19;
	v23 =	vbroadcast v19, $0x0  }
0x141: {  	s15 =	sadd.s32 $0x80, s15;
	s14 =	sadd.s32 $0x80, s14;
	v18 =	vmax.f32 v33, v31;
	v25 =	vmul.f32 v27, v30;
	v19 =	vmul.f32 $1.442695020e+00, v29  }
0x142: {  	v16 =	vunpack.i.l.bf16.f32 v16  }
0x143: {  	v22 =	vadd.f32 v16, v22;
	_ =	sdelay $0x1  }
0x144: {  	v20 =	vmax.f32 v20, v24;
	v24 =	vmul.f32 $2.000000030e-01, v22  }
0x145: {  	v15 =	vsub.f32 v20, v15;
	v16 =	vperm.xlane v16, v0  }
0x146: {  	v20 =	vmax.f32 v22, v24  }
0x147: {  	v15 =	vmul.f32 $1.442695020e+00, v15;
	v16 =	vsub.f32 v20, v16  }
0x148: {  	v6 =	vmul.f32 v13, v6  }
0x149: {  	v11 =	vmax.f32 v11, v26;
	(erf) = vpow2.f32 v15;
	v13 =	vmul.f32 $1.442695020e+00, v16  }
0x14a: {  	v5 =	vmul.f32 v21, v5;
	v11 =	vsub.f32 v11, v14  }
0x14b: {  	v12 =	vsub.f32 v18, v12;
	v14 =	vmul.f32 $1.442695020e+00, v17;
	(erf) = vpow2.f32 v19  }
0x14c: {  	v11 =	vmul.f32 $1.442695020e+00, v11;
	(erf) = vpow2.f32 v13  }
0x14d: {  	v12 =	vmul.f32 $1.442695020e+00, v12;
	(erf) = vpow2.f32 v14;
	v13 =	vpop (erf)  }
0x14e: {  	[tilespmem:s24+$0xFFFFFFC0] =	vst v6;
	(erf) = vpow2.f32 v11;
	v6 =	vbroadcast v13, $0x0  }
0x14f: {  	v10 =	vmul.f32 v23, v10;
	v2 =	vunpack.i.l.bf16.f32 v2;
	[tilespmem:s24+$0xFFFFFFE0] =	vst v25  }
0x150: {  	[tilespmem:s24+$0x60] =	vst v5;
	(erf) = vpow2.f32 v12;
	v2 =	vmul.f32 v6, v2  }
0x151: {  	[tilespmem:s25+$0x0] =	vst v10  }
0x152: {  	[tilespmem:s25+$0xFFFFFFB0] =	vst v13;
	v5 =	vpop (erf)  }
0x153: {  	[tilespmem:s25+$0xFFFFFFD0] =	vst v5  }
0x154: {  	v3 =	vunpack.i.l.bf16.f32 v3;
	[tilespmem:s25+$0xFFFFFFA0] =	vst v2;
	v2 =	vpop (erf)  }
0x155: {  	[tilespmem:s25+$0xFFFFFF90] =	vst v2;
	v2 =	vbroadcast v2, $0x0;
	v6 =	vpop (erf)  }
0x156: {  	v9 =	vunpack.i.l.bf16.f32 v9;
	[tilespmem:s25+$0x30] =	vst v6;
	v10 =	vpop (erf)  }
0x157: {  	v6 =	vbroadcast v6, $0x0;
	[tilespmem:s25+$0xFFFFFFF0] =	vst v10;
	v2 =	vmul.f32 v2, v3;
	v3 =	vpop (erf)  }
0x158: {  	[tilespmem:s25+$0x50] =	vst v3;
	v3 =	vbroadcast v3, $0x0  }
0x159: {  	v1 =	vunpack.i.l.bf16.f32 v1;
	v6 =	vmul.f32 v6, v9;
	v9 =	vpop (erf);
	[tilespmem:s25+$0xFFFFFF80] =	vst v2;
	v2 =	vbroadcast v10, $0x0  }
0x15a: {  	v7 =	vunpack.i.l.bf16.f32 v7;
	v5 =	vbroadcast v5, $0x0;
	[tilespmem:s25+$0x70] =	vst v9;
	v1 =	vmul.f32 v3, v1  }
0x15b: {  	v3 =	vunpack.i.l.bf16.f32 v8;
	[tilespmem:s25+$0x20] =	vst v6;
	v6 =	vbroadcast v9, $0x0;
	v2 =	vmul.f32 v2, v7  }
0x15c: {  	v4 =	vunpack.i.l.bf16.f32 v4;
	[tilespmem:s25+$0x40] =	vst v1;
	v1 =	vmul.f32 v5, v3  }
0x15d: {  	[tilespmem:s25+$0xFFFFFFE0] =	vst v2;
	v2 =	vmul.f32 v6, v4  }
0x15e: {  	[tilespmem:s25+$0xFFFFFFC0] =	vst v1  }
0x15f: {  	[tilespmem:s25+$0x60] =	vst v2  }
0x160: {  	[spmem:s2] =	stream.indirect.scatter.add.f32 [tilespmem:s9], [sflag:$0x4], $0x20, s28, s23, $0xb8;
	[tilespmem:$0x9300] =	vst v63  }
0x161: {  	s14 =	rddreg [dreg:$0xb]  }
0x162: {  	s14 =	sadd.s32 s18, s14  }
0x163: {  	s14 =	sshrl.u32 s14, $0x3  }
0x164: {  	s15 =	sadd.s32 s6, s14  }
0x165: {  	[tilespmem:s10], [sflag:$0x5] =	stream.linear.gather [hbm4b:s15+s4], $0x80, $0x38;
	[tilespmem:$0x9300] =	vst v63  }
0x166: {  	_ =	swait.ge [sflag:s21], $0x80  }
0x167: {  	[sflag:s21] =	ssyncset.done $0x0  }
0x168: {  	s14 =	sadd.s32 s7, s14;
	[sflag:s21] =	ssyncadd.s32 $0xFFFFFF80  }
0x169: {  	[tilespmem:s11], [sflag:$0x5] =	stream.linear.gather [hbm4b:s14+s4], $0x80, $0x38;
	[tilespmem:$0x9300] =	vst v63  }
0x16a: {  	_ =	swait.ge [sflag:s21], $0x80  }
0x16b: {  	[sflag:s21] =	ssyncset.done $0x0  }
0x16c: {  	[sflag:s21] =	ssyncadd.s32 $0xFFFFFF80  }
0x16d: {  	[tilespmem:s29], [sflag:$0x3] =	stream.indirect.gather [hbm4b:s1+s23], $0x10, s10, s23, $0xb8;
	[tilespmem:$0x9300] =	vst v63  }
0x16e: {  	_ = 	snop  }
0x16f: {  	[tilespmem:s30], [sflag:$0x3] =	stream.indirect.gather [hbm4b:s5+s23], $0x10, s11, s23, $0xb8;
	[tilespmem:$0x9300] =	vst v63  }
0x170: {  	_ =	swait.ge [sflag:s12], $0x1000  }
0x171: {  	[sflag:s12] =	ssyncset.done $0x0  }
0x172: {  	[sflag:s12] =	ssyncadd.s32 $0xFFFFF000  }
0x173: {  	_ =	swait.ge [sflag:s31], $0x800  }
0x174: {  	[sflag:s31] =	ssyncset.done $0x0  }
0x175: {  	[sflag:s31] =	ssyncadd.s32 $0xFFFFF800  }
0x176: {  	_ =	swait.ge [sflag:s31], $0x800  }
0x177: {  	[sflag:s31] =	ssyncset.done $0x0  }
0x178: {  	s25 =	simm.s32 $0x5B40;
	[sflag:s31] =	ssyncadd.s32 $0xFFFFF800  }
0x179: {  	s17 =	simm.s32 $0x5340;
	v1 =	vld [tilespmem:s25+$0x0]  }
0x17a: {  	v2 =	vld [tilespmem:s17+$0x0]  }
0x17b: {  	v4 =	vld [tilespmem:s17+$0xFFFFFFD0]  }
0x17c: {  	v8 =	vld [tilespmem:s17+$0xFFFFFFC0]  }
0x17d: {  	v5 =	vld [tilespmem:s25+$0x30]  }
0x17e: {  	v6 =	vld [tilespmem:s25+$0xFFFFFFD0]  }
0x17f: {  	v9 =	vld [tilespmem:s17+$0x30]  }
0x180: {  	v11 =	vld [tilespmem:s25+$0xFFFFFFC0];
	v1 =	vunpack.i.l.bf16.f32 v1;
	v3 =	vunpack.i.u.bf16.f32 v2  }
0x181: {  	v12 =	vld [tilespmem:s25+$0x20];
	v3 =	vadd.f32 v1, v3  }
0x182: {  	v13 =	vld [tilespmem:s17+$0xFFFFFFE0]  }
0x183: {  	v15 =	vld [tilespmem:s17+$0xFFFFFFF0];
	v10 =	vmul.f32 $2.000000030e-01, v3  }
0x184: {  	v22 =	vld [tilespmem:s25+$0x10];
	v1 =	vperm.xlane v1, v0  }
0x185: {  	v14 =	vunpack.i.u.bf16.f32 v8;
	v6 =	vunpack.i.l.bf16.f32 v6;
	v3 =	vmax.f32 v3, v10  }
0x186: {  	v16 =	vunpack.i.l.bf16.f32 v2;
	v5 =	vunpack.i.l.bf16.f32 v5;
	v1 =	vsub.f32 v3, v1  }
0x187: {  	v7 =	vld [tilespmem:s17+$0x20];
	v17 =	vunpack.i.u.bf16.f32 v9;
	v11 =	vunpack.i.l.bf16.f32 v11;
	v10 =	vunpack.i.u.bf16.f32 v4  }
0x188: {  	v2 =	vld [tilespmem:s25+$0xFFFFFFE0];
	v12 =	vunpack.i.l.bf16.f32 v12;
	v10 =	vadd.f32 v6, v10;
	v1 =	vmul.f32 $1.442695020e+00, v1  }
0x189: {  	v18 =	vld [tilespmem:s25+$0xFFFFFFF0];
	v19 =	vunpack.i.u.bf16.f32 v13;
	v20 =	vunpack.i.u.bf16.f32 v15;
	v22 =	vunpack.i.l.bf16.f32 v22  }
0x18a: {  	v28 =	vunpack.i.l.bf16.f32 v8;
	(erf) = vpow2.f32 v1;
	v1 =	vmul.f32 $2.000000030e-01, v10  }
0x18b: {  	v8 =	vunpack.i.l.bf16.f32 v4;
	v14 =	vadd.f32 v11, v14;
	v6 =	vperm.xlane v6, v0  }
0x18c: {  	v11 =	vperm.xlane v11, v0;
	v23 =	vperm.xlane v5, v0;
	v1 =	vmax.f32 v10, v1  }
0x18d: {  	v21 =	vld [tilespmem:s17+$0x10];
	v2 =	vunpack.i.l.bf16.f32 v2;
	v3 =	vunpack.i.u.bf16.f32 v7;
	v1 =	vsub.f32 v1, v6  }
0x18e: {  	v3 =	vadd.f32 v12, v3;
	v6 =	vadd.f32 v5, v17;
	v17 =	vunpack.i.l.bf16.f32 v18  }
0x18f: {  	v18 =	vadd.f32 v17, v20;
	v20 =	vmul.f32 $2.000000030e-01, v14;
	v1 =	vmul.f32 $1.442695020e+00, v1  }
0x190: {  	v10 =	vperm.xlane v12, v0;
	v12 =	vperm.xlane v2, v0;
	v5 =	vadd.f32 v2, v19  }
0x191: {  	v2 =	vmul.f32 $2.000000030e-01, v18;
	v14 =	vmax.f32 v14, v20;
	(erf) = vpow2.f32 v1  }
0x192: {  	v1 =	vperm.xlane v17, v0;
	v17 =	vunpack.i.u.bf16.f32 v21;
	v11 =	vsub.f32 v14, v11  }
0x193: {  	v14 =	vmul.f32 $2.000000030e-01, v5;
	v2 =	vmax.f32 v18, v2;
	v18 =	vmul.f32 $2.000000030e-01, v6  }
0x194: {  	s25 =	simm.s32 $0x5BC0;
	v19 =	vpop (erf);
	v20 =	vsub.f32 v2, v1;
	v1 =	vmul.f32 $2.000000030e-01, v3;
	v11 =	vmul.f32 $1.442695020e+00, v11  }
0x195: {  	v5 =	vmax.f32 v5, v14;
	v14 =	vadd.f32 v22, v17;
	v17 =	vld [tilespmem:s25+$0x0];
	v24 =	vbroadcast v19, $0x0  }
0x196: {  	s22 =	simm.s32 $0x53C0;
	v18 =	vmax.f32 v6, v18;
	v12 =	vsub.f32 v5, v12;
	v3 =	vmax.f32 v3, v1  }
0x197: {  	v2 =	vld [tilespmem:s22+$0xFFFFFFD0];
	v5 =	vunpack.i.l.bf16.f32 v9;
	v9 =	vperm.xlane v22, v0;
	v10 =	vsub.f32 v3, v10  }
0x198: {  	v6 =	vunpack.i.l.bf16.f32 v13;
	v1 =	vld [tilespmem:s22+$0x20];
	v13 =	vmul.f32 $2.000000030e-01, v14;
	v16 =	vmul.f32 v24, v16  }
0x199: {  	v24 =	vunpack.i.l.bf16.f32 v7;
	v7 =	vld [tilespmem:s22+$0x0];
	v22 =	vmul.f32 $1.442695020e+00, v10;
	v10 =	vmul.f32 $1.442695020e+00, v12  }
0x19a: {  	v29 =	vld [tilespmem:s25+$0xFFFFFFC0];
	v20 =	vmul.f32 $1.442695020e+00, v20;
	v12 =	vmax.f32 v14, v13;
	v17 =	vunpack.i.l.bf16.f32 v17;
	v26 =	vpop (erf)  }
0x19b: {  	v3 =	vld [tilespmem:s22+$0xFFFFFFC0];
	v9 =	vsub.f32 v12, v9;
	(erf) = vpow2.f32 v10;
	v27 =	vbroadcast v26, $0x0  }
0x19c: {  	v25 =	vunpack.i.u.bf16.f32 v2;
	v13 =	vld [tilespmem:s25+$0x30];
	v30 =	vperm.xlane v17, v0;
	(erf) = vpow2.f32 v11  }
0x19d: {  	v31 =	vld [tilespmem:s25+$0xFFFFFFD0];
	v14 =	vunpack.i.u.bf16.f32 v1;
	v27 =	vmul.f32 v27, v8;
	v8 =	vmul.f32 $1.442695020e+00, v9  }
0x19e: {  	v12 =	vld [tilespmem:s25+$0x20];
	v11 =	vunpack.i.u.bf16.f32 v7;
	v10 =	vunpack.i.l.bf16.f32 v7;
	v7 =	vsub.f32 v18, v23  }
0x19f: {  	v57 =	vld [tilespmem:s25+$0xFFFFFFF0];
	v18 =	vunpack.i.l.bf16.f32 v21;
	v23 =	vunpack.i.l.bf16.f32 v29;
	(erf) = vpow2.f32 v8  }
0x1a0: {  	v4 =	vld [tilespmem:s22+$0x30];
	v11 =	vadd.f32 v17, v11;
	v9 =	vunpack.i.u.bf16.f32 v3;
	(erf) = vpow2.f32 v20  }
0x1a1: {  	v17 =	vunpack.i.l.bf16.f32 v13;
	v21 =	vmul.f32 $1.442695020e+00, v7;
	(erf) = vpow2.f32 v22  }
0x1a2: {  	v7 =	vld [tilespmem:s22+$0xFFFFFFF0];
	v13 =	vmul.f32 $2.000000030e-01, v11;
	v32 =	vadd.f32 v23, v9;
	v9 =	vunpack.i.l.bf16.f32 v31  }
0x1a3: {  	s24 =	simm.s32 $0x6380;
	v12 =	vunpack.i.l.bf16.f32 v12;
	v23 =	vperm.xlane v23, v0;
	v25 =	vadd.f32 v9, v25  }
0x1a4: {  	v8 =	vld [tilespmem:s22+$0xFFFFFFE0];
	v33 =	vperm.xlane v9, v0;
	[tilespmem:s24+$0xFFFFFFA0] =	vst v27;
	v27 =	vunpack.i.l.bf16.f32 v57;
	v13 =	vmax.f32 v11, v13  }
0x1a5: {  	v20 =	vunpack.i.u.bf16.f32 v4;
	v11 =	vadd.f32 v12, v14;
	v13 =	vsub.f32 v13, v30  }
0x1a6: {  	[tilespmem:s24+$0xFFFFFFB0] =	vst v26;
	v14 =	vperm.xlane v12, v0;
	v22 =	vld [tilespmem:s25+$0xFFFFFFE0];
	v34 =	vadd.f32 v17, v20;
	v26 =	vmul.f32 $2.000000030e-01, v25;
	v58 =	vpop (erf)  }
0x1a7: {  	[tilespmem:s24+$0x0] =	vst v16;
	v16 =	vunpack.i.u.bf16.f32 v7;
	(erf) = vpow2.f32 v21;
	v9 =	vmul.f32 $1.442695020e+00, v13;
	v21 =	vpop (erf)  }
0x1a8: {  	v16 =	vadd.f32 v27, v16;
	v25 =	vmax.f32 v25, v26;
	v12 =	vbroadcast v21, $0x0;
	v20 =	vpop (erf)  }
0x1a9: {  	[tilespmem:s24+$0x10] =	vst v19;
	v27 =	vperm.xlane v27, v0;
	v19 =	vunpack.i.u.bf16.f32 v8;
	(erf) = vpow2.f32 v9;
	v59 =	vpop (erf)  }
0x1aa: {  	v13 =	vbroadcast v58, $0x0;
	[tilespmem:s24+$0xFFFFFFD0] =	vst v58;
	v25 =	vsub.f32 v25, v33;
	v26 =	vmul.f32 v12, v28;
	v61 =	vpop (erf)  }
0x1ab: {  	[tilespmem:s24+$0xFFFFFF90] =	vst v21;
	v22 =	vunpack.i.l.bf16.f32 v22;
	v12 =	vperm.xlane v17, v0;
	v17 =	vbroadcast v61, $0x0  }
0x1ac: {  	v60 =	vbroadcast v20, $0x0;
	[tilespmem:s24+$0x30] =	vst v20;
	v20 =	vadd.f32 v22, v19;
	v19 =	vmul.f32 $2.000000030e-01, v16  }
0x1ad: {  	v56 =	vunpack.i.l.bf16.f32 v15;
	v9 =	vld [tilespmem:s22+$0x10];
	v21 =	vmul.f32 $2.000000030e-01, v32;
	[tilespmem:s24+$0xFFFFFF80] =	vst v26;
	v17 =	vmul.f32 v17, v24  }
0x1ae: {  	v25 =	vmul.f32 $1.442695020e+00, v25;
	[tilespmem:s24+$0xFFFFFFF0] =	vst v59;
	v62 =	vbroadcast v59, $0x0;
	v16 =	vmax.f32 v16, v19  }
0x1af: {  	v15 =	vperm.xlane v22, v0;
	v18 =	vmul.f32 v60, v18;
	[tilespmem:s24+$0x40] =	vst v17;
	v17 =	vsub.f32 v16, v27;
	v16 =	vld [tilespmem:s25+$0x10]  }
0x1b0: {  	v21 =	vmax.f32 v32, v21;
	[tilespmem:s24+$0x50] =	vst v61;
	v26 =	vpop (erf);
	(erf) = vpow2.f32 v25;
	v25 =	vmul.f32 v62, v56  }
0x1b1: {  	v63 =	vsub.f32 v21, v23;
	v24 =	vmul.f32 $2.000000030e-01, v20;
	[tilespmem:s24+$0x20] =	vst v18;
	v18 =	vmul.f32 $2.000000030e-01, v34  }
0x1b2: {  	s15 =	simm.s32 $0x5440;
	s17 =	simm.s32 $0x6480;
	v22 =	vunpack.i.u.bf16.f32 v9;
	[tilespmem:s24+$0x70] =	vst v26;
	v21 =	vbroadcast v26, $0x0;
	v26 =	vmul.f32 $2.000000030e-01, v11;
	v19 =	vpop (erf)  }
0x1b3: {  	s14 =	simm.s32 $0x5C40;
	s22 =	simm.s32 $0x8;
	v23 =	vbroadcast v19, $0x0;
	[tilespmem:s17+$0x10] =	vst v19;
	v19 =	vmul.f32 $1.442695020e+00, v63;
	v18 =	vmax.f32 v34, v18;
	s25 =	simm.s32 $0x6480  }
.LBB2_7:
0x1b4: {  	v27 =	vld [tilespmem:s15+$0xFFFFFFD0];
	s22 =	sadd.s32 $0x8, s22;
	v20 =	vmax.f32 v20, v24;
	v16 =	vunpack.i.l.bf16.f32 v16;
	v11 =	vmax.f32 v11, v26;
	s17 =	sadd.s32 $0x100, s17  }
0x1b5: {  	v10 =	vmul.f32 v23, v10;
	v13 =	vmul.f32 v13, v6;
	v24 =	vld [tilespmem:s15+$0x20];
	p0 =	slt.u32 s22, $0x78;
	v22 =	vadd.f32 v16, v22;
	[tilespmem:s24+$0xFFFFFFE0] =	vst v25  }
0x1b6: {  	v15 =	vsub.f32 v20, v15;
	v11 =	vsub.f32 v11, v14;
	v14 =	vmul.f32 v21, v5;
	v23 =	vld [tilespmem:s14+$0x0]  }
0x1b7: {  	v6 =	vunpack.i.l.bf16.f32 v8;
	v5 =	vunpack.i.l.bf16.f32 v4;
	v20 =	vld [tilespmem:s15+$0x0];
	v26 =	vmul.f32 $2.000000030e-01, v22;
	[tilespmem:s24+$0xFFFFFFC0] =	vst v13  }
0x1b8: {  	v4 =	vperm.xlane v16, v0;
	v21 =	vunpack.i.l.bf16.f32 v1;
	v11 =	vmul.f32 $1.442695020e+00, v11;
	v13 =	vld [tilespmem:s15+$0xFFFFFFC0];
	[tilespmem:s24+$0x60] =	vst v14;
	s24 =	smov.u32 s25;
	s25 =	smov.u32 s17  }
0x1b9: {  	v15 =	vmul.f32 $1.442695020e+00, v15;
	v14 =	vunpack.i.u.bf16.f32 v27;
	v25 =	vld [tilespmem:s14+$0x30];
	[tilespmem:s24+$0x0] =	vst v10;
	v16 =	vmax.f32 v22, v26;
	v8 =	vpop (erf)  }
0x1ba: {  	v22 =	vunpack.i.u.bf16.f32 v24;
	v26 =	vld [tilespmem:s14+$0x20];
	[tilespmem:s24+$0xFFFFFFB0] =	vst v8;
	v8 =	vbroadcast v8, $0x0;
	v10 =	vsub.f32 v16, v4;
	v1 =	vmovc v24  }
0x1bb: {  	v24 =	vunpack.i.l.bf16.f32 v3;
	v16 =	vunpack.i.l.bf16.f32 v2;
	v2 =	vmovc v27;
	v4 =	vld [tilespmem:s15+$0x30];
	(erf) = vpow2.f32 v15  }
0x1bc: {  	v23 =	vunpack.i.l.bf16.f32 v23;
	v15 =	vld [tilespmem:s14+$0xFFFFFFD0];
	v8 =	vmul.f32 v8, v16;
	v10 =	vmul.f32 $1.442695020e+00, v10  }
0x1bd: {  	v29 =	vperm.xlane v23, v0;
	v27 =	vunpack.i.u.bf16.f32 v13;
	v28 =	vld [tilespmem:s14+$0xFFFFFFC0];
	(erf) = vpow2.f32 v19;
	v3 =	vmovc v13  }
0x1be: {  	v17 =	vmul.f32 $1.442695020e+00, v17;
	v13 =	vunpack.i.u.bf16.f32 v20;
	v16 =	vld [tilespmem:s14+$0x10];
	(erf) = vpow2.f32 v10  }
0x1bf: {  	v12 =	vsub.f32 v18, v12;
	v10 =	vunpack.i.l.bf16.f32 v20;
	v13 =	vadd.f32 v23, v13;
	v19 =	vld [tilespmem:s15+$0x10]  }
0x1c0: {  	v18 =	vunpack.i.l.bf16.f32 v25;
	v23 =	vunpack.i.l.bf16.f32 v9;
	[tilespmem:s24+$0xFFFFFFA0] =	vst v8;
	(erf) = vpow2.f32 v17  }
0x1c1: {  	v12 =	vmul.f32 $1.442695020e+00, v12;
	v9 =	vmul.f32 $2.000000030e-01, v13;
	v17 =	vunpack.i.u.bf16.f32 v4;
	v8 =	vld [tilespmem:s15+$0xFFFFFFE0]  }
0x1c2: {  	v26 =	vunpack.i.l.bf16.f32 v26;
	v20 =	vunpack.i.l.bf16.f32 v28;
	v25 =	vld [tilespmem:s15+$0xFFFFFFF0];
	(erf) = vpow2.f32 v11  }
0x1c3: {  	v30 =	vunpack.i.l.bf16.f32 v7;
	v32 =	vmax.f32 v13, v9;
	v11 =	vadd.f32 v26, v22;
	v28 =	vld [tilespmem:s14+$0xFFFFFFE0]  }
0x1c4: {  	v7 =	vunpack.i.l.bf16.f32 v15;
	v22 =	vadd.f32 v20, v27;
	v13 =	vsub.f32 v32, v29;
	v27 =	vld [tilespmem:s14+$0xFFFFFFF0];
	v15 =	vpop (erf)  }
0x1c5: {  	v31 =	vperm.xlane v7, v0;
	v29 =	vadd.f32 v7, v14;
	v9 =	vmovc v19;
	[tilespmem:s24+$0xFFFFFFD0] =	vst v15;
	(erf) = vpow2.f32 v12  }
0x1c6: {  	v34 =	vmul.f32 $1.442695020e+00, v13;
	v13 =	vbroadcast v15, $0x0;
	v19 =	vunpack.i.u.bf16.f32 v8;
	v12 =	vpop (erf)  }
0x1c7: {  	v14 =	vperm.xlane v26, v0;
	v32 =	vunpack.i.u.bf16.f32 v25;
	[tilespmem:s24+$0xFFFFFF90] =	vst v12;
	v12 =	vbroadcast v12, $0x0;
	v26 =	vpop (erf)  }
0x1c8: {  	v33 =	vadd.f32 v18, v17;
	v7 =	vmovc v25;
	v28 =	vunpack.i.l.bf16.f32 v28;
	(erf) = vpow2.f32 v34;
	[tilespmem:s24+$0x30] =	vst v26  }
0x1c9: {  	v17 =	vmul.f32 $2.000000030e-01, v29;
	v15 =	vperm.xlane v28, v0;
	v25 =	vunpack.i.l.bf16.f32 v27;
	v27 =	vpop (erf)  }
0x1ca: {  	v34 =	vperm.xlane v20, v0;
	v26 =	vbroadcast v26, $0x0;
	v32 =	vadd.f32 v25, v32;
	[tilespmem:s24+$0xFFFFFFF0] =	vst v27  }
0x1cb: {  	v35 =	vmul.f32 $2.000000030e-01, v22;
	v17 =	vmax.f32 v29, v17;
	v24 =	vmul.f32 v12, v24;
	v20 =	vpop (erf)  }
0x1cc: {  	v17 =	vsub.f32 v17, v31;
	v12 =	vperm.xlane v18, v0;
	[tilespmem:s24+$0x50] =	vst v20;
	v18 =	vbroadcast v20, $0x0  }
0x1cd: {  	v23 =	vmul.f32 v26, v23;
	v20 =	vadd.f32 v28, v19;
	v19 =	vmul.f32 $2.000000030e-01, v32  }
0x1ce: {  	v26 =	vmax.f32 v22, v35;
	v17 =	vmul.f32 $1.442695020e+00, v17;
	v27 =	vbroadcast v27, $0x0;
	[tilespmem:s24+$0xFFFFFF80] =	vst v24;
	v28 =	vpop (erf)  }
.Ltmp4:
0x1cf: {  	v25 =	vperm.xlane v25, v0;
	v22 =	vunpack.i.u.bf16.f32 v9;
	v18 =	vmul.f32 v18, v21;
	[tilespmem:s24+$0x70] =	vst v28;
	(pc) =	sbr.rel @p0 .LBB2_7-.Ltmp4, $4  }
0x1d0: {  	v29 =	vsub.f32 v26, v34;
	v24 =	vmul.f32 $2.000000030e-01, v20;
	(erf) = vpow2.f32 v17;
	[tilespmem:s24+$0x20] =	vst v23  }
0x1d1: {  	v31 =	vmul.f32 $2.000000030e-01, v33;
	v21 =	vbroadcast v28, $0x0;
	v17 =	vmax.f32 v32, v19;
	v19 =	vpop (erf);
	[tilespmem:s24+$0x40] =	vst v18  }
0x1d2: {  	v26 =	vmul.f32 $2.000000030e-01, v11;
	v17 =	vsub.f32 v17, v25;
	[tilespmem:s17+$0x10] =	vst v19;
	v23 =	vbroadcast v19, $0x0  }
0x1d3: {  	s15 =	sadd.s32 $0x80, s15;
	s14 =	sadd.s32 $0x80, s14;
	v18 =	vmax.f32 v33, v31;
	v25 =	vmul.f32 v27, v30;
	v19 =	vmul.f32 $1.442695020e+00, v29  }
0x1d4: {  	v16 =	vunpack.i.l.bf16.f32 v16  }
0x1d5: {  	v22 =	vadd.f32 v16, v22;
	_ =	sdelay $0x1  }
0x1d6: {  	v20 =	vmax.f32 v20, v24;
	v24 =	vmul.f32 $2.000000030e-01, v22  }
0x1d7: {  	v15 =	vsub.f32 v20, v15;
	v16 =	vperm.xlane v16, v0  }
0x1d8: {  	v20 =	vmax.f32 v22, v24  }
0x1d9: {  	v15 =	vmul.f32 $1.442695020e+00, v15;
	v16 =	vsub.f32 v20, v16  }
0x1da: {  	v6 =	vmul.f32 v13, v6  }
0x1db: {  	v11 =	vmax.f32 v11, v26;
	(erf) = vpow2.f32 v15;
	v13 =	vmul.f32 $1.442695020e+00, v16  }
0x1dc: {  	v5 =	vmul.f32 v21, v5;
	v11 =	vsub.f32 v11, v14  }
0x1dd: {  	v12 =	vsub.f32 v18, v12;
	v14 =	vmul.f32 $1.442695020e+00, v17;
	(erf) = vpow2.f32 v19  }
0x1de: {  	v11 =	vmul.f32 $1.442695020e+00, v11;
	(erf) = vpow2.f32 v13  }
0x1df: {  	v12 =	vmul.f32 $1.442695020e+00, v12;
	(erf) = vpow2.f32 v14;
	v13 =	vpop (erf)  }
0x1e0: {  	[tilespmem:s24+$0xFFFFFFC0] =	vst v6;
	(erf) = vpow2.f32 v11;
	v6 =	vbroadcast v13, $0x0  }
0x1e1: {  	v10 =	vmul.f32 v23, v10;
	v2 =	vunpack.i.l.bf16.f32 v2;
	[tilespmem:s24+$0xFFFFFFE0] =	vst v25  }
0x1e2: {  	[tilespmem:s24+$0x60] =	vst v5;
	(erf) = vpow2.f32 v12;
	v2 =	vmul.f32 v6, v2  }
0x1e3: {  	[tilespmem:s25+$0x0] =	vst v10  }
0x1e4: {  	[tilespmem:s25+$0xFFFFFFB0] =	vst v13;
	v5 =	vpop (erf)  }
0x1e5: {  	[tilespmem:s25+$0xFFFFFFD0] =	vst v5  }
0x1e6: {  	v3 =	vunpack.i.l.bf16.f32 v3;
	[tilespmem:s25+$0xFFFFFFA0] =	vst v2;
	v2 =	vpop (erf)  }
0x1e7: {  	[tilespmem:s25+$0xFFFFFF90] =	vst v2;
	v2 =	vbroadcast v2, $0x0;
	v6 =	vpop (erf)  }
0x1e8: {  	v9 =	vunpack.i.l.bf16.f32 v9;
	[tilespmem:s25+$0x30] =	vst v6;
	v10 =	vpop (erf)  }
0x1e9: {  	v6 =	vbroadcast v6, $0x0;
	[tilespmem:s25+$0xFFFFFFF0] =	vst v10;
	v2 =	vmul.f32 v2, v3;
	v3 =	vpop (erf)  }
0x1ea: {  	[tilespmem:s25+$0x50] =	vst v3;
	v3 =	vbroadcast v3, $0x0  }
0x1eb: {  	v1 =	vunpack.i.l.bf16.f32 v1;
	v6 =	vmul.f32 v6, v9;
	v9 =	vpop (erf);
	[tilespmem:s25+$0xFFFFFF80] =	vst v2;
	v2 =	vbroadcast v10, $0x0  }
0x1ec: {  	v7 =	vunpack.i.l.bf16.f32 v7;
	v5 =	vbroadcast v5, $0x0;
	[tilespmem:s25+$0x70] =	vst v9;
	v1 =	vmul.f32 v3, v1  }
0x1ed: {  	v3 =	vunpack.i.l.bf16.f32 v8;
	[tilespmem:s25+$0x20] =	vst v6;
	v6 =	vbroadcast v9, $0x0;
	v2 =	vmul.f32 v2, v7  }
0x1ee: {  	v4 =	vunpack.i.l.bf16.f32 v4;
	[tilespmem:s25+$0x40] =	vst v1;
	v1 =	vmul.f32 v5, v3  }
0x1ef: {  	p0 =	seq.s32 s19, $0x13;
	[tilespmem:s25+$0xFFFFFFE0] =	vst v2;
	v2 =	vmul.f32 v6, v4  }
0x1f0: {  	s14 =	sadd.s32 @!p0 s18, s16;
	[tilespmem:s25+$0xFFFFFFC0] =	vst v1  }
0x1f1: {  	s14 =	sshrl.u32 @!p0 s14, $0x3;
	[tilespmem:s25+$0x60] =	vst v2  }
0x1f2: {  	[spmem:s2] =	stream.indirect.scatter.add.f32 [tilespmem:s0], [sflag:$0x2], $0x20, s20, s23, $0xb8;
	[tilespmem:$0x9300] =	vst v63  }
0x1f3: {  	s17 =	simm.s32 @!p0 $0x0;
	s22 =	simm.s32 @!p0 $0x4F00;
	s15 =	sadd.s32 @!p0 s6, s14  }
0x1f4: {  	[tilespmem:s22], [sflag:$0x5] =	stream.linear.gather @!p0 [hbm4b:s15+s17], $0x80, $0x38;
	[tilespmem:$0x9300] =	vst v63  }
0x1f5: {  	s15 =	simm.s32 @!p0 $0x5  }
0x1f6: {  	_ =	swait.ge @!p0 [sflag:s15], $0x80  }
0x1f7: {  	[sflag:s15] =	ssyncset.done @!p0 $0x0  }
0x1f8: {  	s24 =	simm.s32 @!p0 $0x4F80;
	s14 =	sadd.s32 @!p0 s7, s14;
	[sflag:s15] =	ssyncadd.s32 @!p0 $0xFFFFFF80  }
0x1f9: {  	[tilespmem:s24], [sflag:$0x5] =	stream.linear.gather @!p0 [hbm4b:s14+s17], $0x80, $0x38;
	[tilespmem:$0x9300] =	vst v63  }
0x1fa: {  	_ =	swait.ge @!p0 [sflag:s15], $0x80  }
0x1fb: {  	[sflag:s15] =	ssyncset.done @!p0 $0x0  }
0x1fc: {  	s14 =	simm.s32 @!p0 $0x80;
	[sflag:s15] =	ssyncadd.s32 @!p0 $0xFFFFFF80;
	s15 =	simm.s32 @!p0 $0x5300  }
0x1fd: {  	[tilespmem:s15], [sflag:$0x1] =	stream.indirect.gather @!p0 [hbm4b:s1+s14], $0x10, s22, s14, $0xb8;
	[tilespmem:$0x9300] =	vst v63  }
0x1fe: {  	s15 =	simm.s32 @!p0 $0x5B00  }
0x1ff: {  	[tilespmem:s15], [sflag:$0x1] =	stream.indirect.gather @!p0 [hbm4b:s5+s14], $0x10, s24, s14, $0xb8;
	[tilespmem:$0x9300] =	vst v63  }
0x200: {  	_ =	swait.ge [sflag:s13], $0x1000  }
0x201: {  	[sflag:s13] =	ssyncset.done $0x0  }
0x202: {  	[sflag:s13] =	ssyncadd.s32 $0xFFFFF000  }
0x203: {  	_ =	swait.ge [sflag:s8], $0x800  }
0x204: {  	[sflag:s8] =	ssyncset.done $0x0  }
0x205: {  	[sflag:s8] =	ssyncadd.s32 $0xFFFFF800  }
0x206: {  	_ =	swait.ge [sflag:s8], $0x800  }
0x207: {  	[sflag:s8] =	ssyncset.done $0x0  }
0x208: {  	s25 =	simm.s32 $0x7B40;
	[sflag:s8] =	ssyncadd.s32 $0xFFFFF800  }
0x209: {  	s17 =	simm.s32 $0x7340;
	v1 =	vld [tilespmem:s25+$0x0]  }
0x20a: {  	v2 =	vld [tilespmem:s17+$0x0]  }
0x20b: {  	v4 =	vld [tilespmem:s17+$0xFFFFFFD0]  }
0x20c: {  	v8 =	vld [tilespmem:s17+$0xFFFFFFC0]  }
0x20d: {  	v5 =	vld [tilespmem:s25+$0x30]  }
0x20e: {  	v6 =	vld [tilespmem:s25+$0xFFFFFFD0]  }
0x20f: {  	v9 =	vld [tilespmem:s17+$0x30]  }
0x210: {  	v11 =	vld [tilespmem:s25+$0xFFFFFFC0];
	v1 =	vunpack.i.l.bf16.f32 v1;
	v3 =	vunpack.i.u.bf16.f32 v2  }
0x211: {  	v12 =	vld [tilespmem:s25+$0x20];
	v3 =	vadd.f32 v1, v3  }
0x212: {  	v13 =	vld [tilespmem:s17+$0xFFFFFFE0]  }
0x213: {  	v15 =	vld [tilespmem:s17+$0xFFFFFFF0];
	v10 =	vmul.f32 $2.000000030e-01, v3  }
0x214: {  	v22 =	vld [tilespmem:s25+$0x10];
	v1 =	vperm.xlane v1, v0  }
0x215: {  	v14 =	vunpack.i.u.bf16.f32 v8;
	v6 =	vunpack.i.l.bf16.f32 v6;
	v3 =	vmax.f32 v3, v10  }
0x216: {  	v16 =	vunpack.i.l.bf16.f32 v2;
	v5 =	vunpack.i.l.bf16.f32 v5;
	v1 =	vsub.f32 v3, v1  }
0x217: {  	v7 =	vld [tilespmem:s17+$0x20];
	v17 =	vunpack.i.u.bf16.f32 v9;
	v11 =	vunpack.i.l.bf16.f32 v11;
	v10 =	vunpack.i.u.bf16.f32 v4  }
0x218: {  	v2 =	vld [tilespmem:s25+$0xFFFFFFE0];
	v12 =	vunpack.i.l.bf16.f32 v12;
	v10 =	vadd.f32 v6, v10;
	v1 =	vmul.f32 $1.442695020e+00, v1  }
0x219: {  	v18 =	vld [tilespmem:s25+$0xFFFFFFF0];
	v19 =	vunpack.i.u.bf16.f32 v13;
	v20 =	vunpack.i.u.bf16.f32 v15;
	v22 =	vunpack.i.l.bf16.f32 v22  }
0x21a: {  	v28 =	vunpack.i.l.bf16.f32 v8;
	(erf) = vpow2.f32 v1;
	v1 =	vmul.f32 $2.000000030e-01, v10  }
0x21b: {  	v8 =	vunpack.i.l.bf16.f32 v4;
	v14 =	vadd.f32 v11, v14;
	v6 =	vperm.xlane v6, v0  }
0x21c: {  	v11 =	vperm.xlane v11, v0;
	v23 =	vperm.xlane v5, v0;
	v1 =	vmax.f32 v10, v1  }
0x21d: {  	v21 =	vld [tilespmem:s17+$0x10];
	v2 =	vunpack.i.l.bf16.f32 v2;
	v3 =	vunpack.i.u.bf16.f32 v7;
	v1 =	vsub.f32 v1, v6  }
0x21e: {  	v3 =	vadd.f32 v12, v3;
	v6 =	vadd.f32 v5, v17;
	v17 =	vunpack.i.l.bf16.f32 v18  }
0x21f: {  	v18 =	vadd.f32 v17, v20;
	v20 =	vmul.f32 $2.000000030e-01, v14;
	v1 =	vmul.f32 $1.442695020e+00, v1  }
0x220: {  	v10 =	vperm.xlane v12, v0;
	v12 =	vperm.xlane v2, v0;
	v5 =	vadd.f32 v2, v19  }
0x221: {  	v2 =	vmul.f32 $2.000000030e-01, v18;
	v14 =	vmax.f32 v14, v20;
	(erf) = vpow2.f32 v1  }
0x222: {  	v1 =	vperm.xlane v17, v0;
	v17 =	vunpack.i.u.bf16.f32 v21;
	v11 =	vsub.f32 v14, v11  }
0x223: {  	v14 =	vmul.f32 $2.000000030e-01, v5;
	v2 =	vmax.f32 v18, v2;
	v18 =	vmul.f32 $2.000000030e-01, v6  }
0x224: {  	s25 =	simm.s32 $0x7BC0;
	v19 =	vpop (erf);
	v20 =	vsub.f32 v2, v1;
	v1 =	vmul.f32 $2.000000030e-01, v3;
	v11 =	vmul.f32 $1.442695020e+00, v11  }
0x225: {  	v5 =	vmax.f32 v5, v14;
	v14 =	vadd.f32 v22, v17;
	v17 =	vld [tilespmem:s25+$0x0];
	v24 =	vbroadcast v19, $0x0  }
0x226: {  	s22 =	simm.s32 $0x73C0;
	v18 =	vmax.f32 v6, v18;
	v12 =	vsub.f32 v5, v12;
	v3 =	vmax.f32 v3, v1  }
0x227: {  	v2 =	vld [tilespmem:s22+$0xFFFFFFD0];
	v5 =	vunpack.i.l.bf16.f32 v9;
	v9 =	vperm.xlane v22, v0;
	v10 =	vsub.f32 v3, v10  }
0x228: {  	v6 =	vunpack.i.l.bf16.f32 v13;
	v1 =	vld [tilespmem:s22+$0x20];
	v13 =	vmul.f32 $2.000000030e-01, v14;
	v16 =	vmul.f32 v24, v16  }
0x229: {  	v24 =	vunpack.i.l.bf16.f32 v7;
	v7 =	vld [tilespmem:s22+$0x0];
	v22 =	vmul.f32 $1.442695020e+00, v10;
	v10 =	vmul.f32 $1.442695020e+00, v12  }
0x22a: {  	v29 =	vld [tilespmem:s25+$0xFFFFFFC0];
	v20 =	vmul.f32 $1.442695020e+00, v20;
	v12 =	vmax.f32 v14, v13;
	v17 =	vunpack.i.l.bf16.f32 v17;
	v26 =	vpop (erf)  }
0x22b: {  	v3 =	vld [tilespmem:s22+$0xFFFFFFC0];
	v9 =	vsub.f32 v12, v9;
	(erf) = vpow2.f32 v10;
	v27 =	vbroadcast v26, $0x0  }
0x22c: {  	v25 =	vunpack.i.u.bf16.f32 v2;
	v13 =	vld [tilespmem:s25+$0x30];
	v30 =	vperm.xlane v17, v0;
	(erf) = vpow2.f32 v11  }
0x22d: {  	v31 =	vld [tilespmem:s25+$0xFFFFFFD0];
	v14 =	vunpack.i.u.bf16.f32 v1;
	v27 =	vmul.f32 v27, v8;
	v8 =	vmul.f32 $1.442695020e+00, v9  }
0x22e: {  	v12 =	vld [tilespmem:s25+$0x20];
	v11 =	vunpack.i.u.bf16.f32 v7;
	v10 =	vunpack.i.l.bf16.f32 v7;
	v7 =	vsub.f32 v18, v23  }
0x22f: {  	v57 =	vld [tilespmem:s25+$0xFFFFFFF0];
	v18 =	vunpack.i.l.bf16.f32 v21;
	v23 =	vunpack.i.l.bf16.f32 v29;
	(erf) = vpow2.f32 v8  }
0x230: {  	v4 =	vld [tilespmem:s22+$0x30];
	v11 =	vadd.f32 v17, v11;
	v9 =	vunpack.i.u.bf16.f32 v3;
	(erf) = vpow2.f32 v20  }
0x231: {  	v17 =	vunpack.i.l.bf16.f32 v13;
	v21 =	vmul.f32 $1.442695020e+00, v7;
	(erf) = vpow2.f32 v22  }
0x232: {  	v7 =	vld [tilespmem:s22+$0xFFFFFFF0];
	v13 =	vmul.f32 $2.000000030e-01, v11;
	v32 =	vadd.f32 v23, v9;
	v9 =	vunpack.i.l.bf16.f32 v31  }
0x233: {  	s24 =	simm.s32 $0x8380;
	v12 =	vunpack.i.l.bf16.f32 v12;
	v23 =	vperm.xlane v23, v0;
	v25 =	vadd.f32 v9, v25  }
0x234: {  	v8 =	vld [tilespmem:s22+$0xFFFFFFE0];
	v33 =	vperm.xlane v9, v0;
	[tilespmem:s24+$0xFFFFFFA0] =	vst v27;
	v27 =	vunpack.i.l.bf16.f32 v57;
	v13 =	vmax.f32 v11, v13  }
0x235: {  	v20 =	vunpack.i.u.bf16.f32 v4;
	v11 =	vadd.f32 v12, v14;
	v13 =	vsub.f32 v13, v30  }
0x236: {  	[tilespmem:s24+$0xFFFFFFB0] =	vst v26;
	v14 =	vperm.xlane v12, v0;
	v22 =	vld [tilespmem:s25+$0xFFFFFFE0];
	v34 =	vadd.f32 v17, v20;
	v26 =	vmul.f32 $2.000000030e-01, v25;
	v58 =	vpop (erf)  }
0x237: {  	[tilespmem:s24+$0x0] =	vst v16;
	v16 =	vunpack.i.u.bf16.f32 v7;
	(erf) = vpow2.f32 v21;
	v9 =	vmul.f32 $1.442695020e+00, v13;
	v21 =	vpop (erf)  }
0x238: {  	v16 =	vadd.f32 v27, v16;
	v25 =	vmax.f32 v25, v26;
	v12 =	vbroadcast v21, $0x0;
	v20 =	vpop (erf)  }
0x239: {  	[tilespmem:s24+$0x10] =	vst v19;
	v27 =	vperm.xlane v27, v0;
	v19 =	vunpack.i.u.bf16.f32 v8;
	(erf) = vpow2.f32 v9;
	v59 =	vpop (erf)  }
0x23a: {  	v13 =	vbroadcast v58, $0x0;
	[tilespmem:s24+$0xFFFFFFD0] =	vst v58;
	v25 =	vsub.f32 v25, v33;
	v26 =	vmul.f32 v12, v28;
	v61 =	vpop (erf)  }
0x23b: {  	[tilespmem:s24+$0xFFFFFF90] =	vst v21;
	v22 =	vunpack.i.l.bf16.f32 v22;
	v12 =	vperm.xlane v17, v0;
	v17 =	vbroadcast v61, $0x0  }
0x23c: {  	v60 =	vbroadcast v20, $0x0;
	[tilespmem:s24+$0x30] =	vst v20;
	v20 =	vadd.f32 v22, v19;
	v19 =	vmul.f32 $2.000000030e-01, v16  }
0x23d: {  	v56 =	vunpack.i.l.bf16.f32 v15;
	v9 =	vld [tilespmem:s22+$0x10];
	v21 =	vmul.f32 $2.000000030e-01, v32;
	[tilespmem:s24+$0xFFFFFF80] =	vst v26;
	v17 =	vmul.f32 v17, v24  }
0x23e: {  	v25 =	vmul.f32 $1.442695020e+00, v25;
	[tilespmem:s24+$0xFFFFFFF0] =	vst v59;
	v62 =	vbroadcast v59, $0x0;
	v16 =	vmax.f32 v16, v19  }
0x23f: {  	v15 =	vperm.xlane v22, v0;
	v18 =	vmul.f32 v60, v18;
	[tilespmem:s24+$0x40] =	vst v17;
	v17 =	vsub.f32 v16, v27;
	v16 =	vld [tilespmem:s25+$0x10]  }
0x240: {  	v21 =	vmax.f32 v32, v21;
	[tilespmem:s24+$0x50] =	vst v61;
	v26 =	vpop (erf);
	(erf) = vpow2.f32 v25;
	v25 =	vmul.f32 v62, v56  }
0x241: {  	v63 =	vsub.f32 v21, v23;
	v24 =	vmul.f32 $2.000000030e-01, v20;
	[tilespmem:s24+$0x20] =	vst v18;
	v18 =	vmul.f32 $2.000000030e-01, v34  }
0x242: {  	s14 =	simm.s32 $0x7C40;
	s17 =	simm.s32 $0x8480;
	v22 =	vunpack.i.u.bf16.f32 v9;
	[tilespmem:s24+$0x70] =	vst v26;
	v21 =	vbroadcast v26, $0x0;
	v26 =	vmul.f32 $2.000000030e-01, v11;
	v19 =	vpop (erf)  }
0x243: {  	s15 =	simm.s32 $0x7440;
	s22 =	simm.s32 $0x8;
	v23 =	vbroadcast v19, $0x0;
	[tilespmem:s17+$0x10] =	vst v19;
	v19 =	vmul.f32 $1.442695020e+00, v63;
	v18 =	vmax.f32 v34, v18;
	s25 =	simm.s32 $0x8480  }
.LBB2_9:
0x244: {  	v27 =	vld [tilespmem:s15+$0xFFFFFFD0];
	s22 =	sadd.s32 $0x8, s22;
	v20 =	vmax.f32 v20, v24;
	v16 =	vunpack.i.l.bf16.f32 v16;
	v11 =	vmax.f32 v11, v26;
	s17 =	sadd.s32 $0x100, s17  }
0x245: {  	v10 =	vmul.f32 v23, v10;
	v13 =	vmul.f32 v13, v6;
	v24 =	vld [tilespmem:s15+$0x20];
	p1 =	slt.u32 s22, $0x78;
	v22 =	vadd.f32 v16, v22;
	[tilespmem:s24+$0xFFFFFFE0] =	vst v25  }
0x246: {  	v15 =	vsub.f32 v20, v15;
	v11 =	vsub.f32 v11, v14;
	v14 =	vmul.f32 v21, v5;
	v23 =	vld [tilespmem:s14+$0x0]  }
0x247: {  	v6 =	vunpack.i.l.bf16.f32 v8;
	v5 =	vunpack.i.l.bf16.f32 v4;
	v20 =	vld [tilespmem:s15+$0x0];
	v26 =	vmul.f32 $2.000000030e-01, v22;
	[tilespmem:s24+$0xFFFFFFC0] =	vst v13  }
0x248: {  	v4 =	vperm.xlane v16, v0;
	v21 =	vunpack.i.l.bf16.f32 v1;
	v11 =	vmul.f32 $1.442695020e+00, v11;
	v13 =	vld [tilespmem:s15+$0xFFFFFFC0];
	[tilespmem:s24+$0x60] =	vst v14;
	s24 =	smov.u32 s25;
	s25 =	smov.u32 s17  }
0x249: {  	v15 =	vmul.f32 $1.442695020e+00, v15;
	v14 =	vunpack.i.u.bf16.f32 v27;
	v25 =	vld [tilespmem:s14+$0x30];
	[tilespmem:s24+$0x0] =	vst v10;
	v16 =	vmax.f32 v22, v26;
	v8 =	vpop (erf)  }
0x24a: {  	v22 =	vunpack.i.u.bf16.f32 v24;
	v26 =	vld [tilespmem:s14+$0x20];
	[tilespmem:s24+$0xFFFFFFB0] =	vst v8;
	v8 =	vbroadcast v8, $0x0;
	v10 =	vsub.f32 v16, v4;
	v1 =	vmovc v24  }
0x24b: {  	v24 =	vunpack.i.l.bf16.f32 v3;
	v16 =	vunpack.i.l.bf16.f32 v2;
	v2 =	vmovc v27;
	v4 =	vld [tilespmem:s15+$0x30];
	(erf) = vpow2.f32 v15  }
0x24c: {  	v23 =	vunpack.i.l.bf16.f32 v23;
	v15 =	vld [tilespmem:s14+$0xFFFFFFD0];
	v8 =	vmul.f32 v8, v16;
	v10 =	vmul.f32 $1.442695020e+00, v10  }
0x24d: {  	v29 =	vperm.xlane v23, v0;
	v27 =	vunpack.i.u.bf16.f32 v13;
	v28 =	vld [tilespmem:s14+$0xFFFFFFC0];
	(erf) = vpow2.f32 v19;
	v3 =	vmovc v13  }
0x24e: {  	v17 =	vmul.f32 $1.442695020e+00, v17;
	v13 =	vunpack.i.u.bf16.f32 v20;
	v16 =	vld [tilespmem:s14+$0x10];
	(erf) = vpow2.f32 v10  }
0x24f: {  	v12 =	vsub.f32 v18, v12;
	v10 =	vunpack.i.l.bf16.f32 v20;
	v13 =	vadd.f32 v23, v13;
	v19 =	vld [tilespmem:s15+$0x10]  }
0x250: {  	v18 =	vunpack.i.l.bf16.f32 v25;
	v23 =	vunpack.i.l.bf16.f32 v9;
	[tilespmem:s24+$0xFFFFFFA0] =	vst v8;
	(erf) = vpow2.f32 v17  }
0x251: {  	v12 =	vmul.f32 $1.442695020e+00, v12;
	v9 =	vmul.f32 $2.000000030e-01, v13;
	v17 =	vunpack.i.u.bf16.f32 v4;
	v8 =	vld [tilespmem:s15+$0xFFFFFFE0]  }
0x252: {  	v26 =	vunpack.i.l.bf16.f32 v26;
	v20 =	vunpack.i.l.bf16.f32 v28;
	v25 =	vld [tilespmem:s15+$0xFFFFFFF0];
	(erf) = vpow2.f32 v11  }
0x253: {  	v30 =	vunpack.i.l.bf16.f32 v7;
	v32 =	vmax.f32 v13, v9;
	v11 =	vadd.f32 v26, v22;
	v28 =	vld [tilespmem:s14+$0xFFFFFFE0]  }
0x254: {  	v7 =	vunpack.i.l.bf16.f32 v15;
	v22 =	vadd.f32 v20, v27;
	v13 =	vsub.f32 v32, v29;
	v27 =	vld [tilespmem:s14+$0xFFFFFFF0];
	v15 =	vpop (erf)  }
0x255: {  	v31 =	vperm.xlane v7, v0;
	v29 =	vadd.f32 v7, v14;
	v9 =	vmovc v19;
	[tilespmem:s24+$0xFFFFFFD0] =	vst v15;
	(erf) = vpow2.f32 v12  }
0x256: {  	v34 =	vmul.f32 $1.442695020e+00, v13;
	v13 =	vbroadcast v15, $0x0;
	v19 =	vunpack.i.u.bf16.f32 v8;
	v12 =	vpop (erf)  }
0x257: {  	v14 =	vperm.xlane v26, v0;
	v32 =	vunpack.i.u.bf16.f32 v25;
	[tilespmem:s24+$0xFFFFFF90] =	vst v12;
	v12 =	vbroadcast v12, $0x0;
	v26 =	vpop (erf)  }
0x258: {  	v33 =	vadd.f32 v18, v17;
	v7 =	vmovc v25;
	v28 =	vunpack.i.l.bf16.f32 v28;
	(erf) = vpow2.f32 v34;
	[tilespmem:s24+$0x30] =	vst v26  }
0x259: {  	v17 =	vmul.f32 $2.000000030e-01, v29;
	v15 =	vperm.xlane v28, v0;
	v25 =	vunpack.i.l.bf16.f32 v27;
	v27 =	vpop (erf)  }
0x25a: {  	v34 =	vperm.xlane v20, v0;
	v26 =	vbroadcast v26, $0x0;
	v32 =	vadd.f32 v25, v32;
	[tilespmem:s24+$0xFFFFFFF0] =	vst v27  }
0x25b: {  	v35 =	vmul.f32 $2.000000030e-01, v22;
	v17 =	vmax.f32 v29, v17;
	v24 =	vmul.f32 v12, v24;
	v20 =	vpop (erf)  }
0x25c: {  	v17 =	vsub.f32 v17, v31;
	v12 =	vperm.xlane v18, v0;
	[tilespmem:s24+$0x50] =	vst v20;
	v18 =	vbroadcast v20, $0x0  }
0x25d: {  	v23 =	vmul.f32 v26, v23;
	v20 =	vadd.f32 v28, v19;
	v19 =	vmul.f32 $2.000000030e-01, v32  }
0x25e: {  	v26 =	vmax.f32 v22, v35;
	v17 =	vmul.f32 $1.442695020e+00, v17;
	v27 =	vbroadcast v27, $0x0;
	[tilespmem:s24+$0xFFFFFF80] =	vst v24;
	v28 =	vpop (erf)  }
.Ltmp5:
0x25f: {  	v25 =	vperm.xlane v25, v0;
	v22 =	vunpack.i.u.bf16.f32 v9;
	v18 =	vmul.f32 v18, v21;
	[tilespmem:s24+$0x70] =	vst v28;
	(pc) =	sbr.rel @p1 .LBB2_9-.Ltmp5, $4  }
0x260: {  	v29 =	vsub.f32 v26, v34;
	v24 =	vmul.f32 $2.000000030e-01, v20;
	(erf) = vpow2.f32 v17;
	[tilespmem:s24+$0x20] =	vst v23  }
0x261: {  	v31 =	vmul.f32 $2.000000030e-01, v33;
	v21 =	vbroadcast v28, $0x0;
	v17 =	vmax.f32 v32, v19;
	v19 =	vpop (erf);
	[tilespmem:s24+$0x40] =	vst v18  }
0x262: {  	v26 =	vmul.f32 $2.000000030e-01, v11;
	v17 =	vsub.f32 v17, v25;
	[tilespmem:s17+$0x10] =	vst v19;
	v23 =	vbroadcast v19, $0x0  }
0x263: {  	s15 =	sadd.s32 $0x80, s15;
	s14 =	sadd.s32 $0x80, s14;
	v18 =	vmax.f32 v33, v31;
	v25 =	vmul.f32 v27, v30;
	v19 =	vmul.f32 $1.442695020e+00, v29  }
0x264: {  	v16 =	vunpack.i.l.bf16.f32 v16  }
0x265: {  	v20 =	vmax.f32 v20, v24;
	v22 =	vadd.f32 v16, v22  }
0x266: {  	v15 =	vsub.f32 v20, v15  }
0x267: {  	v53 =	vmul.f32 $2.000000030e-01, v22  }
0x268: {  	v16 =	vperm.xlane v16, v0;
	v15 =	vmul.f32 $1.442695020e+00, v15  }
0x269: {  	v54 =	vmax.f32 v22, v53  }
0x26a: {  	(erf) = vpow2.f32 v15;
	v16 =	vsub.f32 v54, v16  }
0x26b: {  	v6 =	vmul.f32 v13, v6;
	(erf) = vpow2.f32 v19  }
0x26c: {  	v11 =	vmax.f32 v11, v26;
	v56 =	vmul.f32 $1.442695020e+00, v17;
	v55 =	vmul.f32 $1.442695020e+00, v16  }
0x26d: {  	v12 =	vsub.f32 v18, v12;
	v5 =	vmul.f32 v21, v5;
	v11 =	vsub.f32 v11, v14;
	v57 =	vpop (erf)  }
0x26e: {  	v58 =	vbroadcast v57, $0x0;
	(erf) = vpow2.f32 v55  }
0x26f: {  	v2 =	vunpack.i.l.bf16.f32 v2;
	v12 =	vmul.f32 $1.442695020e+00, v12;
	v11 =	vmul.f32 $1.442695020e+00, v11  }
0x270: {  	[tilespmem:s24+$0xFFFFFFE0] =	vst v25;
	v2 =	vmul.f32 v58, v2;
	(erf) = vpow2.f32 v56  }
0x271: {  	v10 =	vmul.f32 v23, v10;
	[tilespmem:s24+$0xFFFFFFC0] =	vst v6;
	(erf) = vpow2.f32 v11  }
0x272: {  	[tilespmem:s24+$0x60] =	vst v5;
	(erf) = vpow2.f32 v12  }
0x273: {  	[tilespmem:s25+$0x0] =	vst v10;
	v59 =	vpop (erf)  }
0x274: {  	[tilespmem:s25+$0xFFFFFFA0] =	vst v2;
	v2 =	vpop (erf)  }
0x275: {  	[tilespmem:s25+$0xFFFFFF90] =	vst v2;
	v2 =	vbroadcast v2, $0x0  }
0x276: {  	v3 =	vunpack.i.l.bf16.f32 v3;
	[tilespmem:s25+$0xFFFFFFB0] =	vst v57  }
0x277: {  	[tilespmem:s25+$0xFFFFFFD0] =	vst v59;
	v2 =	vmul.f32 v2, v3;
	v60 =	vpop (erf)  }
0x278: {  	[tilespmem:s25+$0x30] =	vst v60  }
0x279: {  	v61 =	vpop (erf);
	v6 =	vbroadcast v60, $0x0;
	[tilespmem:s25+$0xFFFFFF80] =	vst v2  }
0x27a: {  	v9 =	vunpack.i.l.bf16.f32 v9;
	[tilespmem:s25+$0xFFFFFFF0] =	vst v61;
	v3 =	vpop (erf);
	v2 =	vbroadcast v61, $0x0  }
0x27b: {  	v7 =	vunpack.i.l.bf16.f32 v7;
	[tilespmem:s25+$0x50] =	vst v3;
	v3 =	vbroadcast v3, $0x0;
	v6 =	vmul.f32 v6, v9;
	v62 =	vpop (erf)  }
0x27c: {  	v1 =	vunpack.i.l.bf16.f32 v1;
	[tilespmem:s25+$0x70] =	vst v62;
	v63 =	vbroadcast v62, $0x0;
	v2 =	vmul.f32 v2, v7  }
0x27d: {  	v4 =	vunpack.i.l.bf16.f32 v4;
	v5 =	vbroadcast v59, $0x0;
	v1 =	vmul.f32 v3, v1;
	[tilespmem:s25+$0x20] =	vst v6  }
.Ltmp6:
0x27e: {  	v3 =	vunpack.i.l.bf16.f32 v8;
	[tilespmem:s25+$0xFFFFFFE0] =	vst v2;
	v2 =	vmul.f32 v63, v4;
	(pc) =	sbr.rel @p0 .LBB2_12-.Ltmp6, $4  }
0x27f: {  	[tilespmem:s25+$0x40] =	vst v1;
	v1 =	vmul.f32 v5, v3  }
0x280: {  	[tilespmem:s25+$0x60] =	vst v2  }
0x281: {  	[tilespmem:s25+$0xFFFFFFC0] =	vst v1  }
0x282: {  	[spmem:s2] =	stream.indirect.scatter.add.f32 [tilespmem:s9], [sflag:$0x4], $0x20, s11, s23, $0xb8;
	[tilespmem:$0x9300] =	vst v63  }
0x283: {  	s14 =	rddreg [dreg:$0xc]  }
0x284: {  	s14 =	sadd.s32 s18, s14  }
0x285: {  	s14 =	sshrl.u32 s14, $0x3  }
0x286: {  	s15 =	sadd.s32 s6, s14  }
0x287: {  	[tilespmem:s26], [sflag:$0x5] =	stream.linear.gather [hbm4b:s15+s4], $0x80, $0x38;
	[tilespmem:$0x9300] =	vst v63  }
0x288: {  	_ =	swait.ge [sflag:s21], $0x80  }
0x289: {  	[sflag:s21] =	ssyncset.done $0x0  }
0x28a: {  	s14 =	sadd.s32 s7, s14;
	[sflag:s21] =	ssyncadd.s32 $0xFFFFFF80  }
0x28b: {  	[tilespmem:s28], [sflag:$0x5] =	stream.linear.gather [hbm4b:s14+s4], $0x80, $0x38;
	[tilespmem:$0x9300] =	vst v63  }
0x28c: {  	_ =	swait.ge [sflag:s21], $0x80  }
.Ltmp7:
0x28d: {  	[sflag:s21] =	ssyncset.done $0x0;
	(pc) =	sbr.rel .LBB2_2-.Ltmp7, $4  }
0x28e: {  	[sflag:s21] =	ssyncadd.s32 $0xFFFFFF80  }
0x28f: {  	[tilespmem:s29], [sflag:$0x3] =	stream.indirect.gather [hbm4b:s1+s23], $0x10, s26, s23, $0xb8;
	[tilespmem:$0x9300] =	vst v63  }
0x290: {  	s19 =	sadd.s32 $0x1, s19  }
0x291: {  	[tilespmem:s30], [sflag:$0x3] =	stream.indirect.gather [hbm4b:s5+s23], $0x10, s28, s23, $0xb8;
	[tilespmem:$0x9300] =	vst v63  }
.LBB2_13:
0x292: {  	_ =	sfence.sel $0x180000  }
0x293: {  	[bflag:$0x0] =	sbarrier.arrive $0xFFFF  }
0x294: {  	_ =	strace $0x9000004A  }
0x295: {  	s0 =	stileid.u32;
	[bflag:$0x2] =	sbarrier.arrive $0xFFFF  }
0x296: {  	p0 =	sne.s32 s0, $0x0;
	s0 =	rddreg [dreg:$0x3]  }
0x297: {  	s0 =	sadd.s32 @!p0 $0x100000, s0  }
0x298: {  	[sflag:s0] =	ssyncadd.tile.s32 @!p0 $0x1;
	_ =	shalt  }
.Lfunc_end2:
_tile_overlayer_lowered:
.L_overlay_start_2:
0x299: {  	(tag) =	ssettag $0x2  }
0x29a: {  	s0 =	rddreg [dreg:$0x0];
	s2 =	stileid.u32  }
0x29b: {  	s1 =	rddreg [dreg:$0x1];
	p0 =	sne.s32 s2, $0x0  }
0x29c: {  	s3 =	rddreg [dreg:$0x2];
	[bflag:$0x3] =	sbarrier.arrive $0xFFFF;
	s2 =	simm.s32 @!p0 $0x1C05  }
0x29d: {  	[timem:s3], [sflag:s2] =	dma.local @!p0 [hbm:s0], s1  }
0x29e: {  	s0 =	simm.s32 @!p0 $0x5  }
0x29f: {  	_ =	swait.ge @!p0 [sflag:s0], s1  }
0x2a0: {  	s1 =	ssub.s32 @!p0 $0x0, s1;
	[sflag:s0] =	ssyncset.done @!p0 $0x0  }
0x2a1: {  	[sflag:s0] =	ssyncadd.s32 @!p0 s1  }
0x2a2: {  	[bflag:$0x3] =	sbarrier.arrive $0xFFFF  }
0x2a3: {  	_ =	shalt  }

// kernel: kernel.7.cloned.1.call-start
scs
__scs_entry_jumppad:
0x0: {  	(pc) =	sbr.rel $0x88, $3  }
0x1: {  	(tag) =	ssettag $0x0;
	lr =	simm.s32 $0x1  }
0x2: {  	[smem:$0x3F97] =	sst lr;
	_ =	strace $0xD0000000  }
0x3: {  	_ = 	snop  }
0x4: {  	_ = 	snop  }
0x5: {  	_ = 	snop  }
0x6: {  	_ = 	snop  }
0x7: {  	_ = 	snop  }
__scs_overlays_trampoline_lowered:
0x8: {  	[smem:$0x3FA6] =	sst s0  }
0x9: {  	[smem:$0x3FA7] =	sst s1  }
0xa: {  	[smem:$0x3FA8] =	sst s2  }
0xb: {  	[smem:$0x3FA9] =	sst s3  }
0xc: {  	[smem:$0x3FAA] =	sst s4  }
0xd: {  	[smem:$0x3FAB] =	sst s5  }
0xe: {  	[smem:$0x3FAC] =	sst s6  }
0xf: {  	[smem:$0x3FAD] =	sst s7  }
0x10: {  	[smem:$0x3FAE] =	sst s8  }
0x11: {  	[smem:$0x3FAF] =	sst s9;
	s0 =	simm.s32 @!p0 $0x0  }
0x12: {  	s1 =	sld [smem:$0x3F95];
	s0 =	simm.s32 @p0 $0x1  }
0x13: {  	[smem:$0x3FB0] =	sst s0;
	s0 =	simm.s32 @!p1 $0x0  }
0x14: {  	s2 =	sld [smem:$0x3F94];
	s0 =	simm.s32 @p1 $0x1  }
0x15: {  	[smem:$0x3FB1] =	sst s0;
	s0 =	simm.s32 @!p2 $0x0  }
0x16: {  	s3 =	sld [smem:$0x3FDB];
	s0 =	simm.s32 @p2 $0x1  }
0x17: {  	s4 =	simm.s32 $0x1BF5;
	[smem:$0x3FB3] =	sst s0  }
0x18: {  	s0 =	sld [smem:$0x3F96];
	_ =	swait.ge [sflag:s4], $0x0  }
0x19: {  	s7 =	sld [smem:$0x3F97]  }
0x1a: {  	s8 =	sadd.s32 $0xFFFFE003, lr  }
0x1b: {  	s9 =	sadd.s32 $0xFFFFFEF7, lr;
	s5 =	simm.s32 $0xFFFFFFFF;
	p2 =	slt.u32 s8, $0xFFFFF086  }
0x1c: {  	p1 =	slt.u32 s9, $0xF7A;
	s5 =	simm.s32 @!p2 $0x0  }
0x1d: {  	s5 =	simm.s32 @p1 $0x1;
	p0 =	seq.s32 s7, s2  }
0x1e: {  	s7 =	smul.u32 @!p0 $0xF7A, s2;
	p2 =	seq.s32 @!p0 s5, $0x0  }
0x1f: {  	s9 =	smul.u32 $0xF7A, s1;
	s8 =	simm.s32 @!p0 $0x1BF5;
	p2 =	por !p2, p0  }
0x20: {  	[sflag:s8] =	ssyncset.s32 @!p0 $0xFFFFF086;
	s6 =	sadd.s32 @!p0 s3, s7;
	s7 =	simm.s32 @!p0 $0x108  }
0x21: {  	s3 =	sadd.s32 s3, s9;
	s6 =	sadd.s32 @!p0 $0x88, s6;
	s7 =	simm.s32 @p2 $0x1082  }
0x22: {  	[simem:s7], [sflag:s8] =	dma.local @!p0 [hbm:s6], $0xF7A  }
0x23: {  	s9 =	sor.u32 $0xD0000000, s2;
	s6 =	simm.s32 $0x108;
	_ =	swait.ge @!p0 [sflag:s8], $0x0  }
0x24: {  	s3 =	sadd.s32 $0x88, s3;
	s6 =	simm.s32 @!p1 $0x1082;
	[sflag:s4] =	ssyncset.s32 $0xFFFFF086  }
0x25: {  	[simem:s6], [sflag:s4] =	dma.local [hbm:s3], $0xF7A  }
0x26: {  	[smem:$0x3F97] =	sst s1;
	(tag) =	ssettag s2;
	_ =	strace s9  }
0x27: {  	s1 =	sld [smem:$0x3FA7]  }
0x28: {  	s2 =	sld [smem:$0x3FA8]  }
0x29: {  	s4 =	sld [smem:$0x3FAA]  }
0x2a: {  	p0 =	seq.s32 s5, $0x0;
	s5 =	sld [smem:$0x3FAB]  }
0x2b: {  	s6 =	sld [smem:$0x3FAC]  }
0x2c: {  	s7 =	sld [smem:$0x3FAD]  }
0x2d: {  	s3 =	simm.s32 $0x108;
	s8 =	sld [smem:$0x3FAE]  }
0x2e: {  	s3 =	simm.s32 @!p0 $0x1082;
	s9 =	sld [smem:$0x3FAF]  }
0x2f: {  	lr =	sadd.s32 s0, s3;
	s0 =	sld [smem:$0x3FA6]  }
0x30: {  	s3 =	sld [smem:$0x3FA9]  }
0x31: {  	[smem:$0x3FB2] =	sst s10  }
0x32: {  	s10 =	sld [smem:$0x3FB0];
	_ =	sdelay $0x3  }
0x33: {  	p0 =	seq.s32 s10, $0x1;
	s10 =	sld [smem:$0x3FB2];
	_ =	sdelay $0x3  }
0x34: {  	[smem:$0x3FB2] =	sst s10  }
0x35: {  	s10 =	sld [smem:$0x3FB1];
	_ =	sdelay $0x3  }
0x36: {  	p1 =	seq.s32 s10, $0x1;
	s10 =	sld [smem:$0x3FB2];
	_ =	sdelay $0x3  }
0x37: {  	[smem:$0x3FB2] =	sst s10  }
0x38: {  	s10 =	sld [smem:$0x3FB3]  }
0x39: {  	_ = 	snop;
	(pc) =	sbr.ind lr, $3  }
0x3a: {  	_ = 	snop  }
0x3b: {  	_ = 	snop  }
0x3c: {  	p2 =	seq.s32 s10, $0x1;
	s10 =	sld [smem:$0x3FB2]  }
0x3d: {  	_ =	shalt  }
0x3e: {  	_ =	shalt  }
0x3f: {  	_ =	shalt  }
0x40: {  	_ =	shalt  }
0x41: {  	_ =	shalt  }
0x42: {  	_ =	shalt  }
0x43: {  	_ =	shalt  }
0x44: {  	_ =	shalt  }
0x45: {  	_ =	shalt  }
0x46: {  	_ =	shalt  }
0x47: {  	_ =	shalt  }
0x48: {  	_ =	shalt  }
0x49: {  	_ =	shalt  }
0x4a: {  	_ =	shalt  }
0x4b: {  	_ =	shalt  }
0x4c: {  	_ =	shalt  }
0x4d: {  	_ =	shalt  }
0x4e: {  	_ =	shalt  }
0x4f: {  	_ =	shalt  }
0x50: {  	_ =	shalt  }
0x51: {  	_ =	shalt  }
0x52: {  	_ =	shalt  }
0x53: {  	_ =	shalt  }
0x54: {  	_ =	shalt  }
0x55: {  	_ =	shalt  }
0x56: {  	_ =	shalt  }
0x57: {  	_ =	shalt  }
0x58: {  	_ =	shalt  }
0x59: {  	_ =	shalt  }
0x5a: {  	_ =	shalt  }
0x5b: {  	_ =	shalt  }
0x5c: {  	_ =	shalt  }
0x5d: {  	_ =	shalt  }
0x5e: {  	_ =	shalt  }
0x5f: {  	_ =	shalt  }
0x60: {  	_ =	shalt  }
0x61: {  	_ =	shalt  }
0x62: {  	_ =	shalt  }
0x63: {  	_ =	shalt  }
0x64: {  	_ =	shalt  }
0x65: {  	_ =	shalt  }
0x66: {  	_ =	shalt  }
0x67: {  	_ =	shalt  }
0x68: {  	_ =	shalt  }
0x69: {  	_ =	shalt  }
0x6a: {  	_ =	shalt  }
0x6b: {  	_ =	shalt  }
0x6c: {  	_ =	shalt  }
0x6d: {  	_ =	shalt  }
0x6e: {  	_ =	shalt  }
0x6f: {  	_ =	shalt  }
0x70: {  	_ =	shalt  }
0x71: {  	_ =	shalt  }
0x72: {  	_ =	shalt  }
0x73: {  	_ =	shalt  }
0x74: {  	_ =	shalt  }
0x75: {  	_ =	shalt  }
0x76: {  	_ =	shalt  }
0x77: {  	_ =	shalt  }
0x78: {  	_ =	shalt  }
0x79: {  	_ =	shalt  }
0x7a: {  	_ =	shalt  }
0x7b: {  	_ =	shalt  }
0x7c: {  	_ =	shalt  }
0x7d: {  	_ =	shalt  }
0x7e: {  	_ =	shalt  }
0x7f: {  	_ =	shalt  }
0x80: {  	_ =	shalt  }
0x81: {  	_ =	shalt  }
0x82: {  	_ =	shalt  }
0x83: {  	_ =	shalt  }
0x84: {  	_ =	shalt  }
0x85: {  	_ =	shalt  }
0x86: {  	_ =	shalt  }
0x87: {  	_ =	shalt  }
.Lfunc_end0:
.L_simem_size_0:
called_computation_lowered:
.L_overlay_start_0:
0x88: {  	s2 =	sld [smem:$0x3FD9]  }
0x89: {  	s3 =	sld [smem:$0x3FFE];
	_ =	sdelay $0x1  }
0x8a: {  	s1 =	srdreg.scid  }
0x8b: {  	s0 =	sand.u32 $0x1, s1  }
0x8c: {  	s17 =	sshll.u32 s0, $0xA;
	s2 =	sadd.s32 s3, s2  }
0x8d: {  	s2 =	sadd.s32 s2, s17  }
0x8e: {  	[smem:$0x3FBE] =	sst s2  }
0x8f: {  	_ = 	snop  }
0x90: {  	s2 =	sld [smem:$0x3FD0];
	(tm) =	ssettm $0x1  }
0x91: {  	s18 =	sld [smem:$0x3FFB];
	_ =	sdelay $0x3  }
0x92: {  	_ =	strace s18  }
0x93: {  	s3 =	sld [smem:$0x3FFC];
	_ =	sdelay $0x3  }
0x94: {  	_ =	strace s3  }
0x95: {  	s3 =	sld [smem:$0x3FFD];
	_ =	sdelay $0x3  }
0x96: {  	_ =	strace s3  }
0x97: {  	_ =	strace $0x8FFFFFFF  }
0x98: {  	s19 =	sld [smem:$0x3FDB];
	_ =	sdelay $0x1  }
0x99: {  	s4 =	simm.s32 $_scs_section_size  }
0x9a: {  	s5 =	simm.s32 $_size__tile_overlayer_lowered;
	s6 =	simm.s32 $_tile_overlayer_lowered  }
0x9b: {  	s22 =	simm.s32 $0x1BFF;
	s21 =	sshll.u32 s6, $0x1;
	s3 =	sadd.s32 s4, s19  }
0x9c: {  	s7 =	simm.s32 $0x0;
	s20 =	sshll.u32 s5, $0x1;
	s5 =	sadd.s32 s21, s3  }
0x9d: {  	[timem:s7], [sflag:s22] =	dma.local [hbm:s5], s20  }
0x9e: {  	_ =	swait.ge [sflag:s22], s20  }
0x9f: {  	s4 =	ssub.s32 $0x0, s20;
	[sflag:s22] =	ssyncset.done $0x0  }
0xa0: {  	[sflag:s22] =	ssyncadd.s32 s4;
	_ =	sdelay $0x1  }
0xa1: {  	s23 =	simm.s32 $0x1B8B  }
0xa2: {  	_ =	swait.ge [sflag:s23], $0x1  }
0xa3: {  	[sflag:s23] =	ssyncset.done $0x0  }
0xa4: {  	s25 =	simm.s32 $0x1B8E;
	s24 =	sld [smem:$0x3FFE];
	[sflag:s23] =	ssyncadd.s32 $0xFFFFFFFF  }
0xa5: {  	s26 =	simm.s32 $execute0_lowered;
	[smem:$0x3FD2] =	sst s25  }
0xa6: {  	s5 =	sshll.u32 s26, $0x1;
	_ =	strace $0x80000046;
	[dreg:$0x1] =	wrdreg $0xFFFFFFFF  }
0xa7: {  	s28 =	simm.s32 $_size_execute0_lowered;
	s3 =	sadd.s32 s3, s5;
	[dreg:$0x0] =	wrdreg $0x0  }
0xa8: {  	s5 =	sshll.u32 s28, $0x1;
	[dreg:$0x2] =	wrdreg s3  }
0xa9: {  	[dreg:$0x3] =	wrdreg s5  }
0xaa: {  	[dreg:$0x4] =	wrdreg $0xC0  }
0xab: {  	_ =	task [dreg:s7], $0x5FFFF  }
0xac: {  	[dreg:$0x1] =	wrdreg $0xFFFFFFFF  }
0xad: {  	[dreg:$0x0] =	wrdreg $0x60  }
0xae: {  	[dreg:$0x2] =	wrdreg s24  }
0xaf: {  	[dreg:$0x3] =	wrdreg s2  }
0xb0: {  	[dreg:$0x4] =	wrdreg $0x0  }
0xb1: {  	[dreg:$0x5] =	wrdreg $0x9  }
0xb2: {  	_ =	task.clear_ibuf [dreg:s7], $0x6FFFF;
	_ =	strace $0x90000046  }
0xb3: {  	s29 =	simm.s32 $0x9;
	_ =	strace $0x80000048  }
0xb4: {  	_ =	swait.ge [sflag:s29], $0x1  }
0xb5: {  	[sflag:s29] =	ssyncadd.s32 $0xFFFFFFFF  }
0xb6: {  	_ =	strace $0x90000048  }
0xb7: {  	_ =	sfence  }
0xb8: {  	s30 =	sld [smem:$0x0];
	_ =	sdelay $0x2  }
0xb9: {  	s31 =	sshll.u32 s1, $0xD;
	s1 =	sshrl.u32 s1, $0x2  }
0xba: {  	s3 =	sand.u32 $0x4000, s31;
	s1 =	sadd.s32 s1, s30  }
0xbb: {  	s0 =	sor.u32 s3, s0;
	s1 =	sshll.u32 s1, $0x11  }
0xbc: {  	s0 =	sor.u32 s1, s0  }
0xbd: {  	s0 =	sadd.s32 $0x8F2B, s0  }
0xbe: {  	[sflag:s0] =	ssyncadd.remote.s32 $0x1  }
0xbf: {  	_ =	sfence.sel $0xFFFF  }
0xc0: {  	[dreg:$0x0] =	wrdreg $0xFFFFFFFF;
	(pc) =	sbr.abs _section_cstart, $3  }
0xc1: {  	[dreg:$0x1] =	wrdreg $0xFFFFFFFF  }
0xc2: {  	_ =	task.clear_ibuf [dreg:s7], $0x2FFFF;
	_ =	strace $0x9FFFFFFF  }
0xc3: {  	(tm) =	ssettm $0x7FFFFFFF  }
tec
execute0_lowered:
.L_overlay_start_1:
0x0: {  	(tag) =	ssettag $0x1  }
0x1: {  	s0 =	rddreg [dreg:$0x0]  }
0x2: {  	s1 =	rddreg [dreg:$0x1]  }
0x3: {  	s2 =	rddreg [dreg:$0x2]  }
0x4: {  	s4 =	simm.s32 $0x0;
	s3 =	srdreg.scid;
	s11 =	stileid.u32  }
0x5: {  	s28 =	simm.s32 $0x16470;
	s29 =	simm.s32 $0x1B100;
	s30 =	simm.s32 $0x1CA00  }
0x6: {  	s31 =	simm.s32 $0x1;
	s12 =	simm.s32 $0x2;
	s13 =	simm.s32 $0x4  }
0x7: {  	s15 =	simm.s32 $0x0;
	[smem:$0x7FF] =	sst s4;
	s3 =	sand.u32 $0x1, s3  }
0x8: {  	s8 =	smul.u32 $0x16380, s11;
	s5 =	sadd.s32 $0x1400, s0;
	s6 =	sadd.s32 $0x24000, s0  }
0x9: {  	s7 =	sadd.s32 $0x1A000, s0;
	s17 =	sadd.s32 $0x2E000, s0;
	_ =	strace $0x80000047  }
0xa: {  	s9 =	smul.u32 $0x163800, s3;
	s10 =	sshll.u32 s3, $0x4;
	s3 =	ssub.s32 $0x2, s3  }
0xb: {  	[dreg:$0x4] =	wrdreg s17;
	s10 =	sor.u32 s11, s10;
	s18 =	sshrl.u32 s3, $0x1  }
0xc: {  	s11 =	simm.s32 $0x165B0;
	s9 =	sadd.s32 s8, s9;
	s10 =	smul.u32 $0x2800, s10  }
0xd: {  	s3 =	ssub.s32 s3, s18;
	s8 =	sadd.s32 s8, s2;
	s9 =	sshrl.u32 s9, $0x3  }
0xe: {  	[dreg:$0x9] =	wrdreg s8;
	s26 =	smax.u32 s3, $0x1;
	s3 =	simm.s32 $0x164C0  }
0xf: {  	s8 =	simm.s32 $0x3;
	s0 =	sadd.s32 s9, s0;
	s19 =	sshrl.u32 s10, $0x3  }
0x10: {  	s23 =	sor.u32 $0xA0, s10;
	s24 =	sor.u32 $0xF0, s10;
	[dreg:$0xe] =	wrdreg s26  }
0x11: {  	s16 =	sor.u32 $0x140, s10;
	s25 =	sor.u32 $0x190, s10;
	[dreg:$0xa] =	wrdreg s23  }
0x12: {  	s26 =	simm.s32 $0x16420;
	s10 =	simm.s32 $0x16560;
	[dreg:$0xb] =	wrdreg s24  }
0x13: {  	s20 =	sadd.s32 s6, s19;
	s21 =	sadd.s32 s7, s19;
	[dreg:$0xc] =	wrdreg s25  }
.Ltmp0:
0x14: {  	s9 =	sor.u32 $0xA, s19;
	[dreg:$0x5] =	wrdreg s20;
	(pc) =	sbr.rel .LBB2_1-.Ltmp0, $4  }
0x15: {  	v0 =	vlaneseq.u32;
	s0 =	sadd.s32 $0x30E00, s0;
	s23 =	simm.s32 $0x50;
	[dreg:$0x6] =	wrdreg s21  }
0x16: {  	v0 =	vmul.u32 $0xFFFFFFFF, v0;
	s22 =	sadd.s32 s6, s9;
	s9 =	sadd.s32 s7, s9;
	[dreg:$0xd] =	wrdreg s0  }
0x17: {  	s21 =	simm.s32 $0x5;
	s0 =	simm.s32 $0x18400;
	[dreg:$0x7] =	wrdreg s22  }
0x18: {  	v0 =	vadd.s32 $0xF, v0;
	s20 =	simm.s32 $0x16510;
	[dreg:$0x8] =	wrdreg s9;
	s9 =	simm.s32 $0x1CF00  }
.LBB2_12:
0x19: {  	_ =	swait.ge [sflag:s12], $0x2D00  }
0x1a: {  	[sflag:s12] =	ssyncset.done $0x0  }
0x1b: {  	[sflag:s12] =	ssyncadd.s32 $0xFFFFD300  }
0x1c: {  	_ =	swait.ge [sflag:s13], $0x2D00  }
0x1d: {  	[sflag:s13] =	ssyncset.done $0x0  }
0x1e: {  	[sflag:s13] =	ssyncadd.s32 $0xFFFFD300  }
0x1f: {  	[bflag:$0x0] =	sbarrier.arrive $0xFFFF  }
0x20: {  	s14 =	rddreg [dreg:$0xd]  }
0x21: {  	s15 =	rddreg [dreg:$0x10]  }
0x22: {  	s17 =	rddreg [dreg:$0x11]  }
0x23: {  	[hbm:s14], [sflag:s15] =	dma.local [spmem:s17], $0x2C70  }
0x24: {  	_ =	swait.ge [sflag:s21], $0x2C70  }
0x25: {  	s24 =	rddreg [dreg:$0xf]  }
0x26: {  	s25 =	rddreg [dreg:$0xe];
	s15 =	sadd.s32 $0x1, s24  }
0x27: {  	p0 =	sne.s32 s15, s25  }
.Ltmp1:
0x28: {  	_ = 	snop;
	(pc) =	sbr.rel @!p0 .LBB2_13-.Ltmp1, $3  }
0x29: {  	_ =	sdelay $0x1  }
0x2a: {  	[sflag:s21] =	ssyncset.done $0x0  }
0x2b: {  	[sflag:s21] =	ssyncadd.s32 $0xFFFFD390  }
.LBB2_1:
0x2c: {  	[dreg:$0xf] =	wrdreg s15  }
0x2d: {  	s14 =	rddreg [dreg:$0x5];
	s19 =	simm.s32 $0x16380  }
0x2e: {  	[tilespmem:s19], [sflag:$0x5] =	stream.linear.gather [hbm4b:s14+s4], $0x50, $0x38;
	[tilespmem:$0x1FC00] =	vst v63  }
0x2f: {  	_ =	swait.ge [sflag:s21], $0x50  }
0x30: {  	[sflag:s21] =	ssyncset.done $0x0  }
0x31: {  	s17 =	simm.s32 $0x163D0;
	s22 =	rddreg [dreg:$0x6];
	[sflag:s21] =	ssyncadd.s32 $0xFFFFFFB0  }
0x32: {  	[tilespmem:s17], [sflag:$0x5] =	stream.linear.gather [hbm4b:s22+s4], $0x50, $0x38;
	[tilespmem:$0x1FC00] =	vst v63  }
0x33: {  	_ =	swait.ge [sflag:s21], $0x50  }
0x34: {  	[sflag:s21] =	ssyncset.done $0x0  }
0x35: {  	s24 =	simm.s32 $0x16600;
	[sflag:s21] =	ssyncadd.s32 $0xFFFFFFB0  }
0x36: {  	[tilespmem:s24], [sflag:$0x1] =	stream.indirect.gather [hbm4b:s5+s23], $0x50, s19, s23, $0xb8;
	[tilespmem:$0x1FC00] =	vst v63  }
0x37: {  	s25 =	simm.s32 $0x17F00  }
0x38: {  	[tilespmem:s25], [sflag:$0x1] =	stream.indirect.gather [hbm4b:s1+s23], $0x10, s17, s23, $0xb8;
	[tilespmem:$0x1FC00] =	vst v63  }
0x39: {  	s15 =	rddreg [dreg:$0x7]  }
0x3a: {  	[tilespmem:s26], [sflag:$0x5] =	stream.linear.gather [hbm4b:s15+s4], $0x50, $0x38;
	[tilespmem:$0x1FC00] =	vst v63  }
0x3b: {  	s18 =	stileid.u32;
	_ =	swait.ge [sflag:s21], $0x50  }
0x3c: {  	s14 =	sshll.u32 s18, $0x6;
	[sflag:s21] =	ssyncset.done $0x0  }
0x3d: {  	s19 =	sor.u32 $0x1C05, s14;
	s17 =	rddreg [dreg:$0x8];
	[sflag:s21] =	ssyncadd.s32 $0xFFFFFFB0  }
0x3e: {  	[tilespmem:s28], [sflag:$0x5] =	stream.linear.gather [hbm4b:s17+s4], $0x50, $0x38;
	[tilespmem:$0x1FC00] =	vst v63  }
0x3f: {  	_ =	swait.ge [sflag:s21], $0x50;
	[dreg:$0x10] =	wrdreg s19  }
0x40: {  	[sflag:s21] =	ssyncset.done $0x0;
	s22 =	rddreg [dreg:$0x9]  }
0x41: {  	s25 =	rddreg [dreg:$0x4];
	[sflag:s21] =	ssyncadd.s32 $0xFFFFFFB0;
	s24 =	sshrl.u32 s22, $0x3  }
0x42: {  	[tilespmem:s29], [sflag:$0x3] =	stream.indirect.gather [hbm4b:s5+s23], $0x50, s26, s23, $0xb8;
	[tilespmem:$0x1FC00] =	vst v63  }
0x43: {  	[dreg:$0x11] =	wrdreg s24  }
0x44: {  	[tilespmem:s30], [sflag:$0x3] =	stream.indirect.gather [hbm4b:s1+s23], $0x10, s28, s23, $0xb8;
	[tilespmem:$0x1FC00] =	vst v63  }
0x45: {  	[spmem:s24], [sflag:s19] =	dma.local [hbm:s25], $0x2C70  }
0x46: {  	_ =	swait.ge [sflag:s21], $0x2C70  }
0x47: {  	[sflag:s21] =	ssyncset.done $0x0  }
0x48: {  	[sflag:s21] =	ssyncadd.s32 $0xFFFFD390  }
0x49: {  	s19 =	simm.s32 $0x0;
	[bflag:$0x0] =	sbarrier.arrive $0xFFFF  }
.LBB2_2:
0x4a: {  	p0 =	seq.s32 s19, $0x0  }
0x4b: {  	s14 =	simm.s32 @!p0 $0x2  }
0x4c: {  	_ =	swait.ge @!p0 [sflag:s14], $0x2D00  }
0x4d: {  	[sflag:s14] =	ssyncset.done @!p0 $0x0  }
0x4e: {  	[sflag:s14] =	ssyncadd.s32 @!p0 $0xFFFFD300  }
0x4f: {  	_ =	swait.ge [sflag:s31], $0x1900  }
0x50: {  	[sflag:s31] =	ssyncset.done $0x0  }
0x51: {  	[sflag:s31] =	ssyncadd.s32 $0xFFFFE700  }
0x52: {  	_ =	swait.ge [sflag:s31], $0x500  }
0x53: {  	[sflag:s31] =	ssyncset.done $0x0  }
0x54: {  	s17 =	simm.s32 $0x16740;
	[sflag:s31] =	ssyncadd.s32 $0xFFFFFB00  }
0x55: {  	s25 =	simm.s32 $0x17F40;
	v1 =	vld [tilespmem:s17+$0x130]  }
0x56: {  	v2 =	vld [tilespmem:s25+$0x30];
	_ =	sdelay $0x3  }
0x57: {  	v1 =	vunpack.i.l.bf16.f32 v1  }
0x58: {  	v3 =	vld [tilespmem:s17+$0xFFFFFF50];
	v1 =	vadd.f32 v2, v1  }
0x59: {  	v4 =	vld [tilespmem:s17+$0xFFFFFFA0]  }
0x5a: {  	v5 =	vld [tilespmem:s17+$0xFFFFFFF0];
	v7 =	vmul.f32 $2.000000030e-01, v1  }
0x5b: {  	v10 =	vld [tilespmem:s25+$0xFFFFFFD0];
	v2 =	vperm.xlane v2, v0  }
0x5c: {  	v8 =	vld [tilespmem:s17+$0x90];
	v1 =	vmax.f32 v1, v7  }
0x5d: {  	v9 =	vld [tilespmem:s17+$0xE0];
	v1 =	vsub.f32 v1, v2  }
0x5e: {  	v7 =	vld [tilespmem:s17+$0xFFFFFF00]  }
0x5f: {  	v3 =	vunpack.i.l.bf16.f32 v3;
	v2 =	vld [tilespmem:s25+$0xFFFFFFC0];
	v1 =	vmul.f32 $1.442695020e+00, v1  }
0x60: {  	v13 =	vld [tilespmem:s25+$0x10];
	v3 =	vadd.f32 v10, v3  }
0x61: {  	v11 =	vld [tilespmem:s25+$0xFFFFFFE0];
	(erf) = vpow2.f32 v1  }
0x62: {  	v14 =	vld [tilespmem:s25+$0x20];
	v16 =	vmul.f32 $2.000000030e-01, v3  }
0x63: {  	v12 =	vld [tilespmem:s25+$0xFFFFFFF0];
	v1 =	vunpack.i.l.bf16.f32 v4;
	v4 =	vunpack.i.l.bf16.f32 v5;
	v5 =	vunpack.i.l.bf16.f32 v7  }
0x64: {  	v6 =	vld [tilespmem:s17+$0x40];
	v8 =	vunpack.i.l.bf16.f32 v8;
	v15 =	vperm.xlane v10, v0;
	v5 =	vadd.f32 v2, v5  }
0x65: {  	v9 =	vunpack.i.l.bf16.f32 v9;
	v8 =	vadd.f32 v13, v8;
	v3 =	vmax.f32 v3, v16  }
0x66: {  	v13 =	vperm.xlane v13, v0;
	v3 =	vsub.f32 v3, v15;
	v7 =	vld [tilespmem:s25+$0x0];
	v10 =	vmul.f32 $2.000000030e-01, v5  }
0x67: {  	v9 =	vadd.f32 v14, v9;
	v14 =	vperm.xlane v14, v0;
	v16 =	vmul.f32 $2.000000030e-01, v8  }
0x68: {  	v3 =	vmul.f32 $1.442695020e+00, v3;
	v1 =	vadd.f32 v11, v1;
	v4 =	vadd.f32 v12, v4  }
0x69: {  	v6 =	vunpack.i.l.bf16.f32 v6;
	v2 =	vperm.xlane v2, v0;
	v11 =	vperm.xlane v11, v0  }
0x6a: {  	s18 =	simm.s32 $0x18640;
	v17 =	vmul.f32 $2.000000030e-01, v1;
	v18 =	vmul.f32 $2.000000030e-01, v4;
	v5 =	vmax.f32 v5, v10;
	v10 =	vpop (erf)  }
0x6b: {  	v12 =	vperm.xlane v12, v0;
	v6 =	vadd.f32 v7, v6;
	v7 =	vperm.xlane v7, v0;
	[tilespmem:s18+$0x230] =	vst v10  }
0x6c: {  	v1 =	vmax.f32 v1, v17;
	v4 =	vmax.f32 v4, v18;
	v2 =	vsub.f32 v5, v2;
	v5 =	vld [tilespmem:s17+$0xF0]  }
0x6d: {  	v1 =	vsub.f32 v1, v11;
	v4 =	vsub.f32 v4, v12;
	v19 =	vmul.f32 $2.000000030e-01, v6  }
0x6e: {  	v8 =	vmax.f32 v8, v16;
	v17 =	vmul.f32 $2.000000030e-01, v9;
	v2 =	vmul.f32 $1.442695020e+00, v2  }
0x6f: {  	v1 =	vmul.f32 $1.442695020e+00, v1;
	v4 =	vmul.f32 $1.442695020e+00, v4;
	v6 =	vmax.f32 v6, v19  }
0x70: {  	v6 =	vsub.f32 v6, v7;
	(erf) = vpow2.f32 v2;
	v2 =	vbroadcast v10, $0x0  }
0x71: {  	v7 =	vbroadcast v10, $0x1;
	(erf) = vpow2.f32 v3;
	v3 =	vunpack.i.l.bf16.f32 v5  }
0x72: {  	(erf) = vpow2.f32 v1;
	v1 =	vunpack.i.u.bf16.f32 v5;
	v2 =	vmul.f32 v2, v3  }
0x73: {  	v9 =	vmax.f32 v9, v17;
	v3 =	vsub.f32 v8, v13;
	v1 =	vmul.f32 v7, v1  }
0x74: {  	(erf) = vpow2.f32 v4;
	v4 =	vsub.f32 v9, v14;
	[tilespmem:s18+$0x1B0] =	vst v2  }
0x75: {  	v5 =	vmul.f32 $1.442695020e+00, v6;
	v2 =	vmul.f32 $1.442695020e+00, v3;
	[tilespmem:s18+$0x1C0] =	vst v1  }
0x76: {  	v35 =	vbroadcast v10, $0x5;
	v1 =	vmul.f32 $1.442695020e+00, v4;
	v4 =	vld [tilespmem:s17+$0x100]  }
0x77: {  	v9 =	vbroadcast v10, $0x3;
	(erf) = vpow2.f32 v5  }
0x78: {  	v7 =	vbroadcast v10, $0x2;
	(erf) = vpow2.f32 v2  }
0x79: {  	v3 =	vbroadcast v10, $0x6;
	(erf) = vpow2.f32 v1;
	v2 =	vpop (erf)  }
0x7a: {  	v11 =	vbroadcast v2, $0x0;
	v1 =	vpop (erf);
	v12 =	vbroadcast v2, $0x1  }
0x7b: {  	[tilespmem:s18+$0xFFFFFE40] =	vst v2;
	v8 =	vunpack.i.l.bf16.f32 v4;
	v14 =	vbroadcast v1, $0x0;
	v16 =	vbroadcast v1, $0x1  }
0x7c: {  	v13 =	vld [tilespmem:s17+$0xFFFFFEC0];
	v4 =	vunpack.i.u.bf16.f32 v4;
	v52 =	vbroadcast v1, $0x6;
	v54 =	vbroadcast v1, $0x7  }
0x7d: {  	v5 =	vpop (erf);
	v7 =	vmul.f32 v8, v7;
	v4 =	vmul.f32 v4, v9  }
0x7e: {  	v6 =	vpop (erf);
	v18 =	vbroadcast v5, $0x0;
	v19 =	vbroadcast v5, $0x1  }
0x7f: {  	[tilespmem:s18+$0xFFFFFED0] =	vst v1;
	v56 =	vbroadcast v5, $0x7;
	v21 =	vbroadcast v6, $0x0  }
0x80: {  	v15 =	vld [tilespmem:s17+$0xFFFFFF10];
	v22 =	vbroadcast v6, $0x1;
	v40 =	vbroadcast v6, $0x3;
	[tilespmem:s18+$0x1D0] =	vst v7  }
0x81: {  	v46 =	vbroadcast v6, $0x5;
	v59 =	vbroadcast v6, $0x6;
	[tilespmem:s18+$0x1E0] =	vst v4;
	v7 =	vpop (erf);
	v4 =	vunpack.i.u.bf16.f32 v13  }
0x82: {  	v25 =	vld [tilespmem:s17+$0x110];
	v13 =	vunpack.i.l.bf16.f32 v13;
	v23 =	vbroadcast v7, $0x0;
	v24 =	vbroadcast v7, $0x1  }
0x83: {  	[tilespmem:s18+$0xFFFFFF60] =	vst v5;
	v11 =	vmul.f32 v11, v13;
	v13 =	vbroadcast v10, $0x4  }
0x84: {  	[tilespmem:s18+$0xFFFFFFF0] =	vst v6;
	v17 =	vld [tilespmem:s17+$0xFFFFFF60];
	v4 =	vmul.f32 v12, v4;
	v10 =	vbroadcast v10, $0x7  }
0x85: {  	v9 =	vpop (erf);
	[tilespmem:s18+$0x80] =	vst v7;
	v29 =	vunpack.i.u.bf16.f32 v15;
	v42 =	vbroadcast v7, $0x2;
	v48 =	vbroadcast v7, $0x5  }
0x86: {  	v20 =	vld [tilespmem:s17+$0xFFFFFFB0];
	v15 =	vunpack.i.l.bf16.f32 v15;
	v8 =	vpop (erf);
	v26 =	vbroadcast v9, $0x0;
	v27 =	vbroadcast v9, $0x1;
	[tilespmem:s18+$0x110] =	vst v9  }
0x87: {  	v28 =	vld [tilespmem:s17+$0x0];
	v44 =	vbroadcast v9, $0x3;
	v49 =	vbroadcast v9, $0x4;
	[tilespmem:s18+$0x1A0] =	vst v8;
	v12 =	vunpack.i.l.bf16.f32 v25  }
0x88: {  	v51 =	vbroadcast v9, $0x5;
	[tilespmem:s18+$0xFFFFFDC0] =	vst v11;
	v11 =	vunpack.i.u.bf16.f32 v25;
	v12 =	vmul.f32 v12, v13  }
0x89: {  	v32 =	vunpack.i.u.bf16.f32 v17;
	v30 =	vbroadcast v8, $0x0;
	v33 =	vld [tilespmem:s17+$0x50];
	[tilespmem:s18+$0xFFFFFDD0] =	vst v4;
	v4 =	vmul.f32 v11, v35  }
0x8a: {  	v17 =	vunpack.i.l.bf16.f32 v17;
	v31 =	vbroadcast v8, $0x1;
	v11 =	vmul.f32 v14, v15;
	[tilespmem:s18+$0x1F0] =	vst v12  }
0x8b: {  	v34 =	vunpack.i.u.bf16.f32 v20;
	v20 =	vunpack.i.l.bf16.f32 v20;
	v36 =	vld [tilespmem:s17+$0xA0];
	v15 =	vmul.f32 v16, v29;
	[tilespmem:s18+$0x200] =	vst v4  }
0x8c: {  	v13 =	vunpack.i.u.bf16.f32 v28;
	v12 =	vmul.f32 v18, v17;
	v17 =	vmul.f32 v19, v32;
	[tilespmem:s18+$0xFFFFFE50] =	vst v11  }
0x8d: {  	v14 =	vunpack.i.l.bf16.f32 v28;
	v18 =	vmul.f32 v21, v20;
	v11 =	vmul.f32 v22, v34;
	[tilespmem:s18+$0xFFFFFE60] =	vst v15  }
0x8e: {  	v16 =	vunpack.i.u.bf16.f32 v33;
	v14 =	vmul.f32 v23, v14;
	v13 =	vmul.f32 v24, v13;
	[tilespmem:s18+$0xFFFFFEE0] =	vst v12  }
0x8f: {  	v20 =	vld [tilespmem:s17+$0xFFFFFED0];
	v19 =	vunpack.i.l.bf16.f32 v33;
	v23 =	vbroadcast v1, $0x2;
	v24 =	vbroadcast v1, $0x3;
	[tilespmem:s18+$0xFFFFFEF0] =	vst v17  }
0x90: {  	v4 =	vld [tilespmem:s17+$0x120];
	v21 =	vunpack.i.l.bf16.f32 v36;
	v15 =	vmul.f32 v26, v19;
	v12 =	vmul.f32 v27, v16;
	[tilespmem:s18+$0xFFFFFF70] =	vst v18  }
0x91: {  	v19 =	vunpack.i.u.bf16.f32 v36;
	v18 =	vbroadcast v2, $0x3;
	[tilespmem:s18+$0xFFFFFF80] =	vst v11;
	v26 =	vbroadcast v5, $0x3  }
0x92: {  	v16 =	vmul.f32 v30, v21;
	v21 =	vld [tilespmem:s17+$0xFFFFFF20];
	v17 =	vmul.f32 v31, v19;
	[tilespmem:s18+$0x0] =	vst v14  }
0x93: {  	s24 =	simm.s32 $0x169C0;
	v19 =	vbroadcast v2, $0x2;
	v22 =	vld [tilespmem:s17+$0xFFFFFF70];
	[tilespmem:s18+$0x10] =	vst v13;
	v13 =	vbroadcast v6, $0x2  }
0x94: {  	v57 =	vld [tilespmem:s24+$0xFFFFFFF0];
	s25 =	simm.s32 $0x17FC0;
	[tilespmem:s18+$0xA0] =	vst v12;
	v12 =	vbroadcast v9, $0x2;
	v25 =	vunpack.i.u.bf16.f32 v20;
	v14 =	vunpack.i.l.bf16.f32 v20  }
0x95: {  	v61 =	vld [tilespmem:s25+$0xFFFFFFE0];
	[tilespmem:s18+$0x90] =	vst v15;
	v11 =	vunpack.i.u.bf16.f32 v4;
	v14 =	vmul.f32 v14, v19;
	v19 =	vbroadcast v8, $0x2  }
0x96: {  	v41 =	vld [tilespmem:s17+$0x10];
	[tilespmem:s18+$0x120] =	vst v16;
	v18 =	vmul.f32 v25, v18;
	v4 =	vunpack.i.l.bf16.f32 v4;
	v10 =	vmul.f32 v11, v10  }
0x97: {  	v20 =	vld [tilespmem:s17+$0xFFFFFFC0];
	[tilespmem:s18+$0x130] =	vst v17;
	v11 =	vbroadcast v5, $0x2;
	v3 =	vmul.f32 v4, v3;
	v27 =	vunpack.i.u.bf16.f32 v21  }
0x98: {  	v15 =	vunpack.i.l.bf16.f32 v21;
	v21 =	vbroadcast v7, $0x3;
	v43 =	vunpack.i.u.bf16.f32 v22;
	[tilespmem:s18+$0xFFFFFDE0] =	vst v14  }
0x99: {  	v45 =	vld [tilespmem:s17+$0x60];
	v16 =	vunpack.i.l.bf16.f32 v22;
	v22 =	vbroadcast v8, $0x3;
	[tilespmem:s18+$0xFFFFFDF0] =	vst v18;
	v15 =	vmul.f32 v15, v23  }
0x9a: {  	v62 =	vunpack.i.l.bf16.f32 v57;
	v24 =	vmul.f32 v27, v24;
	v11 =	vmul.f32 v16, v11;
	[tilespmem:s18+$0x220] =	vst v10  }
0x9b: {  	v63 =	vld [tilespmem:s25+$0xFFFFFFF0];
	v18 =	vunpack.i.l.bf16.f32 v41;
	v16 =	vmul.f32 v43, v26;
	v26 =	vbroadcast v5, $0x5;
	[tilespmem:s18+$0xFFFFFE70] =	vst v15  }
0x9c: {  	v23 =	vld [tilespmem:s17+$0xB0];
	v27 =	vbroadcast v6, $0x4;
	v10 =	vperm.xlane v61, v0;
	v17 =	vunpack.i.u.bf16.f32 v20;
	[tilespmem:s18+$0xFFFFFE80] =	vst v24  }
0x9d: {  	v14 =	vunpack.i.l.bf16.f32 v20;
	v20 =	vunpack.i.u.bf16.f32 v41;
	v18 =	vmul.f32 v18, v42;
	[tilespmem:s18+$0xFFFFFF00] =	vst v11  }
0x9e: {  	v60 =	vld [tilespmem:s24+$0x40];
	v13 =	vmul.f32 v14, v13;
	v15 =	vmul.f32 v17, v40;
	v17 =	vunpack.i.u.bf16.f32 v45;
	[tilespmem:s18+$0xFFFFFF10] =	vst v16  }
0x9f: {  	v14 =	vld [tilespmem:s17+$0xFFFFFEE0];
	v24 =	vunpack.i.l.bf16.f32 v45;
	v20 =	vmul.f32 v20, v21;
	v40 =	vbroadcast v9, $0x6;
	[tilespmem:s18+$0x20] =	vst v18  }
0xa0: {  	v28 =	vadd.f32 v63, v62;
	v11 =	vld [tilespmem:s17+$0xFFFFFF30];
	v12 =	vmul.f32 v24, v12;
	v16 =	vmul.f32 v17, v44;
	[tilespmem:s18+$0xFFFFFF90] =	vst v13  }
0xa1: {  	v24 =	vbroadcast v1, $0x5;
	v18 =	vbroadcast v5, $0x4;
	[tilespmem:s18+$0xFFFFFFA0] =	vst v15;
	v21 =	vunpack.i.l.bf16.f32 v23  }
0xa2: {  	v13 =	vld [tilespmem:s17+$0xFFFFFF80];
	v17 =	vunpack.i.u.bf16.f32 v23;
	v23 =	vbroadcast v1, $0x4;
	[tilespmem:s18+$0xB0] =	vst v12;
	v12 =	vbroadcast v7, $0x4  }
0xa3: {  	v44 =	vunpack.i.l.bf16.f32 v60;
	[tilespmem:s18+$0x30] =	vst v20;
	v25 =	vld [tilespmem:s17+$0xFFFFFFD0];
	v19 =	vmul.f32 v21, v19;
	v21 =	vbroadcast v2, $0x4  }
0xa4: {  	v47 =	vld [tilespmem:s17+$0x20];
	v17 =	vmul.f32 v17, v22;
	v22 =	vbroadcast v2, $0x5;
	v15 =	vunpack.i.u.bf16.f32 v14  }
0xa5: {  	v41 =	vld [tilespmem:s25+$0xFFFFFFC0];
	v14 =	vunpack.i.l.bf16.f32 v14;
	v20 =	vunpack.i.u.bf16.f32 v11;
	[tilespmem:s18+$0x140] =	vst v19;
	v19 =	vbroadcast v8, $0x4  }
0xa6: {  	v45 =	vld [tilespmem:s25+$0x0];
	[tilespmem:s18+$0xC0] =	vst v16;
	v11 =	vunpack.i.l.bf16.f32 v11;
	v14 =	vmul.f32 v14, v21;
	v15 =	vmul.f32 v15, v22  }
0xa7: {  	v50 =	vld [tilespmem:s17+$0x70];
	[tilespmem:s18+$0x150] =	vst v17;
	v16 =	vunpack.i.u.bf16.f32 v13;
	v13 =	vunpack.i.l.bf16.f32 v13;
	v11 =	vmul.f32 v11, v23  }
0xa8: {  	v20 =	vmul.f32 v20, v24;
	v17 =	vunpack.i.u.bf16.f32 v25;
	v21 =	vunpack.i.l.bf16.f32 v25;
	[tilespmem:s18+$0xFFFFFE00] =	vst v14  }
0xa9: {  	v22 =	vld [tilespmem:s17+$0xC0];
	v25 =	vbroadcast v8, $0x5;
	v23 =	vunpack.i.u.bf16.f32 v47;
	v13 =	vmul.f32 v13, v18;
	[tilespmem:s18+$0xFFFFFE10] =	vst v15  }
0xaa: {  	v14 =	vunpack.i.l.bf16.f32 v47;
	v15 =	vmul.f32 v16, v26;
	v47 =	vperm.xlane v41, v0;
	[tilespmem:s18+$0xFFFFFE90] =	vst v11  }
0xab: {  	v33 =	vadd.f32 v45, v44;
	v21 =	vmul.f32 v21, v27;
	[tilespmem:s18+$0xFFFFFEA0] =	vst v20;
	v12 =	vmul.f32 v14, v12;
	v14 =	vld [tilespmem:s24+$0x130]  }
0xac: {  	v24 =	vld [tilespmem:s25+$0x30];
	v11 =	vunpack.i.l.bf16.f32 v50;
	v17 =	vmul.f32 v17, v46;
	v27 =	vbroadcast v2, $0x7;
	[tilespmem:s18+$0xFFFFFF20] =	vst v13  }
0xad: {  	v16 =	vunpack.i.u.bf16.f32 v50;
	v18 =	vld [tilespmem:s17+$0xFFFFFEF0];
	v13 =	vmul.f32 v23, v48;
	v23 =	vmul.f32 v11, v49;
	[tilespmem:s18+$0xFFFFFF30] =	vst v15  }
0xae: {  	v15 =	vmul.f32 v16, v51;
	[tilespmem:s18+$0xFFFFFFB0] =	vst v21;
	v21 =	vperm.xlane v63, v0;
	v20 =	vunpack.i.l.bf16.f32 v22  }
0xaf: {  	v39 =	vld [tilespmem:s24+$0xE0];
	[tilespmem:s18+$0xFFFFFFC0] =	vst v17;
	v17 =	vperm.xlane v45, v0;
	v11 =	vunpack.i.u.bf16.f32 v22;
	v16 =	vmul.f32 v20, v19  }
0xb0: {  	v55 =	vld [tilespmem:s24+$0xFFFFFFA0];
	v19 =	vbroadcast v2, $0x6;
	v25 =	vmul.f32 v11, v25;
	v1 =	vunpack.i.l.bf16.f32 v14  }
0xb1: {  	v48 =	vld [tilespmem:s25+$0x20];
	v11 =	vbroadcast v6, $0x7;
	v6 =	vbroadcast v7, $0x6;
	v1 =	vadd.f32 v24, v1  }
0xb2: {  	v22 =	vld [tilespmem:s17+$0xFFFFFF40];
	v7 =	vbroadcast v7, $0x7;
	v26 =	vunpack.i.u.bf16.f32 v18;
	v14 =	vbroadcast v5, $0x6  }
0xb3: {  	v20 =	vld [tilespmem:s17+$0xFFFFFF90];
	v18 =	vunpack.i.l.bf16.f32 v18;
	v5 =	vbroadcast v9, $0x7;
	v2 =	vmul.f32 $2.000000030e-01, v1  }
0xb4: {  	v46 =	vunpack.i.l.bf16.f32 v39;
	v9 =	vld [tilespmem:s24+$0xFFFFFF00];
	v24 =	vperm.xlane v24, v0;
	v18 =	vmul.f32 v18, v19  }
0xb5: {  	v26 =	vmul.f32 v26, v27;
	v27 =	vunpack.i.l.bf16.f32 v55;
	v2 =	vmax.f32 v1, v2  }
0xb6: {  	v53 =	vld [tilespmem:s24+$0xFFFFFF50];
	[tilespmem:s18+$0x50] =	vst v13;
	v36 =	vadd.f32 v48, v46;
	v13 =	vperm.xlane v48, v0;
	v24 =	vsub.f32 v2, v24  }
0xb7: {  	v19 =	vld [tilespmem:s25+$0xFFFFFFD0];
	v27 =	vadd.f32 v61, v27;
	v58 =	vunpack.i.u.bf16.f32 v22;
	v22 =	vunpack.i.l.bf16.f32 v22  }
0xb8: {  	v37 =	vld [tilespmem:s24+$0x90];
	v38 =	vunpack.i.u.bf16.f32 v20;
	v20 =	vunpack.i.l.bf16.f32 v20;
	v24 =	vmul.f32 $1.442695020e+00, v24  }
0xb9: {  	v22 =	vmul.f32 v22, v52;
	v30 =	vmul.f32 v58, v54;
	v9 =	vunpack.i.l.bf16.f32 v9  }
0xba: {  	v51 =	vmul.f32 $2.000000030e-01, v27;
	v9 =	vadd.f32 v41, v9;
	(erf) = vpow2.f32 v24  }
0xbb: {  	v1 =	vbroadcast v8, $0x6;
	v2 =	vbroadcast v8, $0x7;
	v8 =	vunpack.i.l.bf16.f32 v53  }
0xbc: {  	v52 =	vmul.f32 $2.000000030e-01, v28;
	v8 =	vadd.f32 v19, v8;
	v49 =	vmul.f32 $2.000000030e-01, v9  }
0xbd: {  	v14 =	vmul.f32 v20, v14;
	v20 =	vunpack.i.l.bf16.f32 v37;
	v27 =	vmax.f32 v27, v51;
	v24 =	vld [tilespmem:s25+$0x10]  }
0xbe: {  	v28 =	vmax.f32 v28, v52;
	v50 =	vmul.f32 $2.000000030e-01, v8;
	v9 =	vmax.f32 v9, v49  }
0xbf: {  	v53 =	vmul.f32 $2.000000030e-01, v36;
	v19 =	vperm.xlane v19, v0;
	v9 =	vsub.f32 v9, v47  }
0xc0: {  	[tilespmem:s18+$0x40] =	vst v12;
	v10 =	vsub.f32 v27, v10;
	v21 =	vsub.f32 v28, v21;
	v29 =	vmax.f32 v8, v50  }
0xc1: {  	[tilespmem:s18+$0xFFFFFE20] =	vst v18;
	v18 =	vmax.f32 v36, v53;
	v19 =	vsub.f32 v29, v19;
	v9 =	vmul.f32 $1.442695020e+00, v9  }
0xc2: {  	[tilespmem:s18+$0xE0] =	vst v15;
	v20 =	vadd.f32 v24, v20;
	v12 =	vperm.xlane v24, v0;
	v24 =	vmul.f32 $2.000000030e-01, v33  }
0xc3: {  	s22 =	simm.s32 $0x18AC0;
	[tilespmem:s18+$0x160] =	vst v16;
	v10 =	vmul.f32 $1.442695020e+00, v10;
	v13 =	vsub.f32 v18, v13;
	v16 =	vmul.f32 $1.442695020e+00, v19;
	v8 =	vpop (erf)  }
0xc4: {  	v19 =	vmul.f32 $1.442695020e+00, v21;
	(erf) = vpow2.f32 v9;
	v9 =	vld [tilespmem:s17+$0xFFFFFFE0];
	v15 =	vmax.f32 v33, v24;
	[tilespmem:s22+$0x230] =	vst v8  }
0xc5: {  	[tilespmem:s18+$0xD0] =	vst v23;
	(erf) = vpow2.f32 v16;
	v23 =	vmul.f32 $2.000000030e-01, v20;
	v15 =	vsub.f32 v15, v17;
	v24 =	vld [tilespmem:s24+$0xF0]  }
0xc6: {  	v13 =	vmul.f32 $1.442695020e+00, v13;
	(erf) = vpow2.f32 v10  }
0xc7: {  	(erf) = vpow2.f32 v19;
	v17 =	vmax.f32 v20, v23;
	v15 =	vmul.f32 $1.442695020e+00, v15  }
0xc8: {  	[tilespmem:s18+$0x210] =	vst v3;
	v10 =	vld [tilespmem:s17+$0x30];
	v12 =	vsub.f32 v17, v12;
	v17 =	vbroadcast v8, $0x0;
	v20 =	vbroadcast v8, $0x1  }
0xc9: {  	[tilespmem:s18+$0x170] =	vst v25;
	v4 =	vunpack.i.l.bf16.f32 v9;
	v3 =	vbroadcast v8, $0x6;
	(erf) = vpow2.f32 v15  }
0xca: {  	[tilespmem:s18+$0xFFFFFE30] =	vst v26;
	v15 =	vmul.f32 v38, v56;
	v12 =	vmul.f32 $1.442695020e+00, v12;
	v16 =	vunpack.i.l.bf16.f32 v24  }
0xcb: {  	[tilespmem:s18+$0xFFFFFF40] =	vst v14;
	v4 =	vmul.f32 v4, v59;
	v21 =	vunpack.i.u.bf16.f32 v24;
	v16 =	vmul.f32 v17, v16  }
0xcc: {  	v9 =	vunpack.i.u.bf16.f32 v9;
	[tilespmem:s18+$0xFFFFFF50] =	vst v15;
	(erf) = vpow2.f32 v12;
	v14 =	vmul.f32 v20, v21  }
0xcd: {  	v38 =	vbroadcast v8, $0x5;
	(erf) = vpow2.f32 v13;
	v13 =	vunpack.i.l.bf16.f32 v10;
	[tilespmem:s22+$0x1B0] =	vst v16  }
0xce: {  	v15 =	vmul.f32 v9, v11;
	v17 =	vld [tilespmem:s17+$0x80];
	[tilespmem:s22+$0x1C0] =	vst v14;
	v14 =	vunpack.i.u.bf16.f32 v10;
	v10 =	vpop (erf);
	v16 =	vmul.f32 v13, v6  }
0xcf: {  	[tilespmem:s18+$0xFFFFFEB0] =	vst v22;
	v14 =	vmul.f32 v14, v7;
	v11 =	vpop (erf);
	v18 =	vbroadcast v10, $0x0  }
0xd0: {  	[tilespmem:s18+$0xFFFFFEC0] =	vst v30;
	v20 =	vbroadcast v10, $0x1;
	v21 =	vbroadcast v11, $0x0  }
0xd1: {  	[tilespmem:s18+$0xFFFFFFD0] =	vst v4;
	v12 =	vld [tilespmem:s24+$0x100];
	v9 =	vpop (erf);
	v23 =	vbroadcast v11, $0x1;
	v41 =	vbroadcast v11, $0x2  }
0xd2: {  	[tilespmem:s22+$0xFFFFFE40] =	vst v10;
	v52 =	vbroadcast v11, $0x5;
	v24 =	vbroadcast v9, $0x0  }
0xd3: {  	[tilespmem:s18+$0xFFFFFFE0] =	vst v15;
	v19 =	vld [tilespmem:s24+$0xFFFFFEC0];
	v4 =	vunpack.i.l.bf16.f32 v17;
	v25 =	vbroadcast v9, $0x1;
	v42 =	vbroadcast v9, $0x2  }
0xd4: {  	[tilespmem:s22+$0xFFFFFED0] =	vst v11;
	v6 =	vunpack.i.u.bf16.f32 v17;
	v43 =	vbroadcast v9, $0x3;
	v17 =	vmul.f32 v4, v40  }
0xd5: {  	[tilespmem:s18+$0x60] =	vst v16;
	v7 =	vpop (erf);
	v4 =	vbroadcast v8, $0x2;
	v13 =	vmul.f32 v6, v5  }
0xd6: {  	[tilespmem:s22+$0xFFFFFF60] =	vst v9;
	v22 =	vld [tilespmem:s24+$0xFFFFFF10];
	v6 =	vbroadcast v8, $0x3;
	v26 =	vbroadcast v7, $0x1;
	v5 =	vunpack.i.l.bf16.f32 v12  }
0xd7: {  	[tilespmem:s18+$0x70] =	vst v14;
	v54 =	vld [tilespmem:s24+$0xFFFFFF60];
	v44 =	vbroadcast v7, $0x2;
	v12 =	vunpack.i.u.bf16.f32 v12;
	v4 =	vmul.f32 v5, v4  }
0xd8: {  	[tilespmem:s22+$0xFFFFFFF0] =	vst v7;
	v12 =	vmul.f32 v12, v6;
	v55 =	vunpack.i.u.bf16.f32 v19;
	v19 =	vunpack.i.l.bf16.f32 v19  }
0xd9: {  	v45 =	vbroadcast v7, $0x3;
	v18 =	vmul.f32 v18, v19;
	[tilespmem:s22+$0x1D0] =	vst v4  }
0xda: {  	v58 =	vld [tilespmem:s24+$0xFFFFFFB0];
	v19 =	vbroadcast v8, $0x4;
	v14 =	vmul.f32 v20, v55;
	[tilespmem:s22+$0x1E0] =	vst v12  }
0xdb: {  	[tilespmem:s18+$0xF0] =	vst v17;
	v16 =	vunpack.i.l.bf16.f32 v22;
	v55 =	vbroadcast v7, $0x4;
	v5 =	vpop (erf);
	v12 =	vbroadcast v7, $0x0;
	v27 =	vld [tilespmem:s24+$0x110]  }
0xdc: {  	v17 =	vunpack.i.u.bf16.f32 v54;
	v16 =	vmul.f32 v21, v16;
	[tilespmem:s22+$0x80] =	vst v5;
	v56 =	vbroadcast v5, $0x0  }
0xdd: {  	v57 =	vbroadcast v5, $0x1;
	[tilespmem:s22+$0xFFFFFDC0] =	vst v18;
	v17 =	vmul.f32 v25, v17  }
0xde: {  	v61 =	vunpack.i.u.bf16.f32 v22;
	v6 =	vpop (erf);
	[tilespmem:s22+$0xFFFFFDD0] =	vst v14;
	v25 =	vbroadcast v10, $0x2;
	v47 =	vbroadcast v5, $0x2;
	v15 =	vld [tilespmem:s24+$0x0]  }
0xdf: {  	v39 =	vunpack.i.u.bf16.f32 v58;
	v4 =	vpop (erf);
	[tilespmem:s22+$0x110] =	vst v6;
	v59 =	vbroadcast v6, $0x0;
	v60 =	vbroadcast v6, $0x1  }
0xe0: {  	[tilespmem:s22+$0xFFFFFE50] =	vst v16;
	v49 =	vbroadcast v6, $0x3;
	v62 =	vbroadcast v4, $0x0;
	v22 =	vld [tilespmem:s24+$0x50];
	v20 =	vunpack.i.l.bf16.f32 v27  }
0xe1: {  	[tilespmem:s22+$0x1A0] =	vst v4;
	v63 =	vbroadcast v4, $0x1;
	v18 =	vunpack.i.u.bf16.f32 v27;
	v19 =	vmul.f32 v20, v19  }
0xe2: {  	[tilespmem:s22+$0xFFFFFEF0] =	vst v17;
	v20 =	vunpack.i.l.bf16.f32 v54;
	v14 =	vmul.f32 v18, v38;
	v18 =	vunpack.i.l.bf16.f32 v58  }
0xe3: {  	v40 =	vunpack.i.u.bf16.f32 v15;
	v54 =	vbroadcast v9, $0x5;
	v20 =	vmul.f32 v24, v20;
	[tilespmem:s22+$0x1F0] =	vst v19  }
0xe4: {  	v27 =	vld [tilespmem:s24+$0xA0];
	v15 =	vunpack.i.l.bf16.f32 v15;
	v58 =	vbroadcast v5, $0x5;
	v12 =	vmul.f32 v12, v18;
	[tilespmem:s22+$0x200] =	vst v14  }
0xe5: {  	v21 =	vunpack.i.u.bf16.f32 v22;
	v18 =	vunpack.i.l.bf16.f32 v22;
	v22 =	vmul.f32 v26, v39;
	[tilespmem:s22+$0xFFFFFEE0] =	vst v20  }
0xe6: {  	v16 =	vld [tilespmem:s17+$0xD0];
	v15 =	vmul.f32 v56, v15;
	v19 =	vmul.f32 v23, v61;
	[tilespmem:s22+$0xFFFFFF70] =	vst v12  }
0xe7: {  	v24 =	vmul.f32 v57, v40;
	v26 =	vbroadcast v10, $0x3;
	v14 =	vld [tilespmem:s24+$0x120];
	[tilespmem:s22+$0xFFFFFF80] =	vst v22  }
0xe8: {  	v56 =	vbroadcast v7, $0x5;
	v18 =	vmul.f32 v59, v18;
	[tilespmem:s22+$0xFFFFFE60] =	vst v19;
	v19 =	vld [tilespmem:s24+$0xFFFFFED0]  }
0xe9: {  	v21 =	vmul.f32 v60, v21;
	[tilespmem:s22+$0x0] =	vst v15;
	v23 =	vunpack.i.l.bf16.f32 v27;
	v20 =	vunpack.i.u.bf16.f32 v27;
	v27 =	vld [tilespmem:s24+$0xFFFFFF70]  }
0xea: {  	v59 =	vbroadcast v6, $0x4;
	v61 =	vbroadcast v6, $0x5;
	[tilespmem:s22+$0x10] =	vst v24;
	v24 =	vld [tilespmem:s24+$0xFFFFFFC0]  }
0xeb: {  	v12 =	vbroadcast v8, $0x7;
	[tilespmem:s22+$0x90] =	vst v18;
	v17 =	vmul.f32 v62, v23;
	v23 =	vld [tilespmem:s24+$0xFFFFFF20]  }
0xec: {  	[tilespmem:s22+$0xA0] =	vst v21;
	v21 =	vbroadcast v6, $0x2;
	v20 =	vmul.f32 v63, v20;
	v22 =	vunpack.i.u.bf16.f32 v14  }
0xed: {  	[tilespmem:s22+$0x120] =	vst v17;
	v12 =	vmul.f32 v22, v12;
	v15 =	vunpack.i.u.bf16.f32 v19;
	v19 =	vunpack.i.l.bf16.f32 v19  }
0xee: {  	v8 =	vunpack.i.u.bf16.f32 v16;
	v50 =	vld [tilespmem:s24+$0x60];
	v62 =	vbroadcast v4, $0x5;
	[tilespmem:s22+$0x130] =	vst v20;
	v17 =	vmul.f32 v19, v25  }
0xef: {  	v46 =	vld [tilespmem:s24+$0x10];
	v22 =	vbroadcast v11, $0x3;
	v20 =	vunpack.i.u.bf16.f32 v24;
	v15 =	vmul.f32 v15, v26;
	[tilespmem:s22+$0x220] =	vst v12  }
0xf0: {  	v48 =	vunpack.i.u.bf16.f32 v27;
	v18 =	vunpack.i.l.bf16.f32 v23;
	v20 =	vmul.f32 v20, v45;
	[tilespmem:s22+$0xFFFFFDE0] =	vst v17  }
0xf1: {  	v19 =	vunpack.i.l.bf16.f32 v27;
	v25 =	vbroadcast v4, $0x2;
	v18 =	vmul.f32 v18, v41;
	[tilespmem:s22+$0xFFFFFDF0] =	vst v15  }
0xf2: {  	v26 =	vbroadcast v4, $0x3;
	v27 =	vld [tilespmem:s24+$0xB0];
	v12 =	vunpack.i.u.bf16.f32 v23;
	v19 =	vmul.f32 v19, v42;
	[tilespmem:s22+$0xFFFFFFA0] =	vst v20  }
0xf3: {  	v51 =	vunpack.i.u.bf16.f32 v50;
	v23 =	vbroadcast v5, $0x3;
	v12 =	vmul.f32 v12, v22;
	[tilespmem:s22+$0xFFFFFE70] =	vst v18  }
0xf4: {  	v17 =	vunpack.i.l.bf16.f32 v24;
	v15 =	vunpack.i.l.bf16.f32 v46;
	v22 =	vmul.f32 v48, v43;
	[tilespmem:s22+$0xFFFFFF00] =	vst v19  }
0xf5: {  	v24 =	vunpack.i.u.bf16.f32 v46;
	v17 =	vmul.f32 v17, v44;
	v18 =	vld [tilespmem:s24+$0xFFFFFEE0];
	v15 =	vmul.f32 v15, v47;
	[tilespmem:s22+$0xFFFFFE80] =	vst v12  }
0xf6: {  	v23 =	vmul.f32 v24, v23;
	v12 =	vunpack.i.l.bf16.f32 v50;
	[tilespmem:s22+$0xFFFFFF10] =	vst v22;
	v22 =	vmul.f32 v51, v49  }
0xf7: {  	v19 =	vld [tilespmem:s24+$0xFFFFFF30];
	v21 =	vmul.f32 v12, v21;
	v12 =	vunpack.i.l.bf16.f32 v27;
	v24 =	vunpack.i.u.bf16.f32 v27;
	[tilespmem:s22+$0xFFFFFF90] =	vst v17  }
0xf8: {  	v27 =	vbroadcast v10, $0x4;
	[tilespmem:s22+$0x20] =	vst v15;
	v25 =	vmul.f32 v12, v25;
	v12 =	vunpack.i.l.bf16.f32 v16;
	v16 =	vld [tilespmem:s24+$0xFFFFFF80]  }
0xf9: {  	[tilespmem:s22+$0x30] =	vst v23;
	v17 =	vmul.f32 v24, v26;
	v24 =	vbroadcast v10, $0x5;
	v53 =	vld [tilespmem:s24+$0xFFFFFFD0]  }
0xfa: {  	v26 =	vbroadcast v11, $0x4;
	[tilespmem:s22+$0xB0] =	vst v21;
	v21 =	vbroadcast v5, $0x4;
	v20 =	vunpack.i.u.bf16.f32 v18  }
0xfb: {  	v57 =	vld [tilespmem:s24+$0x20];
	v15 =	vunpack.i.l.bf16.f32 v18;
	v18 =	vbroadcast v9, $0x4;
	[tilespmem:s22+$0x140] =	vst v25;
	v25 =	vbroadcast v4, $0x4  }
0xfc: {  	[tilespmem:s22+$0xC0] =	vst v22;
	v15 =	vmul.f32 v15, v27;
	v20 =	vmul.f32 v20, v24  }
0xfd: {  	v60 =	vld [tilespmem:s24+$0x70];
	[tilespmem:s22+$0x150] =	vst v17;
	v23 =	vunpack.i.u.bf16.f32 v19;
	v19 =	vunpack.i.l.bf16.f32 v19;
	v22 =	vunpack.i.u.bf16.f32 v16  }
0xfe: {  	[tilespmem:s18+$0x100] =	vst v13;
	v27 =	vld [tilespmem:s24+$0xC0];
	v16 =	vunpack.i.l.bf16.f32 v16;
	v13 =	vunpack.i.u.bf16.f32 v53;
	v19 =	vmul.f32 v19, v26  }
0xff: {  	v17 =	vunpack.i.l.bf16.f32 v53;
	[tilespmem:s22+$0xFFFFFE00] =	vst v15;
	v26 =	vmul.f32 v23, v52;
	v16 =	vmul.f32 v16, v18  }
0x100: {  	v15 =	vunpack.i.l.bf16.f32 v57;
	[tilespmem:s22+$0xFFFFFE10] =	vst v20;
	v18 =	vmul.f32 v22, v54;
	v63 =	vmul.f32 v17, v55  }
0x101: {  	v24 =	vunpack.i.u.bf16.f32 v57;
	v23 =	vmul.f32 v13, v56;
	v22 =	vmul.f32 v15, v21;
	[tilespmem:s22+$0xFFFFFE90] =	vst v19;
	v19 =	vld [tilespmem:s24+$0xFFFFFEF0]  }
0x102: {  	v24 =	vmul.f32 v24, v58;
	v15 =	vbroadcast v10, $0x6;
	[tilespmem:s22+$0xFFFFFEA0] =	vst v26  }
0x103: {  	v20 =	vunpack.i.u.bf16.f32 v60;
	v17 =	vunpack.i.l.bf16.f32 v60;
	v13 =	vunpack.i.l.bf16.f32 v27;
	[tilespmem:s22+$0xFFFFFF20] =	vst v16;
	v16 =	vld [tilespmem:s24+$0xFFFFFF40]  }
0x104: {  	v21 =	vmul.f32 v17, v59;
	v26 =	vunpack.i.u.bf16.f32 v27;
	[tilespmem:s22+$0xFFFFFF30] =	vst v18;
	v20 =	vmul.f32 v20, v61  }
0x105: {  	s14 =	simm.s32 $0x8;
	s17 =	simm.s32 $0x16C40;
	[tilespmem:s22+$0xFFFFFFB0] =	vst v63;
	v17 =	vmul.f32 v13, v25;
	v13 =	vunpack.i.l.bf16.f32 v14;
	v14 =	vld [tilespmem:s24+$0xFFFFFF90];
	v18 =	vmul.f32 v26, v62  }
.LBB2_3:
0x106: {  	v25 =	vld [tilespmem:s17+$0x130];
	v26 =	vunpack.i.u.bf16.f32 v19;
	v27 =	vbroadcast v10, $0x7;
	v28 =	vbroadcast v11, $0x6;
	[tilespmem:s22+$0xFFFFFFC0] =	vst v23;
	s25 =	sadd.s32 $0x80, s25  }
0x107: {  	v19 =	vunpack.i.l.bf16.f32 v19;
	v29 =	vbroadcast v11, $0x7;
	v30 =	vbroadcast v9, $0x6;
	v23 =	vld [tilespmem:s25+$0x30];
	[tilespmem:s22+$0x40] =	vst v22  }
0x108: {  	v32 =	vbroadcast v9, $0x7;
	v9 =	vbroadcast v7, $0x6;
	v22 =	vld [tilespmem:s17+$0xFFFFFF50];
	v31 =	vunpack.i.u.bf16.f32 v16;
	[tilespmem:s22+$0x50] =	vst v24  }
0x109: {  	s14 =	sadd.s32 $0x8, s14;
	v10 =	vbroadcast v7, $0x7;
	v7 =	vbroadcast v5, $0x6;
	v16 =	vunpack.i.l.bf16.f32 v16;
	v24 =	vld [tilespmem:s17+$0xFFFFFFA0];
	[tilespmem:s22+$0xD0] =	vst v21  }
0x10a: {  	v11 =	vbroadcast v5, $0x7;
	v5 =	vbroadcast v6, $0x6;
	p1 =	slt.u32 s14, $0x48;
	v21 =	vld [tilespmem:s17+$0xFFFFFFF0];
	v33 =	vunpack.i.u.bf16.f32 v14;
	[tilespmem:s22+$0xE0] =	vst v20  }
0x10b: {  	v6 =	vbroadcast v6, $0x7;
	v20 =	vld [tilespmem:s17+$0x40];
	v25 =	vunpack.i.l.bf16.f32 v25;
	[tilespmem:s22+$0x160] =	vst v17;
	v17 =	vbroadcast v4, $0x6  }
0x10c: {  	v14 =	vunpack.i.l.bf16.f32 v14;
	v4 =	vbroadcast v4, $0x7;
	v34 =	vld [tilespmem:s17+$0x90];
	v25 =	vadd.f32 v23, v25;
	[tilespmem:s22+$0x170] =	vst v18  }
0x10d: {  	v15 =	vmul.f32 v19, v15;
	v19 =	vmul.f32 v26, v27;
	v18 =	vunpack.i.l.bf16.f32 v22;
	v22 =	vld [tilespmem:s17+$0xE0]  }
0x10e: {  	v16 =	vmul.f32 v16, v28;
	v26 =	vld [tilespmem:s17+$0xFFFFFF00];
	v24 =	vunpack.i.l.bf16.f32 v24;
	v27 =	vmul.f32 $2.000000030e-01, v25  }
0x10f: {  	v23 =	vperm.xlane v23, v0;
	v28 =	vld [tilespmem:s25+$0xFFFFFFC0];
	v21 =	vunpack.i.l.bf16.f32 v21;
	[tilespmem:s22+$0xFFFFFE20] =	vst v15;
	v15 =	vmul.f32 v31, v29  }
0x110: {  	v14 =	vmul.f32 v14, v30;
	v29 =	vld [tilespmem:s25+$0xFFFFFFD0];
	v20 =	vunpack.i.l.bf16.f32 v20;
	v25 =	vmax.f32 v25, v27;
	[tilespmem:s22+$0xFFFFFE30] =	vst v19  }
0x111: {  	v19 =	vld [tilespmem:s25+$0xFFFFFFE0];
	v27 =	vunpack.i.l.bf16.f32 v34;
	v23 =	vsub.f32 v25, v23;
	[tilespmem:s22+$0xFFFFFEB0] =	vst v16;
	v16 =	vmul.f32 v33, v32  }
0x112: {  	v12 =	vmul.f32 v12, v1;
	v8 =	vmul.f32 v8, v2;
	v1 =	vmovc v17;
	v25 =	vld [tilespmem:s25+$0xFFFFFFF0];
	v22 =	vunpack.i.l.bf16.f32 v22;
	[tilespmem:s22+$0xFFFFFEC0] =	vst v15  }
0x113: {  	v3 =	vmul.f32 v13, v3;
	v2 =	vmovc v4;
	v15 =	vunpack.i.l.bf16.f32 v26;
	v17 =	vld [tilespmem:s25+$0x0];
	v23 =	vmul.f32 $1.442695020e+00, v23;
	[tilespmem:s22+$0xFFFFFF40] =	vst v14  }
0x114: {  	v4 =	vadd.f32 v28, v15;
	v13 =	vperm.xlane v28, v0;
	v14 =	vld [tilespmem:s25+$0x10];
	[tilespmem:s22+$0xFFFFFF50] =	vst v16  }
0x115: {  	v15 =	vadd.f32 v29, v18;
	v16 =	vperm.xlane v29, v0;
	v18 =	vld [tilespmem:s25+$0x20];
	(erf) = vpow2.f32 v23;
	[tilespmem:s18+$0x180] =	vst v12  }
0x116: {  	v12 =	vmul.f32 $2.000000030e-01, v4;
	v23 =	vadd.f32 v19, v24;
	v19 =	vperm.xlane v19, v0;
	v24 =	vld [tilespmem:s24+$0xFFFFFFE0];
	[tilespmem:s18+$0x190] =	vst v8;
	s18 =	smov.u32 s22  }
0x117: {  	v8 =	vmul.f32 $2.000000030e-01, v15;
	v21 =	vadd.f32 v25, v21;
	v25 =	vperm.xlane v25, v0;
	v26 =	vld [tilespmem:s24+$0x30];
	[tilespmem:s22+$0x210] =	vst v3  }
0x118: {  	v3 =	vmul.f32 $2.000000030e-01, v23;
	v20 =	vadd.f32 v17, v20;
	v17 =	vperm.xlane v17, v0;
	v28 =	vld [tilespmem:s24+$0x80]  }
0x119: {  	v29 =	vmul.f32 $2.000000030e-01, v21;
	v27 =	vadd.f32 v14, v27;
	v14 =	vperm.xlane v14, v0;
	v30 =	vld [tilespmem:s24+$0xD0];
	s24 =	smov.u32 s17  }
0x11a: {  	v31 =	vmul.f32 $2.000000030e-01, v20;
	v22 =	vadd.f32 v18, v22;
	v18 =	vperm.xlane v18, v0  }
0x11b: {  	v4 =	vmax.f32 v4, v12;
	v8 =	vmax.f32 v15, v8;
	v12 =	vmul.f32 $2.000000030e-01, v27  }
0x11c: {  	v3 =	vmax.f32 v23, v3;
	v15 =	vmax.f32 v21, v29;
	v21 =	vmul.f32 $2.000000030e-01, v22  }
0x11d: {  	v4 =	vsub.f32 v4, v13;
	v20 =	vmax.f32 v20, v31;
	v12 =	vmax.f32 v27, v12  }
0x11e: {  	s22 =	sadd.s32 $0x480, s22;
	v8 =	vsub.f32 v8, v16;
	v3 =	vsub.f32 v3, v19;
	v16 =	vmax.f32 v22, v21;
	v13 =	vpop (erf)  }
0x11f: {  	v4 =	vmul.f32 $1.442695020e+00, v4;
	v15 =	vsub.f32 v15, v25;
	v17 =	vsub.f32 v20, v17;
	[tilespmem:s22+$0x230] =	vst v13  }
0x120: {  	v8 =	vmul.f32 $1.442695020e+00, v8;
	v12 =	vsub.f32 v12, v14;
	v14 =	vsub.f32 v16, v18;
	v16 =	vld [tilespmem:s17+$0xF0]  }
0x121: {  	v3 =	vmul.f32 $1.442695020e+00, v3;
	v15 =	vmul.f32 $1.442695020e+00, v15;
	v18 =	vunpack.i.u.bf16.f32 v24  }
0x122: {  	v19 =	vunpack.i.l.bf16.f32 v24;
	v17 =	vmul.f32 $1.442695020e+00, v17;
	v12 =	vmul.f32 $1.442695020e+00, v12  }
0x123: {  	v14 =	vmul.f32 $1.442695020e+00, v14;
	(erf) = vpow2.f32 v4;
	v4 =	vunpack.i.u.bf16.f32 v26  }
0x124: {  	v21 =	vunpack.i.l.bf16.f32 v26;
	v20 =	vbroadcast v13, $0x0;
	(erf) = vpow2.f32 v8  }
0x125: {  	v22 =	vbroadcast v13, $0x1;
	v8 =	vunpack.i.l.bf16.f32 v16;
	(erf) = vpow2.f32 v3  }
0x126: {  	v3 =	vunpack.i.u.bf16.f32 v16;
	v8 =	vmul.f32 v20, v8;
	(erf) = vpow2.f32 v15  }
0x127: {  	v16 =	vunpack.i.u.bf16.f32 v28;
	v15 =	vmul.f32 v22, v3;
	(erf) = vpow2.f32 v17  }
0x128: {  	v3 =	vbroadcast v13, $0x6;
	v17 =	vunpack.i.l.bf16.f32 v28;
	[tilespmem:s22+$0x1B0] =	vst v8;
	(erf) = vpow2.f32 v12  }
0x129: {  	v8 =	vunpack.i.u.bf16.f32 v30;
	v12 =	vunpack.i.l.bf16.f32 v30;
	[tilespmem:s22+$0x1C0] =	vst v15;
	(erf) = vpow2.f32 v14  }
0x12a: {  	v9 =	vmul.f32 v19, v9;
	v18 =	vmul.f32 v18, v10;
	v15 =	vld [tilespmem:s17+$0x100]  }
0x12b: {  	v19 =	vmul.f32 v21, v7;
	v20 =	vmul.f32 v4, v11  }
0x12c: {  	v17 =	vmul.f32 v17, v5;
	v14 =	vmul.f32 v16, v6;
	v10 =	vpop (erf);
	[tilespmem:s18+$0xFFFFFFD0] =	vst v9  }
0x12d: {  	[tilespmem:s22+$0xFFFFFE40] =	vst v10;
	v16 =	vbroadcast v10, $0x0;
	v21 =	vbroadcast v10, $0x1;
	v11 =	vpop (erf)  }
0x12e: {  	v4 =	vbroadcast v13, $0x2;
	v22 =	vld [tilespmem:s17+$0xFFFFFEC0];
	[tilespmem:s22+$0xFFFFFED0] =	vst v11;
	v23 =	vbroadcast v11, $0x0;
	v9 =	vpop (erf)  }
0x12f: {  	v30 =	vbroadcast v13, $0x3;
	v25 =	vbroadcast v11, $0x1;
	v24 =	vld [tilespmem:s17+$0xFFFFFF10];
	[tilespmem:s22+$0xFFFFFF60] =	vst v9;
	v28 =	vunpack.i.l.bf16.f32 v15;
	v7 =	vpop (erf)  }
0x130: {  	v27 =	vbroadcast v9, $0x0;
	v15 =	vunpack.i.u.bf16.f32 v15;
	v26 =	vld [tilespmem:s17+$0xFFFFFF60];
	[tilespmem:s22+$0xFFFFFFF0] =	vst v7;
	v33 =	vmul.f32 v28, v4;
	v5 =	vpop (erf)  }
0x131: {  	v28 =	vbroadcast v9, $0x1;
	v15 =	vmul.f32 v15, v30;
	v29 =	vld [tilespmem:s17+$0xFFFFFFB0];
	[tilespmem:s22+$0x80] =	vst v5;
	v6 =	vpop (erf)  }
0x132: {  	v30 =	vbroadcast v7, $0x0;
	v31 =	vbroadcast v7, $0x1;
	v32 =	vld [tilespmem:s17+$0x0];
	[tilespmem:s22+$0x1D0] =	vst v33;
	v4 =	vpop (erf)  }
0x133: {  	v34 =	vbroadcast v5, $0x0;
	v35 =	vbroadcast v5, $0x1;
	v33 =	vunpack.i.u.bf16.f32 v22;
	[tilespmem:s22+$0x1E0] =	vst v15  }
0x134: {  	v36 =	vbroadcast v6, $0x1;
	v15 =	vunpack.i.l.bf16.f32 v22;
	v22 =	vbroadcast v6, $0x0;
	[tilespmem:s22+$0x110] =	vst v6;
	v37 =	vld [tilespmem:s17+$0x110]  }
0x135: {  	v40 =	vbroadcast v4, $0x0;
	v41 =	vbroadcast v4, $0x1;
	v38 =	vunpack.i.u.bf16.f32 v24;
	v39 =	vld [tilespmem:s17+$0x50];
	[tilespmem:s22+$0x1A0] =	vst v4  }
0x136: {  	v24 =	vunpack.i.l.bf16.f32 v24;
	v42 =	vunpack.i.u.bf16.f32 v26;
	v26 =	vunpack.i.l.bf16.f32 v26;
	v43 =	vld [tilespmem:s17+$0xA0];
	[tilespmem:s18+$0xFFFFFFE0] =	vst v18  }
0x137: {  	v18 =	vunpack.i.u.bf16.f32 v29;
	v29 =	vunpack.i.l.bf16.f32 v29;
	v44 =	vunpack.i.u.bf16.f32 v32;
	[tilespmem:s18+$0x60] =	vst v19  }
0x138: {  	v15 =	vmul.f32 v16, v15;
	v16 =	vunpack.i.l.bf16.f32 v32;
	v19 =	vbroadcast v13, $0x4;
	[tilespmem:s18+$0x70] =	vst v20  }
0x139: {  	v32 =	vbroadcast v13, $0x5;
	v20 =	vmul.f32 v21, v33;
	v21 =	vunpack.i.l.bf16.f32 v37;
	[tilespmem:s18+$0xF0] =	vst v17  }
0x13a: {  	v17 =	vunpack.i.u.bf16.f32 v37;
	[tilespmem:s22+$0xFFFFFDC0] =	vst v15;
	v15 =	vunpack.i.u.bf16.f32 v39;
	v19 =	vmul.f32 v21, v19  }
0x13b: {  	v17 =	vmul.f32 v17, v32;
	[tilespmem:s22+$0xFFFFFDD0] =	vst v20;
	v20 =	vunpack.i.l.bf16.f32 v39;
	v21 =	vunpack.i.u.bf16.f32 v43  }
0x13c: {  	v23 =	vmul.f32 v23, v24;
	v24 =	vmul.f32 v25, v38;
	v25 =	vunpack.i.l.bf16.f32 v43;
	v32 =	vld [tilespmem:s17+$0xFFFFFED0];
	[tilespmem:s22+$0x1F0] =	vst v19  }
0x13d: {  	v19 =	vmul.f32 v27, v26;
	v26 =	vmul.f32 v28, v42;
	[tilespmem:s22+$0x200] =	vst v17  }
0x13e: {  	v18 =	vmul.f32 v31, v18;
	v17 =	vmul.f32 v30, v29;
	[tilespmem:s22+$0xFFFFFE50] =	vst v23;
	v23 =	vld [tilespmem:s17+$0x120]  }
0x13f: {  	v16 =	vmul.f32 v34, v16;
	[tilespmem:s22+$0xFFFFFE60] =	vst v24;
	v24 =	vmul.f32 v35, v44  }
0x140: {  	v15 =	vmul.f32 v36, v15;
	v27 =	vld [tilespmem:s17+$0xFFFFFF20];
	[tilespmem:s22+$0xFFFFFEE0] =	vst v19;
	v19 =	vmul.f32 v22, v20  }
0x141: {  	v21 =	vmul.f32 v41, v21;
	v22 =	vmul.f32 v40, v25;
	v20 =	vunpack.i.u.bf16.f32 v32;
	[tilespmem:s22+$0xFFFFFEF0] =	vst v26  }
0x142: {  	v25 =	vunpack.i.l.bf16.f32 v32;
	v26 =	vbroadcast v10, $0x2;
	v28 =	vld [tilespmem:s17+$0xFFFFFF70];
	[tilespmem:s22+$0xFFFFFF70] =	vst v17;
	v17 =	vbroadcast v13, $0x7  }
0x143: {  	v29 =	vbroadcast v10, $0x3;
	v30 =	vbroadcast v11, $0x2;
	[tilespmem:s22+$0xFFFFFF80] =	vst v18;
	v18 =	vunpack.i.u.bf16.f32 v23  }
0x144: {  	v31 =	vbroadcast v11, $0x3;
	v13 =	vunpack.i.l.bf16.f32 v23;
	v32 =	vld [tilespmem:s17+$0xFFFFFFC0];
	[tilespmem:s22+$0x0] =	vst v16;
	v16 =	vmul.f32 v18, v17  }
0x145: {  	v23 =	vbroadcast v9, $0x3;
	v18 =	vbroadcast v9, $0x2;
	v17 =	vunpack.i.u.bf16.f32 v27;
	[tilespmem:s22+$0x10] =	vst v24  }
0x146: {  	v33 =	vbroadcast v7, $0x3;
	v24 =	vunpack.i.l.bf16.f32 v27;
	v27 =	vbroadcast v7, $0x2;
	v34 =	vld [tilespmem:s17+$0x10];
	[tilespmem:s22+$0x220] =	vst v16  }
0x147: {  	v36 =	vbroadcast v5, $0x3;
	v35 =	vbroadcast v5, $0x2;
	v16 =	vunpack.i.u.bf16.f32 v28;
	[tilespmem:s22+$0x90] =	vst v19  }
0x148: {  	v19 =	vunpack.i.l.bf16.f32 v28;
	v28 =	vbroadcast v6, $0x3;
	[tilespmem:s22+$0xA0] =	vst v15;
	v15 =	vbroadcast v6, $0x2  }
0x149: {  	v39 =	vbroadcast v4, $0x3;
	v37 =	vunpack.i.u.bf16.f32 v32;
	v38 =	vld [tilespmem:s17+$0x60];
	[tilespmem:s22+$0x120] =	vst v22;
	v22 =	vbroadcast v4, $0x2  }
0x14a: {  	v20 =	vmul.f32 v20, v29;
	v25 =	vmul.f32 v25, v26;
	v26 =	vunpack.i.l.bf16.f32 v32;
	[tilespmem:s22+$0x130] =	vst v21  }
0x14b: {  	v21 =	vmul.f32 v24, v30;
	v24 =	vunpack.i.u.bf16.f32 v34;
	v29 =	vunpack.i.l.bf16.f32 v34;
	v30 =	vld [tilespmem:s17+$0xB0];
	[tilespmem:s18+$0x100] =	vst v14  }
0x14c: {  	v14 =	vmul.f32 v17, v31;
	v17 =	vmul.f32 v19, v18;
	[tilespmem:s22+$0xFFFFFDE0] =	vst v25  }
0x14d: {  	v16 =	vmul.f32 v16, v23;
	v18 =	vmul.f32 v26, v27;
	[tilespmem:s22+$0xFFFFFDF0] =	vst v20  }
0x14e: {  	v20 =	vmul.f32 v37, v33;
	v19 =	vld [tilespmem:s17+$0xFFFFFEE0];
	[tilespmem:s22+$0xFFFFFE70] =	vst v21;
	v21 =	vunpack.i.u.bf16.f32 v38;
	v23 =	vunpack.i.l.bf16.f32 v38  }
0x14f: {  	v24 =	vmul.f32 v24, v36;
	[tilespmem:s22+$0xFFFFFE80] =	vst v14;
	v14 =	vmul.f32 v29, v35  }
0x150: {  	v15 =	vmul.f32 v23, v15;
	v25 =	vld [tilespmem:s17+$0xFFFFFF30];
	[tilespmem:s22+$0xFFFFFF00] =	vst v17;
	v17 =	vunpack.i.u.bf16.f32 v30;
	v23 =	vunpack.i.l.bf16.f32 v30  }
0x151: {  	[tilespmem:s22+$0xFFFFFF10] =	vst v16;
	v16 =	vmul.f32 v21, v28;
	v21 =	vmul.f32 v23, v22  }
0x152: {  	v22 =	vbroadcast v10, $0x4;
	v17 =	vmul.f32 v17, v39;
	v23 =	vld [tilespmem:s17+$0xFFFFFF80];
	[tilespmem:s22+$0xFFFFFF90] =	vst v18  }
0x153: {  	v26 =	vbroadcast v10, $0x5;
	v27 =	vbroadcast v11, $0x4;
	v18 =	vunpack.i.u.bf16.f32 v19;
	[tilespmem:s22+$0xFFFFFFA0] =	vst v20  }
0x154: {  	v28 =	vbroadcast v9, $0x4;
	v19 =	vunpack.i.l.bf16.f32 v19;
	v20 =	vbroadcast v11, $0x5;
	v29 =	vld [tilespmem:s17+$0xFFFFFFD0];
	[tilespmem:s22+$0x20] =	vst v14  }
0x155: {  	v31 =	vbroadcast v7, $0x4;
	v30 =	vbroadcast v9, $0x5;
	v14 =	vunpack.i.u.bf16.f32 v25;
	[tilespmem:s22+$0x30] =	vst v24  }
0x156: {  	v33 =	vbroadcast v5, $0x4;
	v24 =	vunpack.i.l.bf16.f32 v25;
	v25 =	vbroadcast v7, $0x5;
	v32 =	vld [tilespmem:s17+$0x20];
	[tilespmem:s22+$0xB0] =	vst v15  }
0x157: {  	v34 =	vbroadcast v5, $0x5;
	v35 =	vbroadcast v6, $0x4;
	v15 =	vunpack.i.u.bf16.f32 v23;
	[tilespmem:s22+$0xC0] =	vst v16  }
0x158: {  	v36 =	vbroadcast v6, $0x5;
	v37 =	vbroadcast v4, $0x4;
	v16 =	vunpack.i.l.bf16.f32 v23;
	v23 =	vld [tilespmem:s17+$0x70];
	[tilespmem:s22+$0x140] =	vst v21  }
0x159: {  	v38 =	vbroadcast v4, $0x5;
	v21 =	vunpack.i.u.bf16.f32 v29;
	v29 =	vunpack.i.l.bf16.f32 v29;
	[tilespmem:s22+$0x150] =	vst v17  }
0x15a: {  	v18 =	vmul.f32 v18, v26;
	v17 =	vmul.f32 v19, v22;
	v26 =	vld [tilespmem:s17+$0xC0]  }
0x15b: {  	v22 =	vmul.f32 v24, v27;
	v24 =	vunpack.i.u.bf16.f32 v32;
	v27 =	vunpack.i.l.bf16.f32 v32  }
0x15c: {  	v14 =	vmul.f32 v14, v20;
	[tilespmem:s22+$0xFFFFFE00] =	vst v17;
	v17 =	vmul.f32 v16, v28  }
0x15d: {  	v15 =	vmul.f32 v15, v30;
	[tilespmem:s22+$0xFFFFFE10] =	vst v18;
	v18 =	vunpack.i.u.bf16.f32 v23;
	v20 =	vunpack.i.l.bf16.f32 v23  }
.Ltmp2:
0x15e: {  	v28 =	vmul.f32 v29, v31;
	v23 =	vmul.f32 v21, v25;
	v19 =	vld [tilespmem:s17+$0xFFFFFEF0];
	[tilespmem:s22+$0xFFFFFE90] =	vst v22;
	(pc) =	sbr.rel @p1 .LBB2_3-.Ltmp2, $4  }
0x15f: {  	v22 =	vmul.f32 v27, v33;
	[tilespmem:s22+$0xFFFFFEA0] =	vst v14;
	v25 =	vunpack.i.u.bf16.f32 v26;
	v14 =	vunpack.i.l.bf16.f32 v26  }
0x160: {  	v24 =	vmul.f32 v24, v34;
	v21 =	vmul.f32 v20, v35;
	v16 =	vld [tilespmem:s17+$0xFFFFFF40];
	[tilespmem:s22+$0xFFFFFF20] =	vst v17  }
0x161: {  	v20 =	vmul.f32 v18, v36;
	v17 =	vmul.f32 v14, v37;
	[tilespmem:s22+$0xFFFFFF30] =	vst v15  }
0x162: {  	v18 =	vmul.f32 v25, v38;
	s17 =	sadd.s32 $0x280, s17;
	v15 =	vbroadcast v10, $0x6;
	v14 =	vld [tilespmem:s24+$0xFFFFFF90];
	[tilespmem:s22+$0xFFFFFFB0] =	vst v28  }
0x163: {  	[tilespmem:s22+$0xFFFFFFC0] =	vst v23  }
0x164: {  	[tilespmem:s22+$0x40] =	vst v22  }
0x165: {  	[tilespmem:s22+$0x50] =	vst v24  }
0x166: {  	[tilespmem:s22+$0xD0] =	vst v21  }
0x167: {  	v10 =	vbroadcast v10, $0x7;
	v21 =	vunpack.i.l.bf16.f32 v19;
	[tilespmem:s22+$0xE0] =	vst v20  }
0x168: {  	v19 =	vunpack.i.u.bf16.f32 v19;
	v20 =	vbroadcast v11, $0x6;
	[tilespmem:s22+$0x160] =	vst v17;
	v1 =	vmul.f32 v12, v1  }
0x169: {  	v11 =	vbroadcast v11, $0x7;
	[tilespmem:s22+$0x170] =	vst v18;
	v10 =	vmul.f32 v19, v10  }
0x16a: {  	v2 =	vmul.f32 v8, v2;
	v17 =	vunpack.i.l.bf16.f32 v16;
	v16 =	vunpack.i.u.bf16.f32 v16;
	[tilespmem:s18+$0x180] =	vst v1  }
0x16b: {  	v11 =	vmul.f32 v16, v11;
	[tilespmem:s22+$0xFFFFFE30] =	vst v10;
	v10 =	vld [tilespmem:s24+$0xFFFFFFE0]  }
0x16c: {  	v3 =	vmul.f32 v13, v3;
	v15 =	vmul.f32 v21, v15;
	[tilespmem:s18+$0x190] =	vst v2  }
0x16d: {  	v18 =	vbroadcast v9, $0x6;
	v9 =	vbroadcast v9, $0x7;
	[tilespmem:s22+$0xFFFFFEC0] =	vst v11;
	v11 =	vld [tilespmem:s24+$0x30]  }
0x16e: {  	v17 =	vmul.f32 v17, v20;
	[tilespmem:s22+$0xFFFFFE20] =	vst v15;
	v15 =	vunpack.i.l.bf16.f32 v14;
	v14 =	vunpack.i.u.bf16.f32 v14  }
0x16f: {  	v12 =	vbroadcast v7, $0x6;
	v8 =	vld [tilespmem:s24+$0x80];
	[tilespmem:s22+$0x210] =	vst v3;
	v9 =	vmul.f32 v14, v9  }
0x170: {  	v7 =	vbroadcast v7, $0x7;
	v15 =	vmul.f32 v15, v18;
	[tilespmem:s22+$0xFFFFFEB0] =	vst v17;
	v1 =	vunpack.i.l.bf16.f32 v10  }
0x171: {  	v2 =	vld [tilespmem:s24+$0xD0];
	[tilespmem:s22+$0xFFFFFF50] =	vst v9;
	v9 =	vbroadcast v5, $0x6;
	v10 =	vunpack.i.u.bf16.f32 v10;
	v1 =	vmul.f32 v1, v12  }
0x172: {  	[tilespmem:s22+$0xFFFFFF40] =	vst v15;
	v5 =	vbroadcast v5, $0x7;
	v3 =	vunpack.i.l.bf16.f32 v11;
	v7 =	vmul.f32 v10, v7  }
0x173: {  	v10 =	vbroadcast v6, $0x6;
	v11 =	vunpack.i.u.bf16.f32 v11;
	v3 =	vmul.f32 v3, v9;
	[tilespmem:s22+$0xFFFFFFD0] =	vst v1  }
0x174: {  	v5 =	vmul.f32 v11, v5;
	v1 =	vbroadcast v6, $0x7;
	v6 =	vunpack.i.l.bf16.f32 v8;
	[tilespmem:s22+$0xFFFFFFE0] =	vst v7  }
0x175: {  	v7 =	vbroadcast v4, $0x6;
	v8 =	vunpack.i.u.bf16.f32 v8;
	v6 =	vmul.f32 v6, v10;
	[tilespmem:s22+$0x60] =	vst v3  }
0x176: {  	v3 =	vbroadcast v4, $0x7;
	v4 =	vunpack.i.l.bf16.f32 v2;
	[tilespmem:s22+$0x70] =	vst v5;
	v1 =	vmul.f32 v8, v1  }
0x177: {  	v2 =	vunpack.i.u.bf16.f32 v2;
	v4 =	vmul.f32 v4, v7;
	[tilespmem:s22+$0xF0] =	vst v6  }
0x178: {  	[tilespmem:s22+$0x100] =	vst v1;
	v1 =	vmul.f32 v2, v3  }
0x179: {  	[tilespmem:s22+$0x180] =	vst v4  }
0x17a: {  	s14 =	simm.s32 $0x163D0;
	s18 =	smul.u32 $0x140, s19;
	[tilespmem:s22+$0x190] =	vst v1  }
0x17b: {  	[spmem:s2] =	stream.indirect.scatter.add.f32 [tilespmem:s0], [sflag:$0x2], $0x90, s14, s23, $0xb8;
	[tilespmem:$0x1FC00] =	vst v63  }
0x17c: {  	s17 =	rddreg [dreg:$0xa]  }
0x17d: {  	s14 =	sadd.s32 s18, s17  }
0x17e: {  	s14 =	sshrl.u32 s14, $0x3  }
0x17f: {  	s15 =	sadd.s32 s6, s14  }
0x180: {  	[tilespmem:s3], [sflag:$0x5] =	stream.linear.gather [hbm4b:s15+s4], $0x50, $0x38;
	[tilespmem:$0x1FC00] =	vst v63  }
0x181: {  	_ =	swait.ge [sflag:s21], $0x50  }
0x182: {  	[sflag:s21] =	ssyncset.done $0x0  }
0x183: {  	s14 =	sadd.s32 s7, s14;
	[sflag:s21] =	ssyncadd.s32 $0xFFFFFFB0  }
0x184: {  	[tilespmem:s20], [sflag:$0x5] =	stream.linear.gather [hbm4b:s14+s4], $0x50, $0x38;
	[tilespmem:$0x1FC00] =	vst v63  }
0x185: {  	_ =	swait.ge [sflag:s21], $0x50  }
0x186: {  	[sflag:s21] =	ssyncset.done $0x0  }
0x187: {  	s22 =	simm.s32 $0x16600;
	[sflag:s21] =	ssyncadd.s32 $0xFFFFFFB0  }
0x188: {  	[tilespmem:s22], [sflag:$0x1] =	stream.indirect.gather [hbm4b:s5+s23], $0x50, s3, s23, $0xb8;
	[tilespmem:$0x1FC00] =	vst v63  }
0x189: {  	s24 =	simm.s32 $0x17F00;
	s14 =	simm.s32 @!p0 $0x4  }
0x18a: {  	[tilespmem:s24], [sflag:$0x1] =	stream.indirect.gather [hbm4b:s1+s23], $0x10, s20, s23, $0xb8;
	[tilespmem:$0x1FC00] =	vst v63  }
0x18b: {  	_ =	swait.ge @!p0 [sflag:s14], $0x2D00  }
0x18c: {  	[sflag:s14] =	ssyncset.done @!p0 $0x0  }
0x18d: {  	[sflag:s14] =	ssyncadd.s32 @!p0 $0xFFFFD300  }
0x18e: {  	_ =	swait.ge [sflag:s8], $0x1900  }
0x18f: {  	[sflag:s8] =	ssyncset.done $0x0  }
0x190: {  	[sflag:s8] =	ssyncadd.s32 $0xFFFFE700  }
0x191: {  	_ =	swait.ge [sflag:s8], $0x500  }
0x192: {  	[sflag:s8] =	ssyncset.done $0x0  }
0x193: {  	s14 =	simm.s32 $0x1B240;
	[sflag:s8] =	ssyncadd.s32 $0xFFFFFB00  }
0x194: {  	s25 =	simm.s32 $0x1CA40;
	v1 =	vld [tilespmem:s14+$0x130]  }
0x195: {  	v2 =	vld [tilespmem:s25+$0x30];
	_ =	sdelay $0x3  }
0x196: {  	v1 =	vunpack.i.l.bf16.f32 v1  }
0x197: {  	v3 =	vld [tilespmem:s14+$0xFFFFFF50];
	v1 =	vadd.f32 v2, v1  }
0x198: {  	v4 =	vld [tilespmem:s14+$0xFFFFFFA0]  }
0x199: {  	v5 =	vld [tilespmem:s14+$0xFFFFFFF0];
	v7 =	vmul.f32 $2.000000030e-01, v1  }
0x19a: {  	v10 =	vld [tilespmem:s25+$0xFFFFFFD0];
	v2 =	vperm.xlane v2, v0  }
0x19b: {  	v8 =	vld [tilespmem:s14+$0x90];
	v1 =	vmax.f32 v1, v7  }
0x19c: {  	v9 =	vld [tilespmem:s14+$0xE0];
	v1 =	vsub.f32 v1, v2  }
0x19d: {  	v7 =	vld [tilespmem:s14+$0xFFFFFF00]  }
0x19e: {  	v3 =	vunpack.i.l.bf16.f32 v3;
	v2 =	vld [tilespmem:s25+$0xFFFFFFC0];
	v1 =	vmul.f32 $1.442695020e+00, v1  }
0x19f: {  	v13 =	vld [tilespmem:s25+$0x10];
	v3 =	vadd.f32 v10, v3  }
0x1a0: {  	v11 =	vld [tilespmem:s25+$0xFFFFFFE0];
	(erf) = vpow2.f32 v1  }
0x1a1: {  	v14 =	vld [tilespmem:s25+$0x20];
	v16 =	vmul.f32 $2.000000030e-01, v3  }
0x1a2: {  	v12 =	vld [tilespmem:s25+$0xFFFFFFF0];
	v1 =	vunpack.i.l.bf16.f32 v4;
	v4 =	vunpack.i.l.bf16.f32 v5;
	v5 =	vunpack.i.l.bf16.f32 v7  }
0x1a3: {  	v6 =	vld [tilespmem:s14+$0x40];
	v8 =	vunpack.i.l.bf16.f32 v8;
	v15 =	vperm.xlane v10, v0;
	v5 =	vadd.f32 v2, v5  }
0x1a4: {  	v9 =	vunpack.i.l.bf16.f32 v9;
	v8 =	vadd.f32 v13, v8;
	v3 =	vmax.f32 v3, v16  }
0x1a5: {  	v13 =	vperm.xlane v13, v0;
	v3 =	vsub.f32 v3, v15;
	v7 =	vld [tilespmem:s25+$0x0];
	v10 =	vmul.f32 $2.000000030e-01, v5  }
0x1a6: {  	v9 =	vadd.f32 v14, v9;
	v14 =	vperm.xlane v14, v0;
	v16 =	vmul.f32 $2.000000030e-01, v8  }
0x1a7: {  	v3 =	vmul.f32 $1.442695020e+00, v3;
	v1 =	vadd.f32 v11, v1;
	v4 =	vadd.f32 v12, v4  }
0x1a8: {  	v6 =	vunpack.i.l.bf16.f32 v6;
	v2 =	vperm.xlane v2, v0;
	v11 =	vperm.xlane v11, v0  }
0x1a9: {  	s24 =	simm.s32 $0x1D140;
	v17 =	vmul.f32 $2.000000030e-01, v1;
	v18 =	vmul.f32 $2.000000030e-01, v4;
	v5 =	vmax.f32 v5, v10;
	v10 =	vpop (erf)  }
0x1aa: {  	v12 =	vperm.xlane v12, v0;
	v6 =	vadd.f32 v7, v6;
	v7 =	vperm.xlane v7, v0;
	[tilespmem:s24+$0x230] =	vst v10  }
0x1ab: {  	v1 =	vmax.f32 v1, v17;
	v4 =	vmax.f32 v4, v18;
	v2 =	vsub.f32 v5, v2;
	v5 =	vld [tilespmem:s14+$0xF0]  }
0x1ac: {  	v1 =	vsub.f32 v1, v11;
	v4 =	vsub.f32 v4, v12;
	v19 =	vmul.f32 $2.000000030e-01, v6  }
0x1ad: {  	v8 =	vmax.f32 v8, v16;
	v17 =	vmul.f32 $2.000000030e-01, v9;
	v2 =	vmul.f32 $1.442695020e+00, v2  }
0x1ae: {  	v1 =	vmul.f32 $1.442695020e+00, v1;
	v4 =	vmul.f32 $1.442695020e+00, v4;
	v6 =	vmax.f32 v6, v19  }
0x1af: {  	v6 =	vsub.f32 v6, v7;
	(erf) = vpow2.f32 v2;
	v2 =	vbroadcast v10, $0x0  }
0x1b0: {  	v7 =	vbroadcast v10, $0x1;
	(erf) = vpow2.f32 v3;
	v3 =	vunpack.i.l.bf16.f32 v5  }
0x1b1: {  	(erf) = vpow2.f32 v1;
	v1 =	vunpack.i.u.bf16.f32 v5;
	v2 =	vmul.f32 v2, v3  }
0x1b2: {  	v9 =	vmax.f32 v9, v17;
	v3 =	vsub.f32 v8, v13;
	v1 =	vmul.f32 v7, v1  }
0x1b3: {  	(erf) = vpow2.f32 v4;
	v4 =	vsub.f32 v9, v14;
	[tilespmem:s24+$0x1B0] =	vst v2  }
0x1b4: {  	v5 =	vmul.f32 $1.442695020e+00, v6;
	v2 =	vmul.f32 $1.442695020e+00, v3;
	[tilespmem:s24+$0x1C0] =	vst v1  }
0x1b5: {  	v35 =	vbroadcast v10, $0x5;
	v1 =	vmul.f32 $1.442695020e+00, v4;
	v4 =	vld [tilespmem:s14+$0x100]  }
0x1b6: {  	v9 =	vbroadcast v10, $0x3;
	(erf) = vpow2.f32 v5  }
0x1b7: {  	v7 =	vbroadcast v10, $0x2;
	(erf) = vpow2.f32 v2  }
0x1b8: {  	v3 =	vbroadcast v10, $0x6;
	(erf) = vpow2.f32 v1;
	v2 =	vpop (erf)  }
0x1b9: {  	v11 =	vbroadcast v2, $0x0;
	v1 =	vpop (erf);
	v12 =	vbroadcast v2, $0x1  }
0x1ba: {  	[tilespmem:s24+$0xFFFFFE40] =	vst v2;
	v8 =	vunpack.i.l.bf16.f32 v4;
	v14 =	vbroadcast v1, $0x0;
	v16 =	vbroadcast v1, $0x1  }
0x1bb: {  	v13 =	vld [tilespmem:s14+$0xFFFFFEC0];
	v4 =	vunpack.i.u.bf16.f32 v4;
	v52 =	vbroadcast v1, $0x6;
	v54 =	vbroadcast v1, $0x7  }
0x1bc: {  	v5 =	vpop (erf);
	v7 =	vmul.f32 v8, v7;
	v4 =	vmul.f32 v4, v9  }
0x1bd: {  	v6 =	vpop (erf);
	v18 =	vbroadcast v5, $0x0;
	v19 =	vbroadcast v5, $0x1  }
0x1be: {  	[tilespmem:s24+$0xFFFFFED0] =	vst v1;
	v56 =	vbroadcast v5, $0x7;
	v21 =	vbroadcast v6, $0x0  }
0x1bf: {  	v15 =	vld [tilespmem:s14+$0xFFFFFF10];
	v22 =	vbroadcast v6, $0x1;
	v40 =	vbroadcast v6, $0x3;
	[tilespmem:s24+$0x1D0] =	vst v7  }
0x1c0: {  	v46 =	vbroadcast v6, $0x5;
	v59 =	vbroadcast v6, $0x6;
	[tilespmem:s24+$0x1E0] =	vst v4;
	v7 =	vpop (erf);
	v4 =	vunpack.i.u.bf16.f32 v13  }
0x1c1: {  	v25 =	vld [tilespmem:s14+$0x110];
	v13 =	vunpack.i.l.bf16.f32 v13;
	v23 =	vbroadcast v7, $0x0;
	v24 =	vbroadcast v7, $0x1  }
0x1c2: {  	[tilespmem:s24+$0xFFFFFF60] =	vst v5;
	v11 =	vmul.f32 v11, v13;
	v13 =	vbroadcast v10, $0x4  }
0x1c3: {  	[tilespmem:s24+$0xFFFFFFF0] =	vst v6;
	v17 =	vld [tilespmem:s14+$0xFFFFFF60];
	v4 =	vmul.f32 v12, v4;
	v10 =	vbroadcast v10, $0x7  }
0x1c4: {  	v9 =	vpop (erf);
	[tilespmem:s24+$0x80] =	vst v7;
	v29 =	vunpack.i.u.bf16.f32 v15;
	v42 =	vbroadcast v7, $0x2;
	v48 =	vbroadcast v7, $0x5  }
0x1c5: {  	v20 =	vld [tilespmem:s14+$0xFFFFFFB0];
	v15 =	vunpack.i.l.bf16.f32 v15;
	v8 =	vpop (erf);
	v26 =	vbroadcast v9, $0x0;
	v27 =	vbroadcast v9, $0x1;
	[tilespmem:s24+$0x110] =	vst v9  }
0x1c6: {  	v28 =	vld [tilespmem:s14+$0x0];
	v44 =	vbroadcast v9, $0x3;
	v49 =	vbroadcast v9, $0x4;
	[tilespmem:s24+$0x1A0] =	vst v8;
	v12 =	vunpack.i.l.bf16.f32 v25  }
0x1c7: {  	v51 =	vbroadcast v9, $0x5;
	[tilespmem:s24+$0xFFFFFDC0] =	vst v11;
	v11 =	vunpack.i.u.bf16.f32 v25;
	v12 =	vmul.f32 v12, v13  }
0x1c8: {  	v32 =	vunpack.i.u.bf16.f32 v17;
	v30 =	vbroadcast v8, $0x0;
	v33 =	vld [tilespmem:s14+$0x50];
	[tilespmem:s24+$0xFFFFFDD0] =	vst v4;
	v4 =	vmul.f32 v11, v35  }
0x1c9: {  	v17 =	vunpack.i.l.bf16.f32 v17;
	v31 =	vbroadcast v8, $0x1;
	v11 =	vmul.f32 v14, v15;
	[tilespmem:s24+$0x1F0] =	vst v12  }
0x1ca: {  	v34 =	vunpack.i.u.bf16.f32 v20;
	v20 =	vunpack.i.l.bf16.f32 v20;
	v36 =	vld [tilespmem:s14+$0xA0];
	v15 =	vmul.f32 v16, v29;
	[tilespmem:s24+$0x200] =	vst v4  }
0x1cb: {  	v13 =	vunpack.i.u.bf16.f32 v28;
	v12 =	vmul.f32 v18, v17;
	v17 =	vmul.f32 v19, v32;
	[tilespmem:s24+$0xFFFFFE50] =	vst v11  }
0x1cc: {  	v14 =	vunpack.i.l.bf16.f32 v28;
	v18 =	vmul.f32 v21, v20;
	v11 =	vmul.f32 v22, v34;
	[tilespmem:s24+$0xFFFFFE60] =	vst v15  }
0x1cd: {  	v16 =	vunpack.i.u.bf16.f32 v33;
	v14 =	vmul.f32 v23, v14;
	v13 =	vmul.f32 v24, v13;
	[tilespmem:s24+$0xFFFFFEE0] =	vst v12  }
0x1ce: {  	v20 =	vld [tilespmem:s14+$0xFFFFFED0];
	v19 =	vunpack.i.l.bf16.f32 v33;
	v23 =	vbroadcast v1, $0x2;
	v24 =	vbroadcast v1, $0x3;
	[tilespmem:s24+$0xFFFFFEF0] =	vst v17  }
0x1cf: {  	v4 =	vld [tilespmem:s14+$0x120];
	v21 =	vunpack.i.l.bf16.f32 v36;
	v15 =	vmul.f32 v26, v19;
	v12 =	vmul.f32 v27, v16;
	[tilespmem:s24+$0xFFFFFF70] =	vst v18  }
0x1d0: {  	v19 =	vunpack.i.u.bf16.f32 v36;
	v18 =	vbroadcast v2, $0x3;
	[tilespmem:s24+$0xFFFFFF80] =	vst v11;
	v26 =	vbroadcast v5, $0x3  }
0x1d1: {  	v16 =	vmul.f32 v30, v21;
	v21 =	vld [tilespmem:s14+$0xFFFFFF20];
	v17 =	vmul.f32 v31, v19;
	[tilespmem:s24+$0x0] =	vst v14  }
0x1d2: {  	s22 =	simm.s32 $0x1CAC0;
	v19 =	vbroadcast v2, $0x2;
	v22 =	vld [tilespmem:s14+$0xFFFFFF70];
	[tilespmem:s24+$0x10] =	vst v13;
	v13 =	vbroadcast v6, $0x2  }
0x1d3: {  	v61 =	vld [tilespmem:s22+$0xFFFFFFE0];
	s25 =	simm.s32 $0x1B4C0;
	[tilespmem:s24+$0xA0] =	vst v12;
	v12 =	vbroadcast v9, $0x2;
	v25 =	vunpack.i.u.bf16.f32 v20;
	v14 =	vunpack.i.l.bf16.f32 v20  }
0x1d4: {  	v57 =	vld [tilespmem:s25+$0xFFFFFFF0];
	[tilespmem:s24+$0x90] =	vst v15;
	v11 =	vunpack.i.u.bf16.f32 v4;
	v14 =	vmul.f32 v14, v19;
	v19 =	vbroadcast v8, $0x2  }
0x1d5: {  	v41 =	vld [tilespmem:s14+$0x10];
	[tilespmem:s24+$0x120] =	vst v16;
	v18 =	vmul.f32 v25, v18;
	v4 =	vunpack.i.l.bf16.f32 v4;
	v10 =	vmul.f32 v11, v10  }
0x1d6: {  	v20 =	vld [tilespmem:s14+$0xFFFFFFC0];
	[tilespmem:s24+$0x130] =	vst v17;
	v11 =	vbroadcast v5, $0x2;
	v3 =	vmul.f32 v4, v3;
	v27 =	vunpack.i.u.bf16.f32 v21  }
0x1d7: {  	v15 =	vunpack.i.l.bf16.f32 v21;
	v21 =	vbroadcast v7, $0x3;
	v43 =	vunpack.i.u.bf16.f32 v22;
	[tilespmem:s24+$0xFFFFFDE0] =	vst v14  }
0x1d8: {  	v45 =	vld [tilespmem:s14+$0x60];
	v16 =	vunpack.i.l.bf16.f32 v22;
	v22 =	vbroadcast v8, $0x3;
	[tilespmem:s24+$0xFFFFFDF0] =	vst v18;
	v15 =	vmul.f32 v15, v23  }
0x1d9: {  	v62 =	vunpack.i.l.bf16.f32 v57;
	v24 =	vmul.f32 v27, v24;
	v11 =	vmul.f32 v16, v11;
	[tilespmem:s24+$0x220] =	vst v10  }
0x1da: {  	v63 =	vld [tilespmem:s22+$0xFFFFFFF0];
	v18 =	vunpack.i.l.bf16.f32 v41;
	v16 =	vmul.f32 v43, v26;
	v26 =	vbroadcast v5, $0x5;
	[tilespmem:s24+$0xFFFFFE70] =	vst v15  }
0x1db: {  	v23 =	vld [tilespmem:s14+$0xB0];
	v27 =	vbroadcast v6, $0x4;
	v10 =	vperm.xlane v61, v0;
	v17 =	vunpack.i.u.bf16.f32 v20;
	[tilespmem:s24+$0xFFFFFE80] =	vst v24  }
0x1dc: {  	v14 =	vunpack.i.l.bf16.f32 v20;
	v20 =	vunpack.i.u.bf16.f32 v41;
	v18 =	vmul.f32 v18, v42;
	[tilespmem:s24+$0xFFFFFF00] =	vst v11  }
0x1dd: {  	v60 =	vld [tilespmem:s25+$0x40];
	v13 =	vmul.f32 v14, v13;
	v15 =	vmul.f32 v17, v40;
	v17 =	vunpack.i.u.bf16.f32 v45;
	[tilespmem:s24+$0xFFFFFF10] =	vst v16  }
0x1de: {  	v14 =	vld [tilespmem:s14+$0xFFFFFEE0];
	v24 =	vunpack.i.l.bf16.f32 v45;
	v20 =	vmul.f32 v20, v21;
	v40 =	vbroadcast v9, $0x6;
	[tilespmem:s24+$0x20] =	vst v18  }
0x1df: {  	v28 =	vadd.f32 v63, v62;
	v11 =	vld [tilespmem:s14+$0xFFFFFF30];
	v12 =	vmul.f32 v24, v12;
	v16 =	vmul.f32 v17, v44;
	[tilespmem:s24+$0xFFFFFF90] =	vst v13  }
0x1e0: {  	v24 =	vbroadcast v1, $0x5;
	v18 =	vbroadcast v5, $0x4;
	[tilespmem:s24+$0xFFFFFFA0] =	vst v15;
	v21 =	vunpack.i.l.bf16.f32 v23  }
0x1e1: {  	v13 =	vld [tilespmem:s14+$0xFFFFFF80];
	v17 =	vunpack.i.u.bf16.f32 v23;
	v23 =	vbroadcast v1, $0x4;
	[tilespmem:s24+$0xB0] =	vst v12;
	v12 =	vbroadcast v7, $0x4  }
0x1e2: {  	v44 =	vunpack.i.l.bf16.f32 v60;
	[tilespmem:s24+$0x30] =	vst v20;
	v25 =	vld [tilespmem:s14+$0xFFFFFFD0];
	v19 =	vmul.f32 v21, v19;
	v21 =	vbroadcast v2, $0x4  }
0x1e3: {  	v47 =	vld [tilespmem:s14+$0x20];
	v17 =	vmul.f32 v17, v22;
	v22 =	vbroadcast v2, $0x5;
	v15 =	vunpack.i.u.bf16.f32 v14  }
0x1e4: {  	v41 =	vld [tilespmem:s22+$0xFFFFFFC0];
	v14 =	vunpack.i.l.bf16.f32 v14;
	v20 =	vunpack.i.u.bf16.f32 v11;
	[tilespmem:s24+$0x140] =	vst v19;
	v19 =	vbroadcast v8, $0x4  }
0x1e5: {  	v45 =	vld [tilespmem:s22+$0x0];
	[tilespmem:s24+$0xC0] =	vst v16;
	v11 =	vunpack.i.l.bf16.f32 v11;
	v14 =	vmul.f32 v14, v21;
	v15 =	vmul.f32 v15, v22  }
0x1e6: {  	v50 =	vld [tilespmem:s14+$0x70];
	[tilespmem:s24+$0x150] =	vst v17;
	v16 =	vunpack.i.u.bf16.f32 v13;
	v13 =	vunpack.i.l.bf16.f32 v13;
	v11 =	vmul.f32 v11, v23  }
0x1e7: {  	v20 =	vmul.f32 v20, v24;
	v17 =	vunpack.i.u.bf16.f32 v25;
	v21 =	vunpack.i.l.bf16.f32 v25;
	[tilespmem:s24+$0xFFFFFE00] =	vst v14  }
0x1e8: {  	v22 =	vld [tilespmem:s14+$0xC0];
	v25 =	vbroadcast v8, $0x5;
	v23 =	vunpack.i.u.bf16.f32 v47;
	v13 =	vmul.f32 v13, v18;
	[tilespmem:s24+$0xFFFFFE10] =	vst v15  }
0x1e9: {  	v14 =	vunpack.i.l.bf16.f32 v47;
	v15 =	vmul.f32 v16, v26;
	v47 =	vperm.xlane v41, v0;
	[tilespmem:s24+$0xFFFFFE90] =	vst v11  }
0x1ea: {  	v33 =	vadd.f32 v45, v44;
	v21 =	vmul.f32 v21, v27;
	[tilespmem:s24+$0xFFFFFEA0] =	vst v20;
	v12 =	vmul.f32 v14, v12;
	v14 =	vld [tilespmem:s25+$0x130]  }
0x1eb: {  	v24 =	vld [tilespmem:s22+$0x30];
	v11 =	vunpack.i.l.bf16.f32 v50;
	v17 =	vmul.f32 v17, v46;
	v27 =	vbroadcast v2, $0x7;
	[tilespmem:s24+$0xFFFFFF20] =	vst v13  }
0x1ec: {  	v16 =	vunpack.i.u.bf16.f32 v50;
	v18 =	vld [tilespmem:s14+$0xFFFFFEF0];
	v13 =	vmul.f32 v23, v48;
	v23 =	vmul.f32 v11, v49;
	[tilespmem:s24+$0xFFFFFF30] =	vst v15  }
0x1ed: {  	v15 =	vmul.f32 v16, v51;
	[tilespmem:s24+$0xFFFFFFB0] =	vst v21;
	v21 =	vperm.xlane v63, v0;
	v20 =	vunpack.i.l.bf16.f32 v22  }
0x1ee: {  	v39 =	vld [tilespmem:s25+$0xE0];
	[tilespmem:s24+$0xFFFFFFC0] =	vst v17;
	v17 =	vperm.xlane v45, v0;
	v11 =	vunpack.i.u.bf16.f32 v22;
	v16 =	vmul.f32 v20, v19  }
0x1ef: {  	v55 =	vld [tilespmem:s25+$0xFFFFFFA0];
	v19 =	vbroadcast v2, $0x6;
	v25 =	vmul.f32 v11, v25;
	v1 =	vunpack.i.l.bf16.f32 v14  }
0x1f0: {  	v48 =	vld [tilespmem:s22+$0x20];
	v11 =	vbroadcast v6, $0x7;
	v6 =	vbroadcast v7, $0x6;
	v1 =	vadd.f32 v24, v1  }
0x1f1: {  	v22 =	vld [tilespmem:s14+$0xFFFFFF40];
	v7 =	vbroadcast v7, $0x7;
	v26 =	vunpack.i.u.bf16.f32 v18;
	v14 =	vbroadcast v5, $0x6  }
0x1f2: {  	v20 =	vld [tilespmem:s14+$0xFFFFFF90];
	v18 =	vunpack.i.l.bf16.f32 v18;
	v5 =	vbroadcast v9, $0x7;
	v2 =	vmul.f32 $2.000000030e-01, v1  }
0x1f3: {  	v46 =	vunpack.i.l.bf16.f32 v39;
	v9 =	vld [tilespmem:s25+$0xFFFFFF00];
	v24 =	vperm.xlane v24, v0;
	v18 =	vmul.f32 v18, v19  }
0x1f4: {  	v26 =	vmul.f32 v26, v27;
	v27 =	vunpack.i.l.bf16.f32 v55;
	v2 =	vmax.f32 v1, v2  }
0x1f5: {  	v53 =	vld [tilespmem:s25+$0xFFFFFF50];
	[tilespmem:s24+$0x50] =	vst v13;
	v36 =	vadd.f32 v48, v46;
	v13 =	vperm.xlane v48, v0;
	v24 =	vsub.f32 v2, v24  }
0x1f6: {  	v19 =	vld [tilespmem:s22+$0xFFFFFFD0];
	v27 =	vadd.f32 v61, v27;
	v58 =	vunpack.i.u.bf16.f32 v22;
	v22 =	vunpack.i.l.bf16.f32 v22  }
0x1f7: {  	v37 =	vld [tilespmem:s25+$0x90];
	v38 =	vunpack.i.u.bf16.f32 v20;
	v20 =	vunpack.i.l.bf16.f32 v20;
	v24 =	vmul.f32 $1.442695020e+00, v24  }
0x1f8: {  	v22 =	vmul.f32 v22, v52;
	v30 =	vmul.f32 v58, v54;
	v9 =	vunpack.i.l.bf16.f32 v9  }
0x1f9: {  	v51 =	vmul.f32 $2.000000030e-01, v27;
	v9 =	vadd.f32 v41, v9;
	(erf) = vpow2.f32 v24  }
0x1fa: {  	v1 =	vbroadcast v8, $0x6;
	v2 =	vbroadcast v8, $0x7;
	v8 =	vunpack.i.l.bf16.f32 v53  }
0x1fb: {  	v52 =	vmul.f32 $2.000000030e-01, v28;
	v8 =	vadd.f32 v19, v8;
	v49 =	vmul.f32 $2.000000030e-01, v9  }
0x1fc: {  	v14 =	vmul.f32 v20, v14;
	v20 =	vunpack.i.l.bf16.f32 v37;
	v27 =	vmax.f32 v27, v51;
	v24 =	vld [tilespmem:s22+$0x10]  }
0x1fd: {  	v28 =	vmax.f32 v28, v52;
	v50 =	vmul.f32 $2.000000030e-01, v8;
	v9 =	vmax.f32 v9, v49  }
0x1fe: {  	v53 =	vmul.f32 $2.000000030e-01, v36;
	v19 =	vperm.xlane v19, v0;
	v9 =	vsub.f32 v9, v47  }
0x1ff: {  	[tilespmem:s24+$0x40] =	vst v12;
	v10 =	vsub.f32 v27, v10;
	v21 =	vsub.f32 v28, v21;
	v29 =	vmax.f32 v8, v50  }
0x200: {  	[tilespmem:s24+$0xFFFFFE20] =	vst v18;
	v18 =	vmax.f32 v36, v53;
	v19 =	vsub.f32 v29, v19;
	v9 =	vmul.f32 $1.442695020e+00, v9  }
0x201: {  	[tilespmem:s24+$0xE0] =	vst v15;
	v20 =	vadd.f32 v24, v20;
	v12 =	vperm.xlane v24, v0;
	v24 =	vmul.f32 $2.000000030e-01, v33  }
0x202: {  	s17 =	simm.s32 $0x1D5C0;
	[tilespmem:s24+$0x160] =	vst v16;
	v10 =	vmul.f32 $1.442695020e+00, v10;
	v13 =	vsub.f32 v18, v13;
	v16 =	vmul.f32 $1.442695020e+00, v19;
	v8 =	vpop (erf)  }
0x203: {  	v19 =	vmul.f32 $1.442695020e+00, v21;
	(erf) = vpow2.f32 v9;
	v9 =	vld [tilespmem:s14+$0xFFFFFFE0];
	v15 =	vmax.f32 v33, v24;
	[tilespmem:s17+$0x230] =	vst v8  }
0x204: {  	[tilespmem:s24+$0xD0] =	vst v23;
	(erf) = vpow2.f32 v16;
	v23 =	vmul.f32 $2.000000030e-01, v20;
	v15 =	vsub.f32 v15, v17;
	v24 =	vld [tilespmem:s25+$0xF0]  }
0x205: {  	v13 =	vmul.f32 $1.442695020e+00, v13;
	(erf) = vpow2.f32 v10  }
0x206: {  	(erf) = vpow2.f32 v19;
	v17 =	vmax.f32 v20, v23;
	v15 =	vmul.f32 $1.442695020e+00, v15  }
0x207: {  	[tilespmem:s24+$0x210] =	vst v3;
	v10 =	vld [tilespmem:s14+$0x30];
	v12 =	vsub.f32 v17, v12;
	v17 =	vbroadcast v8, $0x0;
	v20 =	vbroadcast v8, $0x1  }
0x208: {  	[tilespmem:s24+$0x170] =	vst v25;
	v4 =	vunpack.i.l.bf16.f32 v9;
	v3 =	vbroadcast v8, $0x6;
	(erf) = vpow2.f32 v15  }
0x209: {  	[tilespmem:s24+$0xFFFFFE30] =	vst v26;
	v15 =	vmul.f32 v38, v56;
	v12 =	vmul.f32 $1.442695020e+00, v12;
	v16 =	vunpack.i.l.bf16.f32 v24  }
0x20a: {  	[tilespmem:s24+$0xFFFFFF40] =	vst v14;
	v4 =	vmul.f32 v4, v59;
	v21 =	vunpack.i.u.bf16.f32 v24;
	v16 =	vmul.f32 v17, v16  }
0x20b: {  	v9 =	vunpack.i.u.bf16.f32 v9;
	[tilespmem:s24+$0xFFFFFF50] =	vst v15;
	(erf) = vpow2.f32 v12;
	v14 =	vmul.f32 v20, v21  }
0x20c: {  	v38 =	vbroadcast v8, $0x5;
	(erf) = vpow2.f32 v13;
	v13 =	vunpack.i.l.bf16.f32 v10;
	[tilespmem:s17+$0x1B0] =	vst v16  }
0x20d: {  	v15 =	vmul.f32 v9, v11;
	v17 =	vld [tilespmem:s14+$0x80];
	[tilespmem:s17+$0x1C0] =	vst v14;
	v14 =	vunpack.i.u.bf16.f32 v10;
	v10 =	vpop (erf);
	v16 =	vmul.f32 v13, v6  }
0x20e: {  	[tilespmem:s24+$0xFFFFFEB0] =	vst v22;
	v14 =	vmul.f32 v14, v7;
	v11 =	vpop (erf);
	v18 =	vbroadcast v10, $0x0  }
0x20f: {  	[tilespmem:s24+$0xFFFFFEC0] =	vst v30;
	v20 =	vbroadcast v10, $0x1;
	v21 =	vbroadcast v11, $0x0  }
0x210: {  	[tilespmem:s24+$0xFFFFFFD0] =	vst v4;
	v12 =	vld [tilespmem:s25+$0x100];
	v9 =	vpop (erf);
	v23 =	vbroadcast v11, $0x1;
	v41 =	vbroadcast v11, $0x2  }
0x211: {  	[tilespmem:s17+$0xFFFFFE40] =	vst v10;
	v52 =	vbroadcast v11, $0x5;
	v24 =	vbroadcast v9, $0x0  }
0x212: {  	[tilespmem:s24+$0xFFFFFFE0] =	vst v15;
	v19 =	vld [tilespmem:s25+$0xFFFFFEC0];
	v4 =	vunpack.i.l.bf16.f32 v17;
	v25 =	vbroadcast v9, $0x1;
	v42 =	vbroadcast v9, $0x2  }
0x213: {  	[tilespmem:s17+$0xFFFFFED0] =	vst v11;
	v6 =	vunpack.i.u.bf16.f32 v17;
	v43 =	vbroadcast v9, $0x3;
	v17 =	vmul.f32 v4, v40  }
0x214: {  	[tilespmem:s24+$0x60] =	vst v16;
	v7 =	vpop (erf);
	v4 =	vbroadcast v8, $0x2;
	v13 =	vmul.f32 v6, v5  }
0x215: {  	[tilespmem:s17+$0xFFFFFF60] =	vst v9;
	v22 =	vld [tilespmem:s25+$0xFFFFFF10];
	v6 =	vbroadcast v8, $0x3;
	v26 =	vbroadcast v7, $0x1;
	v5 =	vunpack.i.l.bf16.f32 v12  }
0x216: {  	[tilespmem:s24+$0x70] =	vst v14;
	v54 =	vld [tilespmem:s25+$0xFFFFFF60];
	v44 =	vbroadcast v7, $0x2;
	v12 =	vunpack.i.u.bf16.f32 v12;
	v4 =	vmul.f32 v5, v4  }
0x217: {  	[tilespmem:s17+$0xFFFFFFF0] =	vst v7;
	v12 =	vmul.f32 v12, v6;
	v55 =	vunpack.i.u.bf16.f32 v19;
	v19 =	vunpack.i.l.bf16.f32 v19  }
0x218: {  	v45 =	vbroadcast v7, $0x3;
	v18 =	vmul.f32 v18, v19;
	[tilespmem:s17+$0x1D0] =	vst v4  }
0x219: {  	v58 =	vld [tilespmem:s25+$0xFFFFFFB0];
	v19 =	vbroadcast v8, $0x4;
	v14 =	vmul.f32 v20, v55;
	[tilespmem:s17+$0x1E0] =	vst v12  }
0x21a: {  	[tilespmem:s24+$0xF0] =	vst v17;
	v16 =	vunpack.i.l.bf16.f32 v22;
	v55 =	vbroadcast v7, $0x4;
	v5 =	vpop (erf);
	v12 =	vbroadcast v7, $0x0;
	v27 =	vld [tilespmem:s25+$0x110]  }
0x21b: {  	v17 =	vunpack.i.u.bf16.f32 v54;
	v16 =	vmul.f32 v21, v16;
	[tilespmem:s17+$0x80] =	vst v5;
	v56 =	vbroadcast v5, $0x0  }
0x21c: {  	v57 =	vbroadcast v5, $0x1;
	[tilespmem:s17+$0xFFFFFDC0] =	vst v18;
	v17 =	vmul.f32 v25, v17  }
0x21d: {  	v61 =	vunpack.i.u.bf16.f32 v22;
	v6 =	vpop (erf);
	[tilespmem:s17+$0xFFFFFDD0] =	vst v14;
	v25 =	vbroadcast v10, $0x2;
	v47 =	vbroadcast v5, $0x2;
	v15 =	vld [tilespmem:s25+$0x0]  }
0x21e: {  	v39 =	vunpack.i.u.bf16.f32 v58;
	v4 =	vpop (erf);
	[tilespmem:s17+$0x110] =	vst v6;
	v59 =	vbroadcast v6, $0x0;
	v60 =	vbroadcast v6, $0x1  }
0x21f: {  	[tilespmem:s17+$0xFFFFFE50] =	vst v16;
	v49 =	vbroadcast v6, $0x3;
	v62 =	vbroadcast v4, $0x0;
	v22 =	vld [tilespmem:s25+$0x50];
	v20 =	vunpack.i.l.bf16.f32 v27  }
0x220: {  	[tilespmem:s17+$0x1A0] =	vst v4;
	v63 =	vbroadcast v4, $0x1;
	v18 =	vunpack.i.u.bf16.f32 v27;
	v19 =	vmul.f32 v20, v19  }
0x221: {  	[tilespmem:s17+$0xFFFFFEF0] =	vst v17;
	v20 =	vunpack.i.l.bf16.f32 v54;
	v14 =	vmul.f32 v18, v38;
	v18 =	vunpack.i.l.bf16.f32 v58  }
0x222: {  	v40 =	vunpack.i.u.bf16.f32 v15;
	v54 =	vbroadcast v9, $0x5;
	v20 =	vmul.f32 v24, v20;
	[tilespmem:s17+$0x1F0] =	vst v19  }
0x223: {  	v27 =	vld [tilespmem:s25+$0xA0];
	v15 =	vunpack.i.l.bf16.f32 v15;
	v58 =	vbroadcast v5, $0x5;
	v12 =	vmul.f32 v12, v18;
	[tilespmem:s17+$0x200] =	vst v14  }
0x224: {  	v21 =	vunpack.i.u.bf16.f32 v22;
	v18 =	vunpack.i.l.bf16.f32 v22;
	v22 =	vmul.f32 v26, v39;
	[tilespmem:s17+$0xFFFFFEE0] =	vst v20  }
0x225: {  	v16 =	vld [tilespmem:s14+$0xD0];
	v15 =	vmul.f32 v56, v15;
	v19 =	vmul.f32 v23, v61;
	[tilespmem:s17+$0xFFFFFF70] =	vst v12  }
0x226: {  	v24 =	vmul.f32 v57, v40;
	v26 =	vbroadcast v10, $0x3;
	v14 =	vld [tilespmem:s25+$0x120];
	[tilespmem:s17+$0xFFFFFF80] =	vst v22  }
0x227: {  	v56 =	vbroadcast v7, $0x5;
	v18 =	vmul.f32 v59, v18;
	[tilespmem:s17+$0xFFFFFE60] =	vst v19;
	v19 =	vld [tilespmem:s25+$0xFFFFFED0]  }
0x228: {  	v21 =	vmul.f32 v60, v21;
	[tilespmem:s17+$0x0] =	vst v15;
	v23 =	vunpack.i.l.bf16.f32 v27;
	v20 =	vunpack.i.u.bf16.f32 v27;
	v27 =	vld [tilespmem:s25+$0xFFFFFF70]  }
0x229: {  	v59 =	vbroadcast v6, $0x4;
	v61 =	vbroadcast v6, $0x5;
	[tilespmem:s17+$0x10] =	vst v24;
	v24 =	vld [tilespmem:s25+$0xFFFFFFC0]  }
0x22a: {  	v12 =	vbroadcast v8, $0x7;
	[tilespmem:s17+$0x90] =	vst v18;
	v17 =	vmul.f32 v62, v23;
	v23 =	vld [tilespmem:s25+$0xFFFFFF20]  }
0x22b: {  	[tilespmem:s17+$0xA0] =	vst v21;
	v21 =	vbroadcast v6, $0x2;
	v20 =	vmul.f32 v63, v20;
	v22 =	vunpack.i.u.bf16.f32 v14  }
0x22c: {  	[tilespmem:s17+$0x120] =	vst v17;
	v12 =	vmul.f32 v22, v12;
	v15 =	vunpack.i.u.bf16.f32 v19;
	v19 =	vunpack.i.l.bf16.f32 v19  }
0x22d: {  	v8 =	vunpack.i.u.bf16.f32 v16;
	v50 =	vld [tilespmem:s25+$0x60];
	v62 =	vbroadcast v4, $0x5;
	[tilespmem:s17+$0x130] =	vst v20;
	v17 =	vmul.f32 v19, v25  }
0x22e: {  	v46 =	vld [tilespmem:s25+$0x10];
	v22 =	vbroadcast v11, $0x3;
	v20 =	vunpack.i.u.bf16.f32 v24;
	v15 =	vmul.f32 v15, v26;
	[tilespmem:s17+$0x220] =	vst v12  }
0x22f: {  	v48 =	vunpack.i.u.bf16.f32 v27;
	v18 =	vunpack.i.l.bf16.f32 v23;
	v20 =	vmul.f32 v20, v45;
	[tilespmem:s17+$0xFFFFFDE0] =	vst v17  }
0x230: {  	v19 =	vunpack.i.l.bf16.f32 v27;
	v25 =	vbroadcast v4, $0x2;
	v18 =	vmul.f32 v18, v41;
	[tilespmem:s17+$0xFFFFFDF0] =	vst v15  }
0x231: {  	v26 =	vbroadcast v4, $0x3;
	v27 =	vld [tilespmem:s25+$0xB0];
	v12 =	vunpack.i.u.bf16.f32 v23;
	v19 =	vmul.f32 v19, v42;
	[tilespmem:s17+$0xFFFFFFA0] =	vst v20  }
0x232: {  	v51 =	vunpack.i.u.bf16.f32 v50;
	v23 =	vbroadcast v5, $0x3;
	v12 =	vmul.f32 v12, v22;
	[tilespmem:s17+$0xFFFFFE70] =	vst v18  }
0x233: {  	v17 =	vunpack.i.l.bf16.f32 v24;
	v15 =	vunpack.i.l.bf16.f32 v46;
	v22 =	vmul.f32 v48, v43;
	[tilespmem:s17+$0xFFFFFF00] =	vst v19  }
0x234: {  	v24 =	vunpack.i.u.bf16.f32 v46;
	v17 =	vmul.f32 v17, v44;
	v18 =	vld [tilespmem:s25+$0xFFFFFEE0];
	v15 =	vmul.f32 v15, v47;
	[tilespmem:s17+$0xFFFFFE80] =	vst v12  }
0x235: {  	v23 =	vmul.f32 v24, v23;
	v12 =	vunpack.i.l.bf16.f32 v50;
	[tilespmem:s17+$0xFFFFFF10] =	vst v22;
	v22 =	vmul.f32 v51, v49  }
0x236: {  	v19 =	vld [tilespmem:s25+$0xFFFFFF30];
	v21 =	vmul.f32 v12, v21;
	v12 =	vunpack.i.l.bf16.f32 v27;
	v24 =	vunpack.i.u.bf16.f32 v27;
	[tilespmem:s17+$0xFFFFFF90] =	vst v17  }
0x237: {  	v27 =	vbroadcast v10, $0x4;
	[tilespmem:s17+$0x20] =	vst v15;
	v25 =	vmul.f32 v12, v25;
	v12 =	vunpack.i.l.bf16.f32 v16;
	v16 =	vld [tilespmem:s25+$0xFFFFFF80]  }
0x238: {  	[tilespmem:s17+$0x30] =	vst v23;
	v17 =	vmul.f32 v24, v26;
	v24 =	vbroadcast v10, $0x5;
	v53 =	vld [tilespmem:s25+$0xFFFFFFD0]  }
0x239: {  	v26 =	vbroadcast v11, $0x4;
	[tilespmem:s17+$0xB0] =	vst v21;
	v21 =	vbroadcast v5, $0x4;
	v20 =	vunpack.i.u.bf16.f32 v18  }
0x23a: {  	v57 =	vld [tilespmem:s25+$0x20];
	v15 =	vunpack.i.l.bf16.f32 v18;
	v18 =	vbroadcast v9, $0x4;
	[tilespmem:s17+$0x140] =	vst v25;
	v25 =	vbroadcast v4, $0x4  }
0x23b: {  	[tilespmem:s17+$0xC0] =	vst v22;
	v15 =	vmul.f32 v15, v27;
	v20 =	vmul.f32 v20, v24  }
0x23c: {  	v60 =	vld [tilespmem:s25+$0x70];
	[tilespmem:s17+$0x150] =	vst v17;
	v23 =	vunpack.i.u.bf16.f32 v19;
	v19 =	vunpack.i.l.bf16.f32 v19;
	v22 =	vunpack.i.u.bf16.f32 v16  }
0x23d: {  	[tilespmem:s24+$0x100] =	vst v13;
	v27 =	vld [tilespmem:s25+$0xC0];
	v16 =	vunpack.i.l.bf16.f32 v16;
	v13 =	vunpack.i.u.bf16.f32 v53;
	v19 =	vmul.f32 v19, v26  }
0x23e: {  	v17 =	vunpack.i.l.bf16.f32 v53;
	[tilespmem:s17+$0xFFFFFE00] =	vst v15;
	v26 =	vmul.f32 v23, v52;
	v16 =	vmul.f32 v16, v18  }
0x23f: {  	v15 =	vunpack.i.l.bf16.f32 v57;
	[tilespmem:s17+$0xFFFFFE10] =	vst v20;
	v18 =	vmul.f32 v22, v54;
	v63 =	vmul.f32 v17, v55  }
0x240: {  	v24 =	vunpack.i.u.bf16.f32 v57;
	v23 =	vmul.f32 v13, v56;
	v22 =	vmul.f32 v15, v21;
	[tilespmem:s17+$0xFFFFFE90] =	vst v19;
	v19 =	vld [tilespmem:s25+$0xFFFFFEF0]  }
0x241: {  	v24 =	vmul.f32 v24, v58;
	v15 =	vbroadcast v10, $0x6;
	[tilespmem:s17+$0xFFFFFEA0] =	vst v26  }
0x242: {  	v20 =	vunpack.i.u.bf16.f32 v60;
	v17 =	vunpack.i.l.bf16.f32 v60;
	v13 =	vunpack.i.l.bf16.f32 v27;
	[tilespmem:s17+$0xFFFFFF20] =	vst v16;
	v16 =	vld [tilespmem:s25+$0xFFFFFF40]  }
0x243: {  	v21 =	vmul.f32 v17, v59;
	v26 =	vunpack.i.u.bf16.f32 v27;
	[tilespmem:s17+$0xFFFFFF30] =	vst v18;
	v20 =	vmul.f32 v20, v61  }
0x244: {  	s15 =	simm.s32 $0x1B740;
	s14 =	simm.s32 $0x8;
	[tilespmem:s17+$0xFFFFFFB0] =	vst v63;
	v17 =	vmul.f32 v13, v25;
	v13 =	vunpack.i.l.bf16.f32 v14;
	v14 =	vld [tilespmem:s25+$0xFFFFFF90];
	v18 =	vmul.f32 v26, v62  }
.LBB2_5:
0x245: {  	v25 =	vld [tilespmem:s15+$0x130];
	v26 =	vunpack.i.u.bf16.f32 v19;
	v27 =	vbroadcast v10, $0x7;
	v28 =	vbroadcast v11, $0x6;
	[tilespmem:s17+$0xFFFFFFC0] =	vst v23;
	s22 =	sadd.s32 $0x80, s22  }
0x246: {  	v19 =	vunpack.i.l.bf16.f32 v19;
	v29 =	vbroadcast v11, $0x7;
	v30 =	vbroadcast v9, $0x6;
	v23 =	vld [tilespmem:s22+$0x30];
	[tilespmem:s17+$0x40] =	vst v22  }
0x247: {  	v32 =	vbroadcast v9, $0x7;
	v9 =	vbroadcast v7, $0x6;
	v22 =	vld [tilespmem:s15+$0xFFFFFF50];
	v31 =	vunpack.i.u.bf16.f32 v16;
	[tilespmem:s17+$0x50] =	vst v24  }
0x248: {  	s14 =	sadd.s32 $0x8, s14;
	v10 =	vbroadcast v7, $0x7;
	v7 =	vbroadcast v5, $0x6;
	v16 =	vunpack.i.l.bf16.f32 v16;
	v24 =	vld [tilespmem:s15+$0xFFFFFFA0];
	[tilespmem:s17+$0xD0] =	vst v21  }
0x249: {  	v11 =	vbroadcast v5, $0x7;
	v5 =	vbroadcast v6, $0x6;
	p0 =	slt.u32 s14, $0x48;
	v21 =	vld [tilespmem:s15+$0xFFFFFFF0];
	v33 =	vunpack.i.u.bf16.f32 v14;
	[tilespmem:s17+$0xE0] =	vst v20  }
0x24a: {  	v6 =	vbroadcast v6, $0x7;
	v20 =	vld [tilespmem:s15+$0x40];
	v25 =	vunpack.i.l.bf16.f32 v25;
	[tilespmem:s17+$0x160] =	vst v17;
	v17 =	vbroadcast v4, $0x6  }
0x24b: {  	v14 =	vunpack.i.l.bf16.f32 v14;
	v4 =	vbroadcast v4, $0x7;
	v34 =	vld [tilespmem:s15+$0x90];
	v25 =	vadd.f32 v23, v25;
	[tilespmem:s17+$0x170] =	vst v18  }
0x24c: {  	v15 =	vmul.f32 v19, v15;
	v19 =	vmul.f32 v26, v27;
	v18 =	vunpack.i.l.bf16.f32 v22;
	v22 =	vld [tilespmem:s15+$0xE0]  }
0x24d: {  	v16 =	vmul.f32 v16, v28;
	v26 =	vld [tilespmem:s15+$0xFFFFFF00];
	v24 =	vunpack.i.l.bf16.f32 v24;
	v27 =	vmul.f32 $2.000000030e-01, v25  }
0x24e: {  	v23 =	vperm.xlane v23, v0;
	v28 =	vld [tilespmem:s22+$0xFFFFFFC0];
	v21 =	vunpack.i.l.bf16.f32 v21;
	[tilespmem:s17+$0xFFFFFE20] =	vst v15;
	v15 =	vmul.f32 v31, v29  }
0x24f: {  	v14 =	vmul.f32 v14, v30;
	v29 =	vld [tilespmem:s22+$0xFFFFFFD0];
	v20 =	vunpack.i.l.bf16.f32 v20;
	v25 =	vmax.f32 v25, v27;
	[tilespmem:s17+$0xFFFFFE30] =	vst v19  }
0x250: {  	v19 =	vld [tilespmem:s22+$0xFFFFFFE0];
	v27 =	vunpack.i.l.bf16.f32 v34;
	v23 =	vsub.f32 v25, v23;
	[tilespmem:s17+$0xFFFFFEB0] =	vst v16;
	v16 =	vmul.f32 v33, v32  }
0x251: {  	v12 =	vmul.f32 v12, v1;
	v8 =	vmul.f32 v8, v2;
	v1 =	vmovc v17;
	v25 =	vld [tilespmem:s22+$0xFFFFFFF0];
	v22 =	vunpack.i.l.bf16.f32 v22;
	[tilespmem:s17+$0xFFFFFEC0] =	vst v15  }
0x252: {  	v3 =	vmul.f32 v13, v3;
	v2 =	vmovc v4;
	v15 =	vunpack.i.l.bf16.f32 v26;
	v17 =	vld [tilespmem:s22+$0x0];
	v23 =	vmul.f32 $1.442695020e+00, v23;
	[tilespmem:s17+$0xFFFFFF40] =	vst v14  }
0x253: {  	v4 =	vadd.f32 v28, v15;
	v13 =	vperm.xlane v28, v0;
	v14 =	vld [tilespmem:s22+$0x10];
	[tilespmem:s17+$0xFFFFFF50] =	vst v16  }
0x254: {  	v15 =	vadd.f32 v29, v18;
	v16 =	vperm.xlane v29, v0;
	v18 =	vld [tilespmem:s22+$0x20];
	(erf) = vpow2.f32 v23;
	[tilespmem:s24+$0x180] =	vst v12  }
0x255: {  	v12 =	vmul.f32 $2.000000030e-01, v4;
	v23 =	vadd.f32 v19, v24;
	v19 =	vperm.xlane v19, v0;
	v24 =	vld [tilespmem:s25+$0xFFFFFFE0];
	[tilespmem:s24+$0x190] =	vst v8;
	s24 =	smov.u32 s17  }
0x256: {  	v8 =	vmul.f32 $2.000000030e-01, v15;
	v21 =	vadd.f32 v25, v21;
	v25 =	vperm.xlane v25, v0;
	v26 =	vld [tilespmem:s25+$0x30];
	[tilespmem:s17+$0x210] =	vst v3  }
0x257: {  	v3 =	vmul.f32 $2.000000030e-01, v23;
	v20 =	vadd.f32 v17, v20;
	v17 =	vperm.xlane v17, v0;
	v28 =	vld [tilespmem:s25+$0x80]  }
0x258: {  	v29 =	vmul.f32 $2.000000030e-01, v21;
	v27 =	vadd.f32 v14, v27;
	v14 =	vperm.xlane v14, v0;
	v30 =	vld [tilespmem:s25+$0xD0];
	s25 =	smov.u32 s15  }
0x259: {  	v31 =	vmul.f32 $2.000000030e-01, v20;
	v22 =	vadd.f32 v18, v22;
	v18 =	vperm.xlane v18, v0  }
0x25a: {  	v4 =	vmax.f32 v4, v12;
	v8 =	vmax.f32 v15, v8;
	v12 =	vmul.f32 $2.000000030e-01, v27  }
0x25b: {  	v3 =	vmax.f32 v23, v3;
	v15 =	vmax.f32 v21, v29;
	v21 =	vmul.f32 $2.000000030e-01, v22  }
0x25c: {  	v4 =	vsub.f32 v4, v13;
	v20 =	vmax.f32 v20, v31;
	v12 =	vmax.f32 v27, v12  }
0x25d: {  	s17 =	sadd.s32 $0x480, s17;
	v8 =	vsub.f32 v8, v16;
	v3 =	vsub.f32 v3, v19;
	v16 =	vmax.f32 v22, v21;
	v13 =	vpop (erf)  }
0x25e: {  	v4 =	vmul.f32 $1.442695020e+00, v4;
	v15 =	vsub.f32 v15, v25;
	v17 =	vsub.f32 v20, v17;
	[tilespmem:s17+$0x230] =	vst v13  }
0x25f: {  	v8 =	vmul.f32 $1.442695020e+00, v8;
	v12 =	vsub.f32 v12, v14;
	v14 =	vsub.f32 v16, v18;
	v16 =	vld [tilespmem:s15+$0xF0]  }
0x260: {  	v3 =	vmul.f32 $1.442695020e+00, v3;
	v15 =	vmul.f32 $1.442695020e+00, v15;
	v18 =	vunpack.i.u.bf16.f32 v24  }
0x261: {  	v19 =	vunpack.i.l.bf16.f32 v24;
	v17 =	vmul.f32 $1.442695020e+00, v17;
	v12 =	vmul.f32 $1.442695020e+00, v12  }
0x262: {  	v14 =	vmul.f32 $1.442695020e+00, v14;
	(erf) = vpow2.f32 v4;
	v4 =	vunpack.i.u.bf16.f32 v26  }
0x263: {  	v21 =	vunpack.i.l.bf16.f32 v26;
	v20 =	vbroadcast v13, $0x0;
	(erf) = vpow2.f32 v8  }
0x264: {  	v22 =	vbroadcast v13, $0x1;
	v8 =	vunpack.i.l.bf16.f32 v16;
	(erf) = vpow2.f32 v3  }
0x265: {  	v3 =	vunpack.i.u.bf16.f32 v16;
	v8 =	vmul.f32 v20, v8;
	(erf) = vpow2.f32 v15  }
0x266: {  	v16 =	vunpack.i.u.bf16.f32 v28;
	v15 =	vmul.f32 v22, v3;
	(erf) = vpow2.f32 v17  }
0x267: {  	v3 =	vbroadcast v13, $0x6;
	v17 =	vunpack.i.l.bf16.f32 v28;
	[tilespmem:s17+$0x1B0] =	vst v8;
	(erf) = vpow2.f32 v12  }
0x268: {  	v8 =	vunpack.i.u.bf16.f32 v30;
	v12 =	vunpack.i.l.bf16.f32 v30;
	[tilespmem:s17+$0x1C0] =	vst v15;
	(erf) = vpow2.f32 v14  }
0x269: {  	v9 =	vmul.f32 v19, v9;
	v18 =	vmul.f32 v18, v10;
	v15 =	vld [tilespmem:s15+$0x100]  }
0x26a: {  	v19 =	vmul.f32 v21, v7;
	v20 =	vmul.f32 v4, v11  }
0x26b: {  	v17 =	vmul.f32 v17, v5;
	v14 =	vmul.f32 v16, v6;
	v10 =	vpop (erf);
	[tilespmem:s24+$0xFFFFFFD0] =	vst v9  }
0x26c: {  	[tilespmem:s17+$0xFFFFFE40] =	vst v10;
	v16 =	vbroadcast v10, $0x0;
	v21 =	vbroadcast v10, $0x1;
	v11 =	vpop (erf)  }
0x26d: {  	v4 =	vbroadcast v13, $0x2;
	v22 =	vld [tilespmem:s15+$0xFFFFFEC0];
	[tilespmem:s17+$0xFFFFFED0] =	vst v11;
	v23 =	vbroadcast v11, $0x0;
	v9 =	vpop (erf)  }
0x26e: {  	v30 =	vbroadcast v13, $0x3;
	v25 =	vbroadcast v11, $0x1;
	v24 =	vld [tilespmem:s15+$0xFFFFFF10];
	[tilespmem:s17+$0xFFFFFF60] =	vst v9;
	v28 =	vunpack.i.l.bf16.f32 v15;
	v7 =	vpop (erf)  }
0x26f: {  	v27 =	vbroadcast v9, $0x0;
	v15 =	vunpack.i.u.bf16.f32 v15;
	v26 =	vld [tilespmem:s15+$0xFFFFFF60];
	[tilespmem:s17+$0xFFFFFFF0] =	vst v7;
	v33 =	vmul.f32 v28, v4;
	v5 =	vpop (erf)  }
0x270: {  	v28 =	vbroadcast v9, $0x1;
	v15 =	vmul.f32 v15, v30;
	v29 =	vld [tilespmem:s15+$0xFFFFFFB0];
	[tilespmem:s17+$0x80] =	vst v5;
	v6 =	vpop (erf)  }
0x271: {  	v30 =	vbroadcast v7, $0x0;
	v31 =	vbroadcast v7, $0x1;
	v32 =	vld [tilespmem:s15+$0x0];
	[tilespmem:s17+$0x1D0] =	vst v33;
	v4 =	vpop (erf)  }
0x272: {  	v34 =	vbroadcast v5, $0x0;
	v35 =	vbroadcast v5, $0x1;
	v33 =	vunpack.i.u.bf16.f32 v22;
	[tilespmem:s17+$0x1E0] =	vst v15  }
0x273: {  	v36 =	vbroadcast v6, $0x1;
	v15 =	vunpack.i.l.bf16.f32 v22;
	v22 =	vbroadcast v6, $0x0;
	[tilespmem:s17+$0x110] =	vst v6;
	v37 =	vld [tilespmem:s15+$0x110]  }
0x274: {  	v40 =	vbroadcast v4, $0x0;
	v41 =	vbroadcast v4, $0x1;
	v38 =	vunpack.i.u.bf16.f32 v24;
	v39 =	vld [tilespmem:s15+$0x50];
	[tilespmem:s17+$0x1A0] =	vst v4  }
0x275: {  	v24 =	vunpack.i.l.bf16.f32 v24;
	v42 =	vunpack.i.u.bf16.f32 v26;
	v26 =	vunpack.i.l.bf16.f32 v26;
	v43 =	vld [tilespmem:s15+$0xA0];
	[tilespmem:s24+$0xFFFFFFE0] =	vst v18  }
0x276: {  	v18 =	vunpack.i.u.bf16.f32 v29;
	v29 =	vunpack.i.l.bf16.f32 v29;
	v44 =	vunpack.i.u.bf16.f32 v32;
	[tilespmem:s24+$0x60] =	vst v19  }
0x277: {  	v15 =	vmul.f32 v16, v15;
	v16 =	vunpack.i.l.bf16.f32 v32;
	v19 =	vbroadcast v13, $0x4;
	[tilespmem:s24+$0x70] =	vst v20  }
0x278: {  	v32 =	vbroadcast v13, $0x5;
	v20 =	vmul.f32 v21, v33;
	v21 =	vunpack.i.l.bf16.f32 v37;
	[tilespmem:s24+$0xF0] =	vst v17  }
0x279: {  	v17 =	vunpack.i.u.bf16.f32 v37;
	[tilespmem:s17+$0xFFFFFDC0] =	vst v15;
	v15 =	vunpack.i.u.bf16.f32 v39;
	v19 =	vmul.f32 v21, v19  }
0x27a: {  	v17 =	vmul.f32 v17, v32;
	[tilespmem:s17+$0xFFFFFDD0] =	vst v20;
	v20 =	vunpack.i.l.bf16.f32 v39;
	v21 =	vunpack.i.u.bf16.f32 v43  }
0x27b: {  	v23 =	vmul.f32 v23, v24;
	v24 =	vmul.f32 v25, v38;
	v25 =	vunpack.i.l.bf16.f32 v43;
	v32 =	vld [tilespmem:s15+$0xFFFFFED0];
	[tilespmem:s17+$0x1F0] =	vst v19  }
0x27c: {  	v19 =	vmul.f32 v27, v26;
	v26 =	vmul.f32 v28, v42;
	[tilespmem:s17+$0x200] =	vst v17  }
0x27d: {  	v18 =	vmul.f32 v31, v18;
	v17 =	vmul.f32 v30, v29;
	[tilespmem:s17+$0xFFFFFE50] =	vst v23;
	v23 =	vld [tilespmem:s15+$0x120]  }
0x27e: {  	v16 =	vmul.f32 v34, v16;
	[tilespmem:s17+$0xFFFFFE60] =	vst v24;
	v24 =	vmul.f32 v35, v44  }
0x27f: {  	v15 =	vmul.f32 v36, v15;
	v27 =	vld [tilespmem:s15+$0xFFFFFF20];
	[tilespmem:s17+$0xFFFFFEE0] =	vst v19;
	v19 =	vmul.f32 v22, v20  }
0x280: {  	v21 =	vmul.f32 v41, v21;
	v22 =	vmul.f32 v40, v25;
	v20 =	vunpack.i.u.bf16.f32 v32;
	[tilespmem:s17+$0xFFFFFEF0] =	vst v26  }
0x281: {  	v25 =	vunpack.i.l.bf16.f32 v32;
	v26 =	vbroadcast v10, $0x2;
	v28 =	vld [tilespmem:s15+$0xFFFFFF70];
	[tilespmem:s17+$0xFFFFFF70] =	vst v17;
	v17 =	vbroadcast v13, $0x7  }
0x282: {  	v29 =	vbroadcast v10, $0x3;
	v30 =	vbroadcast v11, $0x2;
	[tilespmem:s17+$0xFFFFFF80] =	vst v18;
	v18 =	vunpack.i.u.bf16.f32 v23  }
0x283: {  	v31 =	vbroadcast v11, $0x3;
	v13 =	vunpack.i.l.bf16.f32 v23;
	v32 =	vld [tilespmem:s15+$0xFFFFFFC0];
	[tilespmem:s17+$0x0] =	vst v16;
	v16 =	vmul.f32 v18, v17  }
0x284: {  	v23 =	vbroadcast v9, $0x3;
	v18 =	vbroadcast v9, $0x2;
	v17 =	vunpack.i.u.bf16.f32 v27;
	[tilespmem:s17+$0x10] =	vst v24  }
0x285: {  	v33 =	vbroadcast v7, $0x3;
	v24 =	vunpack.i.l.bf16.f32 v27;
	v27 =	vbroadcast v7, $0x2;
	v34 =	vld [tilespmem:s15+$0x10];
	[tilespmem:s17+$0x220] =	vst v16  }
0x286: {  	v36 =	vbroadcast v5, $0x3;
	v35 =	vbroadcast v5, $0x2;
	v16 =	vunpack.i.u.bf16.f32 v28;
	[tilespmem:s17+$0x90] =	vst v19  }
0x287: {  	v19 =	vunpack.i.l.bf16.f32 v28;
	v28 =	vbroadcast v6, $0x3;
	[tilespmem:s17+$0xA0] =	vst v15;
	v15 =	vbroadcast v6, $0x2  }
0x288: {  	v39 =	vbroadcast v4, $0x3;
	v37 =	vunpack.i.u.bf16.f32 v32;
	v38 =	vld [tilespmem:s15+$0x60];
	[tilespmem:s17+$0x120] =	vst v22;
	v22 =	vbroadcast v4, $0x2  }
0x289: {  	v20 =	vmul.f32 v20, v29;
	v25 =	vmul.f32 v25, v26;
	v26 =	vunpack.i.l.bf16.f32 v32;
	[tilespmem:s17+$0x130] =	vst v21  }
0x28a: {  	v21 =	vmul.f32 v24, v30;
	v24 =	vunpack.i.u.bf16.f32 v34;
	v29 =	vunpack.i.l.bf16.f32 v34;
	v30 =	vld [tilespmem:s15+$0xB0];
	[tilespmem:s24+$0x100] =	vst v14  }
0x28b: {  	v14 =	vmul.f32 v17, v31;
	v17 =	vmul.f32 v19, v18;
	[tilespmem:s17+$0xFFFFFDE0] =	vst v25  }
0x28c: {  	v16 =	vmul.f32 v16, v23;
	v18 =	vmul.f32 v26, v27;
	[tilespmem:s17+$0xFFFFFDF0] =	vst v20  }
0x28d: {  	v20 =	vmul.f32 v37, v33;
	v19 =	vld [tilespmem:s15+$0xFFFFFEE0];
	[tilespmem:s17+$0xFFFFFE70] =	vst v21;
	v21 =	vunpack.i.u.bf16.f32 v38;
	v23 =	vunpack.i.l.bf16.f32 v38  }
0x28e: {  	v24 =	vmul.f32 v24, v36;
	[tilespmem:s17+$0xFFFFFE80] =	vst v14;
	v14 =	vmul.f32 v29, v35  }
0x28f: {  	v15 =	vmul.f32 v23, v15;
	v25 =	vld [tilespmem:s15+$0xFFFFFF30];
	[tilespmem:s17+$0xFFFFFF00] =	vst v17;
	v17 =	vunpack.i.u.bf16.f32 v30;
	v23 =	vunpack.i.l.bf16.f32 v30  }
0x290: {  	[tilespmem:s17+$0xFFFFFF10] =	vst v16;
	v16 =	vmul.f32 v21, v28;
	v21 =	vmul.f32 v23, v22  }
0x291: {  	v22 =	vbroadcast v10, $0x4;
	v17 =	vmul.f32 v17, v39;
	v23 =	vld [tilespmem:s15+$0xFFFFFF80];
	[tilespmem:s17+$0xFFFFFF90] =	vst v18  }
0x292: {  	v26 =	vbroadcast v10, $0x5;
	v27 =	vbroadcast v11, $0x4;
	v18 =	vunpack.i.u.bf16.f32 v19;
	[tilespmem:s17+$0xFFFFFFA0] =	vst v20  }
0x293: {  	v28 =	vbroadcast v9, $0x4;
	v19 =	vunpack.i.l.bf16.f32 v19;
	v20 =	vbroadcast v11, $0x5;
	v29 =	vld [tilespmem:s15+$0xFFFFFFD0];
	[tilespmem:s17+$0x20] =	vst v14  }
0x294: {  	v31 =	vbroadcast v7, $0x4;
	v30 =	vbroadcast v9, $0x5;
	v14 =	vunpack.i.u.bf16.f32 v25;
	[tilespmem:s17+$0x30] =	vst v24  }
0x295: {  	v33 =	vbroadcast v5, $0x4;
	v24 =	vunpack.i.l.bf16.f32 v25;
	v25 =	vbroadcast v7, $0x5;
	v32 =	vld [tilespmem:s15+$0x20];
	[tilespmem:s17+$0xB0] =	vst v15  }
0x296: {  	v34 =	vbroadcast v5, $0x5;
	v35 =	vbroadcast v6, $0x4;
	v15 =	vunpack.i.u.bf16.f32 v23;
	[tilespmem:s17+$0xC0] =	vst v16  }
0x297: {  	v36 =	vbroadcast v6, $0x5;
	v37 =	vbroadcast v4, $0x4;
	v16 =	vunpack.i.l.bf16.f32 v23;
	v23 =	vld [tilespmem:s15+$0x70];
	[tilespmem:s17+$0x140] =	vst v21  }
0x298: {  	v38 =	vbroadcast v4, $0x5;
	v21 =	vunpack.i.u.bf16.f32 v29;
	v29 =	vunpack.i.l.bf16.f32 v29;
	[tilespmem:s17+$0x150] =	vst v17  }
0x299: {  	v18 =	vmul.f32 v18, v26;
	v17 =	vmul.f32 v19, v22;
	v26 =	vld [tilespmem:s15+$0xC0]  }
0x29a: {  	v22 =	vmul.f32 v24, v27;
	v24 =	vunpack.i.u.bf16.f32 v32;
	v27 =	vunpack.i.l.bf16.f32 v32  }
0x29b: {  	v14 =	vmul.f32 v14, v20;
	[tilespmem:s17+$0xFFFFFE00] =	vst v17;
	v17 =	vmul.f32 v16, v28  }
0x29c: {  	v15 =	vmul.f32 v15, v30;
	[tilespmem:s17+$0xFFFFFE10] =	vst v18;
	v18 =	vunpack.i.u.bf16.f32 v23;
	v20 =	vunpack.i.l.bf16.f32 v23  }
.Ltmp3:
0x29d: {  	v28 =	vmul.f32 v29, v31;
	v23 =	vmul.f32 v21, v25;
	v19 =	vld [tilespmem:s15+$0xFFFFFEF0];
	[tilespmem:s17+$0xFFFFFE90] =	vst v22;
	(pc) =	sbr.rel @p0 .LBB2_5-.Ltmp3, $4  }
0x29e: {  	v22 =	vmul.f32 v27, v33;
	[tilespmem:s17+$0xFFFFFEA0] =	vst v14;
	v25 =	vunpack.i.u.bf16.f32 v26;
	v14 =	vunpack.i.l.bf16.f32 v26  }
0x29f: {  	v24 =	vmul.f32 v24, v34;
	v21 =	vmul.f32 v20, v35;
	v16 =	vld [tilespmem:s15+$0xFFFFFF40];
	[tilespmem:s17+$0xFFFFFF20] =	vst v17  }
0x2a0: {  	v20 =	vmul.f32 v18, v36;
	v17 =	vmul.f32 v14, v37;
	[tilespmem:s17+$0xFFFFFF30] =	vst v15  }
0x2a1: {  	v18 =	vmul.f32 v25, v38;
	s15 =	sadd.s32 $0x280, s15;
	v15 =	vbroadcast v10, $0x6;
	v14 =	vld [tilespmem:s25+$0xFFFFFF90];
	[tilespmem:s17+$0xFFFFFFB0] =	vst v28  }
0x2a2: {  	[tilespmem:s17+$0xFFFFFFC0] =	vst v23  }
0x2a3: {  	[tilespmem:s17+$0x40] =	vst v22  }
0x2a4: {  	[tilespmem:s17+$0x50] =	vst v24  }
0x2a5: {  	[tilespmem:s17+$0xD0] =	vst v21  }
0x2a6: {  	v10 =	vbroadcast v10, $0x7;
	v21 =	vunpack.i.l.bf16.f32 v19;
	[tilespmem:s17+$0xE0] =	vst v20  }
0x2a7: {  	v19 =	vunpack.i.u.bf16.f32 v19;
	v20 =	vbroadcast v11, $0x6;
	[tilespmem:s17+$0x160] =	vst v17;
	v1 =	vmul.f32 v12, v1  }
0x2a8: {  	v11 =	vbroadcast v11, $0x7;
	[tilespmem:s17+$0x170] =	vst v18;
	v10 =	vmul.f32 v19, v10  }
0x2a9: {  	v2 =	vmul.f32 v8, v2;
	v17 =	vunpack.i.l.bf16.f32 v16;
	v16 =	vunpack.i.u.bf16.f32 v16;
	[tilespmem:s24+$0x180] =	vst v1  }
0x2aa: {  	v11 =	vmul.f32 v16, v11;
	[tilespmem:s17+$0xFFFFFE30] =	vst v10;
	v10 =	vld [tilespmem:s25+$0xFFFFFFE0]  }
0x2ab: {  	v3 =	vmul.f32 v13, v3;
	v15 =	vmul.f32 v21, v15;
	[tilespmem:s24+$0x190] =	vst v2  }
0x2ac: {  	v18 =	vbroadcast v9, $0x6;
	v9 =	vbroadcast v9, $0x7;
	[tilespmem:s17+$0xFFFFFEC0] =	vst v11;
	v11 =	vld [tilespmem:s25+$0x30]  }
0x2ad: {  	v17 =	vmul.f32 v17, v20;
	[tilespmem:s17+$0xFFFFFE20] =	vst v15;
	v15 =	vunpack.i.l.bf16.f32 v14;
	v14 =	vunpack.i.u.bf16.f32 v14  }
0x2ae: {  	v12 =	vbroadcast v7, $0x6;
	v8 =	vld [tilespmem:s25+$0x80];
	[tilespmem:s17+$0x210] =	vst v3;
	v9 =	vmul.f32 v14, v9  }
0x2af: {  	v7 =	vbroadcast v7, $0x7;
	v15 =	vmul.f32 v15, v18;
	[tilespmem:s17+$0xFFFFFEB0] =	vst v17;
	v1 =	vunpack.i.l.bf16.f32 v10  }
0x2b0: {  	v2 =	vld [tilespmem:s25+$0xD0];
	[tilespmem:s17+$0xFFFFFF50] =	vst v9;
	v9 =	vbroadcast v5, $0x6;
	v10 =	vunpack.i.u.bf16.f32 v10;
	v1 =	vmul.f32 v1, v12  }
0x2b1: {  	[tilespmem:s17+$0xFFFFFF40] =	vst v15;
	v5 =	vbroadcast v5, $0x7;
	v3 =	vunpack.i.l.bf16.f32 v11;
	v7 =	vmul.f32 v10, v7  }
0x2b2: {  	v10 =	vbroadcast v6, $0x6;
	v11 =	vunpack.i.u.bf16.f32 v11;
	v3 =	vmul.f32 v3, v9;
	[tilespmem:s17+$0xFFFFFFD0] =	vst v1  }
0x2b3: {  	v5 =	vmul.f32 v11, v5;
	v1 =	vbroadcast v6, $0x7;
	v6 =	vunpack.i.l.bf16.f32 v8;
	[tilespmem:s17+$0xFFFFFFE0] =	vst v7  }
0x2b4: {  	v7 =	vbroadcast v4, $0x6;
	v8 =	vunpack.i.u.bf16.f32 v8;
	v6 =	vmul.f32 v6, v10;
	[tilespmem:s17+$0x60] =	vst v3  }
0x2b5: {  	v3 =	vbroadcast v4, $0x7;
	v4 =	vunpack.i.l.bf16.f32 v2;
	[tilespmem:s17+$0x70] =	vst v5;
	v1 =	vmul.f32 v8, v1  }
0x2b6: {  	v2 =	vunpack.i.u.bf16.f32 v2;
	v4 =	vmul.f32 v4, v7;
	[tilespmem:s17+$0xF0] =	vst v6  }
0x2b7: {  	[tilespmem:s17+$0x100] =	vst v1;
	v1 =	vmul.f32 v2, v3  }
0x2b8: {  	[tilespmem:s17+$0x180] =	vst v4  }
0x2b9: {  	[tilespmem:s17+$0x190] =	vst v1  }
0x2ba: {  	[spmem:s2] =	stream.indirect.scatter.add.f32 [tilespmem:s9], [sflag:$0x4], $0x90, s28, s23, $0xb8;
	[tilespmem:$0x1FC00] =	vst v63  }
0x2bb: {  	s14 =	rddreg [dreg:$0xb]  }
0x2bc: {  	s14 =	sadd.s32 s18, s14  }
0x2bd: {  	s14 =	sshrl.u32 s14, $0x3  }
0x2be: {  	s15 =	sadd.s32 s6, s14  }
0x2bf: {  	[tilespmem:s10], [sflag:$0x5] =	stream.linear.gather [hbm4b:s15+s4], $0x50, $0x38;
	[tilespmem:$0x1FC00] =	vst v63  }
0x2c0: {  	_ =	swait.ge [sflag:s21], $0x50  }
0x2c1: {  	[sflag:s21] =	ssyncset.done $0x0  }
0x2c2: {  	s14 =	sadd.s32 s7, s14;
	[sflag:s21] =	ssyncadd.s32 $0xFFFFFFB0  }
0x2c3: {  	[tilespmem:s11], [sflag:$0x5] =	stream.linear.gather [hbm4b:s14+s4], $0x50, $0x38;
	[tilespmem:$0x1FC00] =	vst v63  }
0x2c4: {  	_ =	swait.ge [sflag:s21], $0x50  }
0x2c5: {  	[sflag:s21] =	ssyncset.done $0x0  }
0x2c6: {  	[sflag:s21] =	ssyncadd.s32 $0xFFFFFFB0  }
0x2c7: {  	[tilespmem:s29], [sflag:$0x3] =	stream.indirect.gather [hbm4b:s5+s23], $0x50, s10, s23, $0xb8;
	[tilespmem:$0x1FC00] =	vst v63  }
0x2c8: {  	_ = 	snop  }
0x2c9: {  	[tilespmem:s30], [sflag:$0x3] =	stream.indirect.gather [hbm4b:s1+s23], $0x10, s11, s23, $0xb8;
	[tilespmem:$0x1FC00] =	vst v63  }
0x2ca: {  	_ =	swait.ge [sflag:s12], $0x2D00  }
0x2cb: {  	[sflag:s12] =	ssyncset.done $0x0  }
0x2cc: {  	[sflag:s12] =	ssyncadd.s32 $0xFFFFD300  }
0x2cd: {  	_ =	swait.ge [sflag:s31], $0x1900  }
0x2ce: {  	[sflag:s31] =	ssyncset.done $0x0  }
0x2cf: {  	[sflag:s31] =	ssyncadd.s32 $0xFFFFE700  }
0x2d0: {  	_ =	swait.ge [sflag:s31], $0x500  }
0x2d1: {  	[sflag:s31] =	ssyncset.done $0x0  }
0x2d2: {  	s14 =	simm.s32 $0x16740;
	[sflag:s31] =	ssyncadd.s32 $0xFFFFFB00  }
0x2d3: {  	s25 =	simm.s32 $0x17F40;
	v1 =	vld [tilespmem:s14+$0x130]  }
0x2d4: {  	v2 =	vld [tilespmem:s25+$0x30];
	_ =	sdelay $0x3  }
0x2d5: {  	v1 =	vunpack.i.l.bf16.f32 v1  }
0x2d6: {  	v3 =	vld [tilespmem:s14+$0xFFFFFF50];
	v1 =	vadd.f32 v2, v1  }
0x2d7: {  	v4 =	vld [tilespmem:s14+$0xFFFFFFA0]  }
0x2d8: {  	v5 =	vld [tilespmem:s14+$0xFFFFFFF0];
	v7 =	vmul.f32 $2.000000030e-01, v1  }
0x2d9: {  	v10 =	vld [tilespmem:s25+$0xFFFFFFD0];
	v2 =	vperm.xlane v2, v0  }
0x2da: {  	v8 =	vld [tilespmem:s14+$0x90];
	v1 =	vmax.f32 v1, v7  }
0x2db: {  	v9 =	vld [tilespmem:s14+$0xE0];
	v1 =	vsub.f32 v1, v2  }
0x2dc: {  	v7 =	vld [tilespmem:s14+$0xFFFFFF00]  }
0x2dd: {  	v3 =	vunpack.i.l.bf16.f32 v3;
	v2 =	vld [tilespmem:s25+$0xFFFFFFC0];
	v1 =	vmul.f32 $1.442695020e+00, v1  }
0x2de: {  	v13 =	vld [tilespmem:s25+$0x10];
	v3 =	vadd.f32 v10, v3  }
0x2df: {  	v11 =	vld [tilespmem:s25+$0xFFFFFFE0];
	(erf) = vpow2.f32 v1  }
0x2e0: {  	v14 =	vld [tilespmem:s25+$0x20];
	v16 =	vmul.f32 $2.000000030e-01, v3  }
0x2e1: {  	v12 =	vld [tilespmem:s25+$0xFFFFFFF0];
	v1 =	vunpack.i.l.bf16.f32 v4;
	v4 =	vunpack.i.l.bf16.f32 v5;
	v5 =	vunpack.i.l.bf16.f32 v7  }
0x2e2: {  	v6 =	vld [tilespmem:s14+$0x40];
	v8 =	vunpack.i.l.bf16.f32 v8;
	v15 =	vperm.xlane v10, v0;
	v5 =	vadd.f32 v2, v5  }
0x2e3: {  	v9 =	vunpack.i.l.bf16.f32 v9;
	v8 =	vadd.f32 v13, v8;
	v3 =	vmax.f32 v3, v16  }
0x2e4: {  	v13 =	vperm.xlane v13, v0;
	v3 =	vsub.f32 v3, v15;
	v7 =	vld [tilespmem:s25+$0x0];
	v10 =	vmul.f32 $2.000000030e-01, v5  }
0x2e5: {  	v9 =	vadd.f32 v14, v9;
	v14 =	vperm.xlane v14, v0;
	v16 =	vmul.f32 $2.000000030e-01, v8  }
0x2e6: {  	v3 =	vmul.f32 $1.442695020e+00, v3;
	v1 =	vadd.f32 v11, v1;
	v4 =	vadd.f32 v12, v4  }
0x2e7: {  	v6 =	vunpack.i.l.bf16.f32 v6;
	v2 =	vperm.xlane v2, v0;
	v11 =	vperm.xlane v11, v0  }
0x2e8: {  	s24 =	simm.s32 $0x18640;
	v17 =	vmul.f32 $2.000000030e-01, v1;
	v18 =	vmul.f32 $2.000000030e-01, v4;
	v5 =	vmax.f32 v5, v10;
	v10 =	vpop (erf)  }
0x2e9: {  	v12 =	vperm.xlane v12, v0;
	v6 =	vadd.f32 v7, v6;
	v7 =	vperm.xlane v7, v0;
	[tilespmem:s24+$0x230] =	vst v10  }
0x2ea: {  	v1 =	vmax.f32 v1, v17;
	v4 =	vmax.f32 v4, v18;
	v2 =	vsub.f32 v5, v2;
	v5 =	vld [tilespmem:s14+$0xF0]  }
0x2eb: {  	v1 =	vsub.f32 v1, v11;
	v4 =	vsub.f32 v4, v12;
	v19 =	vmul.f32 $2.000000030e-01, v6  }
0x2ec: {  	v8 =	vmax.f32 v8, v16;
	v17 =	vmul.f32 $2.000000030e-01, v9;
	v2 =	vmul.f32 $1.442695020e+00, v2  }
0x2ed: {  	v1 =	vmul.f32 $1.442695020e+00, v1;
	v4 =	vmul.f32 $1.442695020e+00, v4;
	v6 =	vmax.f32 v6, v19  }
0x2ee: {  	v6 =	vsub.f32 v6, v7;
	(erf) = vpow2.f32 v2;
	v2 =	vbroadcast v10, $0x0  }
0x2ef: {  	v7 =	vbroadcast v10, $0x1;
	(erf) = vpow2.f32 v3;
	v3 =	vunpack.i.l.bf16.f32 v5  }
0x2f0: {  	(erf) = vpow2.f32 v1;
	v1 =	vunpack.i.u.bf16.f32 v5;
	v2 =	vmul.f32 v2, v3  }
0x2f1: {  	v9 =	vmax.f32 v9, v17;
	v3 =	vsub.f32 v8, v13;
	v1 =	vmul.f32 v7, v1  }
0x2f2: {  	(erf) = vpow2.f32 v4;
	v4 =	vsub.f32 v9, v14;
	[tilespmem:s24+$0x1B0] =	vst v2  }
0x2f3: {  	v5 =	vmul.f32 $1.442695020e+00, v6;
	v2 =	vmul.f32 $1.442695020e+00, v3;
	[tilespmem:s24+$0x1C0] =	vst v1  }
0x2f4: {  	v35 =	vbroadcast v10, $0x5;
	v1 =	vmul.f32 $1.442695020e+00, v4;
	v4 =	vld [tilespmem:s14+$0x100]  }
0x2f5: {  	v9 =	vbroadcast v10, $0x3;
	(erf) = vpow2.f32 v5  }
0x2f6: {  	v7 =	vbroadcast v10, $0x2;
	(erf) = vpow2.f32 v2  }
0x2f7: {  	v3 =	vbroadcast v10, $0x6;
	(erf) = vpow2.f32 v1;
	v2 =	vpop (erf)  }
0x2f8: {  	v11 =	vbroadcast v2, $0x0;
	v1 =	vpop (erf);
	v12 =	vbroadcast v2, $0x1  }
0x2f9: {  	[tilespmem:s24+$0xFFFFFE40] =	vst v2;
	v8 =	vunpack.i.l.bf16.f32 v4;
	v14 =	vbroadcast v1, $0x0;
	v16 =	vbroadcast v1, $0x1  }
0x2fa: {  	v13 =	vld [tilespmem:s14+$0xFFFFFEC0];
	v4 =	vunpack.i.u.bf16.f32 v4;
	v52 =	vbroadcast v1, $0x6;
	v54 =	vbroadcast v1, $0x7  }
0x2fb: {  	v5 =	vpop (erf);
	v7 =	vmul.f32 v8, v7;
	v4 =	vmul.f32 v4, v9  }
0x2fc: {  	v6 =	vpop (erf);
	v18 =	vbroadcast v5, $0x0;
	v19 =	vbroadcast v5, $0x1  }
0x2fd: {  	[tilespmem:s24+$0xFFFFFED0] =	vst v1;
	v56 =	vbroadcast v5, $0x7;
	v21 =	vbroadcast v6, $0x0  }
0x2fe: {  	v15 =	vld [tilespmem:s14+$0xFFFFFF10];
	v22 =	vbroadcast v6, $0x1;
	v40 =	vbroadcast v6, $0x3;
	[tilespmem:s24+$0x1D0] =	vst v7  }
0x2ff: {  	v46 =	vbroadcast v6, $0x5;
	v59 =	vbroadcast v6, $0x6;
	[tilespmem:s24+$0x1E0] =	vst v4;
	v7 =	vpop (erf);
	v4 =	vunpack.i.u.bf16.f32 v13  }
0x300: {  	v25 =	vld [tilespmem:s14+$0x110];
	v13 =	vunpack.i.l.bf16.f32 v13;
	v23 =	vbroadcast v7, $0x0;
	v24 =	vbroadcast v7, $0x1  }
0x301: {  	[tilespmem:s24+$0xFFFFFF60] =	vst v5;
	v11 =	vmul.f32 v11, v13;
	v13 =	vbroadcast v10, $0x4  }
0x302: {  	[tilespmem:s24+$0xFFFFFFF0] =	vst v6;
	v17 =	vld [tilespmem:s14+$0xFFFFFF60];
	v4 =	vmul.f32 v12, v4;
	v10 =	vbroadcast v10, $0x7  }
0x303: {  	v9 =	vpop (erf);
	[tilespmem:s24+$0x80] =	vst v7;
	v29 =	vunpack.i.u.bf16.f32 v15;
	v42 =	vbroadcast v7, $0x2;
	v48 =	vbroadcast v7, $0x5  }
0x304: {  	v20 =	vld [tilespmem:s14+$0xFFFFFFB0];
	v15 =	vunpack.i.l.bf16.f32 v15;
	v8 =	vpop (erf);
	v26 =	vbroadcast v9, $0x0;
	v27 =	vbroadcast v9, $0x1;
	[tilespmem:s24+$0x110] =	vst v9  }
0x305: {  	v28 =	vld [tilespmem:s14+$0x0];
	v44 =	vbroadcast v9, $0x3;
	v49 =	vbroadcast v9, $0x4;
	[tilespmem:s24+$0x1A0] =	vst v8;
	v12 =	vunpack.i.l.bf16.f32 v25  }
0x306: {  	v51 =	vbroadcast v9, $0x5;
	[tilespmem:s24+$0xFFFFFDC0] =	vst v11;
	v11 =	vunpack.i.u.bf16.f32 v25;
	v12 =	vmul.f32 v12, v13  }
0x307: {  	v32 =	vunpack.i.u.bf16.f32 v17;
	v30 =	vbroadcast v8, $0x0;
	v33 =	vld [tilespmem:s14+$0x50];
	[tilespmem:s24+$0xFFFFFDD0] =	vst v4;
	v4 =	vmul.f32 v11, v35  }
0x308: {  	v17 =	vunpack.i.l.bf16.f32 v17;
	v31 =	vbroadcast v8, $0x1;
	v11 =	vmul.f32 v14, v15;
	[tilespmem:s24+$0x1F0] =	vst v12  }
0x309: {  	v34 =	vunpack.i.u.bf16.f32 v20;
	v20 =	vunpack.i.l.bf16.f32 v20;
	v36 =	vld [tilespmem:s14+$0xA0];
	v15 =	vmul.f32 v16, v29;
	[tilespmem:s24+$0x200] =	vst v4  }
0x30a: {  	v13 =	vunpack.i.u.bf16.f32 v28;
	v12 =	vmul.f32 v18, v17;
	v17 =	vmul.f32 v19, v32;
	[tilespmem:s24+$0xFFFFFE50] =	vst v11  }
0x30b: {  	v14 =	vunpack.i.l.bf16.f32 v28;
	v18 =	vmul.f32 v21, v20;
	v11 =	vmul.f32 v22, v34;
	[tilespmem:s24+$0xFFFFFE60] =	vst v15  }
0x30c: {  	v16 =	vunpack.i.u.bf16.f32 v33;
	v14 =	vmul.f32 v23, v14;
	v13 =	vmul.f32 v24, v13;
	[tilespmem:s24+$0xFFFFFEE0] =	vst v12  }
0x30d: {  	v20 =	vld [tilespmem:s14+$0xFFFFFED0];
	v19 =	vunpack.i.l.bf16.f32 v33;
	v23 =	vbroadcast v1, $0x2;
	v24 =	vbroadcast v1, $0x3;
	[tilespmem:s24+$0xFFFFFEF0] =	vst v17  }
0x30e: {  	v4 =	vld [tilespmem:s14+$0x120];
	v21 =	vunpack.i.l.bf16.f32 v36;
	v15 =	vmul.f32 v26, v19;
	v12 =	vmul.f32 v27, v16;
	[tilespmem:s24+$0xFFFFFF70] =	vst v18  }
0x30f: {  	v19 =	vunpack.i.u.bf16.f32 v36;
	v18 =	vbroadcast v2, $0x3;
	[tilespmem:s24+$0xFFFFFF80] =	vst v11;
	v26 =	vbroadcast v5, $0x3  }
0x310: {  	v16 =	vmul.f32 v30, v21;
	v21 =	vld [tilespmem:s14+$0xFFFFFF20];
	v17 =	vmul.f32 v31, v19;
	[tilespmem:s24+$0x0] =	vst v14  }
0x311: {  	s22 =	simm.s32 $0x17FC0;
	v19 =	vbroadcast v2, $0x2;
	v22 =	vld [tilespmem:s14+$0xFFFFFF70];
	[tilespmem:s24+$0x10] =	vst v13;
	v13 =	vbroadcast v6, $0x2  }
0x312: {  	v61 =	vld [tilespmem:s22+$0xFFFFFFE0];
	s25 =	simm.s32 $0x169C0;
	[tilespmem:s24+$0xA0] =	vst v12;
	v12 =	vbroadcast v9, $0x2;
	v25 =	vunpack.i.u.bf16.f32 v20;
	v14 =	vunpack.i.l.bf16.f32 v20  }
0x313: {  	v57 =	vld [tilespmem:s25+$0xFFFFFFF0];
	[tilespmem:s24+$0x90] =	vst v15;
	v11 =	vunpack.i.u.bf16.f32 v4;
	v14 =	vmul.f32 v14, v19;
	v19 =	vbroadcast v8, $0x2  }
0x314: {  	v41 =	vld [tilespmem:s14+$0x10];
	[tilespmem:s24+$0x120] =	vst v16;
	v18 =	vmul.f32 v25, v18;
	v4 =	vunpack.i.l.bf16.f32 v4;
	v10 =	vmul.f32 v11, v10  }
0x315: {  	v20 =	vld [tilespmem:s14+$0xFFFFFFC0];
	[tilespmem:s24+$0x130] =	vst v17;
	v11 =	vbroadcast v5, $0x2;
	v3 =	vmul.f32 v4, v3;
	v27 =	vunpack.i.u.bf16.f32 v21  }
0x316: {  	v15 =	vunpack.i.l.bf16.f32 v21;
	v21 =	vbroadcast v7, $0x3;
	v43 =	vunpack.i.u.bf16.f32 v22;
	[tilespmem:s24+$0xFFFFFDE0] =	vst v14  }
0x317: {  	v45 =	vld [tilespmem:s14+$0x60];
	v16 =	vunpack.i.l.bf16.f32 v22;
	v22 =	vbroadcast v8, $0x3;
	[tilespmem:s24+$0xFFFFFDF0] =	vst v18;
	v15 =	vmul.f32 v15, v23  }
0x318: {  	v62 =	vunpack.i.l.bf16.f32 v57;
	v24 =	vmul.f32 v27, v24;
	v11 =	vmul.f32 v16, v11;
	[tilespmem:s24+$0x220] =	vst v10  }
0x319: {  	v63 =	vld [tilespmem:s22+$0xFFFFFFF0];
	v18 =	vunpack.i.l.bf16.f32 v41;
	v16 =	vmul.f32 v43, v26;
	v26 =	vbroadcast v5, $0x5;
	[tilespmem:s24+$0xFFFFFE70] =	vst v15  }
0x31a: {  	v23 =	vld [tilespmem:s14+$0xB0];
	v27 =	vbroadcast v6, $0x4;
	v10 =	vperm.xlane v61, v0;
	v17 =	vunpack.i.u.bf16.f32 v20;
	[tilespmem:s24+$0xFFFFFE80] =	vst v24  }
0x31b: {  	v14 =	vunpack.i.l.bf16.f32 v20;
	v20 =	vunpack.i.u.bf16.f32 v41;
	v18 =	vmul.f32 v18, v42;
	[tilespmem:s24+$0xFFFFFF00] =	vst v11  }
0x31c: {  	v60 =	vld [tilespmem:s25+$0x40];
	v13 =	vmul.f32 v14, v13;
	v15 =	vmul.f32 v17, v40;
	v17 =	vunpack.i.u.bf16.f32 v45;
	[tilespmem:s24+$0xFFFFFF10] =	vst v16  }
0x31d: {  	v14 =	vld [tilespmem:s14+$0xFFFFFEE0];
	v24 =	vunpack.i.l.bf16.f32 v45;
	v20 =	vmul.f32 v20, v21;
	v40 =	vbroadcast v9, $0x6;
	[tilespmem:s24+$0x20] =	vst v18  }
0x31e: {  	v28 =	vadd.f32 v63, v62;
	v11 =	vld [tilespmem:s14+$0xFFFFFF30];
	v12 =	vmul.f32 v24, v12;
	v16 =	vmul.f32 v17, v44;
	[tilespmem:s24+$0xFFFFFF90] =	vst v13  }
0x31f: {  	v24 =	vbroadcast v1, $0x5;
	v18 =	vbroadcast v5, $0x4;
	[tilespmem:s24+$0xFFFFFFA0] =	vst v15;
	v21 =	vunpack.i.l.bf16.f32 v23  }
0x320: {  	v13 =	vld [tilespmem:s14+$0xFFFFFF80];
	v17 =	vunpack.i.u.bf16.f32 v23;
	v23 =	vbroadcast v1, $0x4;
	[tilespmem:s24+$0xB0] =	vst v12;
	v12 =	vbroadcast v7, $0x4  }
0x321: {  	v44 =	vunpack.i.l.bf16.f32 v60;
	[tilespmem:s24+$0x30] =	vst v20;
	v25 =	vld [tilespmem:s14+$0xFFFFFFD0];
	v19 =	vmul.f32 v21, v19;
	v21 =	vbroadcast v2, $0x4  }
0x322: {  	v47 =	vld [tilespmem:s14+$0x20];
	v17 =	vmul.f32 v17, v22;
	v22 =	vbroadcast v2, $0x5;
	v15 =	vunpack.i.u.bf16.f32 v14  }
0x323: {  	v41 =	vld [tilespmem:s22+$0xFFFFFFC0];
	v14 =	vunpack.i.l.bf16.f32 v14;
	v20 =	vunpack.i.u.bf16.f32 v11;
	[tilespmem:s24+$0x140] =	vst v19;
	v19 =	vbroadcast v8, $0x4  }
0x324: {  	v45 =	vld [tilespmem:s22+$0x0];
	[tilespmem:s24+$0xC0] =	vst v16;
	v11 =	vunpack.i.l.bf16.f32 v11;
	v14 =	vmul.f32 v14, v21;
	v15 =	vmul.f32 v15, v22  }
0x325: {  	v50 =	vld [tilespmem:s14+$0x70];
	[tilespmem:s24+$0x150] =	vst v17;
	v16 =	vunpack.i.u.bf16.f32 v13;
	v13 =	vunpack.i.l.bf16.f32 v13;
	v11 =	vmul.f32 v11, v23  }
0x326: {  	v20 =	vmul.f32 v20, v24;
	v17 =	vunpack.i.u.bf16.f32 v25;
	v21 =	vunpack.i.l.bf16.f32 v25;
	[tilespmem:s24+$0xFFFFFE00] =	vst v14  }
0x327: {  	v22 =	vld [tilespmem:s14+$0xC0];
	v25 =	vbroadcast v8, $0x5;
	v23 =	vunpack.i.u.bf16.f32 v47;
	v13 =	vmul.f32 v13, v18;
	[tilespmem:s24+$0xFFFFFE10] =	vst v15  }
0x328: {  	v14 =	vunpack.i.l.bf16.f32 v47;
	v15 =	vmul.f32 v16, v26;
	v47 =	vperm.xlane v41, v0;
	[tilespmem:s24+$0xFFFFFE90] =	vst v11  }
0x329: {  	v33 =	vadd.f32 v45, v44;
	v21 =	vmul.f32 v21, v27;
	[tilespmem:s24+$0xFFFFFEA0] =	vst v20;
	v12 =	vmul.f32 v14, v12;
	v14 =	vld [tilespmem:s25+$0x130]  }
0x32a: {  	v24 =	vld [tilespmem:s22+$0x30];
	v11 =	vunpack.i.l.bf16.f32 v50;
	v17 =	vmul.f32 v17, v46;
	v27 =	vbroadcast v2, $0x7;
	[tilespmem:s24+$0xFFFFFF20] =	vst v13  }
0x32b: {  	v16 =	vunpack.i.u.bf16.f32 v50;
	v18 =	vld [tilespmem:s14+$0xFFFFFEF0];
	v13 =	vmul.f32 v23, v48;
	v23 =	vmul.f32 v11, v49;
	[tilespmem:s24+$0xFFFFFF30] =	vst v15  }
0x32c: {  	v15 =	vmul.f32 v16, v51;
	[tilespmem:s24+$0xFFFFFFB0] =	vst v21;
	v21 =	vperm.xlane v63, v0;
	v20 =	vunpack.i.l.bf16.f32 v22  }
0x32d: {  	v39 =	vld [tilespmem:s25+$0xE0];
	[tilespmem:s24+$0xFFFFFFC0] =	vst v17;
	v17 =	vperm.xlane v45, v0;
	v11 =	vunpack.i.u.bf16.f32 v22;
	v16 =	vmul.f32 v20, v19  }
0x32e: {  	v55 =	vld [tilespmem:s25+$0xFFFFFFA0];
	v19 =	vbroadcast v2, $0x6;
	v25 =	vmul.f32 v11, v25;
	v1 =	vunpack.i.l.bf16.f32 v14  }
0x32f: {  	v48 =	vld [tilespmem:s22+$0x20];
	v11 =	vbroadcast v6, $0x7;
	v6 =	vbroadcast v7, $0x6;
	v1 =	vadd.f32 v24, v1  }
0x330: {  	v22 =	vld [tilespmem:s14+$0xFFFFFF40];
	v7 =	vbroadcast v7, $0x7;
	v26 =	vunpack.i.u.bf16.f32 v18;
	v14 =	vbroadcast v5, $0x6  }
0x331: {  	v20 =	vld [tilespmem:s14+$0xFFFFFF90];
	v18 =	vunpack.i.l.bf16.f32 v18;
	v5 =	vbroadcast v9, $0x7;
	v2 =	vmul.f32 $2.000000030e-01, v1  }
0x332: {  	v46 =	vunpack.i.l.bf16.f32 v39;
	v9 =	vld [tilespmem:s25+$0xFFFFFF00];
	v24 =	vperm.xlane v24, v0;
	v18 =	vmul.f32 v18, v19  }
0x333: {  	v26 =	vmul.f32 v26, v27;
	v27 =	vunpack.i.l.bf16.f32 v55;
	v2 =	vmax.f32 v1, v2  }
0x334: {  	v53 =	vld [tilespmem:s25+$0xFFFFFF50];
	[tilespmem:s24+$0x50] =	vst v13;
	v36 =	vadd.f32 v48, v46;
	v13 =	vperm.xlane v48, v0;
	v24 =	vsub.f32 v2, v24  }
0x335: {  	v19 =	vld [tilespmem:s22+$0xFFFFFFD0];
	v27 =	vadd.f32 v61, v27;
	v58 =	vunpack.i.u.bf16.f32 v22;
	v22 =	vunpack.i.l.bf16.f32 v22  }
0x336: {  	v37 =	vld [tilespmem:s25+$0x90];
	v38 =	vunpack.i.u.bf16.f32 v20;
	v20 =	vunpack.i.l.bf16.f32 v20;
	v24 =	vmul.f32 $1.442695020e+00, v24  }
0x337: {  	v22 =	vmul.f32 v22, v52;
	v30 =	vmul.f32 v58, v54;
	v9 =	vunpack.i.l.bf16.f32 v9  }
0x338: {  	v51 =	vmul.f32 $2.000000030e-01, v27;
	v9 =	vadd.f32 v41, v9;
	(erf) = vpow2.f32 v24  }
0x339: {  	v1 =	vbroadcast v8, $0x6;
	v2 =	vbroadcast v8, $0x7;
	v8 =	vunpack.i.l.bf16.f32 v53  }
0x33a: {  	v52 =	vmul.f32 $2.000000030e-01, v28;
	v8 =	vadd.f32 v19, v8;
	v49 =	vmul.f32 $2.000000030e-01, v9  }
0x33b: {  	v14 =	vmul.f32 v20, v14;
	v20 =	vunpack.i.l.bf16.f32 v37;
	v27 =	vmax.f32 v27, v51;
	v24 =	vld [tilespmem:s22+$0x10]  }
0x33c: {  	v28 =	vmax.f32 v28, v52;
	v50 =	vmul.f32 $2.000000030e-01, v8;
	v9 =	vmax.f32 v9, v49  }
0x33d: {  	v53 =	vmul.f32 $2.000000030e-01, v36;
	v19 =	vperm.xlane v19, v0;
	v9 =	vsub.f32 v9, v47  }
0x33e: {  	[tilespmem:s24+$0x40] =	vst v12;
	v10 =	vsub.f32 v27, v10;
	v21 =	vsub.f32 v28, v21;
	v29 =	vmax.f32 v8, v50  }
0x33f: {  	[tilespmem:s24+$0xFFFFFE20] =	vst v18;
	v18 =	vmax.f32 v36, v53;
	v19 =	vsub.f32 v29, v19;
	v9 =	vmul.f32 $1.442695020e+00, v9  }
0x340: {  	[tilespmem:s24+$0xE0] =	vst v15;
	v20 =	vadd.f32 v24, v20;
	v12 =	vperm.xlane v24, v0;
	v24 =	vmul.f32 $2.000000030e-01, v33  }
0x341: {  	s17 =	simm.s32 $0x18AC0;
	[tilespmem:s24+$0x160] =	vst v16;
	v10 =	vmul.f32 $1.442695020e+00, v10;
	v13 =	vsub.f32 v18, v13;
	v16 =	vmul.f32 $1.442695020e+00, v19;
	v8 =	vpop (erf)  }
0x342: {  	v19 =	vmul.f32 $1.442695020e+00, v21;
	(erf) = vpow2.f32 v9;
	v9 =	vld [tilespmem:s14+$0xFFFFFFE0];
	v15 =	vmax.f32 v33, v24;
	[tilespmem:s17+$0x230] =	vst v8  }
0x343: {  	[tilespmem:s24+$0xD0] =	vst v23;
	(erf) = vpow2.f32 v16;
	v23 =	vmul.f32 $2.000000030e-01, v20;
	v15 =	vsub.f32 v15, v17;
	v24 =	vld [tilespmem:s25+$0xF0]  }
0x344: {  	v13 =	vmul.f32 $1.442695020e+00, v13;
	(erf) = vpow2.f32 v10  }
0x345: {  	(erf) = vpow2.f32 v19;
	v17 =	vmax.f32 v20, v23;
	v15 =	vmul.f32 $1.442695020e+00, v15  }
0x346: {  	[tilespmem:s24+$0x210] =	vst v3;
	v10 =	vld [tilespmem:s14+$0x30];
	v12 =	vsub.f32 v17, v12;
	v17 =	vbroadcast v8, $0x0;
	v20 =	vbroadcast v8, $0x1  }
0x347: {  	[tilespmem:s24+$0x170] =	vst v25;
	v4 =	vunpack.i.l.bf16.f32 v9;
	v3 =	vbroadcast v8, $0x6;
	(erf) = vpow2.f32 v15  }
0x348: {  	[tilespmem:s24+$0xFFFFFE30] =	vst v26;
	v15 =	vmul.f32 v38, v56;
	v12 =	vmul.f32 $1.442695020e+00, v12;
	v16 =	vunpack.i.l.bf16.f32 v24  }
0x349: {  	[tilespmem:s24+$0xFFFFFF40] =	vst v14;
	v4 =	vmul.f32 v4, v59;
	v21 =	vunpack.i.u.bf16.f32 v24;
	v16 =	vmul.f32 v17, v16  }
0x34a: {  	v9 =	vunpack.i.u.bf16.f32 v9;
	[tilespmem:s24+$0xFFFFFF50] =	vst v15;
	(erf) = vpow2.f32 v12;
	v14 =	vmul.f32 v20, v21  }
0x34b: {  	v38 =	vbroadcast v8, $0x5;
	(erf) = vpow2.f32 v13;
	v13 =	vunpack.i.l.bf16.f32 v10;
	[tilespmem:s17+$0x1B0] =	vst v16  }
0x34c: {  	v15 =	vmul.f32 v9, v11;
	v17 =	vld [tilespmem:s14+$0x80];
	[tilespmem:s17+$0x1C0] =	vst v14;
	v14 =	vunpack.i.u.bf16.f32 v10;
	v10 =	vpop (erf);
	v16 =	vmul.f32 v13, v6  }
0x34d: {  	[tilespmem:s24+$0xFFFFFEB0] =	vst v22;
	v14 =	vmul.f32 v14, v7;
	v11 =	vpop (erf);
	v18 =	vbroadcast v10, $0x0  }
0x34e: {  	[tilespmem:s24+$0xFFFFFEC0] =	vst v30;
	v20 =	vbroadcast v10, $0x1;
	v21 =	vbroadcast v11, $0x0  }
0x34f: {  	[tilespmem:s24+$0xFFFFFFD0] =	vst v4;
	v12 =	vld [tilespmem:s25+$0x100];
	v9 =	vpop (erf);
	v23 =	vbroadcast v11, $0x1;
	v41 =	vbroadcast v11, $0x2  }
0x350: {  	[tilespmem:s17+$0xFFFFFE40] =	vst v10;
	v52 =	vbroadcast v11, $0x5;
	v24 =	vbroadcast v9, $0x0  }
0x351: {  	[tilespmem:s24+$0xFFFFFFE0] =	vst v15;
	v19 =	vld [tilespmem:s25+$0xFFFFFEC0];
	v4 =	vunpack.i.l.bf16.f32 v17;
	v25 =	vbroadcast v9, $0x1;
	v42 =	vbroadcast v9, $0x2  }
0x352: {  	[tilespmem:s17+$0xFFFFFED0] =	vst v11;
	v6 =	vunpack.i.u.bf16.f32 v17;
	v43 =	vbroadcast v9, $0x3;
	v17 =	vmul.f32 v4, v40  }
0x353: {  	[tilespmem:s24+$0x60] =	vst v16;
	v7 =	vpop (erf);
	v4 =	vbroadcast v8, $0x2;
	v13 =	vmul.f32 v6, v5  }
0x354: {  	[tilespmem:s17+$0xFFFFFF60] =	vst v9;
	v22 =	vld [tilespmem:s25+$0xFFFFFF10];
	v6 =	vbroadcast v8, $0x3;
	v26 =	vbroadcast v7, $0x1;
	v5 =	vunpack.i.l.bf16.f32 v12  }
0x355: {  	[tilespmem:s24+$0x70] =	vst v14;
	v54 =	vld [tilespmem:s25+$0xFFFFFF60];
	v44 =	vbroadcast v7, $0x2;
	v12 =	vunpack.i.u.bf16.f32 v12;
	v4 =	vmul.f32 v5, v4  }
0x356: {  	[tilespmem:s17+$0xFFFFFFF0] =	vst v7;
	v12 =	vmul.f32 v12, v6;
	v55 =	vunpack.i.u.bf16.f32 v19;
	v19 =	vunpack.i.l.bf16.f32 v19  }
0x357: {  	v45 =	vbroadcast v7, $0x3;
	v18 =	vmul.f32 v18, v19;
	[tilespmem:s17+$0x1D0] =	vst v4  }
0x358: {  	v58 =	vld [tilespmem:s25+$0xFFFFFFB0];
	v19 =	vbroadcast v8, $0x4;
	v14 =	vmul.f32 v20, v55;
	[tilespmem:s17+$0x1E0] =	vst v12  }
0x359: {  	[tilespmem:s24+$0xF0] =	vst v17;
	v16 =	vunpack.i.l.bf16.f32 v22;
	v55 =	vbroadcast v7, $0x4;
	v5 =	vpop (erf);
	v12 =	vbroadcast v7, $0x0;
	v27 =	vld [tilespmem:s25+$0x110]  }
0x35a: {  	v17 =	vunpack.i.u.bf16.f32 v54;
	v16 =	vmul.f32 v21, v16;
	[tilespmem:s17+$0x80] =	vst v5;
	v56 =	vbroadcast v5, $0x0  }
0x35b: {  	v57 =	vbroadcast v5, $0x1;
	[tilespmem:s17+$0xFFFFFDC0] =	vst v18;
	v17 =	vmul.f32 v25, v17  }
0x35c: {  	v61 =	vunpack.i.u.bf16.f32 v22;
	v6 =	vpop (erf);
	[tilespmem:s17+$0xFFFFFDD0] =	vst v14;
	v25 =	vbroadcast v10, $0x2;
	v47 =	vbroadcast v5, $0x2;
	v15 =	vld [tilespmem:s25+$0x0]  }
0x35d: {  	v39 =	vunpack.i.u.bf16.f32 v58;
	v4 =	vpop (erf);
	[tilespmem:s17+$0x110] =	vst v6;
	v59 =	vbroadcast v6, $0x0;
	v60 =	vbroadcast v6, $0x1  }
0x35e: {  	[tilespmem:s17+$0xFFFFFE50] =	vst v16;
	v49 =	vbroadcast v6, $0x3;
	v62 =	vbroadcast v4, $0x0;
	v22 =	vld [tilespmem:s25+$0x50];
	v20 =	vunpack.i.l.bf16.f32 v27  }
0x35f: {  	[tilespmem:s17+$0x1A0] =	vst v4;
	v63 =	vbroadcast v4, $0x1;
	v18 =	vunpack.i.u.bf16.f32 v27;
	v19 =	vmul.f32 v20, v19  }
0x360: {  	[tilespmem:s17+$0xFFFFFEF0] =	vst v17;
	v20 =	vunpack.i.l.bf16.f32 v54;
	v14 =	vmul.f32 v18, v38;
	v18 =	vunpack.i.l.bf16.f32 v58  }
0x361: {  	v40 =	vunpack.i.u.bf16.f32 v15;
	v54 =	vbroadcast v9, $0x5;
	v20 =	vmul.f32 v24, v20;
	[tilespmem:s17+$0x1F0] =	vst v19  }
0x362: {  	v27 =	vld [tilespmem:s25+$0xA0];
	v15 =	vunpack.i.l.bf16.f32 v15;
	v58 =	vbroadcast v5, $0x5;
	v12 =	vmul.f32 v12, v18;
	[tilespmem:s17+$0x200] =	vst v14  }
0x363: {  	v21 =	vunpack.i.u.bf16.f32 v22;
	v18 =	vunpack.i.l.bf16.f32 v22;
	v22 =	vmul.f32 v26, v39;
	[tilespmem:s17+$0xFFFFFEE0] =	vst v20  }
0x364: {  	v16 =	vld [tilespmem:s14+$0xD0];
	v15 =	vmul.f32 v56, v15;
	v19 =	vmul.f32 v23, v61;
	[tilespmem:s17+$0xFFFFFF70] =	vst v12  }
0x365: {  	v24 =	vmul.f32 v57, v40;
	v26 =	vbroadcast v10, $0x3;
	v14 =	vld [tilespmem:s25+$0x120];
	[tilespmem:s17+$0xFFFFFF80] =	vst v22  }
0x366: {  	v56 =	vbroadcast v7, $0x5;
	v18 =	vmul.f32 v59, v18;
	[tilespmem:s17+$0xFFFFFE60] =	vst v19;
	v19 =	vld [tilespmem:s25+$0xFFFFFED0]  }
0x367: {  	v21 =	vmul.f32 v60, v21;
	[tilespmem:s17+$0x0] =	vst v15;
	v23 =	vunpack.i.l.bf16.f32 v27;
	v20 =	vunpack.i.u.bf16.f32 v27;
	v27 =	vld [tilespmem:s25+$0xFFFFFF70]  }
0x368: {  	v59 =	vbroadcast v6, $0x4;
	v61 =	vbroadcast v6, $0x5;
	[tilespmem:s17+$0x10] =	vst v24;
	v24 =	vld [tilespmem:s25+$0xFFFFFFC0]  }
0x369: {  	v12 =	vbroadcast v8, $0x7;
	[tilespmem:s17+$0x90] =	vst v18;
	v17 =	vmul.f32 v62, v23;
	v23 =	vld [tilespmem:s25+$0xFFFFFF20]  }
0x36a: {  	[tilespmem:s17+$0xA0] =	vst v21;
	v21 =	vbroadcast v6, $0x2;
	v20 =	vmul.f32 v63, v20;
	v22 =	vunpack.i.u.bf16.f32 v14  }
0x36b: {  	[tilespmem:s17+$0x120] =	vst v17;
	v12 =	vmul.f32 v22, v12;
	v15 =	vunpack.i.u.bf16.f32 v19;
	v19 =	vunpack.i.l.bf16.f32 v19  }
0x36c: {  	v8 =	vunpack.i.u.bf16.f32 v16;
	v50 =	vld [tilespmem:s25+$0x60];
	v62 =	vbroadcast v4, $0x5;
	[tilespmem:s17+$0x130] =	vst v20;
	v17 =	vmul.f32 v19, v25  }
0x36d: {  	v46 =	vld [tilespmem:s25+$0x10];
	v22 =	vbroadcast v11, $0x3;
	v20 =	vunpack.i.u.bf16.f32 v24;
	v15 =	vmul.f32 v15, v26;
	[tilespmem:s17+$0x220] =	vst v12  }
0x36e: {  	v48 =	vunpack.i.u.bf16.f32 v27;
	v18 =	vunpack.i.l.bf16.f32 v23;
	v20 =	vmul.f32 v20, v45;
	[tilespmem:s17+$0xFFFFFDE0] =	vst v17  }
0x36f: {  	v19 =	vunpack.i.l.bf16.f32 v27;
	v25 =	vbroadcast v4, $0x2;
	v18 =	vmul.f32 v18, v41;
	[tilespmem:s17+$0xFFFFFDF0] =	vst v15  }
0x370: {  	v26 =	vbroadcast v4, $0x3;
	v27 =	vld [tilespmem:s25+$0xB0];
	v12 =	vunpack.i.u.bf16.f32 v23;
	v19 =	vmul.f32 v19, v42;
	[tilespmem:s17+$0xFFFFFFA0] =	vst v20  }
0x371: {  	v51 =	vunpack.i.u.bf16.f32 v50;
	v23 =	vbroadcast v5, $0x3;
	v12 =	vmul.f32 v12, v22;
	[tilespmem:s17+$0xFFFFFE70] =	vst v18  }
0x372: {  	v17 =	vunpack.i.l.bf16.f32 v24;
	v15 =	vunpack.i.l.bf16.f32 v46;
	v22 =	vmul.f32 v48, v43;
	[tilespmem:s17+$0xFFFFFF00] =	vst v19  }
0x373: {  	v24 =	vunpack.i.u.bf16.f32 v46;
	v17 =	vmul.f32 v17, v44;
	v18 =	vld [tilespmem:s25+$0xFFFFFEE0];
	v15 =	vmul.f32 v15, v47;
	[tilespmem:s17+$0xFFFFFE80] =	vst v12  }
0x374: {  	v23 =	vmul.f32 v24, v23;
	v12 =	vunpack.i.l.bf16.f32 v50;
	[tilespmem:s17+$0xFFFFFF10] =	vst v22;
	v22 =	vmul.f32 v51, v49  }
0x375: {  	v19 =	vld [tilespmem:s25+$0xFFFFFF30];
	v21 =	vmul.f32 v12, v21;
	v12 =	vunpack.i.l.bf16.f32 v27;
	v24 =	vunpack.i.u.bf16.f32 v27;
	[tilespmem:s17+$0xFFFFFF90] =	vst v17  }
0x376: {  	v27 =	vbroadcast v10, $0x4;
	[tilespmem:s17+$0x20] =	vst v15;
	v25 =	vmul.f32 v12, v25;
	v12 =	vunpack.i.l.bf16.f32 v16;
	v16 =	vld [tilespmem:s25+$0xFFFFFF80]  }
0x377: {  	[tilespmem:s17+$0x30] =	vst v23;
	v17 =	vmul.f32 v24, v26;
	v24 =	vbroadcast v10, $0x5;
	v53 =	vld [tilespmem:s25+$0xFFFFFFD0]  }
0x378: {  	v26 =	vbroadcast v11, $0x4;
	[tilespmem:s17+$0xB0] =	vst v21;
	v21 =	vbroadcast v5, $0x4;
	v20 =	vunpack.i.u.bf16.f32 v18  }
0x379: {  	v57 =	vld [tilespmem:s25+$0x20];
	v15 =	vunpack.i.l.bf16.f32 v18;
	v18 =	vbroadcast v9, $0x4;
	[tilespmem:s17+$0x140] =	vst v25;
	v25 =	vbroadcast v4, $0x4  }
0x37a: {  	[tilespmem:s17+$0xC0] =	vst v22;
	v15 =	vmul.f32 v15, v27;
	v20 =	vmul.f32 v20, v24  }
0x37b: {  	v60 =	vld [tilespmem:s25+$0x70];
	[tilespmem:s17+$0x150] =	vst v17;
	v23 =	vunpack.i.u.bf16.f32 v19;
	v19 =	vunpack.i.l.bf16.f32 v19;
	v22 =	vunpack.i.u.bf16.f32 v16  }
0x37c: {  	[tilespmem:s24+$0x100] =	vst v13;
	v27 =	vld [tilespmem:s25+$0xC0];
	v16 =	vunpack.i.l.bf16.f32 v16;
	v13 =	vunpack.i.u.bf16.f32 v53;
	v19 =	vmul.f32 v19, v26  }
0x37d: {  	v17 =	vunpack.i.l.bf16.f32 v53;
	[tilespmem:s17+$0xFFFFFE00] =	vst v15;
	v26 =	vmul.f32 v23, v52;
	v16 =	vmul.f32 v16, v18  }
0x37e: {  	v15 =	vunpack.i.l.bf16.f32 v57;
	[tilespmem:s17+$0xFFFFFE10] =	vst v20;
	v18 =	vmul.f32 v22, v54;
	v63 =	vmul.f32 v17, v55  }
0x37f: {  	v24 =	vunpack.i.u.bf16.f32 v57;
	v23 =	vmul.f32 v13, v56;
	v22 =	vmul.f32 v15, v21;
	[tilespmem:s17+$0xFFFFFE90] =	vst v19;
	v19 =	vld [tilespmem:s25+$0xFFFFFEF0]  }
0x380: {  	v24 =	vmul.f32 v24, v58;
	v15 =	vbroadcast v10, $0x6;
	[tilespmem:s17+$0xFFFFFEA0] =	vst v26  }
0x381: {  	v20 =	vunpack.i.u.bf16.f32 v60;
	v17 =	vunpack.i.l.bf16.f32 v60;
	v13 =	vunpack.i.l.bf16.f32 v27;
	[tilespmem:s17+$0xFFFFFF20] =	vst v16;
	v16 =	vld [tilespmem:s25+$0xFFFFFF40]  }
0x382: {  	v21 =	vmul.f32 v17, v59;
	v26 =	vunpack.i.u.bf16.f32 v27;
	[tilespmem:s17+$0xFFFFFF30] =	vst v18;
	v20 =	vmul.f32 v20, v61  }
0x383: {  	s15 =	simm.s32 $0x16C40;
	s14 =	simm.s32 $0x8;
	[tilespmem:s17+$0xFFFFFFB0] =	vst v63;
	v17 =	vmul.f32 v13, v25;
	v13 =	vunpack.i.l.bf16.f32 v14;
	v14 =	vld [tilespmem:s25+$0xFFFFFF90];
	v18 =	vmul.f32 v26, v62  }
.LBB2_7:
0x384: {  	v25 =	vld [tilespmem:s15+$0x130];
	v26 =	vunpack.i.u.bf16.f32 v19;
	v27 =	vbroadcast v10, $0x7;
	v28 =	vbroadcast v11, $0x6;
	[tilespmem:s17+$0xFFFFFFC0] =	vst v23;
	s22 =	sadd.s32 $0x80, s22  }
0x385: {  	v19 =	vunpack.i.l.bf16.f32 v19;
	v29 =	vbroadcast v11, $0x7;
	v30 =	vbroadcast v9, $0x6;
	v23 =	vld [tilespmem:s22+$0x30];
	[tilespmem:s17+$0x40] =	vst v22  }
0x386: {  	v32 =	vbroadcast v9, $0x7;
	v9 =	vbroadcast v7, $0x6;
	v22 =	vld [tilespmem:s15+$0xFFFFFF50];
	v31 =	vunpack.i.u.bf16.f32 v16;
	[tilespmem:s17+$0x50] =	vst v24  }
0x387: {  	s14 =	sadd.s32 $0x8, s14;
	v10 =	vbroadcast v7, $0x7;
	v7 =	vbroadcast v5, $0x6;
	v16 =	vunpack.i.l.bf16.f32 v16;
	v24 =	vld [tilespmem:s15+$0xFFFFFFA0];
	[tilespmem:s17+$0xD0] =	vst v21  }
0x388: {  	v11 =	vbroadcast v5, $0x7;
	v5 =	vbroadcast v6, $0x6;
	p0 =	slt.u32 s14, $0x48;
	v21 =	vld [tilespmem:s15+$0xFFFFFFF0];
	v33 =	vunpack.i.u.bf16.f32 v14;
	[tilespmem:s17+$0xE0] =	vst v20  }
0x389: {  	v6 =	vbroadcast v6, $0x7;
	v20 =	vld [tilespmem:s15+$0x40];
	v25 =	vunpack.i.l.bf16.f32 v25;
	[tilespmem:s17+$0x160] =	vst v17;
	v17 =	vbroadcast v4, $0x6  }
0x38a: {  	v14 =	vunpack.i.l.bf16.f32 v14;
	v4 =	vbroadcast v4, $0x7;
	v34 =	vld [tilespmem:s15+$0x90];
	v25 =	vadd.f32 v23, v25;
	[tilespmem:s17+$0x170] =	vst v18  }
0x38b: {  	v15 =	vmul.f32 v19, v15;
	v19 =	vmul.f32 v26, v27;
	v18 =	vunpack.i.l.bf16.f32 v22;
	v22 =	vld [tilespmem:s15+$0xE0]  }
0x38c: {  	v16 =	vmul.f32 v16, v28;
	v26 =	vld [tilespmem:s15+$0xFFFFFF00];
	v24 =	vunpack.i.l.bf16.f32 v24;
	v27 =	vmul.f32 $2.000000030e-01, v25  }
0x38d: {  	v23 =	vperm.xlane v23, v0;
	v28 =	vld [tilespmem:s22+$0xFFFFFFC0];
	v21 =	vunpack.i.l.bf16.f32 v21;
	[tilespmem:s17+$0xFFFFFE20] =	vst v15;
	v15 =	vmul.f32 v31, v29  }
0x38e: {  	v14 =	vmul.f32 v14, v30;
	v29 =	vld [tilespmem:s22+$0xFFFFFFD0];
	v20 =	vunpack.i.l.bf16.f32 v20;
	v25 =	vmax.f32 v25, v27;
	[tilespmem:s17+$0xFFFFFE30] =	vst v19  }
0x38f: {  	v19 =	vld [tilespmem:s22+$0xFFFFFFE0];
	v27 =	vunpack.i.l.bf16.f32 v34;
	v23 =	vsub.f32 v25, v23;
	[tilespmem:s17+$0xFFFFFEB0] =	vst v16;
	v16 =	vmul.f32 v33, v32  }
0x390: {  	v12 =	vmul.f32 v12, v1;
	v8 =	vmul.f32 v8, v2;
	v1 =	vmovc v17;
	v25 =	vld [tilespmem:s22+$0xFFFFFFF0];
	v22 =	vunpack.i.l.bf16.f32 v22;
	[tilespmem:s17+$0xFFFFFEC0] =	vst v15  }
0x391: {  	v3 =	vmul.f32 v13, v3;
	v2 =	vmovc v4;
	v15 =	vunpack.i.l.bf16.f32 v26;
	v17 =	vld [tilespmem:s22+$0x0];
	v23 =	vmul.f32 $1.442695020e+00, v23;
	[tilespmem:s17+$0xFFFFFF40] =	vst v14  }
0x392: {  	v4 =	vadd.f32 v28, v15;
	v13 =	vperm.xlane v28, v0;
	v14 =	vld [tilespmem:s22+$0x10];
	[tilespmem:s17+$0xFFFFFF50] =	vst v16  }
0x393: {  	v15 =	vadd.f32 v29, v18;
	v16 =	vperm.xlane v29, v0;
	v18 =	vld [tilespmem:s22+$0x20];
	(erf) = vpow2.f32 v23;
	[tilespmem:s24+$0x180] =	vst v12  }
0x394: {  	v12 =	vmul.f32 $2.000000030e-01, v4;
	v23 =	vadd.f32 v19, v24;
	v19 =	vperm.xlane v19, v0;
	v24 =	vld [tilespmem:s25+$0xFFFFFFE0];
	[tilespmem:s24+$0x190] =	vst v8;
	s24 =	smov.u32 s17  }
0x395: {  	v8 =	vmul.f32 $2.000000030e-01, v15;
	v21 =	vadd.f32 v25, v21;
	v25 =	vperm.xlane v25, v0;
	v26 =	vld [tilespmem:s25+$0x30];
	[tilespmem:s17+$0x210] =	vst v3  }
0x396: {  	v3 =	vmul.f32 $2.000000030e-01, v23;
	v20 =	vadd.f32 v17, v20;
	v17 =	vperm.xlane v17, v0;
	v28 =	vld [tilespmem:s25+$0x80]  }
0x397: {  	v29 =	vmul.f32 $2.000000030e-01, v21;
	v27 =	vadd.f32 v14, v27;
	v14 =	vperm.xlane v14, v0;
	v30 =	vld [tilespmem:s25+$0xD0];
	s25 =	smov.u32 s15  }
0x398: {  	v31 =	vmul.f32 $2.000000030e-01, v20;
	v22 =	vadd.f32 v18, v22;
	v18 =	vperm.xlane v18, v0  }
0x399: {  	v4 =	vmax.f32 v4, v12;
	v8 =	vmax.f32 v15, v8;
	v12 =	vmul.f32 $2.000000030e-01, v27  }
0x39a: {  	v3 =	vmax.f32 v23, v3;
	v15 =	vmax.f32 v21, v29;
	v21 =	vmul.f32 $2.000000030e-01, v22  }
0x39b: {  	v4 =	vsub.f32 v4, v13;
	v20 =	vmax.f32 v20, v31;
	v12 =	vmax.f32 v27, v12  }
0x39c: {  	s17 =	sadd.s32 $0x480, s17;
	v8 =	vsub.f32 v8, v16;
	v3 =	vsub.f32 v3, v19;
	v16 =	vmax.f32 v22, v21;
	v13 =	vpop (erf)  }
0x39d: {  	v4 =	vmul.f32 $1.442695020e+00, v4;
	v15 =	vsub.f32 v15, v25;
	v17 =	vsub.f32 v20, v17;
	[tilespmem:s17+$0x230] =	vst v13  }
0x39e: {  	v8 =	vmul.f32 $1.442695020e+00, v8;
	v12 =	vsub.f32 v12, v14;
	v14 =	vsub.f32 v16, v18;
	v16 =	vld [tilespmem:s15+$0xF0]  }
0x39f: {  	v3 =	vmul.f32 $1.442695020e+00, v3;
	v15 =	vmul.f32 $1.442695020e+00, v15;
	v18 =	vunpack.i.u.bf16.f32 v24  }
0x3a0: {  	v19 =	vunpack.i.l.bf16.f32 v24;
	v17 =	vmul.f32 $1.442695020e+00, v17;
	v12 =	vmul.f32 $1.442695020e+00, v12  }
0x3a1: {  	v14 =	vmul.f32 $1.442695020e+00, v14;
	(erf) = vpow2.f32 v4;
	v4 =	vunpack.i.u.bf16.f32 v26  }
0x3a2: {  	v21 =	vunpack.i.l.bf16.f32 v26;
	v20 =	vbroadcast v13, $0x0;
	(erf) = vpow2.f32 v8  }
0x3a3: {  	v22 =	vbroadcast v13, $0x1;
	v8 =	vunpack.i.l.bf16.f32 v16;
	(erf) = vpow2.f32 v3  }
0x3a4: {  	v3 =	vunpack.i.u.bf16.f32 v16;
	v8 =	vmul.f32 v20, v8;
	(erf) = vpow2.f32 v15  }
0x3a5: {  	v16 =	vunpack.i.u.bf16.f32 v28;
	v15 =	vmul.f32 v22, v3;
	(erf) = vpow2.f32 v17  }
0x3a6: {  	v3 =	vbroadcast v13, $0x6;
	v17 =	vunpack.i.l.bf16.f32 v28;
	[tilespmem:s17+$0x1B0] =	vst v8;
	(erf) = vpow2.f32 v12  }
0x3a7: {  	v8 =	vunpack.i.u.bf16.f32 v30;
	v12 =	vunpack.i.l.bf16.f32 v30;
	[tilespmem:s17+$0x1C0] =	vst v15;
	(erf) = vpow2.f32 v14  }
0x3a8: {  	v9 =	vmul.f32 v19, v9;
	v18 =	vmul.f32 v18, v10;
	v15 =	vld [tilespmem:s15+$0x100]  }
0x3a9: {  	v19 =	vmul.f32 v21, v7;
	v20 =	vmul.f32 v4, v11  }
0x3aa: {  	v17 =	vmul.f32 v17, v5;
	v14 =	vmul.f32 v16, v6;
	v10 =	vpop (erf);
	[tilespmem:s24+$0xFFFFFFD0] =	vst v9  }
0x3ab: {  	[tilespmem:s17+$0xFFFFFE40] =	vst v10;
	v16 =	vbroadcast v10, $0x0;
	v21 =	vbroadcast v10, $0x1;
	v11 =	vpop (erf)  }
0x3ac: {  	v4 =	vbroadcast v13, $0x2;
	v22 =	vld [tilespmem:s15+$0xFFFFFEC0];
	[tilespmem:s17+$0xFFFFFED0] =	vst v11;
	v23 =	vbroadcast v11, $0x0;
	v9 =	vpop (erf)  }
0x3ad: {  	v30 =	vbroadcast v13, $0x3;
	v25 =	vbroadcast v11, $0x1;
	v24 =	vld [tilespmem:s15+$0xFFFFFF10];
	[tilespmem:s17+$0xFFFFFF60] =	vst v9;
	v28 =	vunpack.i.l.bf16.f32 v15;
	v7 =	vpop (erf)  }
0x3ae: {  	v27 =	vbroadcast v9, $0x0;
	v15 =	vunpack.i.u.bf16.f32 v15;
	v26 =	vld [tilespmem:s15+$0xFFFFFF60];
	[tilespmem:s17+$0xFFFFFFF0] =	vst v7;
	v33 =	vmul.f32 v28, v4;
	v5 =	vpop (erf)  }
0x3af: {  	v28 =	vbroadcast v9, $0x1;
	v15 =	vmul.f32 v15, v30;
	v29 =	vld [tilespmem:s15+$0xFFFFFFB0];
	[tilespmem:s17+$0x80] =	vst v5;
	v6 =	vpop (erf)  }
0x3b0: {  	v30 =	vbroadcast v7, $0x0;
	v31 =	vbroadcast v7, $0x1;
	v32 =	vld [tilespmem:s15+$0x0];
	[tilespmem:s17+$0x1D0] =	vst v33;
	v4 =	vpop (erf)  }
0x3b1: {  	v34 =	vbroadcast v5, $0x0;
	v35 =	vbroadcast v5, $0x1;
	v33 =	vunpack.i.u.bf16.f32 v22;
	[tilespmem:s17+$0x1E0] =	vst v15  }
0x3b2: {  	v36 =	vbroadcast v6, $0x1;
	v15 =	vunpack.i.l.bf16.f32 v22;
	v22 =	vbroadcast v6, $0x0;
	[tilespmem:s17+$0x110] =	vst v6;
	v37 =	vld [tilespmem:s15+$0x110]  }
0x3b3: {  	v40 =	vbroadcast v4, $0x0;
	v41 =	vbroadcast v4, $0x1;
	v38 =	vunpack.i.u.bf16.f32 v24;
	v39 =	vld [tilespmem:s15+$0x50];
	[tilespmem:s17+$0x1A0] =	vst v4  }
0x3b4: {  	v24 =	vunpack.i.l.bf16.f32 v24;
	v42 =	vunpack.i.u.bf16.f32 v26;
	v26 =	vunpack.i.l.bf16.f32 v26;
	v43 =	vld [tilespmem:s15+$0xA0];
	[tilespmem:s24+$0xFFFFFFE0] =	vst v18  }
0x3b5: {  	v18 =	vunpack.i.u.bf16.f32 v29;
	v29 =	vunpack.i.l.bf16.f32 v29;
	v44 =	vunpack.i.u.bf16.f32 v32;
	[tilespmem:s24+$0x60] =	vst v19  }
0x3b6: {  	v15 =	vmul.f32 v16, v15;
	v16 =	vunpack.i.l.bf16.f32 v32;
	v19 =	vbroadcast v13, $0x4;
	[tilespmem:s24+$0x70] =	vst v20  }
0x3b7: {  	v32 =	vbroadcast v13, $0x5;
	v20 =	vmul.f32 v21, v33;
	v21 =	vunpack.i.l.bf16.f32 v37;
	[tilespmem:s24+$0xF0] =	vst v17  }
0x3b8: {  	v17 =	vunpack.i.u.bf16.f32 v37;
	[tilespmem:s17+$0xFFFFFDC0] =	vst v15;
	v15 =	vunpack.i.u.bf16.f32 v39;
	v19 =	vmul.f32 v21, v19  }
0x3b9: {  	v17 =	vmul.f32 v17, v32;
	[tilespmem:s17+$0xFFFFFDD0] =	vst v20;
	v20 =	vunpack.i.l.bf16.f32 v39;
	v21 =	vunpack.i.u.bf16.f32 v43  }
0x3ba: {  	v23 =	vmul.f32 v23, v24;
	v24 =	vmul.f32 v25, v38;
	v25 =	vunpack.i.l.bf16.f32 v43;
	v32 =	vld [tilespmem:s15+$0xFFFFFED0];
	[tilespmem:s17+$0x1F0] =	vst v19  }
0x3bb: {  	v19 =	vmul.f32 v27, v26;
	v26 =	vmul.f32 v28, v42;
	[tilespmem:s17+$0x200] =	vst v17  }
0x3bc: {  	v18 =	vmul.f32 v31, v18;
	v17 =	vmul.f32 v30, v29;
	[tilespmem:s17+$0xFFFFFE50] =	vst v23;
	v23 =	vld [tilespmem:s15+$0x120]  }
0x3bd: {  	v16 =	vmul.f32 v34, v16;
	[tilespmem:s17+$0xFFFFFE60] =	vst v24;
	v24 =	vmul.f32 v35, v44  }
0x3be: {  	v15 =	vmul.f32 v36, v15;
	v27 =	vld [tilespmem:s15+$0xFFFFFF20];
	[tilespmem:s17+$0xFFFFFEE0] =	vst v19;
	v19 =	vmul.f32 v22, v20  }
0x3bf: {  	v21 =	vmul.f32 v41, v21;
	v22 =	vmul.f32 v40, v25;
	v20 =	vunpack.i.u.bf16.f32 v32;
	[tilespmem:s17+$0xFFFFFEF0] =	vst v26  }
0x3c0: {  	v25 =	vunpack.i.l.bf16.f32 v32;
	v26 =	vbroadcast v10, $0x2;
	v28 =	vld [tilespmem:s15+$0xFFFFFF70];
	[tilespmem:s17+$0xFFFFFF70] =	vst v17;
	v17 =	vbroadcast v13, $0x7  }
0x3c1: {  	v29 =	vbroadcast v10, $0x3;
	v30 =	vbroadcast v11, $0x2;
	[tilespmem:s17+$0xFFFFFF80] =	vst v18;
	v18 =	vunpack.i.u.bf16.f32 v23  }
0x3c2: {  	v31 =	vbroadcast v11, $0x3;
	v13 =	vunpack.i.l.bf16.f32 v23;
	v32 =	vld [tilespmem:s15+$0xFFFFFFC0];
	[tilespmem:s17+$0x0] =	vst v16;
	v16 =	vmul.f32 v18, v17  }
0x3c3: {  	v23 =	vbroadcast v9, $0x3;
	v18 =	vbroadcast v9, $0x2;
	v17 =	vunpack.i.u.bf16.f32 v27;
	[tilespmem:s17+$0x10] =	vst v24  }
0x3c4: {  	v33 =	vbroadcast v7, $0x3;
	v24 =	vunpack.i.l.bf16.f32 v27;
	v27 =	vbroadcast v7, $0x2;
	v34 =	vld [tilespmem:s15+$0x10];
	[tilespmem:s17+$0x220] =	vst v16  }
0x3c5: {  	v36 =	vbroadcast v5, $0x3;
	v35 =	vbroadcast v5, $0x2;
	v16 =	vunpack.i.u.bf16.f32 v28;
	[tilespmem:s17+$0x90] =	vst v19  }
0x3c6: {  	v19 =	vunpack.i.l.bf16.f32 v28;
	v28 =	vbroadcast v6, $0x3;
	[tilespmem:s17+$0xA0] =	vst v15;
	v15 =	vbroadcast v6, $0x2  }
0x3c7: {  	v39 =	vbroadcast v4, $0x3;
	v37 =	vunpack.i.u.bf16.f32 v32;
	v38 =	vld [tilespmem:s15+$0x60];
	[tilespmem:s17+$0x120] =	vst v22;
	v22 =	vbroadcast v4, $0x2  }
0x3c8: {  	v20 =	vmul.f32 v20, v29;
	v25 =	vmul.f32 v25, v26;
	v26 =	vunpack.i.l.bf16.f32 v32;
	[tilespmem:s17+$0x130] =	vst v21  }
0x3c9: {  	v21 =	vmul.f32 v24, v30;
	v24 =	vunpack.i.u.bf16.f32 v34;
	v29 =	vunpack.i.l.bf16.f32 v34;
	v30 =	vld [tilespmem:s15+$0xB0];
	[tilespmem:s24+$0x100] =	vst v14  }
0x3ca: {  	v14 =	vmul.f32 v17, v31;
	v17 =	vmul.f32 v19, v18;
	[tilespmem:s17+$0xFFFFFDE0] =	vst v25  }
0x3cb: {  	v16 =	vmul.f32 v16, v23;
	v18 =	vmul.f32 v26, v27;
	[tilespmem:s17+$0xFFFFFDF0] =	vst v20  }
0x3cc: {  	v20 =	vmul.f32 v37, v33;
	v19 =	vld [tilespmem:s15+$0xFFFFFEE0];
	[tilespmem:s17+$0xFFFFFE70] =	vst v21;
	v21 =	vunpack.i.u.bf16.f32 v38;
	v23 =	vunpack.i.l.bf16.f32 v38  }
0x3cd: {  	v24 =	vmul.f32 v24, v36;
	[tilespmem:s17+$0xFFFFFE80] =	vst v14;
	v14 =	vmul.f32 v29, v35  }
0x3ce: {  	v15 =	vmul.f32 v23, v15;
	v25 =	vld [tilespmem:s15+$0xFFFFFF30];
	[tilespmem:s17+$0xFFFFFF00] =	vst v17;
	v17 =	vunpack.i.u.bf16.f32 v30;
	v23 =	vunpack.i.l.bf16.f32 v30  }
0x3cf: {  	[tilespmem:s17+$0xFFFFFF10] =	vst v16;
	v16 =	vmul.f32 v21, v28;
	v21 =	vmul.f32 v23, v22  }
0x3d0: {  	v22 =	vbroadcast v10, $0x4;
	v17 =	vmul.f32 v17, v39;
	v23 =	vld [tilespmem:s15+$0xFFFFFF80];
	[tilespmem:s17+$0xFFFFFF90] =	vst v18  }
0x3d1: {  	v26 =	vbroadcast v10, $0x5;
	v27 =	vbroadcast v11, $0x4;
	v18 =	vunpack.i.u.bf16.f32 v19;
	[tilespmem:s17+$0xFFFFFFA0] =	vst v20  }
0x3d2: {  	v28 =	vbroadcast v9, $0x4;
	v19 =	vunpack.i.l.bf16.f32 v19;
	v20 =	vbroadcast v11, $0x5;
	v29 =	vld [tilespmem:s15+$0xFFFFFFD0];
	[tilespmem:s17+$0x20] =	vst v14  }
0x3d3: {  	v31 =	vbroadcast v7, $0x4;
	v30 =	vbroadcast v9, $0x5;
	v14 =	vunpack.i.u.bf16.f32 v25;
	[tilespmem:s17+$0x30] =	vst v24  }
0x3d4: {  	v33 =	vbroadcast v5, $0x4;
	v24 =	vunpack.i.l.bf16.f32 v25;
	v25 =	vbroadcast v7, $0x5;
	v32 =	vld [tilespmem:s15+$0x20];
	[tilespmem:s17+$0xB0] =	vst v15  }
0x3d5: {  	v34 =	vbroadcast v5, $0x5;
	v35 =	vbroadcast v6, $0x4;
	v15 =	vunpack.i.u.bf16.f32 v23;
	[tilespmem:s17+$0xC0] =	vst v16  }
0x3d6: {  	v36 =	vbroadcast v6, $0x5;
	v37 =	vbroadcast v4, $0x4;
	v16 =	vunpack.i.l.bf16.f32 v23;
	v23 =	vld [tilespmem:s15+$0x70];
	[tilespmem:s17+$0x140] =	vst v21  }
0x3d7: {  	v38 =	vbroadcast v4, $0x5;
	v21 =	vunpack.i.u.bf16.f32 v29;
	v29 =	vunpack.i.l.bf16.f32 v29;
	[tilespmem:s17+$0x150] =	vst v17  }
0x3d8: {  	v18 =	vmul.f32 v18, v26;
	v17 =	vmul.f32 v19, v22;
	v26 =	vld [tilespmem:s15+$0xC0]  }
0x3d9: {  	v22 =	vmul.f32 v24, v27;
	v24 =	vunpack.i.u.bf16.f32 v32;
	v27 =	vunpack.i.l.bf16.f32 v32  }
0x3da: {  	v14 =	vmul.f32 v14, v20;
	[tilespmem:s17+$0xFFFFFE00] =	vst v17;
	v17 =	vmul.f32 v16, v28  }
0x3db: {  	v15 =	vmul.f32 v15, v30;
	[tilespmem:s17+$0xFFFFFE10] =	vst v18;
	v18 =	vunpack.i.u.bf16.f32 v23;
	v20 =	vunpack.i.l.bf16.f32 v23  }
.Ltmp4:
0x3dc: {  	v28 =	vmul.f32 v29, v31;
	v23 =	vmul.f32 v21, v25;
	v19 =	vld [tilespmem:s15+$0xFFFFFEF0];
	[tilespmem:s17+$0xFFFFFE90] =	vst v22;
	(pc) =	sbr.rel @p0 .LBB2_7-.Ltmp4, $4  }
0x3dd: {  	v22 =	vmul.f32 v27, v33;
	[tilespmem:s17+$0xFFFFFEA0] =	vst v14;
	v25 =	vunpack.i.u.bf16.f32 v26;
	v14 =	vunpack.i.l.bf16.f32 v26  }
0x3de: {  	v24 =	vmul.f32 v24, v34;
	v21 =	vmul.f32 v20, v35;
	v16 =	vld [tilespmem:s15+$0xFFFFFF40];
	[tilespmem:s17+$0xFFFFFF20] =	vst v17  }
0x3df: {  	v20 =	vmul.f32 v18, v36;
	v17 =	vmul.f32 v14, v37;
	[tilespmem:s17+$0xFFFFFF30] =	vst v15  }
0x3e0: {  	v18 =	vmul.f32 v25, v38;
	s15 =	sadd.s32 $0x280, s15;
	v15 =	vbroadcast v10, $0x6;
	v14 =	vld [tilespmem:s25+$0xFFFFFF90];
	[tilespmem:s17+$0xFFFFFFB0] =	vst v28  }
0x3e1: {  	[tilespmem:s17+$0xFFFFFFC0] =	vst v23  }
0x3e2: {  	[tilespmem:s17+$0x40] =	vst v22  }
0x3e3: {  	[tilespmem:s17+$0x50] =	vst v24  }
0x3e4: {  	[tilespmem:s17+$0xD0] =	vst v21  }
0x3e5: {  	v10 =	vbroadcast v10, $0x7;
	v21 =	vunpack.i.l.bf16.f32 v19;
	[tilespmem:s17+$0xE0] =	vst v20  }
0x3e6: {  	v19 =	vunpack.i.u.bf16.f32 v19;
	v20 =	vbroadcast v11, $0x6;
	[tilespmem:s17+$0x160] =	vst v17;
	v1 =	vmul.f32 v12, v1  }
0x3e7: {  	v11 =	vbroadcast v11, $0x7;
	[tilespmem:s17+$0x170] =	vst v18;
	v10 =	vmul.f32 v19, v10  }
0x3e8: {  	v2 =	vmul.f32 v8, v2;
	v17 =	vunpack.i.l.bf16.f32 v16;
	v16 =	vunpack.i.u.bf16.f32 v16;
	[tilespmem:s24+$0x180] =	vst v1  }
0x3e9: {  	v11 =	vmul.f32 v16, v11;
	[tilespmem:s17+$0xFFFFFE30] =	vst v10;
	v10 =	vld [tilespmem:s25+$0xFFFFFFE0]  }
0x3ea: {  	v3 =	vmul.f32 v13, v3;
	v15 =	vmul.f32 v21, v15;
	[tilespmem:s24+$0x190] =	vst v2  }
0x3eb: {  	v18 =	vbroadcast v9, $0x6;
	v9 =	vbroadcast v9, $0x7;
	[tilespmem:s17+$0xFFFFFEC0] =	vst v11;
	v11 =	vld [tilespmem:s25+$0x30]  }
0x3ec: {  	v17 =	vmul.f32 v17, v20;
	[tilespmem:s17+$0xFFFFFE20] =	vst v15;
	v15 =	vunpack.i.l.bf16.f32 v14;
	v14 =	vunpack.i.u.bf16.f32 v14  }
0x3ed: {  	v12 =	vbroadcast v7, $0x6;
	v8 =	vld [tilespmem:s25+$0x80];
	[tilespmem:s17+$0x210] =	vst v3;
	v9 =	vmul.f32 v14, v9  }
0x3ee: {  	v7 =	vbroadcast v7, $0x7;
	v15 =	vmul.f32 v15, v18;
	[tilespmem:s17+$0xFFFFFEB0] =	vst v17;
	v1 =	vunpack.i.l.bf16.f32 v10  }
0x3ef: {  	v2 =	vld [tilespmem:s25+$0xD0];
	[tilespmem:s17+$0xFFFFFF50] =	vst v9;
	v9 =	vbroadcast v5, $0x6;
	v10 =	vunpack.i.u.bf16.f32 v10;
	v1 =	vmul.f32 v1, v12  }
0x3f0: {  	[tilespmem:s17+$0xFFFFFF40] =	vst v15;
	v5 =	vbroadcast v5, $0x7;
	v3 =	vunpack.i.l.bf16.f32 v11;
	v7 =	vmul.f32 v10, v7  }
0x3f1: {  	v10 =	vbroadcast v6, $0x6;
	v11 =	vunpack.i.u.bf16.f32 v11;
	v3 =	vmul.f32 v3, v9;
	[tilespmem:s17+$0xFFFFFFD0] =	vst v1  }
0x3f2: {  	v5 =	vmul.f32 v11, v5;
	v1 =	vbroadcast v6, $0x7;
	v6 =	vunpack.i.l.bf16.f32 v8;
	[tilespmem:s17+$0xFFFFFFE0] =	vst v7  }
0x3f3: {  	v7 =	vbroadcast v4, $0x6;
	v8 =	vunpack.i.u.bf16.f32 v8;
	v6 =	vmul.f32 v6, v10;
	[tilespmem:s17+$0x60] =	vst v3  }
0x3f4: {  	v3 =	vbroadcast v4, $0x7;
	v4 =	vunpack.i.l.bf16.f32 v2;
	[tilespmem:s17+$0x70] =	vst v5;
	v1 =	vmul.f32 v8, v1  }
0x3f5: {  	v2 =	vunpack.i.u.bf16.f32 v2;
	v4 =	vmul.f32 v4, v7;
	[tilespmem:s17+$0xF0] =	vst v6  }
0x3f6: {  	p0 =	seq.s32 s19, $0x1F;
	[tilespmem:s17+$0x100] =	vst v1;
	v1 =	vmul.f32 v2, v3  }
0x3f7: {  	s14 =	sadd.s32 @!p0 s18, s16;
	[tilespmem:s17+$0x180] =	vst v4  }
0x3f8: {  	s14 =	sshrl.u32 @!p0 s14, $0x3;
	[tilespmem:s17+$0x190] =	vst v1  }
0x3f9: {  	[spmem:s2] =	stream.indirect.scatter.add.f32 [tilespmem:s0], [sflag:$0x2], $0x90, s20, s23, $0xb8;
	[tilespmem:$0x1FC00] =	vst v63  }
0x3fa: {  	s22 =	simm.s32 @!p0 $0x16380;
	s15 =	sadd.s32 @!p0 s6, s14;
	s17 =	simm.s32 @!p0 $0x0  }
0x3fb: {  	[tilespmem:s22], [sflag:$0x5] =	stream.linear.gather @!p0 [hbm4b:s15+s17], $0x50, $0x38;
	[tilespmem:$0x1FC00] =	vst v63  }
0x3fc: {  	s15 =	simm.s32 @!p0 $0x5  }
0x3fd: {  	_ =	swait.ge @!p0 [sflag:s15], $0x50  }
0x3fe: {  	[sflag:s15] =	ssyncset.done @!p0 $0x0  }
0x3ff: {  	s24 =	simm.s32 @!p0 $0x163D0;
	s14 =	sadd.s32 @!p0 s7, s14;
	[sflag:s15] =	ssyncadd.s32 @!p0 $0xFFFFFFB0  }
0x400: {  	[tilespmem:s24], [sflag:$0x5] =	stream.linear.gather @!p0 [hbm4b:s14+s17], $0x50, $0x38;
	[tilespmem:$0x1FC00] =	vst v63  }
0x401: {  	_ =	swait.ge @!p0 [sflag:s15], $0x50  }
0x402: {  	[sflag:s15] =	ssyncset.done @!p0 $0x0  }
0x403: {  	s14 =	simm.s32 @!p0 $0x50;
	[sflag:s15] =	ssyncadd.s32 @!p0 $0xFFFFFFB0;
	s15 =	simm.s32 @!p0 $0x16600  }
0x404: {  	[tilespmem:s15], [sflag:$0x1] =	stream.indirect.gather @!p0 [hbm4b:s5+s14], $0x50, s22, s14, $0xb8;
	[tilespmem:$0x1FC00] =	vst v63  }
0x405: {  	s15 =	simm.s32 @!p0 $0x17F00  }
0x406: {  	[tilespmem:s15], [sflag:$0x1] =	stream.indirect.gather @!p0 [hbm4b:s1+s14], $0x10, s24, s14, $0xb8;
	[tilespmem:$0x1FC00] =	vst v63  }
0x407: {  	_ =	swait.ge [sflag:s13], $0x2D00  }
0x408: {  	[sflag:s13] =	ssyncset.done $0x0  }
0x409: {  	[sflag:s13] =	ssyncadd.s32 $0xFFFFD300  }
0x40a: {  	_ =	swait.ge [sflag:s8], $0x1900  }
0x40b: {  	[sflag:s8] =	ssyncset.done $0x0  }
0x40c: {  	[sflag:s8] =	ssyncadd.s32 $0xFFFFE700  }
0x40d: {  	_ =	swait.ge [sflag:s8], $0x500  }
0x40e: {  	[sflag:s8] =	ssyncset.done $0x0  }
0x40f: {  	s14 =	simm.s32 $0x1B240;
	[sflag:s8] =	ssyncadd.s32 $0xFFFFFB00  }
0x410: {  	s25 =	simm.s32 $0x1CA40;
	v1 =	vld [tilespmem:s14+$0x130]  }
0x411: {  	v2 =	vld [tilespmem:s25+$0x30];
	_ =	sdelay $0x3  }
0x412: {  	v1 =	vunpack.i.l.bf16.f32 v1  }
0x413: {  	v3 =	vld [tilespmem:s14+$0xFFFFFF50];
	v1 =	vadd.f32 v2, v1  }
0x414: {  	v4 =	vld [tilespmem:s14+$0xFFFFFFA0]  }
0x415: {  	v5 =	vld [tilespmem:s14+$0xFFFFFFF0];
	v7 =	vmul.f32 $2.000000030e-01, v1  }
0x416: {  	v10 =	vld [tilespmem:s25+$0xFFFFFFD0];
	v2 =	vperm.xlane v2, v0  }
0x417: {  	v8 =	vld [tilespmem:s14+$0x90];
	v1 =	vmax.f32 v1, v7  }
0x418: {  	v9 =	vld [tilespmem:s14+$0xE0];
	v1 =	vsub.f32 v1, v2  }
0x419: {  	v7 =	vld [tilespmem:s14+$0xFFFFFF00]  }
0x41a: {  	v3 =	vunpack.i.l.bf16.f32 v3;
	v2 =	vld [tilespmem:s25+$0xFFFFFFC0];
	v1 =	vmul.f32 $1.442695020e+00, v1  }
0x41b: {  	v13 =	vld [tilespmem:s25+$0x10];
	v3 =	vadd.f32 v10, v3  }
0x41c: {  	v11 =	vld [tilespmem:s25+$0xFFFFFFE0];
	(erf) = vpow2.f32 v1  }
0x41d: {  	v14 =	vld [tilespmem:s25+$0x20];
	v16 =	vmul.f32 $2.000000030e-01, v3  }
0x41e: {  	v12 =	vld [tilespmem:s25+$0xFFFFFFF0];
	v1 =	vunpack.i.l.bf16.f32 v4;
	v4 =	vunpack.i.l.bf16.f32 v5;
	v5 =	vunpack.i.l.bf16.f32 v7  }
0x41f: {  	v6 =	vld [tilespmem:s14+$0x40];
	v8 =	vunpack.i.l.bf16.f32 v8;
	v15 =	vperm.xlane v10, v0;
	v5 =	vadd.f32 v2, v5  }
0x420: {  	v9 =	vunpack.i.l.bf16.f32 v9;
	v8 =	vadd.f32 v13, v8;
	v3 =	vmax.f32 v3, v16  }
0x421: {  	v13 =	vperm.xlane v13, v0;
	v3 =	vsub.f32 v3, v15;
	v7 =	vld [tilespmem:s25+$0x0];
	v10 =	vmul.f32 $2.000000030e-01, v5  }
0x422: {  	v9 =	vadd.f32 v14, v9;
	v14 =	vperm.xlane v14, v0;
	v16 =	vmul.f32 $2.000000030e-01, v8  }
0x423: {  	v3 =	vmul.f32 $1.442695020e+00, v3;
	v1 =	vadd.f32 v11, v1;
	v4 =	vadd.f32 v12, v4  }
0x424: {  	v6 =	vunpack.i.l.bf16.f32 v6;
	v2 =	vperm.xlane v2, v0;
	v11 =	vperm.xlane v11, v0  }
0x425: {  	s24 =	simm.s32 $0x1D140;
	v17 =	vmul.f32 $2.000000030e-01, v1;
	v18 =	vmul.f32 $2.000000030e-01, v4;
	v5 =	vmax.f32 v5, v10;
	v10 =	vpop (erf)  }
0x426: {  	v12 =	vperm.xlane v12, v0;
	v6 =	vadd.f32 v7, v6;
	v7 =	vperm.xlane v7, v0;
	[tilespmem:s24+$0x230] =	vst v10  }
0x427: {  	v1 =	vmax.f32 v1, v17;
	v4 =	vmax.f32 v4, v18;
	v2 =	vsub.f32 v5, v2;
	v5 =	vld [tilespmem:s14+$0xF0]  }
0x428: {  	v1 =	vsub.f32 v1, v11;
	v4 =	vsub.f32 v4, v12;
	v19 =	vmul.f32 $2.000000030e-01, v6  }
0x429: {  	v8 =	vmax.f32 v8, v16;
	v17 =	vmul.f32 $2.000000030e-01, v9;
	v2 =	vmul.f32 $1.442695020e+00, v2  }
0x42a: {  	v1 =	vmul.f32 $1.442695020e+00, v1;
	v4 =	vmul.f32 $1.442695020e+00, v4;
	v6 =	vmax.f32 v6, v19  }
0x42b: {  	v6 =	vsub.f32 v6, v7;
	(erf) = vpow2.f32 v2;
	v2 =	vbroadcast v10, $0x0  }
0x42c: {  	v7 =	vbroadcast v10, $0x1;
	(erf) = vpow2.f32 v3;
	v3 =	vunpack.i.l.bf16.f32 v5  }
0x42d: {  	(erf) = vpow2.f32 v1;
	v1 =	vunpack.i.u.bf16.f32 v5;
	v2 =	vmul.f32 v2, v3  }
0x42e: {  	v9 =	vmax.f32 v9, v17;
	v3 =	vsub.f32 v8, v13;
	v1 =	vmul.f32 v7, v1  }
0x42f: {  	(erf) = vpow2.f32 v4;
	v4 =	vsub.f32 v9, v14;
	[tilespmem:s24+$0x1B0] =	vst v2  }
0x430: {  	v5 =	vmul.f32 $1.442695020e+00, v6;
	v2 =	vmul.f32 $1.442695020e+00, v3;
	[tilespmem:s24+$0x1C0] =	vst v1  }
0x431: {  	v35 =	vbroadcast v10, $0x5;
	v1 =	vmul.f32 $1.442695020e+00, v4;
	v4 =	vld [tilespmem:s14+$0x100]  }
0x432: {  	v9 =	vbroadcast v10, $0x3;
	(erf) = vpow2.f32 v5  }
0x433: {  	v7 =	vbroadcast v10, $0x2;
	(erf) = vpow2.f32 v2  }
0x434: {  	v3 =	vbroadcast v10, $0x6;
	(erf) = vpow2.f32 v1;
	v2 =	vpop (erf)  }
0x435: {  	v11 =	vbroadcast v2, $0x0;
	v1 =	vpop (erf);
	v12 =	vbroadcast v2, $0x1  }
0x436: {  	[tilespmem:s24+$0xFFFFFE40] =	vst v2;
	v8 =	vunpack.i.l.bf16.f32 v4;
	v14 =	vbroadcast v1, $0x0;
	v16 =	vbroadcast v1, $0x1  }
0x437: {  	v13 =	vld [tilespmem:s14+$0xFFFFFEC0];
	v4 =	vunpack.i.u.bf16.f32 v4;
	v52 =	vbroadcast v1, $0x6;
	v54 =	vbroadcast v1, $0x7  }
0x438: {  	v5 =	vpop (erf);
	v7 =	vmul.f32 v8, v7;
	v4 =	vmul.f32 v4, v9  }
0x439: {  	v6 =	vpop (erf);
	v18 =	vbroadcast v5, $0x0;
	v19 =	vbroadcast v5, $0x1  }
0x43a: {  	[tilespmem:s24+$0xFFFFFED0] =	vst v1;
	v56 =	vbroadcast v5, $0x7;
	v21 =	vbroadcast v6, $0x0  }
0x43b: {  	v15 =	vld [tilespmem:s14+$0xFFFFFF10];
	v22 =	vbroadcast v6, $0x1;
	v40 =	vbroadcast v6, $0x3;
	[tilespmem:s24+$0x1D0] =	vst v7  }
0x43c: {  	v46 =	vbroadcast v6, $0x5;
	v59 =	vbroadcast v6, $0x6;
	[tilespmem:s24+$0x1E0] =	vst v4;
	v7 =	vpop (erf);
	v4 =	vunpack.i.u.bf16.f32 v13  }
0x43d: {  	v25 =	vld [tilespmem:s14+$0x110];
	v13 =	vunpack.i.l.bf16.f32 v13;
	v23 =	vbroadcast v7, $0x0;
	v24 =	vbroadcast v7, $0x1  }
0x43e: {  	[tilespmem:s24+$0xFFFFFF60] =	vst v5;
	v11 =	vmul.f32 v11, v13;
	v13 =	vbroadcast v10, $0x4  }
0x43f: {  	[tilespmem:s24+$0xFFFFFFF0] =	vst v6;
	v17 =	vld [tilespmem:s14+$0xFFFFFF60];
	v4 =	vmul.f32 v12, v4;
	v10 =	vbroadcast v10, $0x7  }
0x440: {  	v9 =	vpop (erf);
	[tilespmem:s24+$0x80] =	vst v7;
	v29 =	vunpack.i.u.bf16.f32 v15;
	v42 =	vbroadcast v7, $0x2;
	v48 =	vbroadcast v7, $0x5  }
0x441: {  	v20 =	vld [tilespmem:s14+$0xFFFFFFB0];
	v15 =	vunpack.i.l.bf16.f32 v15;
	v8 =	vpop (erf);
	v26 =	vbroadcast v9, $0x0;
	v27 =	vbroadcast v9, $0x1;
	[tilespmem:s24+$0x110] =	vst v9  }
0x442: {  	v28 =	vld [tilespmem:s14+$0x0];
	v44 =	vbroadcast v9, $0x3;
	v49 =	vbroadcast v9, $0x4;
	[tilespmem:s24+$0x1A0] =	vst v8;
	v12 =	vunpack.i.l.bf16.f32 v25  }
0x443: {  	v51 =	vbroadcast v9, $0x5;
	[tilespmem:s24+$0xFFFFFDC0] =	vst v11;
	v11 =	vunpack.i.u.bf16.f32 v25;
	v12 =	vmul.f32 v12, v13  }
0x444: {  	v32 =	vunpack.i.u.bf16.f32 v17;
	v30 =	vbroadcast v8, $0x0;
	v33 =	vld [tilespmem:s14+$0x50];
	[tilespmem:s24+$0xFFFFFDD0] =	vst v4;
	v4 =	vmul.f32 v11, v35  }
0x445: {  	v17 =	vunpack.i.l.bf16.f32 v17;
	v31 =	vbroadcast v8, $0x1;
	v11 =	vmul.f32 v14, v15;
	[tilespmem:s24+$0x1F0] =	vst v12  }
0x446: {  	v34 =	vunpack.i.u.bf16.f32 v20;
	v20 =	vunpack.i.l.bf16.f32 v20;
	v36 =	vld [tilespmem:s14+$0xA0];
	v15 =	vmul.f32 v16, v29;
	[tilespmem:s24+$0x200] =	vst v4  }
0x447: {  	v13 =	vunpack.i.u.bf16.f32 v28;
	v12 =	vmul.f32 v18, v17;
	v17 =	vmul.f32 v19, v32;
	[tilespmem:s24+$0xFFFFFE50] =	vst v11  }
0x448: {  	v14 =	vunpack.i.l.bf16.f32 v28;
	v18 =	vmul.f32 v21, v20;
	v11 =	vmul.f32 v22, v34;
	[tilespmem:s24+$0xFFFFFE60] =	vst v15  }
0x449: {  	v16 =	vunpack.i.u.bf16.f32 v33;
	v14 =	vmul.f32 v23, v14;
	v13 =	vmul.f32 v24, v13;
	[tilespmem:s24+$0xFFFFFEE0] =	vst v12  }
0x44a: {  	v20 =	vld [tilespmem:s14+$0xFFFFFED0];
	v19 =	vunpack.i.l.bf16.f32 v33;
	v23 =	vbroadcast v1, $0x2;
	v24 =	vbroadcast v1, $0x3;
	[tilespmem:s24+$0xFFFFFEF0] =	vst v17  }
0x44b: {  	v4 =	vld [tilespmem:s14+$0x120];
	v21 =	vunpack.i.l.bf16.f32 v36;
	v15 =	vmul.f32 v26, v19;
	v12 =	vmul.f32 v27, v16;
	[tilespmem:s24+$0xFFFFFF70] =	vst v18  }
0x44c: {  	v19 =	vunpack.i.u.bf16.f32 v36;
	v18 =	vbroadcast v2, $0x3;
	[tilespmem:s24+$0xFFFFFF80] =	vst v11;
	v26 =	vbroadcast v5, $0x3  }
0x44d: {  	v16 =	vmul.f32 v30, v21;
	v21 =	vld [tilespmem:s14+$0xFFFFFF20];
	v17 =	vmul.f32 v31, v19;
	[tilespmem:s24+$0x0] =	vst v14  }
0x44e: {  	s22 =	simm.s32 $0x1CAC0;
	v19 =	vbroadcast v2, $0x2;
	v22 =	vld [tilespmem:s14+$0xFFFFFF70];
	[tilespmem:s24+$0x10] =	vst v13;
	v13 =	vbroadcast v6, $0x2  }
0x44f: {  	v61 =	vld [tilespmem:s22+$0xFFFFFFE0];
	s25 =	simm.s32 $0x1B4C0;
	[tilespmem:s24+$0xA0] =	vst v12;
	v12 =	vbroadcast v9, $0x2;
	v25 =	vunpack.i.u.bf16.f32 v20;
	v14 =	vunpack.i.l.bf16.f32 v20  }
0x450: {  	v57 =	vld [tilespmem:s25+$0xFFFFFFF0];
	[tilespmem:s24+$0x90] =	vst v15;
	v11 =	vunpack.i.u.bf16.f32 v4;
	v14 =	vmul.f32 v14, v19;
	v19 =	vbroadcast v8, $0x2  }
0x451: {  	v41 =	vld [tilespmem:s14+$0x10];
	[tilespmem:s24+$0x120] =	vst v16;
	v18 =	vmul.f32 v25, v18;
	v4 =	vunpack.i.l.bf16.f32 v4;
	v10 =	vmul.f32 v11, v10  }
0x452: {  	v20 =	vld [tilespmem:s14+$0xFFFFFFC0];
	[tilespmem:s24+$0x130] =	vst v17;
	v11 =	vbroadcast v5, $0x2;
	v3 =	vmul.f32 v4, v3;
	v27 =	vunpack.i.u.bf16.f32 v21  }
0x453: {  	v15 =	vunpack.i.l.bf16.f32 v21;
	v21 =	vbroadcast v7, $0x3;
	v43 =	vunpack.i.u.bf16.f32 v22;
	[tilespmem:s24+$0xFFFFFDE0] =	vst v14  }
0x454: {  	v45 =	vld [tilespmem:s14+$0x60];
	v16 =	vunpack.i.l.bf16.f32 v22;
	v22 =	vbroadcast v8, $0x3;
	[tilespmem:s24+$0xFFFFFDF0] =	vst v18;
	v15 =	vmul.f32 v15, v23  }
0x455: {  	v62 =	vunpack.i.l.bf16.f32 v57;
	v24 =	vmul.f32 v27, v24;
	v11 =	vmul.f32 v16, v11;
	[tilespmem:s24+$0x220] =	vst v10  }
0x456: {  	v63 =	vld [tilespmem:s22+$0xFFFFFFF0];
	v18 =	vunpack.i.l.bf16.f32 v41;
	v16 =	vmul.f32 v43, v26;
	v26 =	vbroadcast v5, $0x5;
	[tilespmem:s24+$0xFFFFFE70] =	vst v15  }
0x457: {  	v23 =	vld [tilespmem:s14+$0xB0];
	v27 =	vbroadcast v6, $0x4;
	v10 =	vperm.xlane v61, v0;
	v17 =	vunpack.i.u.bf16.f32 v20;
	[tilespmem:s24+$0xFFFFFE80] =	vst v24  }
0x458: {  	v14 =	vunpack.i.l.bf16.f32 v20;
	v20 =	vunpack.i.u.bf16.f32 v41;
	v18 =	vmul.f32 v18, v42;
	[tilespmem:s24+$0xFFFFFF00] =	vst v11  }
0x459: {  	v60 =	vld [tilespmem:s25+$0x40];
	v13 =	vmul.f32 v14, v13;
	v15 =	vmul.f32 v17, v40;
	v17 =	vunpack.i.u.bf16.f32 v45;
	[tilespmem:s24+$0xFFFFFF10] =	vst v16  }
0x45a: {  	v14 =	vld [tilespmem:s14+$0xFFFFFEE0];
	v24 =	vunpack.i.l.bf16.f32 v45;
	v20 =	vmul.f32 v20, v21;
	v40 =	vbroadcast v9, $0x6;
	[tilespmem:s24+$0x20] =	vst v18  }
0x45b: {  	v28 =	vadd.f32 v63, v62;
	v11 =	vld [tilespmem:s14+$0xFFFFFF30];
	v12 =	vmul.f32 v24, v12;
	v16 =	vmul.f32 v17, v44;
	[tilespmem:s24+$0xFFFFFF90] =	vst v13  }
0x45c: {  	v24 =	vbroadcast v1, $0x5;
	v18 =	vbroadcast v5, $0x4;
	[tilespmem:s24+$0xFFFFFFA0] =	vst v15;
	v21 =	vunpack.i.l.bf16.f32 v23  }
0x45d: {  	v13 =	vld [tilespmem:s14+$0xFFFFFF80];
	v17 =	vunpack.i.u.bf16.f32 v23;
	v23 =	vbroadcast v1, $0x4;
	[tilespmem:s24+$0xB0] =	vst v12;
	v12 =	vbroadcast v7, $0x4  }
0x45e: {  	v44 =	vunpack.i.l.bf16.f32 v60;
	[tilespmem:s24+$0x30] =	vst v20;
	v25 =	vld [tilespmem:s14+$0xFFFFFFD0];
	v19 =	vmul.f32 v21, v19;
	v21 =	vbroadcast v2, $0x4  }
0x45f: {  	v47 =	vld [tilespmem:s14+$0x20];
	v17 =	vmul.f32 v17, v22;
	v22 =	vbroadcast v2, $0x5;
	v15 =	vunpack.i.u.bf16.f32 v14  }
0x460: {  	v41 =	vld [tilespmem:s22+$0xFFFFFFC0];
	v14 =	vunpack.i.l.bf16.f32 v14;
	v20 =	vunpack.i.u.bf16.f32 v11;
	[tilespmem:s24+$0x140] =	vst v19;
	v19 =	vbroadcast v8, $0x4  }
0x461: {  	v45 =	vld [tilespmem:s22+$0x0];
	[tilespmem:s24+$0xC0] =	vst v16;
	v11 =	vunpack.i.l.bf16.f32 v11;
	v14 =	vmul.f32 v14, v21;
	v15 =	vmul.f32 v15, v22  }
0x462: {  	v50 =	vld [tilespmem:s14+$0x70];
	[tilespmem:s24+$0x150] =	vst v17;
	v16 =	vunpack.i.u.bf16.f32 v13;
	v13 =	vunpack.i.l.bf16.f32 v13;
	v11 =	vmul.f32 v11, v23  }
0x463: {  	v20 =	vmul.f32 v20, v24;
	v17 =	vunpack.i.u.bf16.f32 v25;
	v21 =	vunpack.i.l.bf16.f32 v25;
	[tilespmem:s24+$0xFFFFFE00] =	vst v14  }
0x464: {  	v22 =	vld [tilespmem:s14+$0xC0];
	v25 =	vbroadcast v8, $0x5;
	v23 =	vunpack.i.u.bf16.f32 v47;
	v13 =	vmul.f32 v13, v18;
	[tilespmem:s24+$0xFFFFFE10] =	vst v15  }
0x465: {  	v14 =	vunpack.i.l.bf16.f32 v47;
	v15 =	vmul.f32 v16, v26;
	v47 =	vperm.xlane v41, v0;
	[tilespmem:s24+$0xFFFFFE90] =	vst v11  }
0x466: {  	v33 =	vadd.f32 v45, v44;
	v21 =	vmul.f32 v21, v27;
	[tilespmem:s24+$0xFFFFFEA0] =	vst v20;
	v12 =	vmul.f32 v14, v12;
	v14 =	vld [tilespmem:s25+$0x130]  }
0x467: {  	v24 =	vld [tilespmem:s22+$0x30];
	v11 =	vunpack.i.l.bf16.f32 v50;
	v17 =	vmul.f32 v17, v46;
	v27 =	vbroadcast v2, $0x7;
	[tilespmem:s24+$0xFFFFFF20] =	vst v13  }
0x468: {  	v16 =	vunpack.i.u.bf16.f32 v50;
	v18 =	vld [tilespmem:s14+$0xFFFFFEF0];
	v13 =	vmul.f32 v23, v48;
	v23 =	vmul.f32 v11, v49;
	[tilespmem:s24+$0xFFFFFF30] =	vst v15  }
0x469: {  	v15 =	vmul.f32 v16, v51;
	[tilespmem:s24+$0xFFFFFFB0] =	vst v21;
	v21 =	vperm.xlane v63, v0;
	v20 =	vunpack.i.l.bf16.f32 v22  }
0x46a: {  	v39 =	vld [tilespmem:s25+$0xE0];
	[tilespmem:s24+$0xFFFFFFC0] =	vst v17;
	v17 =	vperm.xlane v45, v0;
	v11 =	vunpack.i.u.bf16.f32 v22;
	v16 =	vmul.f32 v20, v19  }
0x46b: {  	v55 =	vld [tilespmem:s25+$0xFFFFFFA0];
	v19 =	vbroadcast v2, $0x6;
	v25 =	vmul.f32 v11, v25;
	v1 =	vunpack.i.l.bf16.f32 v14  }
0x46c: {  	v48 =	vld [tilespmem:s22+$0x20];
	v11 =	vbroadcast v6, $0x7;
	v6 =	vbroadcast v7, $0x6;
	v1 =	vadd.f32 v24, v1  }
0x46d: {  	v22 =	vld [tilespmem:s14+$0xFFFFFF40];
	v7 =	vbroadcast v7, $0x7;
	v26 =	vunpack.i.u.bf16.f32 v18;
	v14 =	vbroadcast v5, $0x6  }
0x46e: {  	v20 =	vld [tilespmem:s14+$0xFFFFFF90];
	v18 =	vunpack.i.l.bf16.f32 v18;
	v5 =	vbroadcast v9, $0x7;
	v2 =	vmul.f32 $2.000000030e-01, v1  }
0x46f: {  	v46 =	vunpack.i.l.bf16.f32 v39;
	v9 =	vld [tilespmem:s25+$0xFFFFFF00];
	v24 =	vperm.xlane v24, v0;
	v18 =	vmul.f32 v18, v19  }
0x470: {  	v26 =	vmul.f32 v26, v27;
	v27 =	vunpack.i.l.bf16.f32 v55;
	v2 =	vmax.f32 v1, v2  }
0x471: {  	v53 =	vld [tilespmem:s25+$0xFFFFFF50];
	[tilespmem:s24+$0x50] =	vst v13;
	v36 =	vadd.f32 v48, v46;
	v13 =	vperm.xlane v48, v0;
	v24 =	vsub.f32 v2, v24  }
0x472: {  	v19 =	vld [tilespmem:s22+$0xFFFFFFD0];
	v27 =	vadd.f32 v61, v27;
	v58 =	vunpack.i.u.bf16.f32 v22;
	v22 =	vunpack.i.l.bf16.f32 v22  }
0x473: {  	v37 =	vld [tilespmem:s25+$0x90];
	v38 =	vunpack.i.u.bf16.f32 v20;
	v20 =	vunpack.i.l.bf16.f32 v20;
	v24 =	vmul.f32 $1.442695020e+00, v24  }
0x474: {  	v22 =	vmul.f32 v22, v52;
	v30 =	vmul.f32 v58, v54;
	v9 =	vunpack.i.l.bf16.f32 v9  }
0x475: {  	v51 =	vmul.f32 $2.000000030e-01, v27;
	v9 =	vadd.f32 v41, v9;
	(erf) = vpow2.f32 v24  }
0x476: {  	v1 =	vbroadcast v8, $0x6;
	v2 =	vbroadcast v8, $0x7;
	v8 =	vunpack.i.l.bf16.f32 v53  }
0x477: {  	v52 =	vmul.f32 $2.000000030e-01, v28;
	v8 =	vadd.f32 v19, v8;
	v49 =	vmul.f32 $2.000000030e-01, v9  }
0x478: {  	v14 =	vmul.f32 v20, v14;
	v20 =	vunpack.i.l.bf16.f32 v37;
	v27 =	vmax.f32 v27, v51;
	v24 =	vld [tilespmem:s22+$0x10]  }
0x479: {  	v28 =	vmax.f32 v28, v52;
	v50 =	vmul.f32 $2.000000030e-01, v8;
	v9 =	vmax.f32 v9, v49  }
0x47a: {  	v53 =	vmul.f32 $2.000000030e-01, v36;
	v19 =	vperm.xlane v19, v0;
	v9 =	vsub.f32 v9, v47  }
0x47b: {  	[tilespmem:s24+$0x40] =	vst v12;
	v10 =	vsub.f32 v27, v10;
	v21 =	vsub.f32 v28, v21;
	v29 =	vmax.f32 v8, v50  }
0x47c: {  	[tilespmem:s24+$0xFFFFFE20] =	vst v18;
	v18 =	vmax.f32 v36, v53;
	v19 =	vsub.f32 v29, v19;
	v9 =	vmul.f32 $1.442695020e+00, v9  }
0x47d: {  	[tilespmem:s24+$0xE0] =	vst v15;
	v20 =	vadd.f32 v24, v20;
	v12 =	vperm.xlane v24, v0;
	v24 =	vmul.f32 $2.000000030e-01, v33  }
0x47e: {  	s17 =	simm.s32 $0x1D5C0;
	[tilespmem:s24+$0x160] =	vst v16;
	v10 =	vmul.f32 $1.442695020e+00, v10;
	v13 =	vsub.f32 v18, v13;
	v16 =	vmul.f32 $1.442695020e+00, v19;
	v8 =	vpop (erf)  }
0x47f: {  	v19 =	vmul.f32 $1.442695020e+00, v21;
	(erf) = vpow2.f32 v9;
	v9 =	vld [tilespmem:s14+$0xFFFFFFE0];
	v15 =	vmax.f32 v33, v24;
	[tilespmem:s17+$0x230] =	vst v8  }
0x480: {  	[tilespmem:s24+$0xD0] =	vst v23;
	(erf) = vpow2.f32 v16;
	v23 =	vmul.f32 $2.000000030e-01, v20;
	v15 =	vsub.f32 v15, v17;
	v24 =	vld [tilespmem:s25+$0xF0]  }
0x481: {  	v13 =	vmul.f32 $1.442695020e+00, v13;
	(erf) = vpow2.f32 v10  }
0x482: {  	(erf) = vpow2.f32 v19;
	v17 =	vmax.f32 v20, v23;
	v15 =	vmul.f32 $1.442695020e+00, v15  }
0x483: {  	[tilespmem:s24+$0x210] =	vst v3;
	v10 =	vld [tilespmem:s14+$0x30];
	v12 =	vsub.f32 v17, v12;
	v17 =	vbroadcast v8, $0x0;
	v20 =	vbroadcast v8, $0x1  }
0x484: {  	[tilespmem:s24+$0x170] =	vst v25;
	v4 =	vunpack.i.l.bf16.f32 v9;
	v3 =	vbroadcast v8, $0x6;
	(erf) = vpow2.f32 v15  }
0x485: {  	[tilespmem:s24+$0xFFFFFE30] =	vst v26;
	v15 =	vmul.f32 v38, v56;
	v12 =	vmul.f32 $1.442695020e+00, v12;
	v16 =	vunpack.i.l.bf16.f32 v24  }
0x486: {  	[tilespmem:s24+$0xFFFFFF40] =	vst v14;
	v4 =	vmul.f32 v4, v59;
	v21 =	vunpack.i.u.bf16.f32 v24;
	v16 =	vmul.f32 v17, v16  }
0x487: {  	v9 =	vunpack.i.u.bf16.f32 v9;
	[tilespmem:s24+$0xFFFFFF50] =	vst v15;
	(erf) = vpow2.f32 v12;
	v14 =	vmul.f32 v20, v21  }
0x488: {  	v38 =	vbroadcast v8, $0x5;
	(erf) = vpow2.f32 v13;
	v13 =	vunpack.i.l.bf16.f32 v10;
	[tilespmem:s17+$0x1B0] =	vst v16  }
0x489: {  	v15 =	vmul.f32 v9, v11;
	v17 =	vld [tilespmem:s14+$0x80];
	[tilespmem:s17+$0x1C0] =	vst v14;
	v14 =	vunpack.i.u.bf16.f32 v10;
	v10 =	vpop (erf);
	v16 =	vmul.f32 v13, v6  }
0x48a: {  	[tilespmem:s24+$0xFFFFFEB0] =	vst v22;
	v14 =	vmul.f32 v14, v7;
	v11 =	vpop (erf);
	v18 =	vbroadcast v10, $0x0  }
0x48b: {  	[tilespmem:s24+$0xFFFFFEC0] =	vst v30;
	v20 =	vbroadcast v10, $0x1;
	v21 =	vbroadcast v11, $0x0  }
0x48c: {  	[tilespmem:s24+$0xFFFFFFD0] =	vst v4;
	v12 =	vld [tilespmem:s25+$0x100];
	v9 =	vpop (erf);
	v23 =	vbroadcast v11, $0x1;
	v41 =	vbroadcast v11, $0x2  }
0x48d: {  	[tilespmem:s17+$0xFFFFFE40] =	vst v10;
	v52 =	vbroadcast v11, $0x5;
	v24 =	vbroadcast v9, $0x0  }
0x48e: {  	[tilespmem:s24+$0xFFFFFFE0] =	vst v15;
	v19 =	vld [tilespmem:s25+$0xFFFFFEC0];
	v4 =	vunpack.i.l.bf16.f32 v17;
	v25 =	vbroadcast v9, $0x1;
	v42 =	vbroadcast v9, $0x2  }
0x48f: {  	[tilespmem:s17+$0xFFFFFED0] =	vst v11;
	v6 =	vunpack.i.u.bf16.f32 v17;
	v43 =	vbroadcast v9, $0x3;
	v17 =	vmul.f32 v4, v40  }
0x490: {  	[tilespmem:s24+$0x60] =	vst v16;
	v7 =	vpop (erf);
	v4 =	vbroadcast v8, $0x2;
	v13 =	vmul.f32 v6, v5  }
0x491: {  	[tilespmem:s17+$0xFFFFFF60] =	vst v9;
	v22 =	vld [tilespmem:s25+$0xFFFFFF10];
	v6 =	vbroadcast v8, $0x3;
	v26 =	vbroadcast v7, $0x1;
	v5 =	vunpack.i.l.bf16.f32 v12  }
0x492: {  	[tilespmem:s24+$0x70] =	vst v14;
	v54 =	vld [tilespmem:s25+$0xFFFFFF60];
	v44 =	vbroadcast v7, $0x2;
	v12 =	vunpack.i.u.bf16.f32 v12;
	v4 =	vmul.f32 v5, v4  }
0x493: {  	[tilespmem:s17+$0xFFFFFFF0] =	vst v7;
	v12 =	vmul.f32 v12, v6;
	v55 =	vunpack.i.u.bf16.f32 v19;
	v19 =	vunpack.i.l.bf16.f32 v19  }
0x494: {  	v45 =	vbroadcast v7, $0x3;
	v18 =	vmul.f32 v18, v19;
	[tilespmem:s17+$0x1D0] =	vst v4  }
0x495: {  	v58 =	vld [tilespmem:s25+$0xFFFFFFB0];
	v19 =	vbroadcast v8, $0x4;
	v14 =	vmul.f32 v20, v55;
	[tilespmem:s17+$0x1E0] =	vst v12  }
0x496: {  	[tilespmem:s24+$0xF0] =	vst v17;
	v16 =	vunpack.i.l.bf16.f32 v22;
	v55 =	vbroadcast v7, $0x4;
	v5 =	vpop (erf);
	v12 =	vbroadcast v7, $0x0;
	v27 =	vld [tilespmem:s25+$0x110]  }
0x497: {  	v17 =	vunpack.i.u.bf16.f32 v54;
	v16 =	vmul.f32 v21, v16;
	[tilespmem:s17+$0x80] =	vst v5;
	v56 =	vbroadcast v5, $0x0  }
0x498: {  	v57 =	vbroadcast v5, $0x1;
	[tilespmem:s17+$0xFFFFFDC0] =	vst v18;
	v17 =	vmul.f32 v25, v17  }
0x499: {  	v61 =	vunpack.i.u.bf16.f32 v22;
	v6 =	vpop (erf);
	[tilespmem:s17+$0xFFFFFDD0] =	vst v14;
	v25 =	vbroadcast v10, $0x2;
	v47 =	vbroadcast v5, $0x2;
	v15 =	vld [tilespmem:s25+$0x0]  }
0x49a: {  	v39 =	vunpack.i.u.bf16.f32 v58;
	v4 =	vpop (erf);
	[tilespmem:s17+$0x110] =	vst v6;
	v59 =	vbroadcast v6, $0x0;
	v60 =	vbroadcast v6, $0x1  }
0x49b: {  	[tilespmem:s17+$0xFFFFFE50] =	vst v16;
	v49 =	vbroadcast v6, $0x3;
	v62 =	vbroadcast v4, $0x0;
	v22 =	vld [tilespmem:s25+$0x50];
	v20 =	vunpack.i.l.bf16.f32 v27  }
0x49c: {  	[tilespmem:s17+$0x1A0] =	vst v4;
	v63 =	vbroadcast v4, $0x1;
	v18 =	vunpack.i.u.bf16.f32 v27;
	v19 =	vmul.f32 v20, v19  }
0x49d: {  	[tilespmem:s17+$0xFFFFFEF0] =	vst v17;
	v20 =	vunpack.i.l.bf16.f32 v54;
	v14 =	vmul.f32 v18, v38;
	v18 =	vunpack.i.l.bf16.f32 v58  }
0x49e: {  	v40 =	vunpack.i.u.bf16.f32 v15;
	v54 =	vbroadcast v9, $0x5;
	v20 =	vmul.f32 v24, v20;
	[tilespmem:s17+$0x1F0] =	vst v19  }
0x49f: {  	v27 =	vld [tilespmem:s25+$0xA0];
	v15 =	vunpack.i.l.bf16.f32 v15;
	v58 =	vbroadcast v5, $0x5;
	v12 =	vmul.f32 v12, v18;
	[tilespmem:s17+$0x200] =	vst v14  }
0x4a0: {  	v21 =	vunpack.i.u.bf16.f32 v22;
	v18 =	vunpack.i.l.bf16.f32 v22;
	v22 =	vmul.f32 v26, v39;
	[tilespmem:s17+$0xFFFFFEE0] =	vst v20  }
0x4a1: {  	v16 =	vld [tilespmem:s14+$0xD0];
	v15 =	vmul.f32 v56, v15;
	v19 =	vmul.f32 v23, v61;
	[tilespmem:s17+$0xFFFFFF70] =	vst v12  }
0x4a2: {  	v24 =	vmul.f32 v57, v40;
	v26 =	vbroadcast v10, $0x3;
	v14 =	vld [tilespmem:s25+$0x120];
	[tilespmem:s17+$0xFFFFFF80] =	vst v22  }
0x4a3: {  	v56 =	vbroadcast v7, $0x5;
	v18 =	vmul.f32 v59, v18;
	[tilespmem:s17+$0xFFFFFE60] =	vst v19;
	v19 =	vld [tilespmem:s25+$0xFFFFFED0]  }
0x4a4: {  	v21 =	vmul.f32 v60, v21;
	[tilespmem:s17+$0x0] =	vst v15;
	v23 =	vunpack.i.l.bf16.f32 v27;
	v20 =	vunpack.i.u.bf16.f32 v27;
	v27 =	vld [tilespmem:s25+$0xFFFFFF70]  }
0x4a5: {  	v59 =	vbroadcast v6, $0x4;
	v61 =	vbroadcast v6, $0x5;
	[tilespmem:s17+$0x10] =	vst v24;
	v24 =	vld [tilespmem:s25+$0xFFFFFFC0]  }
0x4a6: {  	v12 =	vbroadcast v8, $0x7;
	[tilespmem:s17+$0x90] =	vst v18;
	v17 =	vmul.f32 v62, v23;
	v23 =	vld [tilespmem:s25+$0xFFFFFF20]  }
0x4a7: {  	[tilespmem:s17+$0xA0] =	vst v21;
	v21 =	vbroadcast v6, $0x2;
	v20 =	vmul.f32 v63, v20;
	v22 =	vunpack.i.u.bf16.f32 v14  }
0x4a8: {  	[tilespmem:s17+$0x120] =	vst v17;
	v12 =	vmul.f32 v22, v12;
	v15 =	vunpack.i.u.bf16.f32 v19;
	v19 =	vunpack.i.l.bf16.f32 v19  }
0x4a9: {  	v8 =	vunpack.i.u.bf16.f32 v16;
	v50 =	vld [tilespmem:s25+$0x60];
	v62 =	vbroadcast v4, $0x5;
	[tilespmem:s17+$0x130] =	vst v20;
	v17 =	vmul.f32 v19, v25  }
0x4aa: {  	v46 =	vld [tilespmem:s25+$0x10];
	v22 =	vbroadcast v11, $0x3;
	v20 =	vunpack.i.u.bf16.f32 v24;
	v15 =	vmul.f32 v15, v26;
	[tilespmem:s17+$0x220] =	vst v12  }
0x4ab: {  	v48 =	vunpack.i.u.bf16.f32 v27;
	v18 =	vunpack.i.l.bf16.f32 v23;
	v20 =	vmul.f32 v20, v45;
	[tilespmem:s17+$0xFFFFFDE0] =	vst v17  }
0x4ac: {  	v19 =	vunpack.i.l.bf16.f32 v27;
	v25 =	vbroadcast v4, $0x2;
	v18 =	vmul.f32 v18, v41;
	[tilespmem:s17+$0xFFFFFDF0] =	vst v15  }
0x4ad: {  	v26 =	vbroadcast v4, $0x3;
	v27 =	vld [tilespmem:s25+$0xB0];
	v12 =	vunpack.i.u.bf16.f32 v23;
	v19 =	vmul.f32 v19, v42;
	[tilespmem:s17+$0xFFFFFFA0] =	vst v20  }
0x4ae: {  	v51 =	vunpack.i.u.bf16.f32 v50;
	v23 =	vbroadcast v5, $0x3;
	v12 =	vmul.f32 v12, v22;
	[tilespmem:s17+$0xFFFFFE70] =	vst v18  }
0x4af: {  	v17 =	vunpack.i.l.bf16.f32 v24;
	v15 =	vunpack.i.l.bf16.f32 v46;
	v22 =	vmul.f32 v48, v43;
	[tilespmem:s17+$0xFFFFFF00] =	vst v19  }
0x4b0: {  	v24 =	vunpack.i.u.bf16.f32 v46;
	v17 =	vmul.f32 v17, v44;
	v18 =	vld [tilespmem:s25+$0xFFFFFEE0];
	v15 =	vmul.f32 v15, v47;
	[tilespmem:s17+$0xFFFFFE80] =	vst v12  }
0x4b1: {  	v23 =	vmul.f32 v24, v23;
	v12 =	vunpack.i.l.bf16.f32 v50;
	[tilespmem:s17+$0xFFFFFF10] =	vst v22;
	v22 =	vmul.f32 v51, v49  }
0x4b2: {  	v19 =	vld [tilespmem:s25+$0xFFFFFF30];
	v21 =	vmul.f32 v12, v21;
	v12 =	vunpack.i.l.bf16.f32 v27;
	v24 =	vunpack.i.u.bf16.f32 v27;
	[tilespmem:s17+$0xFFFFFF90] =	vst v17  }
0x4b3: {  	v27 =	vbroadcast v10, $0x4;
	[tilespmem:s17+$0x20] =	vst v15;
	v25 =	vmul.f32 v12, v25;
	v12 =	vunpack.i.l.bf16.f32 v16;
	v16 =	vld [tilespmem:s25+$0xFFFFFF80]  }
0x4b4: {  	[tilespmem:s17+$0x30] =	vst v23;
	v17 =	vmul.f32 v24, v26;
	v24 =	vbroadcast v10, $0x5;
	v53 =	vld [tilespmem:s25+$0xFFFFFFD0]  }
0x4b5: {  	v26 =	vbroadcast v11, $0x4;
	[tilespmem:s17+$0xB0] =	vst v21;
	v21 =	vbroadcast v5, $0x4;
	v20 =	vunpack.i.u.bf16.f32 v18  }
0x4b6: {  	v57 =	vld [tilespmem:s25+$0x20];
	v15 =	vunpack.i.l.bf16.f32 v18;
	v18 =	vbroadcast v9, $0x4;
	[tilespmem:s17+$0x140] =	vst v25;
	v25 =	vbroadcast v4, $0x4  }
0x4b7: {  	[tilespmem:s17+$0xC0] =	vst v22;
	v15 =	vmul.f32 v15, v27;
	v20 =	vmul.f32 v20, v24  }
0x4b8: {  	v60 =	vld [tilespmem:s25+$0x70];
	[tilespmem:s17+$0x150] =	vst v17;
	v23 =	vunpack.i.u.bf16.f32 v19;
	v19 =	vunpack.i.l.bf16.f32 v19;
	v22 =	vunpack.i.u.bf16.f32 v16  }
0x4b9: {  	[tilespmem:s24+$0x100] =	vst v13;
	v27 =	vld [tilespmem:s25+$0xC0];
	v16 =	vunpack.i.l.bf16.f32 v16;
	v13 =	vunpack.i.u.bf16.f32 v53;
	v19 =	vmul.f32 v19, v26  }
0x4ba: {  	v17 =	vunpack.i.l.bf16.f32 v53;
	[tilespmem:s17+$0xFFFFFE00] =	vst v15;
	v26 =	vmul.f32 v23, v52;
	v16 =	vmul.f32 v16, v18  }
0x4bb: {  	v15 =	vunpack.i.l.bf16.f32 v57;
	[tilespmem:s17+$0xFFFFFE10] =	vst v20;
	v18 =	vmul.f32 v22, v54;
	v63 =	vmul.f32 v17, v55  }
0x4bc: {  	v24 =	vunpack.i.u.bf16.f32 v57;
	v23 =	vmul.f32 v13, v56;
	v22 =	vmul.f32 v15, v21;
	[tilespmem:s17+$0xFFFFFE90] =	vst v19;
	v19 =	vld [tilespmem:s25+$0xFFFFFEF0]  }
0x4bd: {  	v24 =	vmul.f32 v24, v58;
	v15 =	vbroadcast v10, $0x6;
	[tilespmem:s17+$0xFFFFFEA0] =	vst v26  }
0x4be: {  	v20 =	vunpack.i.u.bf16.f32 v60;
	v17 =	vunpack.i.l.bf16.f32 v60;
	v13 =	vunpack.i.l.bf16.f32 v27;
	[tilespmem:s17+$0xFFFFFF20] =	vst v16;
	v16 =	vld [tilespmem:s25+$0xFFFFFF40]  }
0x4bf: {  	v21 =	vmul.f32 v17, v59;
	v26 =	vunpack.i.u.bf16.f32 v27;
	[tilespmem:s17+$0xFFFFFF30] =	vst v18;
	v20 =	vmul.f32 v20, v61  }
0x4c0: {  	s15 =	simm.s32 $0x1B740;
	s14 =	simm.s32 $0x8;
	[tilespmem:s17+$0xFFFFFFB0] =	vst v63;
	v17 =	vmul.f32 v13, v25;
	v13 =	vunpack.i.l.bf16.f32 v14;
	v14 =	vld [tilespmem:s25+$0xFFFFFF90];
	v18 =	vmul.f32 v26, v62  }
.LBB2_9:
0x4c1: {  	v25 =	vld [tilespmem:s15+$0x130];
	v26 =	vunpack.i.u.bf16.f32 v19;
	v27 =	vbroadcast v10, $0x7;
	v28 =	vbroadcast v11, $0x6;
	[tilespmem:s17+$0xFFFFFFC0] =	vst v23;
	s22 =	sadd.s32 $0x80, s22  }
0x4c2: {  	v19 =	vunpack.i.l.bf16.f32 v19;
	v29 =	vbroadcast v11, $0x7;
	v30 =	vbroadcast v9, $0x6;
	v23 =	vld [tilespmem:s22+$0x30];
	[tilespmem:s17+$0x40] =	vst v22  }
0x4c3: {  	v32 =	vbroadcast v9, $0x7;
	v9 =	vbroadcast v7, $0x6;
	v22 =	vld [tilespmem:s15+$0xFFFFFF50];
	v31 =	vunpack.i.u.bf16.f32 v16;
	[tilespmem:s17+$0x50] =	vst v24  }
0x4c4: {  	s14 =	sadd.s32 $0x8, s14;
	v10 =	vbroadcast v7, $0x7;
	v7 =	vbroadcast v5, $0x6;
	v16 =	vunpack.i.l.bf16.f32 v16;
	v24 =	vld [tilespmem:s15+$0xFFFFFFA0];
	[tilespmem:s17+$0xD0] =	vst v21  }
0x4c5: {  	v11 =	vbroadcast v5, $0x7;
	v5 =	vbroadcast v6, $0x6;
	p1 =	slt.u32 s14, $0x48;
	v21 =	vld [tilespmem:s15+$0xFFFFFFF0];
	v33 =	vunpack.i.u.bf16.f32 v14;
	[tilespmem:s17+$0xE0] =	vst v20  }
0x4c6: {  	v6 =	vbroadcast v6, $0x7;
	v20 =	vld [tilespmem:s15+$0x40];
	v25 =	vunpack.i.l.bf16.f32 v25;
	[tilespmem:s17+$0x160] =	vst v17;
	v17 =	vbroadcast v4, $0x6  }
0x4c7: {  	v14 =	vunpack.i.l.bf16.f32 v14;
	v4 =	vbroadcast v4, $0x7;
	v34 =	vld [tilespmem:s15+$0x90];
	v25 =	vadd.f32 v23, v25;
	[tilespmem:s17+$0x170] =	vst v18  }
0x4c8: {  	v15 =	vmul.f32 v19, v15;
	v19 =	vmul.f32 v26, v27;
	v18 =	vunpack.i.l.bf16.f32 v22;
	v22 =	vld [tilespmem:s15+$0xE0]  }
0x4c9: {  	v16 =	vmul.f32 v16, v28;
	v26 =	vld [tilespmem:s15+$0xFFFFFF00];
	v24 =	vunpack.i.l.bf16.f32 v24;
	v27 =	vmul.f32 $2.000000030e-01, v25  }
0x4ca: {  	v23 =	vperm.xlane v23, v0;
	v28 =	vld [tilespmem:s22+$0xFFFFFFC0];
	v21 =	vunpack.i.l.bf16.f32 v21;
	[tilespmem:s17+$0xFFFFFE20] =	vst v15;
	v15 =	vmul.f32 v31, v29  }
0x4cb: {  	v14 =	vmul.f32 v14, v30;
	v29 =	vld [tilespmem:s22+$0xFFFFFFD0];
	v20 =	vunpack.i.l.bf16.f32 v20;
	v25 =	vmax.f32 v25, v27;
	[tilespmem:s17+$0xFFFFFE30] =	vst v19  }
0x4cc: {  	v19 =	vld [tilespmem:s22+$0xFFFFFFE0];
	v27 =	vunpack.i.l.bf16.f32 v34;
	v23 =	vsub.f32 v25, v23;
	[tilespmem:s17+$0xFFFFFEB0] =	vst v16;
	v16 =	vmul.f32 v33, v32  }
0x4cd: {  	v12 =	vmul.f32 v12, v1;
	v8 =	vmul.f32 v8, v2;
	v1 =	vmovc v17;
	v25 =	vld [tilespmem:s22+$0xFFFFFFF0];
	v22 =	vunpack.i.l.bf16.f32 v22;
	[tilespmem:s17+$0xFFFFFEC0] =	vst v15  }
0x4ce: {  	v3 =	vmul.f32 v13, v3;
	v2 =	vmovc v4;
	v15 =	vunpack.i.l.bf16.f32 v26;
	v17 =	vld [tilespmem:s22+$0x0];
	v23 =	vmul.f32 $1.442695020e+00, v23;
	[tilespmem:s17+$0xFFFFFF40] =	vst v14  }
0x4cf: {  	v4 =	vadd.f32 v28, v15;
	v13 =	vperm.xlane v28, v0;
	v14 =	vld [tilespmem:s22+$0x10];
	[tilespmem:s17+$0xFFFFFF50] =	vst v16  }
0x4d0: {  	v15 =	vadd.f32 v29, v18;
	v16 =	vperm.xlane v29, v0;
	v18 =	vld [tilespmem:s22+$0x20];
	(erf) = vpow2.f32 v23;
	[tilespmem:s24+$0x180] =	vst v12  }
0x4d1: {  	v12 =	vmul.f32 $2.000000030e-01, v4;
	v23 =	vadd.f32 v19, v24;
	v19 =	vperm.xlane v19, v0;
	v24 =	vld [tilespmem:s25+$0xFFFFFFE0];
	[tilespmem:s24+$0x190] =	vst v8;
	s24 =	smov.u32 s17  }
0x4d2: {  	v8 =	vmul.f32 $2.000000030e-01, v15;
	v21 =	vadd.f32 v25, v21;
	v25 =	vperm.xlane v25, v0;
	v26 =	vld [tilespmem:s25+$0x30];
	[tilespmem:s17+$0x210] =	vst v3  }
0x4d3: {  	v3 =	vmul.f32 $2.000000030e-01, v23;
	v20 =	vadd.f32 v17, v20;
	v17 =	vperm.xlane v17, v0;
	v28 =	vld [tilespmem:s25+$0x80]  }
0x4d4: {  	v29 =	vmul.f32 $2.000000030e-01, v21;
	v27 =	vadd.f32 v14, v27;
	v14 =	vperm.xlane v14, v0;
	v30 =	vld [tilespmem:s25+$0xD0];
	s25 =	smov.u32 s15  }
0x4d5: {  	v31 =	vmul.f32 $2.000000030e-01, v20;
	v22 =	vadd.f32 v18, v22;
	v18 =	vperm.xlane v18, v0  }
0x4d6: {  	v4 =	vmax.f32 v4, v12;
	v8 =	vmax.f32 v15, v8;
	v12 =	vmul.f32 $2.000000030e-01, v27  }
0x4d7: {  	v3 =	vmax.f32 v23, v3;
	v15 =	vmax.f32 v21, v29;
	v21 =	vmul.f32 $2.000000030e-01, v22  }
0x4d8: {  	v4 =	vsub.f32 v4, v13;
	v20 =	vmax.f32 v20, v31;
	v12 =	vmax.f32 v27, v12  }
0x4d9: {  	s17 =	sadd.s32 $0x480, s17;
	v8 =	vsub.f32 v8, v16;
	v3 =	vsub.f32 v3, v19;
	v16 =	vmax.f32 v22, v21;
	v13 =	vpop (erf)  }
0x4da: {  	v4 =	vmul.f32 $1.442695020e+00, v4;
	v15 =	vsub.f32 v15, v25;
	v17 =	vsub.f32 v20, v17;
	[tilespmem:s17+$0x230] =	vst v13  }
0x4db: {  	v8 =	vmul.f32 $1.442695020e+00, v8;
	v12 =	vsub.f32 v12, v14;
	v14 =	vsub.f32 v16, v18;
	v16 =	vld [tilespmem:s15+$0xF0]  }
0x4dc: {  	v3 =	vmul.f32 $1.442695020e+00, v3;
	v15 =	vmul.f32 $1.442695020e+00, v15;
	v18 =	vunpack.i.u.bf16.f32 v24  }
0x4dd: {  	v19 =	vunpack.i.l.bf16.f32 v24;
	v17 =	vmul.f32 $1.442695020e+00, v17;
	v12 =	vmul.f32 $1.442695020e+00, v12  }
0x4de: {  	v14 =	vmul.f32 $1.442695020e+00, v14;
	(erf) = vpow2.f32 v4;
	v4 =	vunpack.i.u.bf16.f32 v26  }
0x4df: {  	v21 =	vunpack.i.l.bf16.f32 v26;
	v20 =	vbroadcast v13, $0x0;
	(erf) = vpow2.f32 v8  }
0x4e0: {  	v22 =	vbroadcast v13, $0x1;
	v8 =	vunpack.i.l.bf16.f32 v16;
	(erf) = vpow2.f32 v3  }
0x4e1: {  	v3 =	vunpack.i.u.bf16.f32 v16;
	v8 =	vmul.f32 v20, v8;
	(erf) = vpow2.f32 v15  }
0x4e2: {  	v16 =	vunpack.i.u.bf16.f32 v28;
	v15 =	vmul.f32 v22, v3;
	(erf) = vpow2.f32 v17  }
0x4e3: {  	v3 =	vbroadcast v13, $0x6;
	v17 =	vunpack.i.l.bf16.f32 v28;
	[tilespmem:s17+$0x1B0] =	vst v8;
	(erf) = vpow2.f32 v12  }
0x4e4: {  	v8 =	vunpack.i.u.bf16.f32 v30;
	v12 =	vunpack.i.l.bf16.f32 v30;
	[tilespmem:s17+$0x1C0] =	vst v15;
	(erf) = vpow2.f32 v14  }
0x4e5: {  	v9 =	vmul.f32 v19, v9;
	v18 =	vmul.f32 v18, v10;
	v15 =	vld [tilespmem:s15+$0x100]  }
0x4e6: {  	v19 =	vmul.f32 v21, v7;
	v20 =	vmul.f32 v4, v11  }
0x4e7: {  	v17 =	vmul.f32 v17, v5;
	v14 =	vmul.f32 v16, v6;
	v10 =	vpop (erf);
	[tilespmem:s24+$0xFFFFFFD0] =	vst v9  }
0x4e8: {  	[tilespmem:s17+$0xFFFFFE40] =	vst v10;
	v16 =	vbroadcast v10, $0x0;
	v21 =	vbroadcast v10, $0x1;
	v11 =	vpop (erf)  }
0x4e9: {  	v4 =	vbroadcast v13, $0x2;
	v22 =	vld [tilespmem:s15+$0xFFFFFEC0];
	[tilespmem:s17+$0xFFFFFED0] =	vst v11;
	v23 =	vbroadcast v11, $0x0;
	v9 =	vpop (erf)  }
0x4ea: {  	v30 =	vbroadcast v13, $0x3;
	v25 =	vbroadcast v11, $0x1;
	v24 =	vld [tilespmem:s15+$0xFFFFFF10];
	[tilespmem:s17+$0xFFFFFF60] =	vst v9;
	v28 =	vunpack.i.l.bf16.f32 v15;
	v7 =	vpop (erf)  }
0x4eb: {  	v27 =	vbroadcast v9, $0x0;
	v15 =	vunpack.i.u.bf16.f32 v15;
	v26 =	vld [tilespmem:s15+$0xFFFFFF60];
	[tilespmem:s17+$0xFFFFFFF0] =	vst v7;
	v33 =	vmul.f32 v28, v4;
	v5 =	vpop (erf)  }
0x4ec: {  	v28 =	vbroadcast v9, $0x1;
	v15 =	vmul.f32 v15, v30;
	v29 =	vld [tilespmem:s15+$0xFFFFFFB0];
	[tilespmem:s17+$0x80] =	vst v5;
	v6 =	vpop (erf)  }
0x4ed: {  	v30 =	vbroadcast v7, $0x0;
	v31 =	vbroadcast v7, $0x1;
	v32 =	vld [tilespmem:s15+$0x0];
	[tilespmem:s17+$0x1D0] =	vst v33;
	v4 =	vpop (erf)  }
0x4ee: {  	v34 =	vbroadcast v5, $0x0;
	v35 =	vbroadcast v5, $0x1;
	v33 =	vunpack.i.u.bf16.f32 v22;
	[tilespmem:s17+$0x1E0] =	vst v15  }
0x4ef: {  	v36 =	vbroadcast v6, $0x1;
	v15 =	vunpack.i.l.bf16.f32 v22;
	v22 =	vbroadcast v6, $0x0;
	[tilespmem:s17+$0x110] =	vst v6;
	v37 =	vld [tilespmem:s15+$0x110]  }
0x4f0: {  	v40 =	vbroadcast v4, $0x0;
	v41 =	vbroadcast v4, $0x1;
	v38 =	vunpack.i.u.bf16.f32 v24;
	v39 =	vld [tilespmem:s15+$0x50];
	[tilespmem:s17+$0x1A0] =	vst v4  }
0x4f1: {  	v24 =	vunpack.i.l.bf16.f32 v24;
	v42 =	vunpack.i.u.bf16.f32 v26;
	v26 =	vunpack.i.l.bf16.f32 v26;
	v43 =	vld [tilespmem:s15+$0xA0];
	[tilespmem:s24+$0xFFFFFFE0] =	vst v18  }
0x4f2: {  	v18 =	vunpack.i.u.bf16.f32 v29;
	v29 =	vunpack.i.l.bf16.f32 v29;
	v44 =	vunpack.i.u.bf16.f32 v32;
	[tilespmem:s24+$0x60] =	vst v19  }
0x4f3: {  	v15 =	vmul.f32 v16, v15;
	v16 =	vunpack.i.l.bf16.f32 v32;
	v19 =	vbroadcast v13, $0x4;
	[tilespmem:s24+$0x70] =	vst v20  }
0x4f4: {  	v32 =	vbroadcast v13, $0x5;
	v20 =	vmul.f32 v21, v33;
	v21 =	vunpack.i.l.bf16.f32 v37;
	[tilespmem:s24+$0xF0] =	vst v17  }
0x4f5: {  	v17 =	vunpack.i.u.bf16.f32 v37;
	[tilespmem:s17+$0xFFFFFDC0] =	vst v15;
	v15 =	vunpack.i.u.bf16.f32 v39;
	v19 =	vmul.f32 v21, v19  }
0x4f6: {  	v17 =	vmul.f32 v17, v32;
	[tilespmem:s17+$0xFFFFFDD0] =	vst v20;
	v20 =	vunpack.i.l.bf16.f32 v39;
	v21 =	vunpack.i.u.bf16.f32 v43  }
0x4f7: {  	v23 =	vmul.f32 v23, v24;
	v24 =	vmul.f32 v25, v38;
	v25 =	vunpack.i.l.bf16.f32 v43;
	v32 =	vld [tilespmem:s15+$0xFFFFFED0];
	[tilespmem:s17+$0x1F0] =	vst v19  }
0x4f8: {  	v19 =	vmul.f32 v27, v26;
	v26 =	vmul.f32 v28, v42;
	[tilespmem:s17+$0x200] =	vst v17  }
0x4f9: {  	v18 =	vmul.f32 v31, v18;
	v17 =	vmul.f32 v30, v29;
	[tilespmem:s17+$0xFFFFFE50] =	vst v23;
	v23 =	vld [tilespmem:s15+$0x120]  }
0x4fa: {  	v16 =	vmul.f32 v34, v16;
	[tilespmem:s17+$0xFFFFFE60] =	vst v24;
	v24 =	vmul.f32 v35, v44  }
0x4fb: {  	v15 =	vmul.f32 v36, v15;
	v27 =	vld [tilespmem:s15+$0xFFFFFF20];
	[tilespmem:s17+$0xFFFFFEE0] =	vst v19;
	v19 =	vmul.f32 v22, v20  }
0x4fc: {  	v21 =	vmul.f32 v41, v21;
	v22 =	vmul.f32 v40, v25;
	v20 =	vunpack.i.u.bf16.f32 v32;
	[tilespmem:s17+$0xFFFFFEF0] =	vst v26  }
0x4fd: {  	v25 =	vunpack.i.l.bf16.f32 v32;
	v26 =	vbroadcast v10, $0x2;
	v28 =	vld [tilespmem:s15+$0xFFFFFF70];
	[tilespmem:s17+$0xFFFFFF70] =	vst v17;
	v17 =	vbroadcast v13, $0x7  }
0x4fe: {  	v29 =	vbroadcast v10, $0x3;
	v30 =	vbroadcast v11, $0x2;
	[tilespmem:s17+$0xFFFFFF80] =	vst v18;
	v18 =	vunpack.i.u.bf16.f32 v23  }
0x4ff: {  	v31 =	vbroadcast v11, $0x3;
	v13 =	vunpack.i.l.bf16.f32 v23;
	v32 =	vld [tilespmem:s15+$0xFFFFFFC0];
	[tilespmem:s17+$0x0] =	vst v16;
	v16 =	vmul.f32 v18, v17  }
0x500: {  	v23 =	vbroadcast v9, $0x3;
	v18 =	vbroadcast v9, $0x2;
	v17 =	vunpack.i.u.bf16.f32 v27;
	[tilespmem:s17+$0x10] =	vst v24  }
0x501: {  	v33 =	vbroadcast v7, $0x3;
	v24 =	vunpack.i.l.bf16.f32 v27;
	v27 =	vbroadcast v7, $0x2;
	v34 =	vld [tilespmem:s15+$0x10];
	[tilespmem:s17+$0x220] =	vst v16  }
0x502: {  	v36 =	vbroadcast v5, $0x3;
	v35 =	vbroadcast v5, $0x2;
	v16 =	vunpack.i.u.bf16.f32 v28;
	[tilespmem:s17+$0x90] =	vst v19  }
0x503: {  	v19 =	vunpack.i.l.bf16.f32 v28;
	v28 =	vbroadcast v6, $0x3;
	[tilespmem:s17+$0xA0] =	vst v15;
	v15 =	vbroadcast v6, $0x2  }
0x504: {  	v39 =	vbroadcast v4, $0x3;
	v37 =	vunpack.i.u.bf16.f32 v32;
	v38 =	vld [tilespmem:s15+$0x60];
	[tilespmem:s17+$0x120] =	vst v22;
	v22 =	vbroadcast v4, $0x2  }
0x505: {  	v20 =	vmul.f32 v20, v29;
	v25 =	vmul.f32 v25, v26;
	v26 =	vunpack.i.l.bf16.f32 v32;
	[tilespmem:s17+$0x130] =	vst v21  }
0x506: {  	v21 =	vmul.f32 v24, v30;
	v24 =	vunpack.i.u.bf16.f32 v34;
	v29 =	vunpack.i.l.bf16.f32 v34;
	v30 =	vld [tilespmem:s15+$0xB0];
	[tilespmem:s24+$0x100] =	vst v14  }
0x507: {  	v14 =	vmul.f32 v17, v31;
	v17 =	vmul.f32 v19, v18;
	[tilespmem:s17+$0xFFFFFDE0] =	vst v25  }
0x508: {  	v16 =	vmul.f32 v16, v23;
	v18 =	vmul.f32 v26, v27;
	[tilespmem:s17+$0xFFFFFDF0] =	vst v20  }
0x509: {  	v20 =	vmul.f32 v37, v33;
	v19 =	vld [tilespmem:s15+$0xFFFFFEE0];
	[tilespmem:s17+$0xFFFFFE70] =	vst v21;
	v21 =	vunpack.i.u.bf16.f32 v38;
	v23 =	vunpack.i.l.bf16.f32 v38  }
0x50a: {  	v24 =	vmul.f32 v24, v36;
	[tilespmem:s17+$0xFFFFFE80] =	vst v14;
	v14 =	vmul.f32 v29, v35  }
0x50b: {  	v15 =	vmul.f32 v23, v15;
	v25 =	vld [tilespmem:s15+$0xFFFFFF30];
	[tilespmem:s17+$0xFFFFFF00] =	vst v17;
	v17 =	vunpack.i.u.bf16.f32 v30;
	v23 =	vunpack.i.l.bf16.f32 v30  }
0x50c: {  	[tilespmem:s17+$0xFFFFFF10] =	vst v16;
	v16 =	vmul.f32 v21, v28;
	v21 =	vmul.f32 v23, v22  }
0x50d: {  	v22 =	vbroadcast v10, $0x4;
	v17 =	vmul.f32 v17, v39;
	v23 =	vld [tilespmem:s15+$0xFFFFFF80];
	[tilespmem:s17+$0xFFFFFF90] =	vst v18  }
0x50e: {  	v26 =	vbroadcast v10, $0x5;
	v27 =	vbroadcast v11, $0x4;
	v18 =	vunpack.i.u.bf16.f32 v19;
	[tilespmem:s17+$0xFFFFFFA0] =	vst v20  }
0x50f: {  	v28 =	vbroadcast v9, $0x4;
	v19 =	vunpack.i.l.bf16.f32 v19;
	v20 =	vbroadcast v11, $0x5;
	v29 =	vld [tilespmem:s15+$0xFFFFFFD0];
	[tilespmem:s17+$0x20] =	vst v14  }
0x510: {  	v31 =	vbroadcast v7, $0x4;
	v30 =	vbroadcast v9, $0x5;
	v14 =	vunpack.i.u.bf16.f32 v25;
	[tilespmem:s17+$0x30] =	vst v24  }
0x511: {  	v33 =	vbroadcast v5, $0x4;
	v24 =	vunpack.i.l.bf16.f32 v25;
	v25 =	vbroadcast v7, $0x5;
	v32 =	vld [tilespmem:s15+$0x20];
	[tilespmem:s17+$0xB0] =	vst v15  }
0x512: {  	v34 =	vbroadcast v5, $0x5;
	v35 =	vbroadcast v6, $0x4;
	v15 =	vunpack.i.u.bf16.f32 v23;
	[tilespmem:s17+$0xC0] =	vst v16  }
0x513: {  	v36 =	vbroadcast v6, $0x5;
	v37 =	vbroadcast v4, $0x4;
	v16 =	vunpack.i.l.bf16.f32 v23;
	v23 =	vld [tilespmem:s15+$0x70];
	[tilespmem:s17+$0x140] =	vst v21  }
0x514: {  	v38 =	vbroadcast v4, $0x5;
	v21 =	vunpack.i.u.bf16.f32 v29;
	v29 =	vunpack.i.l.bf16.f32 v29;
	[tilespmem:s17+$0x150] =	vst v17  }
0x515: {  	v18 =	vmul.f32 v18, v26;
	v17 =	vmul.f32 v19, v22;
	v26 =	vld [tilespmem:s15+$0xC0]  }
0x516: {  	v22 =	vmul.f32 v24, v27;
	v24 =	vunpack.i.u.bf16.f32 v32;
	v27 =	vunpack.i.l.bf16.f32 v32  }
0x517: {  	v14 =	vmul.f32 v14, v20;
	[tilespmem:s17+$0xFFFFFE00] =	vst v17;
	v17 =	vmul.f32 v16, v28  }
0x518: {  	v15 =	vmul.f32 v15, v30;
	[tilespmem:s17+$0xFFFFFE10] =	vst v18;
	v18 =	vunpack.i.u.bf16.f32 v23;
	v20 =	vunpack.i.l.bf16.f32 v23  }
.Ltmp5:
0x519: {  	v28 =	vmul.f32 v29, v31;
	v23 =	vmul.f32 v21, v25;
	v19 =	vld [tilespmem:s15+$0xFFFFFEF0];
	[tilespmem:s17+$0xFFFFFE90] =	vst v22;
	(pc) =	sbr.rel @p1 .LBB2_9-.Ltmp5, $4  }
0x51a: {  	v22 =	vmul.f32 v27, v33;
	[tilespmem:s17+$0xFFFFFEA0] =	vst v14;
	v25 =	vunpack.i.u.bf16.f32 v26;
	v14 =	vunpack.i.l.bf16.f32 v26  }
0x51b: {  	v24 =	vmul.f32 v24, v34;
	v21 =	vmul.f32 v20, v35;
	v16 =	vld [tilespmem:s15+$0xFFFFFF40];
	[tilespmem:s17+$0xFFFFFF20] =	vst v17  }
0x51c: {  	v20 =	vmul.f32 v18, v36;
	v17 =	vmul.f32 v14, v37;
	[tilespmem:s17+$0xFFFFFF30] =	vst v15  }
0x51d: {  	v18 =	vmul.f32 v25, v38;
	s15 =	sadd.s32 $0x280, s15;
	v15 =	vbroadcast v10, $0x6;
	v14 =	vld [tilespmem:s25+$0xFFFFFF90];
	[tilespmem:s17+$0xFFFFFFB0] =	vst v28  }
0x51e: {  	[tilespmem:s17+$0xFFFFFFC0] =	vst v23  }
0x51f: {  	[tilespmem:s17+$0x40] =	vst v22  }
0x520: {  	[tilespmem:s17+$0x50] =	vst v24  }
0x521: {  	[tilespmem:s17+$0xD0] =	vst v21  }
0x522: {  	[tilespmem:s17+$0xE0] =	vst v20  }
0x523: {  	[tilespmem:s17+$0x160] =	vst v17;
	v1 =	vmul.f32 v12, v1  }
0x524: {  	v2 =	vmul.f32 v8, v2;
	[tilespmem:s17+$0x170] =	vst v18  }
0x525: {  	v10 =	vbroadcast v10, $0x7;
	v43 =	vunpack.i.l.bf16.f32 v19;
	v3 =	vmul.f32 v13, v3;
	[tilespmem:s24+$0x180] =	vst v1  }
0x526: {  	v44 =	vunpack.i.u.bf16.f32 v19;
	v45 =	vbroadcast v11, $0x6;
	v15 =	vmul.f32 v43, v15;
	v52 =	vld [tilespmem:s25+$0xFFFFFFE0];
	[tilespmem:s24+$0x190] =	vst v2  }
0x527: {  	v46 =	vbroadcast v11, $0x7;
	v47 =	vunpack.i.l.bf16.f32 v16;
	v10 =	vmul.f32 v44, v10;
	[tilespmem:s17+$0x210] =	vst v3  }
0x528: {  	v48 =	vbroadcast v9, $0x6;
	v54 =	vld [tilespmem:s25+$0x30];
	v49 =	vunpack.i.u.bf16.f32 v16;
	v17 =	vmul.f32 v47, v45;
	[tilespmem:s17+$0xFFFFFE20] =	vst v15  }
0x529: {  	v50 =	vbroadcast v9, $0x7;
	v11 =	vmul.f32 v49, v46;
	v51 =	vunpack.i.l.bf16.f32 v14;
	[tilespmem:s17+$0xFFFFFE30] =	vst v10  }
0x52a: {  	v55 =	vbroadcast v7, $0x6;
	v56 =	vld [tilespmem:s25+$0x80];
	v53 =	vunpack.i.u.bf16.f32 v14;
	v15 =	vmul.f32 v51, v48;
	[tilespmem:s17+$0xFFFFFEB0] =	vst v17  }
0x52b: {  	v57 =	vbroadcast v7, $0x7;
	v9 =	vmul.f32 v53, v50;
	[tilespmem:s17+$0xFFFFFEC0] =	vst v11;
	v1 =	vunpack.i.l.bf16.f32 v52  }
0x52c: {  	v58 =	vbroadcast v5, $0x6;
	v2 =	vld [tilespmem:s25+$0xD0];
	v10 =	vunpack.i.u.bf16.f32 v52;
	[tilespmem:s17+$0xFFFFFF40] =	vst v15;
	v1 =	vmul.f32 v1, v55  }
0x52d: {  	v59 =	vbroadcast v5, $0x7;
	v3 =	vunpack.i.l.bf16.f32 v54;
	[tilespmem:s17+$0xFFFFFF50] =	vst v9;
	v7 =	vmul.f32 v10, v57  }
0x52e: {  	v60 =	vbroadcast v6, $0x6;
	v11 =	vunpack.i.u.bf16.f32 v54;
	v3 =	vmul.f32 v3, v58;
	[tilespmem:s17+$0xFFFFFFD0] =	vst v1  }
0x52f: {  	v61 =	vunpack.i.l.bf16.f32 v56;
	v5 =	vmul.f32 v11, v59;
	v1 =	vbroadcast v6, $0x7;
	[tilespmem:s17+$0xFFFFFFE0] =	vst v7  }
0x530: {  	v62 =	vbroadcast v4, $0x6;
	v8 =	vunpack.i.u.bf16.f32 v56;
	v6 =	vmul.f32 v61, v60;
	[tilespmem:s17+$0x60] =	vst v3  }
0x531: {  	v63 =	vunpack.i.l.bf16.f32 v2;
	v3 =	vbroadcast v4, $0x7;
	[tilespmem:s17+$0x70] =	vst v5;
	v1 =	vmul.f32 v8, v1  }
.Ltmp6:
0x532: {  	v2 =	vunpack.i.u.bf16.f32 v2;
	v4 =	vmul.f32 v63, v62;
	[tilespmem:s17+$0xF0] =	vst v6;
	(pc) =	sbr.rel @p0 .LBB2_12-.Ltmp6, $4  }
0x533: {  	[tilespmem:s17+$0x100] =	vst v1;
	v1 =	vmul.f32 v2, v3  }
0x534: {  	[tilespmem:s17+$0x180] =	vst v4  }
0x535: {  	[tilespmem:s17+$0x190] =	vst v1  }
0x536: {  	[spmem:s2] =	stream.indirect.scatter.add.f32 [tilespmem:s9], [sflag:$0x4], $0x90, s11, s23, $0xb8;
	[tilespmem:$0x1FC00] =	vst v63  }
0x537: {  	s14 =	rddreg [dreg:$0xc]  }
0x538: {  	s14 =	sadd.s32 s18, s14  }
0x539: {  	s14 =	sshrl.u32 s14, $0x3  }
0x53a: {  	s15 =	sadd.s32 s6, s14  }
0x53b: {  	[tilespmem:s26], [sflag:$0x5] =	stream.linear.gather [hbm4b:s15+s4], $0x50, $0x38;
	[tilespmem:$0x1FC00] =	vst v63  }
0x53c: {  	_ =	swait.ge [sflag:s21], $0x50  }
0x53d: {  	[sflag:s21] =	ssyncset.done $0x0  }
0x53e: {  	s14 =	sadd.s32 s7, s14;
	[sflag:s21] =	ssyncadd.s32 $0xFFFFFFB0  }
0x53f: {  	[tilespmem:s28], [sflag:$0x5] =	stream.linear.gather [hbm4b:s14+s4], $0x50, $0x38;
	[tilespmem:$0x1FC00] =	vst v63  }
0x540: {  	_ =	swait.ge [sflag:s21], $0x50  }
.Ltmp7:
0x541: {  	[sflag:s21] =	ssyncset.done $0x0;
	(pc) =	sbr.rel .LBB2_2-.Ltmp7, $4  }
0x542: {  	[sflag:s21] =	ssyncadd.s32 $0xFFFFFFB0  }
0x543: {  	[tilespmem:s29], [sflag:$0x3] =	stream.indirect.gather [hbm4b:s5+s23], $0x50, s26, s23, $0xb8;
	[tilespmem:$0x1FC00] =	vst v63  }
0x544: {  	s19 =	sadd.s32 $0x1, s19  }
0x545: {  	[tilespmem:s30], [sflag:$0x3] =	stream.indirect.gather [hbm4b:s1+s23], $0x10, s28, s23, $0xb8;
	[tilespmem:$0x1FC00] =	vst v63  }
.LBB2_13:
0x546: {  	_ =	sfence.sel $0x180000  }
0x547: {  	[bflag:$0x0] =	sbarrier.arrive $0xFFFF  }
0x548: {  	_ =	strace $0x90000047  }
0x549: {  	s0 =	stileid.u32;
	[bflag:$0x2] =	sbarrier.arrive $0xFFFF  }
0x54a: {  	p0 =	sne.s32 s0, $0x0;
	s0 =	rddreg [dreg:$0x3]  }
0x54b: {  	s0 =	sadd.s32 @!p0 $0x100000, s0  }
0x54c: {  	[sflag:s0] =	ssyncadd.tile.s32 @!p0 $0x1;
	_ =	shalt  }
.Lfunc_end2:
_tile_overlayer_lowered:
.L_overlay_start_2:
0x54d: {  	(tag) =	ssettag $0x2  }
0x54e: {  	s0 =	rddreg [dreg:$0x0];
	s2 =	stileid.u32  }
0x54f: {  	s1 =	rddreg [dreg:$0x1];
	p0 =	sne.s32 s2, $0x0  }
0x550: {  	s3 =	rddreg [dreg:$0x2];
	[bflag:$0x3] =	sbarrier.arrive $0xFFFF;
	s2 =	simm.s32 @!p0 $0x1C05  }
0x551: {  	[timem:s3], [sflag:s2] =	dma.local @!p0 [hbm:s0], s1  }
0x552: {  	s0 =	simm.s32 @!p0 $0x5  }
0x553: {  	_ =	swait.ge @!p0 [sflag:s0], s1  }
0x554: {  	s1 =	ssub.s32 @!p0 $0x0, s1;
	[sflag:s0] =	ssyncset.done @!p0 $0x0  }
0x555: {  	[sflag:s0] =	ssyncadd.s32 @!p0 s1  }
0x556: {  	[bflag:$0x3] =	sbarrier.arrive $0xFFFF  }
0x557: {  	_ =	shalt  }

</sc_bundles>
